<compile_context>
chip_gen: v7x
topology: tpu7x:2x2x1
jax: 0.10.2.dev20260603
libtpu: 0.0.44.dev20260713+nightly
codegen_flags: <defaults>
</compile_context>

<pallas_src>
import jax
import jax.numpy as jnp
from jax import lax
from jax.experimental import pallas as pl
from jax.experimental.pallas import tpu as pltpu
from jax.experimental.pallas import tpu_sc as plsc

N = 10000
Np = 10240
E = 320000
D = 128
B = 512
NC, NS, L = 2, 16, 16
NW = NC * NS

EPW = E // NW
EC = 40
ECN = EPW // EC
DEC = 80
DECN = EPW // DEC
RPS = Np // NS
RZC = 160
_MESH = plsc.VectorSubcoreMesh(
    core_axis_name="c", subcore_axis_name="s", num_cores=NC, num_subcores=NS
)

_f32 = jnp.float32


def _fill_rows(buf, nrows, ncols, value):
    vec = jnp.full((L,), value, _f32)

    def body(i, carry):
        for k in range(ncols // L):
            buf[i, pl.ds(k * L, L)] = vec
        return carry

    lax.fori_loop(0, nrows, body, 0)


NDSEM = 5


def _deg_body(dst3_hbm, degp_hbm, dacc, dstv, onesb, zb, ssems):
    c = lax.axis_index("c")
    s = lax.axis_index("s")
    wid = c * NS + s

    _fill_rows(onesb, DEC, L, 1.0)
    _fill_rows(zb, RZC, L, 0.0)
    for k in range(RPS // RZC):
        pltpu.sync_copy(zb, dacc.at[pl.ds(s * RPS + k * RZC, RZC)])
    pltpu.sync_copy(dst3_hbm.at[wid], dstv)
    plsc.subcore_barrier()

    def ring_body(kk, carry):
        for b in range(NDSEM):
            i = kk * NDSEM + b

            @pl.when(kk >= 1)
            def _():
                pltpu.make_async_copy(
                    onesb, dacc.at[dstv.at[i - NDSEM]], ssems[b]).wait()

            pltpu.async_copy(onesb, dacc.at[dstv.at[i]], ssems[b], add=True)
        return carry

    lax.fori_loop(0, DECN // NDSEM, ring_body, 0)
    for b in range(NDSEM):
        i = DECN - NDSEM + b
        pltpu.make_async_copy(onesb, dacc.at[dstv.at[i]], ssems[b]).wait()

    plsc.subcore_barrier()

    r0 = s * RPS
    pltpu.sync_copy(dacc.at[pl.ds(r0, RPS)], degp_hbm.at[c, pl.ds(r0, RPS)])


_deg = pl.kernel(
    _deg_body,
    out_type=jax.ShapeDtypeStruct((NC, Np, L), _f32),
    mesh=_MESH,
    scratch_types=[
        pltpu.VMEM_SHARED((Np, L), _f32),
        pltpu.VMEM((DECN, DEC), jnp.int32),
        pltpu.VMEM((DEC, L), _f32),
        pltpu.VMEM((RZC, L), _f32),
        [pltpu.SemaphoreType.DMA for _ in range(NDSEM)],
    ],
)


NBUF = 5


def _scatter_body(g_hbm, src_hbm, dst_hbm, accp_hbm,
                  acc, srcv, idxd, rows, gsems, ssems, dsems, zsem):
    c = lax.axis_index("c")
    s = lax.axis_index("s")
    wid = c * NS + s
    ebase = wid * EPW

    _fill_rows(rows[0], EC, D, 0.0)
    nz = RPS // EC
    for k in range(nz):
        pltpu.async_copy(rows[0], acc.at[pl.ds(s * RPS + k * EC, EC)], zsem)
    pltpu.sync_copy(src_hbm.at[pl.ds(ebase, EPW)], srcv)
    for k in range(nz):
        pltpu.make_async_copy(
            rows[0], acc.at[pl.ds(s * RPS + k * EC, EC)], zsem).wait()
    plsc.subcore_barrier()

    def start_gather(i, b):
        pltpu.async_copy(dst_hbm.at[pl.ds(ebase + i * EC, EC)],
                         idxd[b], dsems[b])
        pltpu.async_copy(g_hbm.at[srcv.at[pl.ds(i * EC, EC)]],
                         rows[b], gsems[b])

    def wait_gather(i, b):
        pltpu.make_async_copy(g_hbm.at[srcv.at[pl.ds(i * EC, EC)]],
                              rows[b], gsems[b]).wait()

    def start_scatter(i, b):
        pltpu.make_async_copy(dst_hbm.at[pl.ds(ebase + i * EC, EC)],
                              idxd[b], dsems[b]).wait()
        pltpu.async_copy(rows[b], acc.at[idxd[b]], ssems[b], add=True)

    def wait_scatter(b):
        pltpu.make_async_copy(rows[b], acc.at[idxd[b]], ssems[b]).wait()

    for b in range(NBUF - 1):
        start_gather(b, b)

    def ring_body(kk, carry):
        for b in range(NBUF):
            i = kk * NBUF + b
            wait_gather(i, b)
            start_scatter(i, b)
            bn = (b + NBUF - 1) % NBUF

            @pl.when(i + NBUF - 1 < ECN)
            def _():
                if b == 0:
                    @pl.when(kk >= 1)
                    def _():
                        wait_scatter(bn)
                else:
                    wait_scatter(bn)
                start_gather(i + NBUF - 1, bn)

        return carry

    lax.fori_loop(0, ECN // NBUF, ring_body, 0)
    for b in range(NBUF):
        wait_scatter(b)
    plsc.subcore_barrier()

    r0 = s * RPS
    pltpu.sync_copy(acc.at[pl.ds(r0, RPS)], accp_hbm.at[c, pl.ds(r0, RPS)])


_scatter = pl.kernel(
    _scatter_body,
    out_type=jax.ShapeDtypeStruct((NC, Np, D), _f32),
    mesh=_MESH,
    scratch_types=[
        pltpu.VMEM_SHARED((Np, D), _f32),
        pltpu.VMEM((EPW,), jnp.int32),
        [pltpu.VMEM((EC,), jnp.int32) for _ in range(NBUF)],
        [pltpu.VMEM((EC, D), _f32) for _ in range(NBUF)],
        [pltpu.SemaphoreType.DMA for _ in range(NBUF)],
        [pltpu.SemaphoreType.DMA for _ in range(NBUF)],
        [pltpu.SemaphoreType.DMA for _ in range(NBUF)],
        pltpu.SemaphoreType.DMA,
    ],
)


RB = 1280


def _prep_body(x_ref, degp_ref, dinv_ref, g_ref):
    deg = 1.0 + degp_ref[0, :, 0:1] + degp_ref[1, :, 0:1]
    dinv = lax.rsqrt(deg)
    dinv_ref[...] = dinv
    g_ref[...] = x_ref[...] * dinv


_prep = pl.pallas_call(
    _prep_body,
    out_shape=(
        jax.ShapeDtypeStruct((Np, 1), _f32),
        jax.ShapeDtypeStruct((Np, D), _f32),
    ),
)


def _dense_body(accp_ref, g_ref, dinv_ref, w_ref, b_ref, gn_ref):
    u = (accp_ref[0] + accp_ref[1] + g_ref[...]) * dinv_ref[...]
    h = jnp.dot(u, w_ref[...], preferred_element_type=_f32) + b_ref[...]
    h = jnp.maximum(h, 0.0)
    gn_ref[...] = h * dinv_ref[...]


_dense = pl.pallas_call(
    _dense_body,
    out_shape=jax.ShapeDtypeStruct((Np, D), _f32),
)


def _head_body(accp_ref, g_ref, dinv_ref, w_ref, b_ref,
               batch_ref, tab_ref, wt_ref, bt_ref,
               w1a_ref, w1b_ref, bf1_ref, w2_ref, bf2_ref,
               w3_ref, bf3_ref, out_ref):
    u = (accp_ref[0] + accp_ref[1] + g_ref[...]) * dinv_ref[...]
    h3 = jnp.dot(u, w_ref[...], preferred_element_type=_f32) + b_ref[...]
    h3 = jnp.maximum(h3, 0.0)
    gids = lax.broadcasted_iota(jnp.int32, (1, B), 1)
    pmat = (batch_ref[...] == gids).astype(_f32)
    dn = (((0,), (0,)), ((), ()))
    psum = lax.dot_general(pmat, h3, dn,
                           preferred_element_type=_f32)
    cnt = lax.dot_general(pmat, jnp.ones((Np, 1), _f32), dn,
                          preferred_element_type=_f32)
    pooled = psum / jnp.maximum(cnt, 1.0)
    t = jnp.dot(tab_ref[...], wt_ref[...], preferred_element_type=_f32)
    t = jnp.maximum(t + bt_ref[...], 0.0)
    h1 = (jnp.dot(pooled, w1a_ref[...], preferred_element_type=_f32)
          + jnp.dot(t, w1b_ref[...], preferred_element_type=_f32)
          + bf1_ref[...])
    h1 = jnp.maximum(h1, 0.0)
    h2 = jnp.dot(h1, w2_ref[...], preferred_element_type=_f32) + bf2_ref[...]
    h2 = jnp.maximum(h2, 0.0)
    out_ref[...] = jnp.dot(h2, w3_ref[...], preferred_element_type=_f32) + bf3_ref[...]


_head = pl.pallas_call(
    _head_body,
    out_shape=jax.ShapeDtypeStruct((B, 1), _f32),
)


def kernel(x, edge_index, batch, tab_features,
           W1, b1, W2, b2, W3, b3, Wt, bt,
           Wf1, bf1, Wf2, bf2, Wf3, bf3):
    src = edge_index[0].astype(jnp.int32)
    dst = edge_index[1].astype(jnp.int32)
    dst3d = dst.reshape(NW, DECN, DEC)
    batch = batch.astype(jnp.int32)
    xp = jnp.pad(x, ((0, Np - N), (0, 0)))
    batchp = jnp.pad(batch, (0, Np - N), constant_values=B)

    degp = _deg(dst3d)
    dinv, g = _prep(xp, degp)

    for w, b in ((W1, b1), (W2, b2)):
        accp = _scatter(g, src, dst)
        g = _dense(accp, g, dinv, w, b.reshape(1, D))

    accp = _scatter(g, src, dst)
    out = _head(accp, g, dinv, W3, b3.reshape(1, D),
                batchp.reshape(Np, 1), tab_features,
                Wt, bt.reshape(1, -1),
                Wf1[:D], Wf1[D:], bf1.reshape(1, -1),
                Wf2, bf2.reshape(1, -1),
                Wf3, bf3.reshape(1, -1))
    return out[:, 0]

# --- scband reference (transcript-rebuilt; emitter-appended) ---
"""Pipeline reference for scband-ct-gnn-tab-9113920602668 (READ-ONLY COPY).

The authoritative reference and input builder live on the scoring server;
editing this copy changes nothing except your own understanding.
"""

import jax, jax.numpy as jnp
import numpy as np

N_NODES = 10000
N_EDGES = 320000
D_FEAT = 128
HID = 128
B = 512
TAB = 36
NUM_CLASSES = 1


def setup_inputs(seed: int = 0) -> dict:
    key = jax.random.key(seed)
    ks = jax.random.split(key, 20)
    x = jax.random.normal(ks[0], (N_NODES, D_FEAT), dtype=jnp.float32)
    edge_index = jax.random.randint(ks[1], (2, N_EDGES), 0, N_NODES)
    batch = jnp.sort(jax.random.randint(ks[2], (N_NODES,), 0, B))
    tab_features = jax.random.normal(ks[3], (B, TAB), dtype=jnp.float32)
    s = 0.05
    params = {
        'W1': jax.random.normal(ks[4], (D_FEAT, HID), jnp.float32) * s,
        'b1': jnp.zeros((HID,), jnp.float32),
        'W2': jax.random.normal(ks[5], (HID, HID), jnp.float32) * s,
        'b2': jnp.zeros((HID,), jnp.float32),
        'W3': jax.random.normal(ks[6], (HID, HID), jnp.float32) * s,
        'b3': jnp.zeros((HID,), jnp.float32),
        'Wt': jax.random.normal(ks[7], (TAB, 64), jnp.float32) * s,
        'bt': jnp.zeros((64,), jnp.float32),
        'Wf1': jax.random.normal(ks[8], (HID + 64, 256), jnp.float32) * s,
        'bf1': jnp.zeros((256,), jnp.float32),
        'Wf2': jax.random.normal(ks[9], (256, 128), jnp.float32) * s,
        'bf2': jnp.zeros((128,), jnp.float32),
        'Wf3': jax.random.normal(ks[10], (128, NUM_CLASSES), jnp.float32) * s,
        'bf3': jnp.zeros((NUM_CLASSES,), jnp.float32),
    }
    return {'x': x, 'edge_index': edge_index, 'batch': batch, 'tab_features': tab_features, **params}


def _gcn_conv(h, edge_index, W, b):
    # GCNConv: D^{-1/2} (A + I) D^{-1/2} H W + b (symmetric normalization with self-loops)
    src = edge_index[0]
    dst = edge_index[1]
    loop = jnp.arange(N_NODES, dtype=src.dtype)
    row = jnp.concatenate([src, loop])
    col = jnp.concatenate([dst, loop])
    deg = jax.ops.segment_sum(jnp.ones(row.shape, dtype=h.dtype), col, num_segments=N_NODES)
    dinv = jax.lax.rsqrt(jnp.maximum(deg, 1.0))
    norm = dinv[row] * dinv[col]
    msg = h[row] * norm[:, None]
    agg = jax.ops.segment_sum(msg, col, num_segments=N_NODES)
    return agg @ W + b


def reference(x, edge_index, batch, tab_features, W1, b1, W2, b2, W3, b3, Wt, bt, Wf1, bf1, Wf2, bf2, Wf3, bf3):
    # Drug encoder: 3-layer GCN + global mean pool
    h = jax.nn.relu(_gcn_conv(x, edge_index, W1, b1))
    h = jax.nn.relu(_gcn_conv(h, edge_index, W2, b2))
    h = jax.nn.relu(_gcn_conv(h, edge_index, W3, b3))
    counts = jax.ops.segment_sum(jnp.ones((N_NODES,), dtype=h.dtype), batch, num_segments=B)
    pooled = jax.ops.segment_sum(h, batch, num_segments=B) / jnp.maximum(counts, 1.0)[:, None]
    # Tabular encoder
    t = jax.nn.relu(tab_features @ Wt + bt)
    # Concat + FC head (dropout = identity in eval)
    hcat = jnp.concatenate([pooled, t], axis=1)
    hcat = jax.nn.relu(hcat @ Wf1 + bf1)
    hcat = jax.nn.relu(hcat @ Wf2 + bf2)
    out = hcat @ Wf3 + bf3
    return out.squeeze(-1)

if __name__ == "__main__":
    import jax
    _d = setup_inputs()
    print(jax.jit(kernel)(*tuple(_d.values())))

</pallas_src>

<mosaic_0001>
#map = affine_map<(d0, d1) -> (0, 0)>
#map1 = affine_map<(d0, d1) -> (0)>
#map2 = affine_map<(d0, d1) -> (0, 0, 0)>
module attributes {stable_mosaic.version = 14 : i64} {
  func.func @_scatter_body(%arg0: i32, %arg1: i32, %arg2: memref<10240x128xf32, #tpu.memory_space<hbm>>, %arg3: memref<320000xi32, #tpu.memory_space<hbm>>, %arg4: memref<320000xi32, #tpu.memory_space<hbm>>, %arg5: memref<2x10240x128xf32, #tpu.memory_space<hbm>>, %arg6: memref<10240x128xf32, #tpu.memory_space<vmem_shared>>, %arg7: memref<10000xi32, #tpu.memory_space<vmem>>, %arg8: memref<40xi32, #tpu.memory_space<vmem>>, %arg9: memref<40xi32, #tpu.memory_space<vmem>>, %arg10: memref<40xi32, #tpu.memory_space<vmem>>, %arg11: memref<40xi32, #tpu.memory_space<vmem>>, %arg12: memref<40xi32, #tpu.memory_space<vmem>>, %arg13: memref<40x128xf32, #tpu.memory_space<vmem>>, %arg14: memref<40x128xf32, #tpu.memory_space<vmem>>, %arg15: memref<40x128xf32, #tpu.memory_space<vmem>>, %arg16: memref<40x128xf32, #tpu.memory_space<vmem>>, %arg17: memref<40x128xf32, #tpu.memory_space<vmem>>, %arg18: memref<!tpu.dma_semaphore, #tpu.memory_space<semaphore_mem>>, %arg19: memref<!tpu.dma_semaphore, #tpu.memory_space<semaphore_mem>>, %arg20: memref<!tpu.dma_semaphore, #tpu.memory_space<semaphore_mem>>, %arg21: memref<!tpu.dma_semaphore, #tpu.memory_space<semaphore_mem>>, %arg22: memref<!tpu.dma_semaphore, #tpu.memory_space<semaphore_mem>>, %arg23: memref<!tpu.dma_semaphore, #tpu.memory_space<semaphore_mem>>, %arg24: memref<!tpu.dma_semaphore, #tpu.memory_space<semaphore_mem>>, %arg25: memref<!tpu.dma_semaphore, #tpu.memory_space<semaphore_mem>>, %arg26: memref<!tpu.dma_semaphore, #tpu.memory_space<semaphore_mem>>, %arg27: memref<!tpu.dma_semaphore, #tpu.memory_space<semaphore_mem>>, %arg28: memref<!tpu.dma_semaphore, #tpu.memory_space<semaphore_mem>>, %arg29: memref<!tpu.dma_semaphore, #tpu.memory_space<semaphore_mem>>, %arg30: memref<!tpu.dma_semaphore, #tpu.memory_space<semaphore_mem>>, %arg31: memref<!tpu.dma_semaphore, #tpu.memory_space<semaphore_mem>>, %arg32: memref<!tpu.dma_semaphore, #tpu.memory_space<semaphore_mem>>, %arg33: memref<!tpu.dma_semaphore, #tpu.memory_space<semaphore_mem>>) attributes {dimension_semantics = [#tpu.dimension_semantics<core_parallel>, #tpu.dimension_semantics<subcore_parallel>], iteration_bounds = array<i64: 2, 16>, scalar_prefetch = 0 : i64, scratch_operands = 28 : i64, tpu.core_type = #tpu.core_type<sc_vector_subcore>, window_params = [{transform_indices = #map}, {transform_indices = #map1}, {transform_indices = #map1}, {transform_indices = #map2}]} {
    %mul3A = arith.constant 16 : i32
    %mul3A_0 = arith.muli %arg0, %mul3A : i32
    %add3A = arith.addi %mul3A_0, %arg1 : i32
    %mul3A_1 = arith.constant 10000 : i32
    %mul3A_2 = arith.muli %add3A, %mul3A_1 : i32
    %broadcast_in_dim3A = arith.constant 0.000000e+00 : f32
    %broadcast_in_dim3A_3 = vector.broadcast %broadcast_in_dim3A : f32 to vector<16xf32>
    %scan3A = arith.constant 0 : i32
    %scan3A_4 = arith.constant 0 : i32
    %scan3A_5 = arith.constant 40 : i32
    %scan3A_6 = arith.addi %scan3A_4, %scan3A_5 : i32
    %scan3A_7 = arith.constant 1 : i32
    scf.for %scan3A_323 = %scan3A_4 to %scan3A_6 step %scan3A_7  : i32 {
      %swap3A = arith.index_cast %scan3A_323 : i32 to index
      %swap3A_324 = arith.constant 0 : index
      %swap3A_325 = tpu.vector_load %arg13[%swap3A, %swap3A_324] {strides = array<i32>} : memref<40x128xf32, #tpu.memory_space<vmem>>, vector<1x16xf32>,
      %swap3A_326 = vector.shape_cast %swap3A_325 : vector<1x16xf32> to vector<16xf32>
      %swap3A_327 = vector.shape_cast %broadcast_in_dim3A_3 : vector<16xf32> to vector<1x16xf32>
      tpu.vector_store %arg13[%swap3A, %swap3A_324], %swap3A_327 {strides = array<i32>} : memref<40x128xf32, #tpu.memory_space<vmem>>, vector<1x16xf32>,
      %swap3A_328 = arith.index_cast %scan3A_323 : i32 to index
      %swap3A_329 = arith.constant 16 : index
      %swap3A_330 = tpu.vector_load %arg13[%swap3A_328, %swap3A_329] {strides = array<i32>} : memref<40x128xf32, #tpu.memory_space<vmem>>, vector<1x16xf32>,
      %swap3A_331 = vector.shape_cast %swap3A_330 : vector<1x16xf32> to vector<16xf32>
      %swap3A_332 = vector.shape_cast %broadcast_in_dim3A_3 : vector<16xf32> to vector<1x16xf32>
      tpu.vector_store %arg13[%swap3A_328, %swap3A_329], %swap3A_332 {strides = array<i32>} : memref<40x128xf32, #tpu.memory_space<vmem>>, vector<1x16xf32>,
      %swap3A_333 = arith.index_cast %scan3A_323 : i32 to index
      %swap3A_334 = arith.constant 32 : index
      %swap3A_335 = tpu.vector_load %arg13[%swap3A_333, %swap3A_334] {strides = array<i32>} : memref<40x128xf32, #tpu.memory_space<vmem>>, vector<1x16xf32>,
      %swap3A_336 = vector.shape_cast %swap3A_335 : vector<1x16xf32> to vector<16xf32>
      %swap3A_337 = vector.shape_cast %broadcast_in_dim3A_3 : vector<16xf32> to vector<1x16xf32>
      tpu.vector_store %arg13[%swap3A_333, %swap3A_334], %swap3A_337 {strides = array<i32>} : memref<40x128xf32, #tpu.memory_space<vmem>>, vector<1x16xf32>,
      %swap3A_338 = arith.index_cast %scan3A_323 : i32 to index
      %swap3A_339 = arith.constant 48 : index
      %swap3A_340 = tpu.vector_load %arg13[%swap3A_338, %swap3A_339] {strides = array<i32>} : memref<40x128xf32, #tpu.memory_space<vmem>>, vector<1x16xf32>,
      %swap3A_341 = vector.shape_cast %swap3A_340 : vector<1x16xf32> to vector<16xf32>
      %swap3A_342 = vector.shape_cast %broadcast_in_dim3A_3 : vector<16xf32> to vector<1x16xf32>
      tpu.vector_store %arg13[%swap3A_338, %swap3A_339], %swap3A_342 {strides = array<i32>} : memref<40x128xf32, #tpu.memory_space<vmem>>, vector<1x16xf32>,
      %swap3A_343 = arith.index_cast %scan3A_323 : i32 to index
      %swap3A_344 = arith.constant 64 : index
      %swap3A_345 = tpu.vector_load %arg13[%swap3A_343, %swap3A_344] {strides = array<i32>} : memref<40x128xf32, #tpu.memory_space<vmem>>, vector<1x16xf32>,
      %swap3A_346 = vector.shape_cast %swap3A_345 : vector<1x16xf32> to vector<16xf32>
      %swap3A_347 = vector.shape_cast %broadcast_in_dim3A_3 : vector<16xf32> to vector<1x16xf32>
      tpu.vector_store %arg13[%swap3A_343, %swap3A_344], %swap3A_347 {strides = array<i32>} : memref<40x128xf32, #tpu.memory_space<vmem>>, vector<1x16xf32>,
      %swap3A_348 = arith.index_cast %scan3A_323 : i32 to index
      %swap3A_349 = arith.constant 80 : index
      %swap3A_350 = tpu.vector_load %arg13[%swap3A_348, %swap3A_349] {strides = array<i32>} : memref<40x128xf32, #tpu.memory_space<vmem>>, vector<1x16xf32>,
      %swap3A_351 = vector.shape_cast %swap3A_350 : vector<1x16xf32> to vector<16xf32>
      %swap3A_352 = vector.shape_cast %broadcast_in_dim3A_3 : vector<16xf32> to vector<1x16xf32>
      tpu.vector_store %arg13[%swap3A_348, %swap3A_349], %swap3A_352 {strides = array<i32>} : memref<40x128xf32, #tpu.memory_space<vmem>>, vector<1x16xf32>,
      %swap3A_353 = arith.index_cast %scan3A_323 : i32 to index
      %swap3A_354 = arith.constant 96 : index
      %swap3A_355 = tpu.vector_load %arg13[%swap3A_353, %swap3A_354] {strides = array<i32>} : memref<40x128xf32, #tpu.memory_space<vmem>>, vector<1x16xf32>,
      %swap3A_356 = vector.shape_cast %swap3A_355 : vector<1x16xf32> to vector<16xf32>
      %swap3A_357 = vector.shape_cast %broadcast_in_dim3A_3 : vector<16xf32> to vector<1x16xf32>
      tpu.vector_store %arg13[%swap3A_353, %swap3A_354], %swap3A_357 {strides = array<i32>} : memref<40x128xf32, #tpu.memory_space<vmem>>, vector<1x16xf32>,
      %swap3A_358 = arith.index_cast %scan3A_323 : i32 to index
      %swap3A_359 = arith.constant 112 : index
      %swap3A_360 = tpu.vector_load %arg13[%swap3A_358, %swap3A_359] {strides = array<i32>} : memref<40x128xf32, #tpu.memory_space<vmem>>, vector<1x16xf32>,
      %swap3A_361 = vector.shape_cast %swap3A_360 : vector<1x16xf32> to vector<16xf32>
      %swap3A_362 = vector.shape_cast %broadcast_in_dim3A_3 : vector<16xf32> to vector<1x16xf32>
      tpu.vector_store %arg13[%swap3A_358, %swap3A_359], %swap3A_362 {strides = array<i32>} : memref<40x128xf32, #tpu.memory_space<vmem>>, vector<1x16xf32>,
    }
    %scan3A_8 = arith.constant 40 : i32
    %mul3A_9 = arith.constant 640 : i32
    %mul3A_10 = arith.muli %arg1, %mul3A_9 : i32
    %add3A_11 = arith.constant 0 : i32
    %add3A_12 = arith.addi %mul3A_10, %add3A_11 : i32
    %dma_start3A = arith.constant 0 : i32
    %dma_start3A_13 = tpu.memref_slice %arg6[%add3A_12, %dma_start3A] : memref<10240x128xf32, #tpu.memory_space<vmem_shared>> -> memref<40x128xf32, #tpu.memory_space<vmem_shared>>
    %dma_start3A_14 = arith.constant 0 : i32
    %dma_start3A_15 = tpu.memref_slice %arg6[%add3A_12, %dma_start3A_14] : memref<10240x128xf32, #tpu.memory_space<vmem_shared>> -> memref<40x128xf32, #tpu.memory_space<vmem_shared>>
    tpu.enqueue_dma source(%arg13 : memref<40x128xf32, #tpu.memory_space<vmem>>) target(%dma_start3A_15 : memref<40x128xf32, #tpu.memory_space<vmem_shared>>) target_semaphore(%arg33 : memref<!tpu.dma_semaphore, #tpu.memory_space<semaphore_mem>>)
    %mul3A_16 = arith.constant 640 : i32
    %mul3A_17 = arith.muli %arg1, %mul3A_16 : i32
    %add3A_18 = arith.constant 40 : i32
    %add3A_19 = arith.addi %mul3A_17, %add3A_18 : i32
    %dma_start3A_20 = arith.constant 0 : i32
    %dma_start3A_21 = tpu.memref_slice %arg6[%add3A_19, %dma_start3A_20] : memref<10240x128xf32, #tpu.memory_space<vmem_shared>> -> memref<40x128xf32, #tpu.memory_space<vmem_shared>>
    %dma_start3A_22 = arith.constant 0 : i32
    %dma_start3A_23 = tpu.memref_slice %arg6[%add3A_19, %dma_start3A_22] : memref<10240x128xf32, #tpu.memory_space<vmem_shared>> -> memref<40x128xf32, #tpu.memory_space<vmem_shared>>
    tpu.enqueue_dma source(%arg13 : memref<40x128xf32, #tpu.memory_space<vmem>>) target(%dma_start3A_23 : memref<40x128xf32, #tpu.memory_space<vmem_shared>>) target_semaphore(%arg33 : memref<!tpu.dma_semaphore, #tpu.memory_space<semaphore_mem>>)
    %mul3A_24 = arith.constant 640 : i32
    %mul3A_25 = arith.muli %arg1, %mul3A_24 : i32
    %add3A_26 = arith.constant 80 : i32
    %add3A_27 = arith.addi %mul3A_25, %add3A_26 : i32
    %dma_start3A_28 = arith.constant 0 : i32
    %dma_start3A_29 = tpu.memref_slice %arg6[%add3A_27, %dma_start3A_28] : memref<10240x128xf32, #tpu.memory_space<vmem_shared>> -> memref<40x128xf32, #tpu.memory_space<vmem_shared>>
    %dma_start3A_30 = arith.constant 0 : i32
    %dma_start3A_31 = tpu.memref_slice %arg6[%add3A_27, %dma_start3A_30] : memref<10240x128xf32, #tpu.memory_space<vmem_shared>> -> memref<40x128xf32, #tpu.memory_space<vmem_shared>>
    tpu.enqueue_dma source(%arg13 : memref<40x128xf32, #tpu.memory_space<vmem>>) target(%dma_start3A_31 : memref<40x128xf32, #tpu.memory_space<vmem_shared>>) target_semaphore(%arg33 : memref<!tpu.dma_semaphore, #tpu.memory_space<semaphore_mem>>)
    %mul3A_32 = arith.constant 640 : i32
    %mul3A_33 = arith.muli %arg1, %mul3A_32 : i32
    %add3A_34 = arith.constant 120 : i32
    %add3A_35 = arith.addi %mul3A_33, %add3A_34 : i32
    %dma_start3A_36 = arith.constant 0 : i32
    %dma_start3A_37 = tpu.memref_slice %arg6[%add3A_35, %dma_start3A_36] : memref<10240x128xf32, #tpu.memory_space<vmem_shared>> -> memref<40x128xf32, #tpu.memory_space<vmem_shared>>
    %dma_start3A_38 = arith.constant 0 : i32
    %dma_start3A_39 = tpu.memref_slice %arg6[%add3A_35, %dma_start3A_38] : memref<10240x128xf32, #tpu.memory_space<vmem_shared>> -> memref<40x128xf32, #tpu.memory_space<vmem_shared>>
    tpu.enqueue_dma source(%arg13 : memref<40x128xf32, #tpu.memory_space<vmem>>) target(%dma_start3A_39 : memref<40x128xf32, #tpu.memory_space<vmem_shared>>) target_semaphore(%arg33 : memref<!tpu.dma_semaphore, #tpu.memory_space<semaphore_mem>>)
    %mul3A_40 = arith.constant 640 : i32
    %mul3A_41 = arith.muli %arg1, %mul3A_40 : i32
    %add3A_42 = arith.constant 160 : i32
    %add3A_43 = arith.addi %mul3A_41, %add3A_42 : i32
    %dma_start3A_44 = arith.constant 0 : i32
    %dma_start3A_45 = tpu.memref_slice %arg6[%add3A_43, %dma_start3A_44] : memref<10240x128xf32, #tpu.memory_space<vmem_shared>> -> memref<40x128xf32, #tpu.memory_space<vmem_shared>>
    %dma_start3A_46 = arith.constant 0 : i32
    %dma_start3A_47 = tpu.memref_slice %arg6[%add3A_43, %dma_start3A_46] : memref<10240x128xf32, #tpu.memory_space<vmem_shared>> -> memref<40x128xf32, #tpu.memory_space<vmem_shared>>
    tpu.enqueue_dma source(%arg13 : memref<40x128xf32, #tpu.memory_space<vmem>>) target(%dma_start3A_47 : memref<40x128xf32, #tpu.memory_space<vmem_shared>>) target_semaphore(%arg33 : memref<!tpu.dma_semaphore, #tpu.memory_space<semaphore_mem>>)
    %mul3A_48 = arith.constant 640 : i32
    %mul3A_49 = arith.muli %arg1, %mul3A_48 : i32
    %add3A_50 = arith.constant 200 : i32
    %add3A_51 = arith.addi %mul3A_49, %add3A_50 : i32
    %dma_start3A_52 = arith.constant 0 : i32
    %dma_start3A_53 = tpu.memref_slice %arg6[%add3A_51, %dma_start3A_52] : memref<10240x128xf32, #tpu.memory_space<vmem_shared>> -> memref<40x128xf32, #tpu.memory_space<vmem_shared>>
    %dma_start3A_54 = arith.constant 0 : i32
    %dma_start3A_55 = tpu.memref_slice %arg6[%add3A_51, %dma_start3A_54] : memref<10240x128xf32, #tpu.memory_space<vmem_shared>> -> memref<40x128xf32, #tpu.memory_space<vmem_shared>>
    tpu.enqueue_dma source(%arg13 : memref<40x128xf32, #tpu.memory_space<vmem>>) target(%dma_start3A_55 : memref<40x128xf32, #tpu.memory_space<vmem_shared>>) target_semaphore(%arg33 : memref<!tpu.dma_semaphore, #tpu.memory_space<semaphore_mem>>)
    %mul3A_56 = arith.constant 640 : i32
    %mul3A_57 = arith.muli %arg1, %mul3A_56 : i32
    %add3A_58 = arith.constant 240 : i32
    %add3A_59 = arith.addi %mul3A_57, %add3A_58 : i32
    %dma_start3A_60 = arith.constant 0 : i32
    %dma_start3A_61 = tpu.memref_slice %arg6[%add3A_59, %dma_start3A_60] : memref<10240x128xf32, #tpu.memory_space<vmem_shared>> -> memref<40x128xf32, #tpu.memory_space<vmem_shared>>
    %dma_start3A_62 = arith.constant 0 : i32
    %dma_start3A_63 = tpu.memref_slice %arg6[%add3A_59, %dma_start3A_62] : memref<10240x128xf32, #tpu.memory_space<vmem_shared>> -> memref<40x128xf32, #tpu.memory_space<vmem_shared>>
    tpu.enqueue_dma source(%arg13 : memref<40x128xf32, #tpu.memory_space<vmem>>) target(%dma_start3A_63 : memref<40x128xf32, #tpu.memory_space<vmem_shared>>) target_semaphore(%arg33 : memref<!tpu.dma_semaphore, #tpu.memory_space<semaphore_mem>>)
    %mul3A_64 = arith.constant 640 : i32
    %mul3A_65 = arith.muli %arg1, %mul3A_64 : i32
    %add3A_66 = arith.constant 280 : i32
    %add3A_67 = arith.addi %mul3A_65, %add3A_66 : i32
    %dma_start3A_68 = arith.constant 0 : i32
    %dma_start3A_69 = tpu.memref_slice %arg6[%add3A_67, %dma_start3A_68] : memref<10240x128xf32, #tpu.memory_space<vmem_shared>> -> memref<40x128xf32, #tpu.memory_space<vmem_shared>>
    %dma_start3A_70 = arith.constant 0 : i32
    %dma_start3A_71 = tpu.memref_slice %arg6[%add3A_67, %dma_start3A_70] : memref<10240x128xf32, #tpu.memory_space<vmem_shared>> -> memref<40x128xf32, #tpu.memory_space<vmem_shared>>
    tpu.enqueue_dma source(%arg13 : memref<40x128xf32, #tpu.memory_space<vmem>>) target(%dma_start3A_71 : memref<40x128xf32, #tpu.memory_space<vmem_shared>>) target_semaphore(%arg33 : memref<!tpu.dma_semaphore, #tpu.memory_space<semaphore_mem>>)
    %mul3A_72 = arith.constant 640 : i32
    %mul3A_73 = arith.muli %arg1, %mul3A_72 : i32
    %add3A_74 = arith.constant 320 : i32
    %add3A_75 = arith.addi %mul3A_73, %add3A_74 : i32
    %dma_start3A_76 = arith.constant 0 : i32
    %dma_start3A_77 = tpu.memref_slice %arg6[%add3A_75, %dma_start3A_76] : memref<10240x128xf32, #tpu.memory_space<vmem_shared>> -> memref<40x128xf32, #tpu.memory_space<vmem_shared>>
    %dma_start3A_78 = arith.constant 0 : i32
    %dma_start3A_79 = tpu.memref_slice %arg6[%add3A_75, %dma_start3A_78] : memref<10240x128xf32, #tpu.memory_space<vmem_shared>> -> memref<40x128xf32, #tpu.memory_space<vmem_shared>>
    tpu.enqueue_dma source(%arg13 : memref<40x128xf32, #tpu.memory_space<vmem>>) target(%dma_start3A_79 : memref<40x128xf32, #tpu.memory_space<vmem_shared>>) target_semaphore(%arg33 : memref<!tpu.dma_semaphore, #tpu.memory_space<semaphore_mem>>)
    %mul3A_80 = arith.constant 640 : i32
    %mul3A_81 = arith.muli %arg1, %mul3A_80 : i32
    %add3A_82 = arith.constant 360 : i32
    %add3A_83 = arith.addi %mul3A_81, %add3A_82 : i32
    %dma_start3A_84 = arith.constant 0 : i32
    %dma_start3A_85 = tpu.memref_slice %arg6[%add3A_83, %dma_start3A_84] : memref<10240x128xf32, #tpu.memory_space<vmem_shared>> -> memref<40x128xf32, #tpu.memory_space<vmem_shared>>
    %dma_start3A_86 = arith.constant 0 : i32
    %dma_start3A_87 = tpu.memref_slice %arg6[%add3A_83, %dma_start3A_86] : memref<10240x128xf32, #tpu.memory_space<vmem_shared>> -> memref<40x128xf32, #tpu.memory_space<vmem_shared>>
    tpu.enqueue_dma source(%arg13 : memref<40x128xf32, #tpu.memory_space<vmem>>) target(%dma_start3A_87 : memref<40x128xf32, #tpu.memory_space<vmem_shared>>) target_semaphore(%arg33 : memref<!tpu.dma_semaphore, #tpu.memory_space<semaphore_mem>>)
    %mul3A_88 = arith.constant 640 : i32
    %mul3A_89 = arith.muli %arg1, %mul3A_88 : i32
    %add3A_90 = arith.constant 400 : i32
    %add3A_91 = arith.addi %mul3A_89, %add3A_90 : i32
    %dma_start3A_92 = arith.constant 0 : i32
    %dma_start3A_93 = tpu.memref_slice %arg6[%add3A_91, %dma_start3A_92] : memref<10240x128xf32, #tpu.memory_space<vmem_shared>> -> memref<40x128xf32, #tpu.memory_space<vmem_shared>>
    %dma_start3A_94 = arith.constant 0 : i32
    %dma_start3A_95 = tpu.memref_slice %arg6[%add3A_91, %dma_start3A_94] : memref<10240x128xf32, #tpu.memory_space<vmem_shared>> -> memref<40x128xf32, #tpu.memory_space<vmem_shared>>
    tpu.enqueue_dma source(%arg13 : memref<40x128xf32, #tpu.memory_space<vmem>>) target(%dma_start3A_95 : memref<40x128xf32, #tpu.memory_space<vmem_shared>>) target_semaphore(%arg33 : memref<!tpu.dma_semaphore, #tpu.memory_space<semaphore_mem>>)
    %mul3A_96 = arith.constant 640 : i32
    %mul3A_97 = arith.muli %arg1, %mul3A_96 : i32
    %add3A_98 = arith.constant 440 : i32
    %add3A_99 = arith.addi %mul3A_97, %add3A_98 : i32
    %dma_start3A_100 = arith.constant 0 : i32
    %dma_start3A_101 = tpu.memref_slice %arg6[%add3A_99, %dma_start3A_100] : memref<10240x128xf32, #tpu.memory_space<vmem_shared>> -> memref<40x128xf32, #tpu.memory_space<vmem_shared>>
    %dma_start3A_102 = arith.constant 0 : i32
    %dma_start3A_103 = tpu.memref_slice %arg6[%add3A_99, %dma_start3A_102] : memref<10240x128xf32, #tpu.memory_space<vmem_shared>> -> memref<40x128xf32, #tpu.memory_space<vmem_shared>>
    tpu.enqueue_dma source(%arg13 : memref<40x128xf32, #tpu.memory_space<vmem>>) target(%dma_start3A_103 : memref<40x128xf32, #tpu.memory_space<vmem_shared>>) target_semaphore(%arg33 : memref<!tpu.dma_semaphore, #tpu.memory_space<semaphore_mem>>)
    %mul3A_104 = arith.constant 640 : i32
    %mul3A_105 = arith.muli %arg1, %mul3A_104 : i32
    %add3A_106 = arith.constant 480 : i32
    %add3A_107 = arith.addi %mul3A_105, %add3A_106 : i32
    %dma_start3A_108 = arith.constant 0 : i32
    %dma_start3A_109 = tpu.memref_slice %arg6[%add3A_107, %dma_start3A_108] : memref<10240x128xf32, #tpu.memory_space<vmem_shared>> -> memref<40x128xf32, #tpu.memory_space<vmem_shared>>
    %dma_start3A_110 = arith.constant 0 : i32
    %dma_start3A_111 = tpu.memref_slice %arg6[%add3A_107, %dma_start3A_110] : memref<10240x128xf32, #tpu.memory_space<vmem_shared>> -> memref<40x128xf32, #tpu.memory_space<vmem_shared>>
    tpu.enqueue_dma source(%arg13 : memref<40x128xf32, #tpu.memory_space<vmem>>) target(%dma_start3A_111 : memref<40x128xf32, #tpu.memory_space<vmem_shared>>) target_semaphore(%arg33 : memref<!tpu.dma_semaphore, #tpu.memory_space<semaphore_mem>>)
    %mul3A_112 = arith.constant 640 : i32
    %mul3A_113 = arith.muli %arg1, %mul3A_112 : i32
    %add3A_114 = arith.constant 520 : i32
    %add3A_115 = arith.addi %mul3A_113, %add3A_114 : i32
    %dma_start3A_116 = arith.constant 0 : i32
    %dma_start3A_117 = tpu.memref_slice %arg6[%add3A_115, %dma_start3A_116] : memref<10240x128xf32, #tpu.memory_space<vmem_shared>> -> memref<40x128xf32, #tpu.memory_space<vmem_shared>>
    %dma_start3A_118 = arith.constant 0 : i32
    %dma_start3A_119 = tpu.memref_slice %arg6[%add3A_115, %dma_start3A_118] : memref<10240x128xf32, #tpu.memory_space<vmem_shared>> -> memref<40x128xf32, #tpu.memory_space<vmem_shared>>
    tpu.enqueue_dma source(%arg13 : memref<40x128xf32, #tpu.memory_space<vmem>>) target(%dma_start3A_119 : memref<40x128xf32, #tpu.memory_space<vmem_shared>>) target_semaphore(%arg33 : memref<!tpu.dma_semaphore, #tpu.memory_space<semaphore_mem>>)
    %mul3A_120 = arith.constant 640 : i32
    %mul3A_121 = arith.muli %arg1, %mul3A_120 : i32
    %add3A_122 = arith.constant 560 : i32
    %add3A_123 = arith.addi %mul3A_121, %add3A_122 : i32
    %dma_start3A_124 = arith.constant 0 : i32
    %dma_start3A_125 = tpu.memref_slice %arg6[%add3A_123, %dma_start3A_124] : memref<10240x128xf32, #tpu.memory_space<vmem_shared>> -> memref<40x128xf32, #tpu.memory_space<vmem_shared>>
    %dma_start3A_126 = arith.constant 0 : i32
    %dma_start3A_127 = tpu.memref_slice %arg6[%add3A_123, %dma_start3A_126] : memref<10240x128xf32, #tpu.memory_space<vmem_shared>> -> memref<40x128xf32, #tpu.memory_space<vmem_shared>>
    tpu.enqueue_dma source(%arg13 : memref<40x128xf32, #tpu.memory_space<vmem>>) target(%dma_start3A_127 : memref<40x128xf32, #tpu.memory_space<vmem_shared>>) target_semaphore(%arg33 : memref<!tpu.dma_semaphore, #tpu.memory_space<semaphore_mem>>)
    %mul3A_128 = arith.constant 640 : i32
    %mul3A_129 = arith.muli %arg1, %mul3A_128 : i32
    %add3A_130 = arith.constant 600 : i32
    %add3A_131 = arith.addi %mul3A_129, %add3A_130 : i32
    %dma_start3A_132 = arith.constant 0 : i32
    %dma_start3A_133 = tpu.memref_slice %arg6[%add3A_131, %dma_start3A_132] : memref<10240x128xf32, #tpu.memory_space<vmem_shared>> -> memref<40x128xf32, #tpu.memory_space<vmem_shared>>
    %dma_start3A_134 = arith.constant 0 : i32
    %dma_start3A_135 = tpu.memref_slice %arg6[%add3A_131, %dma_start3A_134] : memref<10240x128xf32, #tpu.memory_space<vmem_shared>> -> memref<40x128xf32, #tpu.memory_space<vmem_shared>>
    tpu.enqueue_dma source(%arg13 : memref<40x128xf32, #tpu.memory_space<vmem>>) target(%dma_start3A_135 : memref<40x128xf32, #tpu.memory_space<vmem_shared>>) target_semaphore(%arg33 : memref<!tpu.dma_semaphore, #tpu.memory_space<semaphore_mem>>)
    "tpu.region"() ({
      %run_scoped3A = tpu.sem_alloc : memref<!tpu.dma_semaphore, #tpu.memory_space<semaphore_mem>>
      %dma_start3A_323 = tpu.memref_slice %arg3[%mul3A_2] : memref<320000xi32, #tpu.memory_space<hbm>> -> memref<10000xi32, #tpu.memory_space<hbm>>
      %dma_start3A_324 = tpu.memref_slice %arg3[%mul3A_2] : memref<320000xi32, #tpu.memory_space<hbm>> -> memref<10000xi32, #tpu.memory_space<hbm>>
      tpu.enqueue_dma source(%dma_start3A_324 : memref<10000xi32, #tpu.memory_space<hbm>>) target(%arg7 : memref<10000xi32, #tpu.memory_space<vmem>>) target_semaphore(%run_scoped3A : memref<!tpu.dma_semaphore, #tpu.memory_space<semaphore_mem>>)
      %dma_wait3A_325 = tpu.memref_slice %arg3[%mul3A_2] : memref<320000xi32, #tpu.memory_space<hbm>> -> memref<10000xi32, #tpu.memory_space<hbm>>
      %dma_wait3A_326 = tpu.memref_slice %arg3[%mul3A_2] : memref<320000xi32, #tpu.memory_space<hbm>> -> memref<10000xi32, #tpu.memory_space<hbm>>
      tpu.wait_dma2 semaphore(%run_scoped3A : memref<!tpu.dma_semaphore, #tpu.memory_space<semaphore_mem>>) src(%dma_wait3A_326 : memref<10000xi32, #tpu.memory_space<hbm>>) dst(%arg7 : memref<10000xi32, #tpu.memory_space<vmem>>)
      tpu.yield
    }) : () -> ()
    %mul3A_136 = arith.constant 640 : i32
    %mul3A_137 = arith.muli %arg1, %mul3A_136 : i32
    %add3A_138 = arith.constant 0 : i32
    %add3A_139 = arith.addi %mul3A_137, %add3A_138 : i32
    %dma_wait3A = arith.constant 0 : i32
    %dma_wait3A_140 = tpu.memref_slice %arg6[%add3A_139, %dma_wait3A] : memref<10240x128xf32, #tpu.memory_space<vmem_shared>> -> memref<40x128xf32, #tpu.memory_space<vmem_shared>>
    %dma_wait3A_141 = arith.constant 0 : i32
    %dma_wait3A_142 = tpu.memref_slice %arg6[%add3A_139, %dma_wait3A_141] : memref<10240x128xf32, #tpu.memory_space<vmem_shared>> -> memref<40x128xf32, #tpu.memory_space<vmem_shared>>
    tpu.wait_dma2 semaphore(%arg33 : memref<!tpu.dma_semaphore, #tpu.memory_space<semaphore_mem>>) src(%arg13 : memref<40x128xf32, #tpu.memory_space<vmem>>) dst(%dma_wait3A_142 : memref<40x128xf32, #tpu.memory_space<vmem_shared>>)
    %mul3A_143 = arith.constant 640 : i32
    %mul3A_144 = arith.muli %arg1, %mul3A_143 : i32
    %add3A_145 = arith.constant 40 : i32
    %add3A_146 = arith.addi %mul3A_144, %add3A_145 : i32
    %dma_wait3A_147 = arith.constant 0 : i32
    %dma_wait3A_148 = tpu.memref_slice %arg6[%add3A_146, %dma_wait3A_147] : memref<10240x128xf32, #tpu.memory_space<vmem_shared>> -> memref<40x128xf32, #tpu.memory_space<vmem_shared>>
    %dma_wait3A_149 = arith.constant 0 : i32
    %dma_wait3A_150 = tpu.memref_slice %arg6[%add3A_146, %dma_wait3A_149] : memref<10240x128xf32, #tpu.memory_space<vmem_shared>> -> memref<40x128xf32, #tpu.memory_space<vmem_shared>>
    tpu.wait_dma2 semaphore(%arg33 : memref<!tpu.dma_semaphore, #tpu.memory_space<semaphore_mem>>) src(%arg13 : memref<40x128xf32, #tpu.memory_space<vmem>>) dst(%dma_wait3A_150 : memref<40x128xf32, #tpu.memory_space<vmem_shared>>)
    %mul3A_151 = arith.constant 640 : i32
    %mul3A_152 = arith.muli %arg1, %mul3A_151 : i32
    %add3A_153 = arith.constant 80 : i32
    %add3A_154 = arith.addi %mul3A_152, %add3A_153 : i32
    %dma_wait3A_155 = arith.constant 0 : i32
    %dma_wait3A_156 = tpu.memref_slice %arg6[%add3A_154, %dma_wait3A_155] : memref<10240x128xf32, #tpu.memory_space<vmem_shared>> -> memref<40x128xf32, #tpu.memory_space<vmem_shared>>
    %dma_wait3A_157 = arith.constant 0 : i32
    %dma_wait3A_158 = tpu.memref_slice %arg6[%add3A_154, %dma_wait3A_157] : memref<10240x128xf32, #tpu.memory_space<vmem_shared>> -> memref<40x128xf32, #tpu.memory_space<vmem_shared>>
    tpu.wait_dma2 semaphore(%arg33 : memref<!tpu.dma_semaphore, #tpu.memory_space<semaphore_mem>>) src(%arg13 : memref<40x128xf32, #tpu.memory_space<vmem>>) dst(%dma_wait3A_158 : memref<40x128xf32, #tpu.memory_space<vmem_shared>>)
    %mul3A_159 = arith.constant 640 : i32
    %mul3A_160 = arith.muli %arg1, %mul3A_159 : i32
    %add3A_161 = arith.constant 120 : i32
    %add3A_162 = arith.addi %mul3A_160, %add3A_161 : i32
    %dma_wait3A_163 = arith.constant 0 : i32
    %dma_wait3A_164 = tpu.memref_slice %arg6[%add3A_162, %dma_wait3A_163] : memref<10240x128xf32, #tpu.memory_space<vmem_shared>> -> memref<40x128xf32, #tpu.memory_space<vmem_shared>>
    %dma_wait3A_165 = arith.constant 0 : i32
    %dma_wait3A_166 = tpu.memref_slice %arg6[%add3A_162, %dma_wait3A_165] : memref<10240x128xf32, #tpu.memory_space<vmem_shared>> -> memref<40x128xf32, #tpu.memory_space<vmem_shared>>
    tpu.wait_dma2 semaphore(%arg33 : memref<!tpu.dma_semaphore, #tpu.memory_space<semaphore_mem>>) src(%arg13 : memref<40x128xf32, #tpu.memory_space<vmem>>) dst(%dma_wait3A_166 : memref<40x128xf32, #tpu.memory_space<vmem_shared>>)
    %mul3A_167 = arith.constant 640 : i32
    %mul3A_168 = arith.muli %arg1, %mul3A_167 : i32
    %add3A_169 = arith.constant 160 : i32
    %add3A_170 = arith.addi %mul3A_168, %add3A_169 : i32
    %dma_wait3A_171 = arith.constant 0 : i32
    %dma_wait3A_172 = tpu.memref_slice %arg6[%add3A_170, %dma_wait3A_171] : memref<10240x128xf32, #tpu.memory_space<vmem_shared>> -> memref<40x128xf32, #tpu.memory_space<vmem_shared>>
    %dma_wait3A_173 = arith.constant 0 : i32
    %dma_wait3A_174 = tpu.memref_slice %arg6[%add3A_170, %dma_wait3A_173] : memref<10240x128xf32, #tpu.memory_space<vmem_shared>> -> memref<40x128xf32, #tpu.memory_space<vmem_shared>>
    tpu.wait_dma2 semaphore(%arg33 : memref<!tpu.dma_semaphore, #tpu.memory_space<semaphore_mem>>) src(%arg13 : memref<40x128xf32, #tpu.memory_space<vmem>>) dst(%dma_wait3A_174 : memref<40x128xf32, #tpu.memory_space<vmem_shared>>)
    %mul3A_175 = arith.constant 640 : i32
    %mul3A_176 = arith.muli %arg1, %mul3A_175 : i32
    %add3A_177 = arith.constant 200 : i32
    %add3A_178 = arith.addi %mul3A_176, %add3A_177 : i32
    %dma_wait3A_179 = arith.constant 0 : i32
    %dma_wait3A_180 = tpu.memref_slice %arg6[%add3A_178, %dma_wait3A_179] : memref<10240x128xf32, #tpu.memory_space<vmem_shared>> -> memref<40x128xf32, #tpu.memory_space<vmem_shared>>
    %dma_wait3A_181 = arith.constant 0 : i32
    %dma_wait3A_182 = tpu.memref_slice %arg6[%add3A_178, %dma_wait3A_181] : memref<10240x128xf32, #tpu.memory_space<vmem_shared>> -> memref<40x128xf32, #tpu.memory_space<vmem_shared>>
    tpu.wait_dma2 semaphore(%arg33 : memref<!tpu.dma_semaphore, #tpu.memory_space<semaphore_mem>>) src(%arg13 : memref<40x128xf32, #tpu.memory_space<vmem>>) dst(%dma_wait3A_182 : memref<40x128xf32, #tpu.memory_space<vmem_shared>>)
    %mul3A_183 = arith.constant 640 : i32
    %mul3A_184 = arith.muli %arg1, %mul3A_183 : i32
    %add3A_185 = arith.constant 240 : i32
    %add3A_186 = arith.addi %mul3A_184, %add3A_185 : i32
    %dma_wait3A_187 = arith.constant 0 : i32
    %dma_wait3A_188 = tpu.memref_slice %arg6[%add3A_186, %dma_wait3A_187] : memref<10240x128xf32, #tpu.memory_space<vmem_shared>> -> memref<40x128xf32, #tpu.memory_space<vmem_shared>>
    %dma_wait3A_189 = arith.constant 0 : i32
    %dma_wait3A_190 = tpu.memref_slice %arg6[%add3A_186, %dma_wait3A_189] : memref<10240x128xf32, #tpu.memory_space<vmem_shared>> -> memref<40x128xf32, #tpu.memory_space<vmem_shared>>
    tpu.wait_dma2 semaphore(%arg33 : memref<!tpu.dma_semaphore, #tpu.memory_space<semaphore_mem>>) src(%arg13 : memref<40x128xf32, #tpu.memory_space<vmem>>) dst(%dma_wait3A_190 : memref<40x128xf32, #tpu.memory_space<vmem_shared>>)
    %mul3A_191 = arith.constant 640 : i32
    %mul3A_192 = arith.muli %arg1, %mul3A_191 : i32
    %add3A_193 = arith.constant 280 : i32
    %add3A_194 = arith.addi %mul3A_192, %add3A_193 : i32
    %dma_wait3A_195 = arith.constant 0 : i32
    %dma_wait3A_196 = tpu.memref_slice %arg6[%add3A_194, %dma_wait3A_195] : memref<10240x128xf32, #tpu.memory_space<vmem_shared>> -> memref<40x128xf32, #tpu.memory_space<vmem_shared>>
    %dma_wait3A_197 = arith.constant 0 : i32
    %dma_wait3A_198 = tpu.memref_slice %arg6[%add3A_194, %dma_wait3A_197] : memref<10240x128xf32, #tpu.memory_space<vmem_shared>> -> memref<40x128xf32, #tpu.memory_space<vmem_shared>>
    tpu.wait_dma2 semaphore(%arg33 : memref<!tpu.dma_semaphore, #tpu.memory_space<semaphore_mem>>) src(%arg13 : memref<40x128xf32, #tpu.memory_space<vmem>>) dst(%dma_wait3A_198 : memref<40x128xf32, #tpu.memory_space<vmem_shared>>)
    %mul3A_199 = arith.constant 640 : i32
    %mul3A_200 = arith.muli %arg1, %mul3A_199 : i32
    %add3A_201 = arith.constant 320 : i32
    %add3A_202 = arith.addi %mul3A_200, %add3A_201 : i32
    %dma_wait3A_203 = arith.constant 0 : i32
    %dma_wait3A_204 = tpu.memref_slice %arg6[%add3A_202, %dma_wait3A_203] : memref<10240x128xf32, #tpu.memory_space<vmem_shared>> -> memref<40x128xf32, #tpu.memory_space<vmem_shared>>
    %dma_wait3A_205 = arith.constant 0 : i32
    %dma_wait3A_206 = tpu.memref_slice %arg6[%add3A_202, %dma_wait3A_205] : memref<10240x128xf32, #tpu.memory_space<vmem_shared>> -> memref<40x128xf32, #tpu.memory_space<vmem_shared>>
    tpu.wait_dma2 semaphore(%arg33 : memref<!tpu.dma_semaphore, #tpu.memory_space<semaphore_mem>>) src(%arg13 : memref<40x128xf32, #tpu.memory_space<vmem>>) dst(%dma_wait3A_206 : memref<40x128xf32, #tpu.memory_space<vmem_shared>>)
    %mul3A_207 = arith.constant 640 : i32
    %mul3A_208 = arith.muli %arg1, %mul3A_207 : i32
    %add3A_209 = arith.constant 360 : i32
    %add3A_210 = arith.addi %mul3A_208, %add3A_209 : i32
    %dma_wait3A_211 = arith.constant 0 : i32
    %dma_wait3A_212 = tpu.memref_slice %arg6[%add3A_210, %dma_wait3A_211] : memref<10240x128xf32, #tpu.memory_space<vmem_shared>> -> memref<40x128xf32, #tpu.memory_space<vmem_shared>>
    %dma_wait3A_213 = arith.constant 0 : i32
    %dma_wait3A_214 = tpu.memref_slice %arg6[%add3A_210, %dma_wait3A_213] : memref<10240x128xf32, #tpu.memory_space<vmem_shared>> -> memref<40x128xf32, #tpu.memory_space<vmem_shared>>
    tpu.wait_dma2 semaphore(%arg33 : memref<!tpu.dma_semaphore, #tpu.memory_space<semaphore_mem>>) src(%arg13 : memref<40x128xf32, #tpu.memory_space<vmem>>) dst(%dma_wait3A_214 : memref<40x128xf32, #tpu.memory_space<vmem_shared>>)
    %mul3A_215 = arith.constant 640 : i32
    %mul3A_216 = arith.muli %arg1, %mul3A_215 : i32
    %add3A_217 = arith.constant 400 : i32
    %add3A_218 = arith.addi %mul3A_216, %add3A_217 : i32
    %dma_wait3A_219 = arith.constant 0 : i32
    %dma_wait3A_220 = tpu.memref_slice %arg6[%add3A_218, %dma_wait3A_219] : memref<10240x128xf32, #tpu.memory_space<vmem_shared>> -> memref<40x128xf32, #tpu.memory_space<vmem_shared>>
    %dma_wait3A_221 = arith.constant 0 : i32
    %dma_wait3A_222 = tpu.memref_slice %arg6[%add3A_218, %dma_wait3A_221] : memref<10240x128xf32, #tpu.memory_space<vmem_shared>> -> memref<40x128xf32, #tpu.memory_space<vmem_shared>>
    tpu.wait_dma2 semaphore(%arg33 : memref<!tpu.dma_semaphore, #tpu.memory_space<semaphore_mem>>) src(%arg13 : memref<40x128xf32, #tpu.memory_space<vmem>>) dst(%dma_wait3A_222 : memref<40x128xf32, #tpu.memory_space<vmem_shared>>)
    %mul3A_223 = arith.constant 640 : i32
    %mul3A_224 = arith.muli %arg1, %mul3A_223 : i32
    %add3A_225 = arith.constant 440 : i32
    %add3A_226 = arith.addi %mul3A_224, %add3A_225 : i32
    %dma_wait3A_227 = arith.constant 0 : i32
    %dma_wait3A_228 = tpu.memref_slice %arg6[%add3A_226, %dma_wait3A_227] : memref<10240x128xf32, #tpu.memory_space<vmem_shared>> -> memref<40x128xf32, #tpu.memory_space<vmem_shared>>
    %dma_wait3A_229 = arith.constant 0 : i32
    %dma_wait3A_230 = tpu.memref_slice %arg6[%add3A_226, %dma_wait3A_229] : memref<10240x128xf32, #tpu.memory_space<vmem_shared>> -> memref<40x128xf32, #tpu.memory_space<vmem_shared>>
    tpu.wait_dma2 semaphore(%arg33 : memref<!tpu.dma_semaphore, #tpu.memory_space<semaphore_mem>>) src(%arg13 : memref<40x128xf32, #tpu.memory_space<vmem>>) dst(%dma_wait3A_230 : memref<40x128xf32, #tpu.memory_space<vmem_shared>>)
    %mul3A_231 = arith.constant 640 : i32
    %mul3A_232 = arith.muli %arg1, %mul3A_231 : i32
    %add3A_233 = arith.constant 480 : i32
    %add3A_234 = arith.addi %mul3A_232, %add3A_233 : i32
    %dma_wait3A_235 = arith.constant 0 : i32
    %dma_wait3A_236 = tpu.memref_slice %arg6[%add3A_234, %dma_wait3A_235] : memref<10240x128xf32, #tpu.memory_space<vmem_shared>> -> memref<40x128xf32, #tpu.memory_space<vmem_shared>>
    %dma_wait3A_237 = arith.constant 0 : i32
    %dma_wait3A_238 = tpu.memref_slice %arg6[%add3A_234, %dma_wait3A_237] : memref<10240x128xf32, #tpu.memory_space<vmem_shared>> -> memref<40x128xf32, #tpu.memory_space<vmem_shared>>
    tpu.wait_dma2 semaphore(%arg33 : memref<!tpu.dma_semaphore, #tpu.memory_space<semaphore_mem>>) src(%arg13 : memref<40x128xf32, #tpu.memory_space<vmem>>) dst(%dma_wait3A_238 : memref<40x128xf32, #tpu.memory_space<vmem_shared>>)
    %mul3A_239 = arith.constant 640 : i32
    %mul3A_240 = arith.muli %arg1, %mul3A_239 : i32
    %add3A_241 = arith.constant 520 : i32
    %add3A_242 = arith.addi %mul3A_240, %add3A_241 : i32
    %dma_wait3A_243 = arith.constant 0 : i32
    %dma_wait3A_244 = tpu.memref_slice %arg6[%add3A_242, %dma_wait3A_243] : memref<10240x128xf32, #tpu.memory_space<vmem_shared>> -> memref<40x128xf32, #tpu.memory_space<vmem_shared>>
    %dma_wait3A_245 = arith.constant 0 : i32
    %dma_wait3A_246 = tpu.memref_slice %arg6[%add3A_242, %dma_wait3A_245] : memref<10240x128xf32, #tpu.memory_space<vmem_shared>> -> memref<40x128xf32, #tpu.memory_space<vmem_shared>>
    tpu.wait_dma2 semaphore(%arg33 : memref<!tpu.dma_semaphore, #tpu.memory_space<semaphore_mem>>) src(%arg13 : memref<40x128xf32, #tpu.memory_space<vmem>>) dst(%dma_wait3A_246 : memref<40x128xf32, #tpu.memory_space<vmem_shared>>)
    %mul3A_247 = arith.constant 640 : i32
    %mul3A_248 = arith.muli %arg1, %mul3A_247 : i32
    %add3A_249 = arith.constant 560 : i32
    %add3A_250 = arith.addi %mul3A_248, %add3A_249 : i32
    %dma_wait3A_251 = arith.constant 0 : i32
    %dma_wait3A_252 = tpu.memref_slice %arg6[%add3A_250, %dma_wait3A_251] : memref<10240x128xf32, #tpu.memory_space<vmem_shared>> -> memref<40x128xf32, #tpu.memory_space<vmem_shared>>
    %dma_wait3A_253 = arith.constant 0 : i32
    %dma_wait3A_254 = tpu.memref_slice %arg6[%add3A_250, %dma_wait3A_253] : memref<10240x128xf32, #tpu.memory_space<vmem_shared>> -> memref<40x128xf32, #tpu.memory_space<vmem_shared>>
    tpu.wait_dma2 semaphore(%arg33 : memref<!tpu.dma_semaphore, #tpu.memory_space<semaphore_mem>>) src(%arg13 : memref<40x128xf32, #tpu.memory_space<vmem>>) dst(%dma_wait3A_254 : memref<40x128xf32, #tpu.memory_space<vmem_shared>>)
    %mul3A_255 = arith.constant 640 : i32
    %mul3A_256 = arith.muli %arg1, %mul3A_255 : i32
    %add3A_257 = arith.constant 600 : i32
    %add3A_258 = arith.addi %mul3A_256, %add3A_257 : i32
    %dma_wait3A_259 = arith.constant 0 : i32
    %dma_wait3A_260 = tpu.memref_slice %arg6[%add3A_258, %dma_wait3A_259] : memref<10240x128xf32, #tpu.memory_space<vmem_shared>> -> memref<40x128xf32, #tpu.memory_space<vmem_shared>>
    %dma_wait3A_261 = arith.constant 0 : i32
    %dma_wait3A_262 = tpu.memref_slice %arg6[%add3A_258, %dma_wait3A_261] : memref<10240x128xf32, #tpu.memory_space<vmem_shared>> -> memref<40x128xf32, #tpu.memory_space<vmem_shared>>
    tpu.wait_dma2 semaphore(%arg33 : memref<!tpu.dma_semaphore, #tpu.memory_space<semaphore_mem>>) src(%arg13 : memref<40x128xf32, #tpu.memory_space<vmem>>) dst(%dma_wait3A_262 : memref<40x128xf32, #tpu.memory_space<vmem_shared>>)
    %barrier3A = arith.constant 0 : index
    tpu.barrier barrier_id(%barrier3A)
    %add3A_263 = arith.constant 0 : i32
    %add3A_264 = arith.addi %mul3A_2, %add3A_263 : i32
    %dma_start3A_265 = tpu.memref_slice %arg4[%add3A_264] : memref<320000xi32, #tpu.memory_space<hbm>> -> memref<40xi32, #tpu.memory_space<hbm>>
    %dma_start3A_266 = tpu.memref_slice %arg4[%add3A_264] : memref<320000xi32, #tpu.memory_space<hbm>> -> memref<40xi32, #tpu.memory_space<hbm>>
    tpu.enqueue_dma source(%dma_start3A_266 : memref<40xi32, #tpu.memory_space<hbm>>) target(%arg8 : memref<40xi32, #tpu.memory_space<vmem>>) target_semaphore(%arg28 : memref<!tpu.dma_semaphore, #tpu.memory_space<semaphore_mem>>)
    %dma_start3A_267 = arith.constant 0 : i32
    %dma_start3A_268 = tpu.memref_slice %arg7[%dma_start3A_267] : memref<10000xi32, #tpu.memory_space<vmem>> -> memref<40xi32, #tpu.memory_space<vmem>>
    %dma_start3A_269 = arith.constant 0 : i32
    %dma_start3A_270 = arith.constant 0 : i32
    %dma_start3A_271 = tpu.memref_slice %arg2[%dma_start3A_269, %dma_start3A_270] : memref<10240x128xf32, #tpu.memory_space<hbm>> -> memref<10240x128xf32, #tpu.memory_space<hbm>>
    tpu.enqueue_indirect_dma source(%dma_start3A_271 : memref<10240x128xf32, #tpu.memory_space<hbm>>) target(%arg13 : memref<40x128xf32, #tpu.memory_space<vmem>>) offsets(%dma_start3A_268 : memref<40xi32, #tpu.memory_space<vmem>>) semaphore(%arg18 : memref<!tpu.dma_semaphore, #tpu.memory_space<semaphore_mem>>)
    %add3A_272 = arith.constant 40 : i32
    %add3A_273 = arith.addi %mul3A_2, %add3A_272 : i32
    %dma_start3A_274 = tpu.memref_slice %arg4[%add3A_273] : memref<320000xi32, #tpu.memory_space<hbm>> -> memref<40xi32, #tpu.memory_space<hbm>>
    %dma_start3A_275 = tpu.memref_slice %arg4[%add3A_273] : memref<320000xi32, #tpu.memory_space<hbm>> -> memref<40xi32, #tpu.memory_space<hbm>>
    tpu.enqueue_dma source(%dma_start3A_275 : memref<40xi32, #tpu.memory_space<hbm>>) target(%arg9 : memref<40xi32, #tpu.memory_space<vmem>>) target_semaphore(%arg29 : memref<!tpu.dma_semaphore, #tpu.memory_space<semaphore_mem>>)
    %dma_start3A_276 = arith.constant 40 : i32
    %dma_start3A_277 = tpu.memref_slice %arg7[%dma_start3A_276] : memref<10000xi32, #tpu.memory_space<vmem>> -> memref<40xi32, #tpu.memory_space<vmem>>
    %dma_start3A_278 = arith.constant 0 : i32
    %dma_start3A_279 = arith.constant 0 : i32
    %dma_start3A_280 = tpu.memref_slice %arg2[%dma_start3A_278, %dma_start3A_279] : memref<10240x128xf32, #tpu.memory_space<hbm>> -> memref<10240x128xf32, #tpu.memory_space<hbm>>
    tpu.enqueue_indirect_dma source(%dma_start3A_280 : memref<10240x128xf32, #tpu.memory_space<hbm>>) target(%arg14 : memref<40x128xf32, #tpu.memory_space<vmem>>) offsets(%dma_start3A_277 : memref<40xi32, #tpu.memory_space<vmem>>) semaphore(%arg19 : memref<!tpu.dma_semaphore, #tpu.memory_space<semaphore_mem>>)
    %add3A_281 = arith.constant 80 : i32
    %add3A_282 = arith.addi %mul3A_2, %add3A_281 : i32
    %dma_start3A_283 = tpu.memref_slice %arg4[%add3A_282] : memref<320000xi32, #tpu.memory_space<hbm>> -> memref<40xi32, #tpu.memory_space<hbm>>
    %dma_start3A_284 = tpu.memref_slice %arg4[%add3A_282] : memref<320000xi32, #tpu.memory_space<hbm>> -> memref<40xi32, #tpu.memory_space<hbm>>
    tpu.enqueue_dma source(%dma_start3A_284 : memref<40xi32, #tpu.memory_space<hbm>>) target(%arg10 : memref<40xi32, #tpu.memory_space<vmem>>) target_semaphore(%arg30 : memref<!tpu.dma_semaphore, #tpu.memory_space<semaphore_mem>>)
    %dma_start3A_285 = arith.constant 80 : i32
    %dma_start3A_286 = tpu.memref_slice %arg7[%dma_start3A_285] : memref<10000xi32, #tpu.memory_space<vmem>> -> memref<40xi32, #tpu.memory_space<vmem>>
    %dma_start3A_287 = arith.constant 0 : i32
    %dma_start3A_288 = arith.constant 0 : i32
    %dma_start3A_289 = tpu.memref_slice %arg2[%dma_start3A_287, %dma_start3A_288] : memref<10240x128xf32, #tpu.memory_space<hbm>> -> memref<10240x128xf32, #tpu.memory_space<hbm>>
    tpu.enqueue_indirect_dma source(%dma_start3A_289 : memref<10240x128xf32, #tpu.memory_space<hbm>>) target(%arg15 : memref<40x128xf32, #tpu.memory_space<vmem>>) offsets(%dma_start3A_286 : memref<40xi32, #tpu.memory_space<vmem>>) semaphore(%arg20 : memref<!tpu.dma_semaphore, #tpu.memory_space<semaphore_mem>>)
    %add3A_290 = arith.constant 120 : i32
    %add3A_291 = arith.addi %mul3A_2, %add3A_290 : i32
    %dma_start3A_292 = tpu.memref_slice %arg4[%add3A_291] : memref<320000xi32, #tpu.memory_space<hbm>> -> memref<40xi32, #tpu.memory_space<hbm>>
    %dma_start3A_293 = tpu.memref_slice %arg4[%add3A_291] : memref<320000xi32, #tpu.memory_space<hbm>> -> memref<40xi32, #tpu.memory_space<hbm>>
    tpu.enqueue_dma source(%dma_start3A_293 : memref<40xi32, #tpu.memory_space<hbm>>) target(%arg11 : memref<40xi32, #tpu.memory_space<vmem>>) target_semaphore(%arg31 : memref<!tpu.dma_semaphore, #tpu.memory_space<semaphore_mem>>)
    %dma_start3A_294 = arith.constant 120 : i32
    %dma_start3A_295 = tpu.memref_slice %arg7[%dma_start3A_294] : memref<10000xi32, #tpu.memory_space<vmem>> -> memref<40xi32, #tpu.memory_space<vmem>>
    %dma_start3A_296 = arith.constant 0 : i32
    %dma_start3A_297 = arith.constant 0 : i32
    %dma_start3A_298 = tpu.memref_slice %arg2[%dma_start3A_296, %dma_start3A_297] : memref<10240x128xf32, #tpu.memory_space<hbm>> -> memref<10240x128xf32, #tpu.memory_space<hbm>>
    tpu.enqueue_indirect_dma source(%dma_start3A_298 : memref<10240x128xf32, #tpu.memory_space<hbm>>) target(%arg16 : memref<40x128xf32, #tpu.memory_space<vmem>>) offsets(%dma_start3A_295 : memref<40xi32, #tpu.memory_space<vmem>>) semaphore(%arg21 : memref<!tpu.dma_semaphore, #tpu.memory_space<semaphore_mem>>)
    %scan3A_299 = arith.constant 0 : i32
    %scan3A_300 = arith.constant 0 : i32
    %scan3A_301 = arith.constant 50 : i32
    %scan3A_302 = arith.addi %scan3A_300, %scan3A_301 : i32
    %scan3A_303 = arith.constant 1 : i32
    scf.for %scan3A_323 = %scan3A_300 to %scan3A_302 step %scan3A_303  : i32 {
      %mul3A_324 = arith.constant 5 : i32
      %mul3A_325 = arith.muli %scan3A_323, %mul3A_324 : i32
      %add3A_326 = arith.constant 0 : i32
      %add3A_327 = arith.addi %mul3A_325, %add3A_326 : i32
      %mul3A_328 = arith.constant 40 : i32
      %mul3A_329 = arith.muli %add3A_327, %mul3A_328 : i32
      %dma_wait3A_330 = tpu.memref_slice %arg7[%mul3A_329] : memref<10000xi32, #tpu.memory_space<vmem>> -> memref<40xi32, #tpu.memory_space<vmem>>
      %dma_wait3A_331 = arith.constant 0 : i32
      %dma_wait3A_332 = arith.constant 0 : i32
      %dma_wait3A_333 = tpu.memref_slice %arg2[%dma_wait3A_331, %dma_wait3A_332] : memref<10240x128xf32, #tpu.memory_space<hbm>> -> memref<10240x128xf32, #tpu.memory_space<hbm>>
      tpu.wait_indirect_dma semaphore(%arg18 : memref<!tpu.dma_semaphore, #tpu.memory_space<semaphore_mem>>) src(%dma_wait3A_333 : memref<10240x128xf32, #tpu.memory_space<hbm>>) dst(%arg13 : memref<40x128xf32, #tpu.memory_space<vmem>>)
      %mul3A_334 = arith.constant 40 : i32
      %mul3A_335 = arith.muli %add3A_327, %mul3A_334 : i32
      %add3A_336 = arith.addi %mul3A_2, %mul3A_335 : i32
      %dma_wait3A_337 = tpu.memref_slice %arg4[%add3A_336] : memref<320000xi32, #tpu.memory_space<hbm>> -> memref<40xi32, #tpu.memory_space<hbm>>
      %dma_wait3A_338 = tpu.memref_slice %arg4[%add3A_336] : memref<320000xi32, #tpu.memory_space<hbm>> -> memref<40xi32, #tpu.memory_space<hbm>>
      tpu.wait_dma2 semaphore(%arg28 : memref<!tpu.dma_semaphore, #tpu.memory_space<semaphore_mem>>) src(%dma_wait3A_338 : memref<40xi32, #tpu.memory_space<hbm>>) dst(%arg8 : memref<40xi32, #tpu.memory_space<vmem>>)
      %dma_start3A_339 = arith.constant 0 : i32
      %dma_start3A_340 = arith.constant 0 : i32
      %dma_start3A_341 = tpu.memref_slice %arg6[%dma_start3A_339, %dma_start3A_340] : memref<10240x128xf32, #tpu.memory_space<vmem_shared>> -> memref<10240x128xf32, #tpu.memory_space<vmem_shared>>
      tpu.enqueue_indirect_dma source(%arg13 : memref<40x128xf32, #tpu.memory_space<vmem>>) target(%dma_start3A_341 : memref<10240x128xf32, #tpu.memory_space<vmem_shared>>) offsets(%arg8 : memref<40xi32, #tpu.memory_space<vmem>>) semaphore(%arg23 : memref<!tpu.dma_semaphore, #tpu.memory_space<semaphore_mem>>) {add = true}
      %add3A_342 = arith.constant 5 : i32
      %add3A_343 = arith.addi %add3A_327, %add3A_342 : i32
      %sub3A = arith.constant 1 : i32
      %sub3A_344 = arith.subi %add3A_343, %sub3A : i32
      %lt3A = arith.constant 250 : i32
      %lt3A_345 = arith.cmpi slt, %sub3A_344, %lt3A : i32
      %convert_element_type3A = arith.extui %lt3A_345 : i1 to i32
      %cond3A = arith.constant 0 : i32
      %cond3A_346 = arith.cmpi ne, %convert_element_type3A, %cond3A : i32
      scf.if %cond3A_346 {
        %ge3A = arith.constant 1 : i32
        %ge3A_455 = arith.cmpi sge, %scan3A_323, %ge3A : i32
        %convert_element_type3A_456 = arith.extui %ge3A_455 : i1 to i32
        %cond3A_457 = arith.constant 0 : i32
        %cond3A_458 = arith.cmpi ne, %convert_element_type3A_456, %cond3A_457 : i32
        scf.if %cond3A_458 {
          %dma_wait3A_474 = arith.constant 0 : i32
          %dma_wait3A_475 = arith.constant 0 : i32
          %dma_wait3A_476 = tpu.memref_slice %arg6[%dma_wait3A_474, %dma_wait3A_475] : memref<10240x128xf32, #tpu.memory_space<vmem_shared>> -> memref<10240x128xf32, #tpu.memory_space<vmem_shared>>
          tpu.wait_indirect_dma semaphore(%arg27 : memref<!tpu.dma_semaphore, #tpu.memory_space<semaphore_mem>>) src(%arg17 : memref<40x128xf32, #tpu.memory_space<vmem>>) dst(%dma_wait3A_476 : memref<10240x128xf32, #tpu.memory_space<vmem_shared>>)
        } else {
        }
        %add3A_459 = arith.constant 5 : i32
        %add3A_460 = arith.addi %add3A_327, %add3A_459 : i32
        %sub3A_461 = arith.constant 1 : i32
        %sub3A_462 = arith.subi %add3A_460, %sub3A_461 : i32
        %mul3A_463 = arith.constant 40 : i32
        %mul3A_464 = arith.muli %sub3A_462, %mul3A_463 : i32
        %add3A_465 = arith.addi %mul3A_2, %mul3A_464 : i32
        %dma_start3A_466 = tpu.memref_slice %arg4[%add3A_465] : memref<320000xi32, #tpu.memory_space<hbm>> -> memref<40xi32, #tpu.memory_space<hbm>>
        %dma_start3A_467 = tpu.memref_slice %arg4[%add3A_465] : memref<320000xi32, #tpu.memory_space<hbm>> -> memref<40xi32, #tpu.memory_space<hbm>>
        tpu.enqueue_dma source(%dma_start3A_467 : memref<40xi32, #tpu.memory_space<hbm>>) target(%arg12 : memref<40xi32, #tpu.memory_space<vmem>>) target_semaphore(%arg32 : memref<!tpu.dma_semaphore, #tpu.memory_space<semaphore_mem>>)
        %mul3A_468 = arith.constant 40 : i32
        %mul3A_469 = arith.muli %sub3A_462, %mul3A_468 : i32
        %dma_start3A_470 = tpu.memref_slice %arg7[%mul3A_469] : memref<10000xi32, #tpu.memory_space<vmem>> -> memref<40xi32, #tpu.memory_space<vmem>>
        %dma_start3A_471 = arith.constant 0 : i32
        %dma_start3A_472 = arith.constant 0 : i32
        %dma_start3A_473 = tpu.memref_slice %arg2[%dma_start3A_471, %dma_start3A_472] : memref<10240x128xf32, #tpu.memory_space<hbm>> -> memref<10240x128xf32, #tpu.memory_space<hbm>>
        tpu.enqueue_indirect_dma source(%dma_start3A_473 : memref<10240x128xf32, #tpu.memory_space<hbm>>) target(%arg17 : memref<40x128xf32, #tpu.memory_space<vmem>>) offsets(%dma_start3A_470 : memref<40xi32, #tpu.memory_space<vmem>>) semaphore(%arg22 : memref<!tpu.dma_semaphore, #tpu.memory_space<semaphore_mem>>)
      } else {
      }
      %mul3A_347 = arith.constant 5 : i32
      %mul3A_348 = arith.muli %scan3A_323, %mul3A_347 : i32
      %add3A_349 = arith.constant 1 : i32
      %add3A_350 = arith.addi %mul3A_348, %add3A_349 : i32
      %mul3A_351 = arith.constant 40 : i32
      %mul3A_352 = arith.muli %add3A_350, %mul3A_351 : i32
      %dma_wait3A_353 = tpu.memref_slice %arg7[%mul3A_352] : memref<10000xi32, #tpu.memory_space<vmem>> -> memref<40xi32, #tpu.memory_space<vmem>>
      %dma_wait3A_354 = arith.constant 0 : i32
      %dma_wait3A_355 = arith.constant 0 : i32
      %dma_wait3A_356 = tpu.memref_slice %arg2[%dma_wait3A_354, %dma_wait3A_355] : memref<10240x128xf32, #tpu.memory_space<hbm>> -> memref<10240x128xf32, #tpu.memory_space<hbm>>
      tpu.wait_indirect_dma semaphore(%arg19 : memref<!tpu.dma_semaphore, #tpu.memory_space<semaphore_mem>>) src(%dma_wait3A_356 : memref<10240x128xf32, #tpu.memory_space<hbm>>) dst(%arg14 : memref<40x128xf32, #tpu.memory_space<vmem>>)
      %mul3A_357 = arith.constant 40 : i32
      %mul3A_358 = arith.muli %add3A_350, %mul3A_357 : i32
      %add3A_359 = arith.addi %mul3A_2, %mul3A_358 : i32
      %dma_wait3A_360 = tpu.memref_slice %arg4[%add3A_359] : memref<320000xi32, #tpu.memory_space<hbm>> -> memref<40xi32, #tpu.memory_space<hbm>>
      %dma_wait3A_361 = tpu.memref_slice %arg4[%add3A_359] : memref<320000xi32, #tpu.memory_space<hbm>> -> memref<40xi32, #tpu.memory_space<hbm>>
      tpu.wait_dma2 semaphore(%arg29 : memref<!tpu.dma_semaphore, #tpu.memory_space<semaphore_mem>>) src(%dma_wait3A_361 : memref<40xi32, #tpu.memory_space<hbm>>) dst(%arg9 : memref<40xi32, #tpu.memory_space<vmem>>)
      %dma_start3A_362 = arith.constant 0 : i32
      %dma_start3A_363 = arith.constant 0 : i32
      %dma_start3A_364 = tpu.memref_slice %arg6[%dma_start3A_362, %dma_start3A_363] : memref<10240x128xf32, #tpu.memory_space<vmem_shared>> -> memref<10240x128xf32, #tpu.memory_space<vmem_shared>>
      tpu.enqueue_indirect_dma source(%arg14 : memref<40x128xf32, #tpu.memory_space<vmem>>) target(%dma_start3A_364 : memref<10240x128xf32, #tpu.memory_space<vmem_shared>>) offsets(%arg9 : memref<40xi32, #tpu.memory_space<vmem>>) semaphore(%arg24 : memref<!tpu.dma_semaphore, #tpu.memory_space<semaphore_mem>>) {add = true}
      %add3A_365 = arith.constant 5 : i32
      %add3A_366 = arith.addi %add3A_350, %add3A_365 : i32
      %sub3A_367 = arith.constant 1 : i32
      %sub3A_368 = arith.subi %add3A_366, %sub3A_367 : i32
      %lt3A_369 = arith.constant 250 : i32
      %lt3A_370 = arith.cmpi slt, %sub3A_368, %lt3A_369 : i32
      %convert_element_type3A_371 = arith.extui %lt3A_370 : i1 to i32
      %cond3A_372 = arith.constant 0 : i32
      %cond3A_373 = arith.cmpi ne, %convert_element_type3A_371, %cond3A_372 : i32
      scf.if %cond3A_373 {
        %dma_wait3A_455 = arith.constant 0 : i32
        %dma_wait3A_456 = arith.constant 0 : i32
        %dma_wait3A_457 = tpu.memref_slice %arg6[%dma_wait3A_455, %dma_wait3A_456] : memref<10240x128xf32, #tpu.memory_space<vmem_shared>> -> memref<10240x128xf32, #tpu.memory_space<vmem_shared>>
        tpu.wait_indirect_dma semaphore(%arg23 : memref<!tpu.dma_semaphore, #tpu.memory_space<semaphore_mem>>) src(%arg13 : memref<40x128xf32, #tpu.memory_space<vmem>>) dst(%dma_wait3A_457 : memref<10240x128xf32, #tpu.memory_space<vmem_shared>>)
        %add3A_458 = arith.constant 5 : i32
        %add3A_459 = arith.addi %add3A_350, %add3A_458 : i32
        %sub3A_460 = arith.constant 1 : i32
        %sub3A_461 = arith.subi %add3A_459, %sub3A_460 : i32
        %mul3A_462 = arith.constant 40 : i32
        %mul3A_463 = arith.muli %sub3A_461, %mul3A_462 : i32
        %add3A_464 = arith.addi %mul3A_2, %mul3A_463 : i32
        %dma_start3A_465 = tpu.memref_slice %arg4[%add3A_464] : memref<320000xi32, #tpu.memory_space<hbm>> -> memref<40xi32, #tpu.memory_space<hbm>>
        %dma_start3A_466 = tpu.memref_slice %arg4[%add3A_464] : memref<320000xi32, #tpu.memory_space<hbm>> -> memref<40xi32, #tpu.memory_space<hbm>>
        tpu.enqueue_dma source(%dma_start3A_466 : memref<40xi32, #tpu.memory_space<hbm>>) target(%arg8 : memref<40xi32, #tpu.memory_space<vmem>>) target_semaphore(%arg28 : memref<!tpu.dma_semaphore, #tpu.memory_space<semaphore_mem>>)
        %mul3A_467 = arith.constant 40 : i32
        %mul3A_468 = arith.muli %sub3A_461, %mul3A_467 : i32
        %dma_start3A_469 = tpu.memref_slice %arg7[%mul3A_468] : memref<10000xi32, #tpu.memory_space<vmem>> -> memref<40xi32, #tpu.memory_space<vmem>>
        %dma_start3A_470 = arith.constant 0 : i32
        %dma_start3A_471 = arith.constant 0 : i32
        %dma_start3A_472 = tpu.memref_slice %arg2[%dma_start3A_470, %dma_start3A_471] : memref<10240x128xf32, #tpu.memory_space<hbm>> -> memref<10240x128xf32, #tpu.memory_space<hbm>>
        tpu.enqueue_indirect_dma source(%dma_start3A_472 : memref<10240x128xf32, #tpu.memory_space<hbm>>) target(%arg13 : memref<40x128xf32, #tpu.memory_space<vmem>>) offsets(%dma_start3A_469 : memref<40xi32, #tpu.memory_space<vmem>>) semaphore(%arg18 : memref<!tpu.dma_semaphore, #tpu.memory_space<semaphore_mem>>)
      } else {
      }
      %mul3A_374 = arith.constant 5 : i32
      %mul3A_375 = arith.muli %scan3A_323, %mul3A_374 : i32
      %add3A_376 = arith.constant 2 : i32
      %add3A_377 = arith.addi %mul3A_375, %add3A_376 : i32
      %mul3A_378 = arith.constant 40 : i32
      %mul3A_379 = arith.muli %add3A_377, %mul3A_378 : i32
      %dma_wait3A_380 = tpu.memref_slice %arg7[%mul3A_379] : memref<10000xi32, #tpu.memory_space<vmem>> -> memref<40xi32, #tpu.memory_space<vmem>>
      %dma_wait3A_381 = arith.constant 0 : i32
      %dma_wait3A_382 = arith.constant 0 : i32
      %dma_wait3A_383 = tpu.memref_slice %arg2[%dma_wait3A_381, %dma_wait3A_382] : memref<10240x128xf32, #tpu.memory_space<hbm>> -> memref<10240x128xf32, #tpu.memory_space<hbm>>
      tpu.wait_indirect_dma semaphore(%arg20 : memref<!tpu.dma_semaphore, #tpu.memory_space<semaphore_mem>>) src(%dma_wait3A_383 : memref<10240x128xf32, #tpu.memory_space<hbm>>) dst(%arg15 : memref<40x128xf32, #tpu.memory_space<vmem>>)
      %mul3A_384 = arith.constant 40 : i32
      %mul3A_385 = arith.muli %add3A_377, %mul3A_384 : i32
      %add3A_386 = arith.addi %mul3A_2, %mul3A_385 : i32
      %dma_wait3A_387 = tpu.memref_slice %arg4[%add3A_386] : memref<320000xi32, #tpu.memory_space<hbm>> -> memref<40xi32, #tpu.memory_space<hbm>>
      %dma_wait3A_388 = tpu.memref_slice %arg4[%add3A_386] : memref<320000xi32, #tpu.memory_space<hbm>> -> memref<40xi32, #tpu.memory_space<hbm>>
      tpu.wait_dma2 semaphore(%arg30 : memref<!tpu.dma_semaphore, #tpu.memory_space<semaphore_mem>>) src(%dma_wait3A_388 : memref<40xi32, #tpu.memory_space<hbm>>) dst(%arg10 : memref<40xi32, #tpu.memory_space<vmem>>)
      %dma_start3A_389 = arith.constant 0 : i32
      %dma_start3A_390 = arith.constant 0 : i32
      %dma_start3A_391 = tpu.memref_slice %arg6[%dma_start3A_389, %dma_start3A_390] : memref<10240x128xf32, #tpu.memory_space<vmem_shared>> -> memref<10240x128xf32, #tpu.memory_space<vmem_shared>>
      tpu.enqueue_indirect_dma source(%arg15 : memref<40x128xf32, #tpu.memory_space<vmem>>) target(%dma_start3A_391 : memref<10240x128xf32, #tpu.memory_space<vmem_shared>>) offsets(%arg10 : memref<40xi32, #tpu.memory_space<vmem>>) semaphore(%arg25 : memref<!tpu.dma_semaphore, #tpu.memory_space<semaphore_mem>>) {add = true}
      %add3A_392 = arith.constant 5 : i32
      %add3A_393 = arith.addi %add3A_377, %add3A_392 : i32
      %sub3A_394 = arith.constant 1 : i32
      %sub3A_395 = arith.subi %add3A_393, %sub3A_394 : i32
      %lt3A_396 = arith.constant 250 : i32
      %lt3A_397 = arith.cmpi slt, %sub3A_395, %lt3A_396 : i32
      %convert_element_type3A_398 = arith.extui %lt3A_397 : i1 to i32
      %cond3A_399 = arith.constant 0 : i32
      %cond3A_400 = arith.cmpi ne, %convert_element_type3A_398, %cond3A_399 : i32
      scf.if %cond3A_400 {
        %dma_wait3A_455 = arith.constant 0 : i32
        %dma_wait3A_456 = arith.constant 0 : i32
        %dma_wait3A_457 = tpu.memref_slice %arg6[%dma_wait3A_455, %dma_wait3A_456] : memref<10240x128xf32, #tpu.memory_space<vmem_shared>> -> memref<10240x128xf32, #tpu.memory_space<vmem_shared>>
        tpu.wait_indirect_dma semaphore(%arg24 : memref<!tpu.dma_semaphore, #tpu.memory_space<semaphore_mem>>) src(%arg14 : memref<40x128xf32, #tpu.memory_space<vmem>>) dst(%dma_wait3A_457 : memref<10240x128xf32, #tpu.memory_space<vmem_shared>>)
        %add3A_458 = arith.constant 5 : i32
        %add3A_459 = arith.addi %add3A_377, %add3A_458 : i32
        %sub3A_460 = arith.constant 1 : i32
        %sub3A_461 = arith.subi %add3A_459, %sub3A_460 : i32
        %mul3A_462 = arith.constant 40 : i32
        %mul3A_463 = arith.muli %sub3A_461, %mul3A_462 : i32
        %add3A_464 = arith.addi %mul3A_2, %mul3A_463 : i32
        %dma_start3A_465 = tpu.memref_slice %arg4[%add3A_464] : memref<320000xi32, #tpu.memory_space<hbm>> -> memref<40xi32, #tpu.memory_space<hbm>>
        %dma_start3A_466 = tpu.memref_slice %arg4[%add3A_464] : memref<320000xi32, #tpu.memory_space<hbm>> -> memref<40xi32, #tpu.memory_space<hbm>>
        tpu.enqueue_dma source(%dma_start3A_466 : memref<40xi32, #tpu.memory_space<hbm>>) target(%arg9 : memref<40xi32, #tpu.memory_space<vmem>>) target_semaphore(%arg29 : memref<!tpu.dma_semaphore, #tpu.memory_space<semaphore_mem>>)
        %mul3A_467 = arith.constant 40 : i32
        %mul3A_468 = arith.muli %sub3A_461, %mul3A_467 : i32
        %dma_start3A_469 = tpu.memref_slice %arg7[%mul3A_468] : memref<10000xi32, #tpu.memory_space<vmem>> -> memref<40xi32, #tpu.memory_space<vmem>>
        %dma_start3A_470 = arith.constant 0 : i32
        %dma_start3A_471 = arith.constant 0 : i32
        %dma_start3A_472 = tpu.memref_slice %arg2[%dma_start3A_470, %dma_start3A_471] : memref<10240x128xf32, #tpu.memory_space<hbm>> -> memref<10240x128xf32, #tpu.memory_space<hbm>>
        tpu.enqueue_indirect_dma source(%dma_start3A_472 : memref<10240x128xf32, #tpu.memory_space<hbm>>) target(%arg14 : memref<40x128xf32, #tpu.memory_space<vmem>>) offsets(%dma_start3A_469 : memref<40xi32, #tpu.memory_space<vmem>>) semaphore(%arg19 : memref<!tpu.dma_semaphore, #tpu.memory_space<semaphore_mem>>)
      } else {
      }
      %mul3A_401 = arith.constant 5 : i32
      %mul3A_402 = arith.muli %scan3A_323, %mul3A_401 : i32
      %add3A_403 = arith.constant 3 : i32
      %add3A_404 = arith.addi %mul3A_402, %add3A_403 : i32
      %mul3A_405 = arith.constant 40 : i32
      %mul3A_406 = arith.muli %add3A_404, %mul3A_405 : i32
      %dma_wait3A_407 = tpu.memref_slice %arg7[%mul3A_406] : memref<10000xi32, #tpu.memory_space<vmem>> -> memref<40xi32, #tpu.memory_space<vmem>>
      %dma_wait3A_408 = arith.constant 0 : i32
      %dma_wait3A_409 = arith.constant 0 : i32
      %dma_wait3A_410 = tpu.memref_slice %arg2[%dma_wait3A_408, %dma_wait3A_409] : memref<10240x128xf32, #tpu.memory_space<hbm>> -> memref<10240x128xf32, #tpu.memory_space<hbm>>
      tpu.wait_indirect_dma semaphore(%arg21 : memref<!tpu.dma_semaphore, #tpu.memory_space<semaphore_mem>>) src(%dma_wait3A_410 : memref<10240x128xf32, #tpu.memory_space<hbm>>) dst(%arg16 : memref<40x128xf32, #tpu.memory_space<vmem>>)
      %mul3A_411 = arith.constant 40 : i32
      %mul3A_412 = arith.muli %add3A_404, %mul3A_411 : i32
      %add3A_413 = arith.addi %mul3A_2, %mul3A_412 : i32
      %dma_wait3A_414 = tpu.memref_slice %arg4[%add3A_413] : memref<320000xi32, #tpu.memory_space<hbm>> -> memref<40xi32, #tpu.memory_space<hbm>>
      %dma_wait3A_415 = tpu.memref_slice %arg4[%add3A_413] : memref<320000xi32, #tpu.memory_space<hbm>> -> memref<40xi32, #tpu.memory_space<hbm>>
      tpu.wait_dma2 semaphore(%arg31 : memref<!tpu.dma_semaphore, #tpu.memory_space<semaphore_mem>>) src(%dma_wait3A_415 : memref<40xi32, #tpu.memory_space<hbm>>) dst(%arg11 : memref<40xi32, #tpu.memory_space<vmem>>)
      %dma_start3A_416 = arith.constant 0 : i32
      %dma_start3A_417 = arith.constant 0 : i32
      %dma_start3A_418 = tpu.memref_slice %arg6[%dma_start3A_416, %dma_start3A_417] : memref<10240x128xf32, #tpu.memory_space<vmem_shared>> -> memref<10240x128xf32, #tpu.memory_space<vmem_shared>>
      tpu.enqueue_indirect_dma source(%arg16 : memref<40x128xf32, #tpu.memory_space<vmem>>) target(%dma_start3A_418 : memref<10240x128xf32, #tpu.memory_space<vmem_shared>>) offsets(%arg11 : memref<40xi32, #tpu.memory_space<vmem>>) semaphore(%arg26 : memref<!tpu.dma_semaphore, #tpu.memory_space<semaphore_mem>>) {add = true}
      %add3A_419 = arith.constant 5 : i32
      %add3A_420 = arith.addi %add3A_404, %add3A_419 : i32
      %sub3A_421 = arith.constant 1 : i32
      %sub3A_422 = arith.subi %add3A_420, %sub3A_421 : i32
      %lt3A_423 = arith.constant 250 : i32
      %lt3A_424 = arith.cmpi slt, %sub3A_422, %lt3A_423 : i32
      %convert_element_type3A_425 = arith.extui %lt3A_424 : i1 to i32
      %cond3A_426 = arith.constant 0 : i32
      %cond3A_427 = arith.cmpi ne, %convert_element_type3A_425, %cond3A_426 : i32
      scf.if %cond3A_427 {
        %dma_wait3A_455 = arith.constant 0 : i32
        %dma_wait3A_456 = arith.constant 0 : i32
        %dma_wait3A_457 = tpu.memref_slice %arg6[%dma_wait3A_455, %dma_wait3A_456] : memref<10240x128xf32, #tpu.memory_space<vmem_shared>> -> memref<10240x128xf32, #tpu.memory_space<vmem_shared>>
        tpu.wait_indirect_dma semaphore(%arg25 : memref<!tpu.dma_semaphore, #tpu.memory_space<semaphore_mem>>) src(%arg15 : memref<40x128xf32, #tpu.memory_space<vmem>>) dst(%dma_wait3A_457 : memref<10240x128xf32, #tpu.memory_space<vmem_shared>>)
        %add3A_458 = arith.constant 5 : i32
        %add3A_459 = arith.addi %add3A_404, %add3A_458 : i32
        %sub3A_460 = arith.constant 1 : i32
        %sub3A_461 = arith.subi %add3A_459, %sub3A_460 : i32
        %mul3A_462 = arith.constant 40 : i32
        %mul3A_463 = arith.muli %sub3A_461, %mul3A_462 : i32
        %add3A_464 = arith.addi %mul3A_2, %mul3A_463 : i32
        %dma_start3A_465 = tpu.memref_slice %arg4[%add3A_464] : memref<320000xi32, #tpu.memory_space<hbm>> -> memref<40xi32, #tpu.memory_space<hbm>>
        %dma_start3A_466 = tpu.memref_slice %arg4[%add3A_464] : memref<320000xi32, #tpu.memory_space<hbm>> -> memref<40xi32, #tpu.memory_space<hbm>>
        tpu.enqueue_dma source(%dma_start3A_466 : memref<40xi32, #tpu.memory_space<hbm>>) target(%arg10 : memref<40xi32, #tpu.memory_space<vmem>>) target_semaphore(%arg30 : memref<!tpu.dma_semaphore, #tpu.memory_space<semaphore_mem>>)
        %mul3A_467 = arith.constant 40 : i32
        %mul3A_468 = arith.muli %sub3A_461, %mul3A_467 : i32
        %dma_start3A_469 = tpu.memref_slice %arg7[%mul3A_468] : memref<10000xi32, #tpu.memory_space<vmem>> -> memref<40xi32, #tpu.memory_space<vmem>>
        %dma_start3A_470 = arith.constant 0 : i32
        %dma_start3A_471 = arith.constant 0 : i32
        %dma_start3A_472 = tpu.memref_slice %arg2[%dma_start3A_470, %dma_start3A_471] : memref<10240x128xf32, #tpu.memory_space<hbm>> -> memref<10240x128xf32, #tpu.memory_space<hbm>>
        tpu.enqueue_indirect_dma source(%dma_start3A_472 : memref<10240x128xf32, #tpu.memory_space<hbm>>) target(%arg15 : memref<40x128xf32, #tpu.memory_space<vmem>>) offsets(%dma_start3A_469 : memref<40xi32, #tpu.memory_space<vmem>>) semaphore(%arg20 : memref<!tpu.dma_semaphore, #tpu.memory_space<semaphore_mem>>)
      } else {
      }
      %mul3A_428 = arith.constant 5 : i32
      %mul3A_429 = arith.muli %scan3A_323, %mul3A_428 : i32
      %add3A_430 = arith.constant 4 : i32
      %add3A_431 = arith.addi %mul3A_429, %add3A_430 : i32
      %mul3A_432 = arith.constant 40 : i32
      %mul3A_433 = arith.muli %add3A_431, %mul3A_432 : i32
      %dma_wait3A_434 = tpu.memref_slice %arg7[%mul3A_433] : memref<10000xi32, #tpu.memory_space<vmem>> -> memref<40xi32, #tpu.memory_space<vmem>>
      %dma_wait3A_435 = arith.constant 0 : i32
      %dma_wait3A_436 = arith.constant 0 : i32
      %dma_wait3A_437 = tpu.memref_slice %arg2[%dma_wait3A_435, %dma_wait3A_436] : memref<10240x128xf32, #tpu.memory_space<hbm>> -> memref<10240x128xf32, #tpu.memory_space<hbm>>
      tpu.wait_indirect_dma semaphore(%arg22 : memref<!tpu.dma_semaphore, #tpu.memory_space<semaphore_mem>>) src(%dma_wait3A_437 : memref<10240x128xf32, #tpu.memory_space<hbm>>) dst(%arg17 : memref<40x128xf32, #tpu.memory_space<vmem>>)
      %mul3A_438 = arith.constant 40 : i32
      %mul3A_439 = arith.muli %add3A_431, %mul3A_438 : i32
      %add3A_440 = arith.addi %mul3A_2, %mul3A_439 : i32
      %dma_wait3A_441 = tpu.memref_slice %arg4[%add3A_440] : memref<320000xi32, #tpu.memory_space<hbm>> -> memref<40xi32, #tpu.memory_space<hbm>>
      %dma_wait3A_442 = tpu.memref_slice %arg4[%add3A_440] : memref<320000xi32, #tpu.memory_space<hbm>> -> memref<40xi32, #tpu.memory_space<hbm>>
      tpu.wait_dma2 semaphore(%arg32 : memref<!tpu.dma_semaphore, #tpu.memory_space<semaphore_mem>>) src(%dma_wait3A_442 : memref<40xi32, #tpu.memory_space<hbm>>) dst(%arg12 : memref<40xi32, #tpu.memory_space<vmem>>)
      %dma_start3A_443 = arith.constant 0 : i32
      %dma_start3A_444 = arith.constant 0 : i32
      %dma_start3A_445 = tpu.memref_slice %arg6[%dma_start3A_443, %dma_start3A_444] : memref<10240x128xf32, #tpu.memory_space<vmem_shared>> -> memref<10240x128xf32, #tpu.memory_space<vmem_shared>>
      tpu.enqueue_indirect_dma source(%arg17 : memref<40x128xf32, #tpu.memory_space<vmem>>) target(%dma_start3A_445 : memref<10240x128xf32, #tpu.memory_space<vmem_shared>>) offsets(%arg12 : memref<40xi32, #tpu.memory_space<vmem>>) semaphore(%arg27 : memref<!tpu.dma_semaphore, #tpu.memory_space<semaphore_mem>>) {add = true}
      %add3A_446 = arith.constant 5 : i32
      %add3A_447 = arith.addi %add3A_431, %add3A_446 : i32
      %sub3A_448 = arith.constant 1 : i32
      %sub3A_449 = arith.subi %add3A_447, %sub3A_448 : i32
      %lt3A_450 = arith.constant 250 : i32
      %lt3A_451 = arith.cmpi slt, %sub3A_449, %lt3A_450 : i32
      %convert_element_type3A_452 = arith.extui %lt3A_451 : i1 to i32
      %cond3A_453 = arith.constant 0 : i32
      %cond3A_454 = arith.cmpi ne, %convert_element_type3A_452, %cond3A_453 : i32
      scf.if %cond3A_454 {
        %dma_wait3A_455 = arith.constant 0 : i32
        %dma_wait3A_456 = arith.constant 0 : i32
        %dma_wait3A_457 = tpu.memref_slice %arg6[%dma_wait3A_455, %dma_wait3A_456] : memref<10240x128xf32, #tpu.memory_space<vmem_shared>> -> memref<10240x128xf32, #tpu.memory_space<vmem_shared>>
        tpu.wait_indirect_dma semaphore(%arg26 : memref<!tpu.dma_semaphore, #tpu.memory_space<semaphore_mem>>) src(%arg16 : memref<40x128xf32, #tpu.memory_space<vmem>>) dst(%dma_wait3A_457 : memref<10240x128xf32, #tpu.memory_space<vmem_shared>>)
        %add3A_458 = arith.constant 5 : i32
        %add3A_459 = arith.addi %add3A_431, %add3A_458 : i32
        %sub3A_460 = arith.constant 1 : i32
        %sub3A_461 = arith.subi %add3A_459, %sub3A_460 : i32
        %mul3A_462 = arith.constant 40 : i32
        %mul3A_463 = arith.muli %sub3A_461, %mul3A_462 : i32
        %add3A_464 = arith.addi %mul3A_2, %mul3A_463 : i32
        %dma_start3A_465 = tpu.memref_slice %arg4[%add3A_464] : memref<320000xi32, #tpu.memory_space<hbm>> -> memref<40xi32, #tpu.memory_space<hbm>>
        %dma_start3A_466 = tpu.memref_slice %arg4[%add3A_464] : memref<320000xi32, #tpu.memory_space<hbm>> -> memref<40xi32, #tpu.memory_space<hbm>>
        tpu.enqueue_dma source(%dma_start3A_466 : memref<40xi32, #tpu.memory_space<hbm>>) target(%arg11 : memref<40xi32, #tpu.memory_space<vmem>>) target_semaphore(%arg31 : memref<!tpu.dma_semaphore, #tpu.memory_space<semaphore_mem>>)
        %mul3A_467 = arith.constant 40 : i32
        %mul3A_468 = arith.muli %sub3A_461, %mul3A_467 : i32
        %dma_start3A_469 = tpu.memref_slice %arg7[%mul3A_468] : memref<10000xi32, #tpu.memory_space<vmem>> -> memref<40xi32, #tpu.memory_space<vmem>>
        %dma_start3A_470 = arith.constant 0 : i32
        %dma_start3A_471 = arith.constant 0 : i32
        %dma_start3A_472 = tpu.memref_slice %arg2[%dma_start3A_470, %dma_start3A_471] : memref<10240x128xf32, #tpu.memory_space<hbm>> -> memref<10240x128xf32, #tpu.memory_space<hbm>>
        tpu.enqueue_indirect_dma source(%dma_start3A_472 : memref<10240x128xf32, #tpu.memory_space<hbm>>) target(%arg16 : memref<40x128xf32, #tpu.memory_space<vmem>>) offsets(%dma_start3A_469 : memref<40xi32, #tpu.memory_space<vmem>>) semaphore(%arg21 : memref<!tpu.dma_semaphore, #tpu.memory_space<semaphore_mem>>)
      } else {
      }
    }
    %scan3A_304 = arith.constant 50 : i32
    %dma_wait3A_305 = arith.constant 0 : i32
    %dma_wait3A_306 = arith.constant 0 : i32
    %dma_wait3A_307 = tpu.memref_slice %arg6[%dma_wait3A_305, %dma_wait3A_306] : memref<10240x128xf32, #tpu.memory_space<vmem_shared>> -> memref<10240x128xf32, #tpu.memory_space<vmem_shared>>
    tpu.wait_indirect_dma semaphore(%arg23 : memref<!tpu.dma_semaphore, #tpu.memory_space<semaphore_mem>>) src(%arg13 : memref<40x128xf32, #tpu.memory_space<vmem>>) dst(%dma_wait3A_307 : memref<10240x128xf32, #tpu.memory_space<vmem_shared>>)
    %dma_wait3A_308 = arith.constant 0 : i32
    %dma_wait3A_309 = arith.constant 0 : i32
    %dma_wait3A_310 = tpu.memref_slice %arg6[%dma_wait3A_308, %dma_wait3A_309] : memref<10240x128xf32, #tpu.memory_space<vmem_shared>> -> memref<10240x128xf32, #tpu.memory_space<vmem_shared>>
    tpu.wait_indirect_dma semaphore(%arg24 : memref<!tpu.dma_semaphore, #tpu.memory_space<semaphore_mem>>) src(%arg14 : memref<40x128xf32, #tpu.memory_space<vmem>>) dst(%dma_wait3A_310 : memref<10240x128xf32, #tpu.memory_space<vmem_shared>>)
    %dma_wait3A_311 = arith.constant 0 : i32
    %dma_wait3A_312 = arith.constant 0 : i32
    %dma_wait3A_313 = tpu.memref_slice %arg6[%dma_wait3A_311, %dma_wait3A_312] : memref<10240x128xf32, #tpu.memory_space<vmem_shared>> -> memref<10240x128xf32, #tpu.memory_space<vmem_shared>>
    tpu.wait_indirect_dma semaphore(%arg25 : memref<!tpu.dma_semaphore, #tpu.memory_space<semaphore_mem>>) src(%arg15 : memref<40x128xf32, #tpu.memory_space<vmem>>) dst(%dma_wait3A_313 : memref<10240x128xf32, #tpu.memory_space<vmem_shared>>)
    %dma_wait3A_314 = arith.constant 0 : i32
    %dma_wait3A_315 = arith.constant 0 : i32
    %dma_wait3A_316 = tpu.memref_slice %arg6[%dma_wait3A_314, %dma_wait3A_315] : memref<10240x128xf32, #tpu.memory_space<vmem_shared>> -> memref<10240x128xf32, #tpu.memory_space<vmem_shared>>
    tpu.wait_indirect_dma semaphore(%arg26 : memref<!tpu.dma_semaphore, #tpu.memory_space<semaphore_mem>>) src(%arg16 : memref<40x128xf32, #tpu.memory_space<vmem>>) dst(%dma_wait3A_316 : memref<10240x128xf32, #tpu.memory_space<vmem_shared>>)
    %dma_wait3A_317 = arith.constant 0 : i32
    %dma_wait3A_318 = arith.constant 0 : i32
    %dma_wait3A_319 = tpu.memref_slice %arg6[%dma_wait3A_317, %dma_wait3A_318] : memref<10240x128xf32, #tpu.memory_space<vmem_shared>> -> memref<10240x128xf32, #tpu.memory_space<vmem_shared>>
    tpu.wait_indirect_dma semaphore(%arg27 : memref<!tpu.dma_semaphore, #tpu.memory_space<semaphore_mem>>) src(%arg17 : memref<40x128xf32, #tpu.memory_space<vmem>>) dst(%dma_wait3A_319 : memref<10240x128xf32, #tpu.memory_space<vmem_shared>>)
    %barrier3A_320 = arith.constant 0 : index
    tpu.barrier barrier_id(%barrier3A_320)
    %mul3A_321 = arith.constant 640 : i32
    %mul3A_322 = arith.muli %arg1, %mul3A_321 : i32
    "tpu.region"() ({
      %run_scoped3A = tpu.sem_alloc : memref<!tpu.dma_semaphore, #tpu.memory_space<semaphore_mem>>
      %dma_start3A_323 = arith.constant 0 : i32
      %dma_start3A_324 = tpu.memref_slice %arg5[%arg0, %mul3A_322, %dma_start3A_323] : memref<2x10240x128xf32, #tpu.memory_space<hbm>> -> memref<1x640x128xf32, #tpu.memory_space<hbm>>
      %dma_start3A_325 = tpu.memref_squeeze %dma_start3A_324 : memref<1x640x128xf32, #tpu.memory_space<hbm>> -> memref<640x128xf32, #tpu.memory_space<hbm>>
      %dma_start3A_326 = arith.constant 0 : i32
      %dma_start3A_327 = tpu.memref_slice %arg6[%mul3A_322, %dma_start3A_326] : memref<10240x128xf32, #tpu.memory_space<vmem_shared>> -> memref<640x128xf32, #tpu.memory_space<vmem_shared>>
      tpu.enqueue_dma source(%dma_start3A_327 : memref<640x128xf32, #tpu.memory_space<vmem_shared>>) target(%dma_start3A_325 : memref<640x128xf32, #tpu.memory_space<hbm>>) target_semaphore(%run_scoped3A : memref<!tpu.dma_semaphore, #tpu.memory_space<semaphore_mem>>)
      %dma_wait3A_328 = arith.constant 0 : i32
      %dma_wait3A_329 = tpu.memref_slice %arg5[%arg0, %mul3A_322, %dma_wait3A_328] : memref<2x10240x128xf32, #tpu.memory_space<hbm>> -> memref<1x640x128xf32, #tpu.memory_space<hbm>>
      %dma_wait3A_330 = tpu.memref_squeeze %dma_wait3A_329 : memref<1x640x128xf32, #tpu.memory_space<hbm>> -> memref<640x128xf32, #tpu.memory_space<hbm>>
      %dma_wait3A_331 = arith.constant 0 : i32
      %dma_wait3A_332 = tpu.memref_slice %arg6[%mul3A_322, %dma_wait3A_331] : memref<10240x128xf32, #tpu.memory_space<vmem_shared>> -> memref<640x128xf32, #tpu.memory_space<vmem_shared>>
      tpu.wait_dma2 semaphore(%run_scoped3A : memref<!tpu.dma_semaphore, #tpu.memory_space<semaphore_mem>>) src(%dma_wait3A_332 : memref<640x128xf32, #tpu.memory_space<vmem_shared>>) dst(%dma_wait3A_330 : memref<640x128xf32, #tpu.memory_space<hbm>>)
      tpu.yield
    }) : () -> ()
    return
  }
}

#map = affine_map<(d0, d1) -> (0, 0, 0)>
module attributes {stable_mosaic.version = 14 : i64} {
  func.func @_deg_body(%arg0: i32, %arg1: i32, %arg2: memref<32x125x80xi32, #tpu.memory_space<hbm>>, %arg3: memref<2x10240x16xf32, #tpu.memory_space<hbm>>, %arg4: memref<10240x16xf32, #tpu.memory_space<vmem_shared>>, %arg5: memref<125x80xi32, #tpu.memory_space<vmem>>, %arg6: memref<80x16xf32, #tpu.memory_space<vmem>>, %arg7: memref<160x16xf32, #tpu.memory_space<vmem>>, %arg8: memref<!tpu.dma_semaphore, #tpu.memory_space<semaphore_mem>>, %arg9: memref<!tpu.dma_semaphore, #tpu.memory_space<semaphore_mem>>, %arg10: memref<!tpu.dma_semaphore, #tpu.memory_space<semaphore_mem>>, %arg11: memref<!tpu.dma_semaphore, #tpu.memory_space<semaphore_mem>>, %arg12: memref<!tpu.dma_semaphore, #tpu.memory_space<semaphore_mem>>) attributes {dimension_semantics = [#tpu.dimension_semantics<core_parallel>, #tpu.dimension_semantics<subcore_parallel>], iteration_bounds = array<i64: 2, 16>, scalar_prefetch = 0 : i64, scratch_operands = 9 : i64, tpu.core_type = #tpu.core_type<sc_vector_subcore>, window_params = [{transform_indices = #map}, {transform_indices = #map}]} {
    %mul3A = arith.constant 16 : i32
    %mul3A_0 = arith.muli %arg0, %mul3A : i32
    %add3A = arith.addi %mul3A_0, %arg1 : i32
    %broadcast_in_dim3A = arith.constant 1.000000e+00 : f32
    %broadcast_in_dim3A_1 = vector.broadcast %broadcast_in_dim3A : f32 to vector<16xf32>
    %scan3A = arith.constant 0 : i32
    %scan3A_2 = arith.constant 0 : i32
    %scan3A_3 = arith.constant 80 : i32
    %scan3A_4 = arith.addi %scan3A_2, %scan3A_3 : i32
    %scan3A_5 = arith.constant 1 : i32
    scf.for %scan3A_74 = %scan3A_2 to %scan3A_4 step %scan3A_5  : i32 {
      %swap3A = arith.index_cast %scan3A_74 : i32 to index
      %swap3A_75 = arith.constant 0 : index
      %swap3A_76 = tpu.vector_load %arg6[%swap3A, %swap3A_75] {strides = array<i32>} : memref<80x16xf32, #tpu.memory_space<vmem>>, vector<1x16xf32>,
      %swap3A_77 = vector.shape_cast %swap3A_76 : vector<1x16xf32> to vector<16xf32>
      %swap3A_78 = vector.shape_cast %broadcast_in_dim3A_1 : vector<16xf32> to vector<1x16xf32>
      tpu.vector_store %arg6[%swap3A, %swap3A_75], %swap3A_78 {strides = array<i32>} : memref<80x16xf32, #tpu.memory_space<vmem>>, vector<1x16xf32>,
    }
    %scan3A_6 = arith.constant 80 : i32
    %broadcast_in_dim3A_7 = arith.constant 0.000000e+00 : f32
    %broadcast_in_dim3A_8 = vector.broadcast %broadcast_in_dim3A_7 : f32 to vector<16xf32>
    %scan3A_9 = arith.constant 0 : i32
    %scan3A_10 = arith.constant 0 : i32
    %scan3A_11 = arith.constant 160 : i32
    %scan3A_12 = arith.addi %scan3A_10, %scan3A_11 : i32
    %scan3A_13 = arith.constant 1 : i32
    scf.for %scan3A_74 = %scan3A_10 to %scan3A_12 step %scan3A_13  : i32 {
      %swap3A = arith.index_cast %scan3A_74 : i32 to index
      %swap3A_75 = arith.constant 0 : index
      %swap3A_76 = tpu.vector_load %arg7[%swap3A, %swap3A_75] {strides = array<i32>} : memref<160x16xf32, #tpu.memory_space<vmem>>, vector<1x16xf32>,
      %swap3A_77 = vector.shape_cast %swap3A_76 : vector<1x16xf32> to vector<16xf32>
      %swap3A_78 = vector.shape_cast %broadcast_in_dim3A_8 : vector<16xf32> to vector<1x16xf32>
      tpu.vector_store %arg7[%swap3A, %swap3A_75], %swap3A_78 {strides = array<i32>} : memref<160x16xf32, #tpu.memory_space<vmem>>, vector<1x16xf32>,
    }
    %scan3A_14 = arith.constant 160 : i32
    %mul3A_15 = arith.constant 640 : i32
    %mul3A_16 = arith.muli %arg1, %mul3A_15 : i32
    %add3A_17 = arith.constant 0 : i32
    %add3A_18 = arith.addi %mul3A_16, %add3A_17 : i32
    "tpu.region"() ({
      %run_scoped3A = tpu.sem_alloc : memref<!tpu.dma_semaphore, #tpu.memory_space<semaphore_mem>>
      %dma_start3A = arith.constant 0 : i32
      %dma_start3A_74 = tpu.memref_slice %arg4[%add3A_18, %dma_start3A] : memref<10240x16xf32, #tpu.memory_space<vmem_shared>> -> memref<160x16xf32, #tpu.memory_space<vmem_shared>>
      %dma_start3A_75 = arith.constant 0 : i32
      %dma_start3A_76 = tpu.memref_slice %arg4[%add3A_18, %dma_start3A_75] : memref<10240x16xf32, #tpu.memory_space<vmem_shared>> -> memref<160x16xf32, #tpu.memory_space<vmem_shared>>
      tpu.enqueue_dma source(%arg7 : memref<160x16xf32, #tpu.memory_space<vmem>>) target(%dma_start3A_76 : memref<160x16xf32, #tpu.memory_space<vmem_shared>>) target_semaphore(%run_scoped3A : memref<!tpu.dma_semaphore, #tpu.memory_space<semaphore_mem>>)
      %dma_wait3A_77 = arith.constant 0 : i32
      %dma_wait3A_78 = tpu.memref_slice %arg4[%add3A_18, %dma_wait3A_77] : memref<10240x16xf32, #tpu.memory_space<vmem_shared>> -> memref<160x16xf32, #tpu.memory_space<vmem_shared>>
      %dma_wait3A_79 = arith.constant 0 : i32
      %dma_wait3A_80 = tpu.memref_slice %arg4[%add3A_18, %dma_wait3A_79] : memref<10240x16xf32, #tpu.memory_space<vmem_shared>> -> memref<160x16xf32, #tpu.memory_space<vmem_shared>>
      tpu.wait_dma2 semaphore(%run_scoped3A : memref<!tpu.dma_semaphore, #tpu.memory_space<semaphore_mem>>) src(%arg7 : memref<160x16xf32, #tpu.memory_space<vmem>>) dst(%dma_wait3A_80 : memref<160x16xf32, #tpu.memory_space<vmem_shared>>)
      tpu.yield
    }) : () -> ()
    %mul3A_19 = arith.constant 640 : i32
    %mul3A_20 = arith.muli %arg1, %mul3A_19 : i32
    %add3A_21 = arith.constant 160 : i32
    %add3A_22 = arith.addi %mul3A_20, %add3A_21 : i32
    "tpu.region"() ({
      %run_scoped3A = tpu.sem_alloc : memref<!tpu.dma_semaphore, #tpu.memory_space<semaphore_mem>>
      %dma_start3A = arith.constant 0 : i32
      %dma_start3A_74 = tpu.memref_slice %arg4[%add3A_22, %dma_start3A] : memref<10240x16xf32, #tpu.memory_space<vmem_shared>> -> memref<160x16xf32, #tpu.memory_space<vmem_shared>>
      %dma_start3A_75 = arith.constant 0 : i32
      %dma_start3A_76 = tpu.memref_slice %arg4[%add3A_22, %dma_start3A_75] : memref<10240x16xf32, #tpu.memory_space<vmem_shared>> -> memref<160x16xf32, #tpu.memory_space<vmem_shared>>
      tpu.enqueue_dma source(%arg7 : memref<160x16xf32, #tpu.memory_space<vmem>>) target(%dma_start3A_76 : memref<160x16xf32, #tpu.memory_space<vmem_shared>>) target_semaphore(%run_scoped3A : memref<!tpu.dma_semaphore, #tpu.memory_space<semaphore_mem>>)
      %dma_wait3A_77 = arith.constant 0 : i32
      %dma_wait3A_78 = tpu.memref_slice %arg4[%add3A_22, %dma_wait3A_77] : memref<10240x16xf32, #tpu.memory_space<vmem_shared>> -> memref<160x16xf32, #tpu.memory_space<vmem_shared>>
      %dma_wait3A_79 = arith.constant 0 : i32
      %dma_wait3A_80 = tpu.memref_slice %arg4[%add3A_22, %dma_wait3A_79] : memref<10240x16xf32, #tpu.memory_space<vmem_shared>> -> memref<160x16xf32, #tpu.memory_space<vmem_shared>>
      tpu.wait_dma2 semaphore(%run_scoped3A : memref<!tpu.dma_semaphore, #tpu.memory_space<semaphore_mem>>) src(%arg7 : memref<160x16xf32, #tpu.memory_space<vmem>>) dst(%dma_wait3A_80 : memref<160x16xf32, #tpu.memory_space<vmem_shared>>)
      tpu.yield
    }) : () -> ()
    %mul3A_23 = arith.constant 640 : i32
    %mul3A_24 = arith.muli %arg1, %mul3A_23 : i32
    %add3A_25 = arith.constant 320 : i32
    %add3A_26 = arith.addi %mul3A_24, %add3A_25 : i32
    "tpu.region"() ({
      %run_scoped3A = tpu.sem_alloc : memref<!tpu.dma_semaphore, #tpu.memory_space<semaphore_mem>>
      %dma_start3A = arith.constant 0 : i32
      %dma_start3A_74 = tpu.memref_slice %arg4[%add3A_26, %dma_start3A] : memref<10240x16xf32, #tpu.memory_space<vmem_shared>> -> memref<160x16xf32, #tpu.memory_space<vmem_shared>>
      %dma_start3A_75 = arith.constant 0 : i32
      %dma_start3A_76 = tpu.memref_slice %arg4[%add3A_26, %dma_start3A_75] : memref<10240x16xf32, #tpu.memory_space<vmem_shared>> -> memref<160x16xf32, #tpu.memory_space<vmem_shared>>
      tpu.enqueue_dma source(%arg7 : memref<160x16xf32, #tpu.memory_space<vmem>>) target(%dma_start3A_76 : memref<160x16xf32, #tpu.memory_space<vmem_shared>>) target_semaphore(%run_scoped3A : memref<!tpu.dma_semaphore, #tpu.memory_space<semaphore_mem>>)
      %dma_wait3A_77 = arith.constant 0 : i32
      %dma_wait3A_78 = tpu.memref_slice %arg4[%add3A_26, %dma_wait3A_77] : memref<10240x16xf32, #tpu.memory_space<vmem_shared>> -> memref<160x16xf32, #tpu.memory_space<vmem_shared>>
      %dma_wait3A_79 = arith.constant 0 : i32
      %dma_wait3A_80 = tpu.memref_slice %arg4[%add3A_26, %dma_wait3A_79] : memref<10240x16xf32, #tpu.memory_space<vmem_shared>> -> memref<160x16xf32, #tpu.memory_space<vmem_shared>>
      tpu.wait_dma2 semaphore(%run_scoped3A : memref<!tpu.dma_semaphore, #tpu.memory_space<semaphore_mem>>) src(%arg7 : memref<160x16xf32, #tpu.memory_space<vmem>>) dst(%dma_wait3A_80 : memref<160x16xf32, #tpu.memory_space<vmem_shared>>)
      tpu.yield
    }) : () -> ()
    %mul3A_27 = arith.constant 640 : i32
    %mul3A_28 = arith.muli %arg1, %mul3A_27 : i32
    %add3A_29 = arith.constant 480 : i32
    %add3A_30 = arith.addi %mul3A_28, %add3A_29 : i32
    "tpu.region"() ({
      %run_scoped3A = tpu.sem_alloc : memref<!tpu.dma_semaphore, #tpu.memory_space<semaphore_mem>>
      %dma_start3A = arith.constant 0 : i32
      %dma_start3A_74 = tpu.memref_slice %arg4[%add3A_30, %dma_start3A] : memref<10240x16xf32, #tpu.memory_space<vmem_shared>> -> memref<160x16xf32, #tpu.memory_space<vmem_shared>>
      %dma_start3A_75 = arith.constant 0 : i32
      %dma_start3A_76 = tpu.memref_slice %arg4[%add3A_30, %dma_start3A_75] : memref<10240x16xf32, #tpu.memory_space<vmem_shared>> -> memref<160x16xf32, #tpu.memory_space<vmem_shared>>
      tpu.enqueue_dma source(%arg7 : memref<160x16xf32, #tpu.memory_space<vmem>>) target(%dma_start3A_76 : memref<160x16xf32, #tpu.memory_space<vmem_shared>>) target_semaphore(%run_scoped3A : memref<!tpu.dma_semaphore, #tpu.memory_space<semaphore_mem>>)
      %dma_wait3A_77 = arith.constant 0 : i32
      %dma_wait3A_78 = tpu.memref_slice %arg4[%add3A_30, %dma_wait3A_77] : memref<10240x16xf32, #tpu.memory_space<vmem_shared>> -> memref<160x16xf32, #tpu.memory_space<vmem_shared>>
      %dma_wait3A_79 = arith.constant 0 : i32
      %dma_wait3A_80 = tpu.memref_slice %arg4[%add3A_30, %dma_wait3A_79] : memref<10240x16xf32, #tpu.memory_space<vmem_shared>> -> memref<160x16xf32, #tpu.memory_space<vmem_shared>>
      tpu.wait_dma2 semaphore(%run_scoped3A : memref<!tpu.dma_semaphore, #tpu.memory_space<semaphore_mem>>) src(%arg7 : memref<160x16xf32, #tpu.memory_space<vmem>>) dst(%dma_wait3A_80 : memref<160x16xf32, #tpu.memory_space<vmem_shared>>)
      tpu.yield
    }) : () -> ()
    "tpu.region"() ({
      %run_scoped3A = tpu.sem_alloc : memref<!tpu.dma_semaphore, #tpu.memory_space<semaphore_mem>>
      %dma_start3A = arith.constant 0 : i32
      %dma_start3A_74 = arith.constant 0 : i32
      %dma_start3A_75 = tpu.memref_slice %arg2[%add3A, %dma_start3A, %dma_start3A_74] : memref<32x125x80xi32, #tpu.memory_space<hbm>> -> memref<1x125x80xi32, #tpu.memory_space<hbm>>
      %dma_start3A_76 = tpu.memref_squeeze %dma_start3A_75 : memref<1x125x80xi32, #tpu.memory_space<hbm>> -> memref<125x80xi32, #tpu.memory_space<hbm>>
      %dma_start3A_77 = arith.constant 0 : i32
      %dma_start3A_78 = arith.constant 0 : i32
      %dma_start3A_79 = tpu.memref_slice %arg2[%add3A, %dma_start3A_77, %dma_start3A_78] : memref<32x125x80xi32, #tpu.memory_space<hbm>> -> memref<1x125x80xi32, #tpu.memory_space<hbm>>
      %dma_start3A_80 = tpu.memref_squeeze %dma_start3A_79 : memref<1x125x80xi32, #tpu.memory_space<hbm>> -> memref<125x80xi32, #tpu.memory_space<hbm>>
      tpu.enqueue_dma source(%dma_start3A_80 : memref<125x80xi32, #tpu.memory_space<hbm>>) target(%arg5 : memref<125x80xi32, #tpu.memory_space<vmem>>) target_semaphore(%run_scoped3A : memref<!tpu.dma_semaphore, #tpu.memory_space<semaphore_mem>>)
      %dma_wait3A_81 = arith.constant 0 : i32
      %dma_wait3A_82 = arith.constant 0 : i32
      %dma_wait3A_83 = tpu.memref_slice %arg2[%add3A, %dma_wait3A_81, %dma_wait3A_82] : memref<32x125x80xi32, #tpu.memory_space<hbm>> -> memref<1x125x80xi32, #tpu.memory_space<hbm>>
      %dma_wait3A_84 = tpu.memref_squeeze %dma_wait3A_83 : memref<1x125x80xi32, #tpu.memory_space<hbm>> -> memref<125x80xi32, #tpu.memory_space<hbm>>
      %dma_wait3A_85 = arith.constant 0 : i32
      %dma_wait3A_86 = arith.constant 0 : i32
      %dma_wait3A_87 = tpu.memref_slice %arg2[%add3A, %dma_wait3A_85, %dma_wait3A_86] : memref<32x125x80xi32, #tpu.memory_space<hbm>> -> memref<1x125x80xi32, #tpu.memory_space<hbm>>
      %dma_wait3A_88 = tpu.memref_squeeze %dma_wait3A_87 : memref<1x125x80xi32, #tpu.memory_space<hbm>> -> memref<125x80xi32, #tpu.memory_space<hbm>>
      tpu.wait_dma2 semaphore(%run_scoped3A : memref<!tpu.dma_semaphore, #tpu.memory_space<semaphore_mem>>) src(%dma_wait3A_88 : memref<125x80xi32, #tpu.memory_space<hbm>>) dst(%arg5 : memref<125x80xi32, #tpu.memory_space<vmem>>)
      tpu.yield
    }) : () -> ()
    %barrier3A = arith.constant 0 : index
    tpu.barrier barrier_id(%barrier3A)
    %scan3A_31 = arith.constant 0 : i32
    %scan3A_32 = arith.constant 0 : i32
    %scan3A_33 = arith.constant 25 : i32
    %scan3A_34 = arith.addi %scan3A_32, %scan3A_33 : i32
    %scan3A_35 = arith.constant 1 : i32
    scf.for %scan3A_74 = %scan3A_32 to %scan3A_34 step %scan3A_35  : i32 {
      %mul3A_75 = arith.constant 5 : i32
      %mul3A_76 = arith.muli %scan3A_74, %mul3A_75 : i32
      %add3A_77 = arith.constant 0 : i32
      %add3A_78 = arith.addi %mul3A_76, %add3A_77 : i32
      %ge3A = arith.constant 1 : i32
      %ge3A_79 = arith.cmpi sge, %scan3A_74, %ge3A : i32
      %convert_element_type3A = arith.extui %ge3A_79 : i1 to i32
      %cond3A = arith.constant 0 : i32
      %cond3A_80 = arith.cmpi ne, %convert_element_type3A, %cond3A : i32
      scf.if %cond3A_80 {
        %sub3A = arith.constant 5 : i32
        %sub3A_146 = arith.subi %add3A_78, %sub3A : i32
        %dma_wait3A_147 = arith.constant 0 : i32
        %dma_wait3A_148 = tpu.memref_slice %arg5[%sub3A_146, %dma_wait3A_147] : memref<125x80xi32, #tpu.memory_space<vmem>> -> memref<1x80xi32, #tpu.memory_space<vmem>>
        %dma_wait3A_149 = tpu.memref_squeeze %dma_wait3A_148 : memref<1x80xi32, #tpu.memory_space<vmem>> -> memref<80xi32, #tpu.memory_space<vmem>>
        %dma_wait3A_150 = arith.constant 0 : i32
        %dma_wait3A_151 = arith.constant 0 : i32
        %dma_wait3A_152 = tpu.memref_slice %arg4[%dma_wait3A_150, %dma_wait3A_151] : memref<10240x16xf32, #tpu.memory_space<vmem_shared>> -> memref<10240x16xf32, #tpu.memory_space<vmem_shared>>
        tpu.wait_indirect_dma semaphore(%arg8 : memref<!tpu.dma_semaphore, #tpu.memory_space<semaphore_mem>>) src(%arg6 : memref<80x16xf32, #tpu.memory_space<vmem>>) dst(%dma_wait3A_152 : memref<10240x16xf32, #tpu.memory_space<vmem_shared>>)
      } else {
      }
      %dma_start3A = arith.constant 0 : i32
      %dma_start3A_81 = tpu.memref_slice %arg5[%add3A_78, %dma_start3A] : memref<125x80xi32, #tpu.memory_space<vmem>> -> memref<1x80xi32, #tpu.memory_space<vmem>>
      %dma_start3A_82 = tpu.memref_squeeze %dma_start3A_81 : memref<1x80xi32, #tpu.memory_space<vmem>> -> memref<80xi32, #tpu.memory_space<vmem>>
      %dma_start3A_83 = arith.constant 0 : i32
      %dma_start3A_84 = arith.constant 0 : i32
      %dma_start3A_85 = tpu.memref_slice %arg4[%dma_start3A_83, %dma_start3A_84] : memref<10240x16xf32, #tpu.memory_space<vmem_shared>> -> memref<10240x16xf32, #tpu.memory_space<vmem_shared>>
      tpu.enqueue_indirect_dma source(%arg6 : memref<80x16xf32, #tpu.memory_space<vmem>>) target(%dma_start3A_85 : memref<10240x16xf32, #tpu.memory_space<vmem_shared>>) offsets(%dma_start3A_82 : memref<80xi32, #tpu.memory_space<vmem>>) semaphore(%arg8 : memref<!tpu.dma_semaphore, #tpu.memory_space<semaphore_mem>>) {add = true}
      %mul3A_86 = arith.constant 5 : i32
      %mul3A_87 = arith.muli %scan3A_74, %mul3A_86 : i32
      %add3A_88 = arith.constant 1 : i32
      %add3A_89 = arith.addi %mul3A_87, %add3A_88 : i32
      %ge3A_90 = arith.constant 1 : i32
      %ge3A_91 = arith.cmpi sge, %scan3A_74, %ge3A_90 : i32
      %convert_element_type3A_92 = arith.extui %ge3A_91 : i1 to i32
      %cond3A_93 = arith.constant 0 : i32
      %cond3A_94 = arith.cmpi ne, %convert_element_type3A_92, %cond3A_93 : i32
      scf.if %cond3A_94 {
        %sub3A = arith.constant 5 : i32
        %sub3A_146 = arith.subi %add3A_89, %sub3A : i32
        %dma_wait3A_147 = arith.constant 0 : i32
        %dma_wait3A_148 = tpu.memref_slice %arg5[%sub3A_146, %dma_wait3A_147] : memref<125x80xi32, #tpu.memory_space<vmem>> -> memref<1x80xi32, #tpu.memory_space<vmem>>
        %dma_wait3A_149 = tpu.memref_squeeze %dma_wait3A_148 : memref<1x80xi32, #tpu.memory_space<vmem>> -> memref<80xi32, #tpu.memory_space<vmem>>
        %dma_wait3A_150 = arith.constant 0 : i32
        %dma_wait3A_151 = arith.constant 0 : i32
        %dma_wait3A_152 = tpu.memref_slice %arg4[%dma_wait3A_150, %dma_wait3A_151] : memref<10240x16xf32, #tpu.memory_space<vmem_shared>> -> memref<10240x16xf32, #tpu.memory_space<vmem_shared>>
        tpu.wait_indirect_dma semaphore(%arg9 : memref<!tpu.dma_semaphore, #tpu.memory_space<semaphore_mem>>) src(%arg6 : memref<80x16xf32, #tpu.memory_space<vmem>>) dst(%dma_wait3A_152 : memref<10240x16xf32, #tpu.memory_space<vmem_shared>>)
      } else {
      }
      %dma_start3A_95 = arith.constant 0 : i32
      %dma_start3A_96 = tpu.memref_slice %arg5[%add3A_89, %dma_start3A_95] : memref<125x80xi32, #tpu.memory_space<vmem>> -> memref<1x80xi32, #tpu.memory_space<vmem>>
      %dma_start3A_97 = tpu.memref_squeeze %dma_start3A_96 : memref<1x80xi32, #tpu.memory_space<vmem>> -> memref<80xi32, #tpu.memory_space<vmem>>
      %dma_start3A_98 = arith.constant 0 : i32
      %dma_start3A_99 = arith.constant 0 : i32
      %dma_start3A_100 = tpu.memref_slice %arg4[%dma_start3A_98, %dma_start3A_99] : memref<10240x16xf32, #tpu.memory_space<vmem_shared>> -> memref<10240x16xf32, #tpu.memory_space<vmem_shared>>
      tpu.enqueue_indirect_dma source(%arg6 : memref<80x16xf32, #tpu.memory_space<vmem>>) target(%dma_start3A_100 : memref<10240x16xf32, #tpu.memory_space<vmem_shared>>) offsets(%dma_start3A_97 : memref<80xi32, #tpu.memory_space<vmem>>) semaphore(%arg9 : memref<!tpu.dma_semaphore, #tpu.memory_space<semaphore_mem>>) {add = true}
      %mul3A_101 = arith.constant 5 : i32
      %mul3A_102 = arith.muli %scan3A_74, %mul3A_101 : i32
      %add3A_103 = arith.constant 2 : i32
      %add3A_104 = arith.addi %mul3A_102, %add3A_103 : i32
      %ge3A_105 = arith.constant 1 : i32
      %ge3A_106 = arith.cmpi sge, %scan3A_74, %ge3A_105 : i32
      %convert_element_type3A_107 = arith.extui %ge3A_106 : i1 to i32
      %cond3A_108 = arith.constant 0 : i32
      %cond3A_109 = arith.cmpi ne, %convert_element_type3A_107, %cond3A_108 : i32
      scf.if %cond3A_109 {
        %sub3A = arith.constant 5 : i32
        %sub3A_146 = arith.subi %add3A_104, %sub3A : i32
        %dma_wait3A_147 = arith.constant 0 : i32
        %dma_wait3A_148 = tpu.memref_slice %arg5[%sub3A_146, %dma_wait3A_147] : memref<125x80xi32, #tpu.memory_space<vmem>> -> memref<1x80xi32, #tpu.memory_space<vmem>>
        %dma_wait3A_149 = tpu.memref_squeeze %dma_wait3A_148 : memref<1x80xi32, #tpu.memory_space<vmem>> -> memref<80xi32, #tpu.memory_space<vmem>>
        %dma_wait3A_150 = arith.constant 0 : i32
        %dma_wait3A_151 = arith.constant 0 : i32
        %dma_wait3A_152 = tpu.memref_slice %arg4[%dma_wait3A_150, %dma_wait3A_151] : memref<10240x16xf32, #tpu.memory_space<vmem_shared>> -> memref<10240x16xf32, #tpu.memory_space<vmem_shared>>
        tpu.wait_indirect_dma semaphore(%arg10 : memref<!tpu.dma_semaphore, #tpu.memory_space<semaphore_mem>>) src(%arg6 : memref<80x16xf32, #tpu.memory_space<vmem>>) dst(%dma_wait3A_152 : memref<10240x16xf32, #tpu.memory_space<vmem_shared>>)
      } else {
      }
      %dma_start3A_110 = arith.constant 0 : i32
      %dma_start3A_111 = tpu.memref_slice %arg5[%add3A_104, %dma_start3A_110] : memref<125x80xi32, #tpu.memory_space<vmem>> -> memref<1x80xi32, #tpu.memory_space<vmem>>
      %dma_start3A_112 = tpu.memref_squeeze %dma_start3A_111 : memref<1x80xi32, #tpu.memory_space<vmem>> -> memref<80xi32, #tpu.memory_space<vmem>>
      %dma_start3A_113 = arith.constant 0 : i32
      %dma_start3A_114 = arith.constant 0 : i32
      %dma_start3A_115 = tpu.memref_slice %arg4[%dma_start3A_113, %dma_start3A_114] : memref<10240x16xf32, #tpu.memory_space<vmem_shared>> -> memref<10240x16xf32, #tpu.memory_space<vmem_shared>>
      tpu.enqueue_indirect_dma source(%arg6 : memref<80x16xf32, #tpu.memory_space<vmem>>) target(%dma_start3A_115 : memref<10240x16xf32, #tpu.memory_space<vmem_shared>>) offsets(%dma_start3A_112 : memref<80xi32, #tpu.memory_space<vmem>>) semaphore(%arg10 : memref<!tpu.dma_semaphore, #tpu.memory_space<semaphore_mem>>) {add = true}
      %mul3A_116 = arith.constant 5 : i32
      %mul3A_117 = arith.muli %scan3A_74, %mul3A_116 : i32
      %add3A_118 = arith.constant 3 : i32
      %add3A_119 = arith.addi %mul3A_117, %add3A_118 : i32
      %ge3A_120 = arith.constant 1 : i32
      %ge3A_121 = arith.cmpi sge, %scan3A_74, %ge3A_120 : i32
      %convert_element_type3A_122 = arith.extui %ge3A_121 : i1 to i32
      %cond3A_123 = arith.constant 0 : i32
      %cond3A_124 = arith.cmpi ne, %convert_element_type3A_122, %cond3A_123 : i32
      scf.if %cond3A_124 {
        %sub3A = arith.constant 5 : i32
        %sub3A_146 = arith.subi %add3A_119, %sub3A : i32
        %dma_wait3A_147 = arith.constant 0 : i32
        %dma_wait3A_148 = tpu.memref_slice %arg5[%sub3A_146, %dma_wait3A_147] : memref<125x80xi32, #tpu.memory_space<vmem>> -> memref<1x80xi32, #tpu.memory_space<vmem>>
        %dma_wait3A_149 = tpu.memref_squeeze %dma_wait3A_148 : memref<1x80xi32, #tpu.memory_space<vmem>> -> memref<80xi32, #tpu.memory_space<vmem>>
        %dma_wait3A_150 = arith.constant 0 : i32
        %dma_wait3A_151 = arith.constant 0 : i32
        %dma_wait3A_152 = tpu.memref_slice %arg4[%dma_wait3A_150, %dma_wait3A_151] : memref<10240x16xf32, #tpu.memory_space<vmem_shared>> -> memref<10240x16xf32, #tpu.memory_space<vmem_shared>>
        tpu.wait_indirect_dma semaphore(%arg11 : memref<!tpu.dma_semaphore, #tpu.memory_space<semaphore_mem>>) src(%arg6 : memref<80x16xf32, #tpu.memory_space<vmem>>) dst(%dma_wait3A_152 : memref<10240x16xf32, #tpu.memory_space<vmem_shared>>)
      } else {
      }
      %dma_start3A_125 = arith.constant 0 : i32
      %dma_start3A_126 = tpu.memref_slice %arg5[%add3A_119, %dma_start3A_125] : memref<125x80xi32, #tpu.memory_space<vmem>> -> memref<1x80xi32, #tpu.memory_space<vmem>>
      %dma_start3A_127 = tpu.memref_squeeze %dma_start3A_126 : memref<1x80xi32, #tpu.memory_space<vmem>> -> memref<80xi32, #tpu.memory_space<vmem>>
      %dma_start3A_128 = arith.constant 0 : i32
      %dma_start3A_129 = arith.constant 0 : i32
      %dma_start3A_130 = tpu.memref_slice %arg4[%dma_start3A_128, %dma_start3A_129] : memref<10240x16xf32, #tpu.memory_space<vmem_shared>> -> memref<10240x16xf32, #tpu.memory_space<vmem_shared>>
      tpu.enqueue_indirect_dma source(%arg6 : memref<80x16xf32, #tpu.memory_space<vmem>>) target(%dma_start3A_130 : memref<10240x16xf32, #tpu.memory_space<vmem_shared>>) offsets(%dma_start3A_127 : memref<80xi32, #tpu.memory_space<vmem>>) semaphore(%arg11 : memref<!tpu.dma_semaphore, #tpu.memory_space<semaphore_mem>>) {add = true}
      %mul3A_131 = arith.constant 5 : i32
      %mul3A_132 = arith.muli %scan3A_74, %mul3A_131 : i32
      %add3A_133 = arith.constant 4 : i32
      %add3A_134 = arith.addi %mul3A_132, %add3A_133 : i32
      %ge3A_135 = arith.constant 1 : i32
      %ge3A_136 = arith.cmpi sge, %scan3A_74, %ge3A_135 : i32
      %convert_element_type3A_137 = arith.extui %ge3A_136 : i1 to i32
      %cond3A_138 = arith.constant 0 : i32
      %cond3A_139 = arith.cmpi ne, %convert_element_type3A_137, %cond3A_138 : i32
      scf.if %cond3A_139 {
        %sub3A = arith.constant 5 : i32
        %sub3A_146 = arith.subi %add3A_134, %sub3A : i32
        %dma_wait3A_147 = arith.constant 0 : i32
        %dma_wait3A_148 = tpu.memref_slice %arg5[%sub3A_146, %dma_wait3A_147] : memref<125x80xi32, #tpu.memory_space<vmem>> -> memref<1x80xi32, #tpu.memory_space<vmem>>
        %dma_wait3A_149 = tpu.memref_squeeze %dma_wait3A_148 : memref<1x80xi32, #tpu.memory_space<vmem>> -> memref<80xi32, #tpu.memory_space<vmem>>
        %dma_wait3A_150 = arith.constant 0 : i32
        %dma_wait3A_151 = arith.constant 0 : i32
        %dma_wait3A_152 = tpu.memref_slice %arg4[%dma_wait3A_150, %dma_wait3A_151] : memref<10240x16xf32, #tpu.memory_space<vmem_shared>> -> memref<10240x16xf32, #tpu.memory_space<vmem_shared>>
        tpu.wait_indirect_dma semaphore(%arg12 : memref<!tpu.dma_semaphore, #tpu.memory_space<semaphore_mem>>) src(%arg6 : memref<80x16xf32, #tpu.memory_space<vmem>>) dst(%dma_wait3A_152 : memref<10240x16xf32, #tpu.memory_space<vmem_shared>>)
      } else {
      }
      %dma_start3A_140 = arith.constant 0 : i32
      %dma_start3A_141 = tpu.memref_slice %arg5[%add3A_134, %dma_start3A_140] : memref<125x80xi32, #tpu.memory_space<vmem>> -> memref<1x80xi32, #tpu.memory_space<vmem>>
      %dma_start3A_142 = tpu.memref_squeeze %dma_start3A_141 : memref<1x80xi32, #tpu.memory_space<vmem>> -> memref<80xi32, #tpu.memory_space<vmem>>
      %dma_start3A_143 = arith.constant 0 : i32
      %dma_start3A_144 = arith.constant 0 : i32
      %dma_start3A_145 = tpu.memref_slice %arg4[%dma_start3A_143, %dma_start3A_144] : memref<10240x16xf32, #tpu.memory_space<vmem_shared>> -> memref<10240x16xf32, #tpu.memory_space<vmem_shared>>
      tpu.enqueue_indirect_dma source(%arg6 : memref<80x16xf32, #tpu.memory_space<vmem>>) target(%dma_start3A_145 : memref<10240x16xf32, #tpu.memory_space<vmem_shared>>) offsets(%dma_start3A_142 : memref<80xi32, #tpu.memory_space<vmem>>) semaphore(%arg12 : memref<!tpu.dma_semaphore, #tpu.memory_space<semaphore_mem>>) {add = true}
    }
    %scan3A_36 = arith.constant 25 : i32
    %dma_wait3A = arith.constant 120 : i32
    %dma_wait3A_37 = arith.constant 0 : i32
    %dma_wait3A_38 = tpu.memref_slice %arg5[%dma_wait3A, %dma_wait3A_37] : memref<125x80xi32, #tpu.memory_space<vmem>> -> memref<1x80xi32, #tpu.memory_space<vmem>>
    %dma_wait3A_39 = tpu.memref_squeeze %dma_wait3A_38 : memref<1x80xi32, #tpu.memory_space<vmem>> -> memref<80xi32, #tpu.memory_space<vmem>>
    %dma_wait3A_40 = arith.constant 0 : i32
    %dma_wait3A_41 = arith.constant 0 : i32
    %dma_wait3A_42 = tpu.memref_slice %arg4[%dma_wait3A_40, %dma_wait3A_41] : memref<10240x16xf32, #tpu.memory_space<vmem_shared>> -> memref<10240x16xf32, #tpu.memory_space<vmem_shared>>
    tpu.wait_indirect_dma semaphore(%arg8 : memref<!tpu.dma_semaphore, #tpu.memory_space<semaphore_mem>>) src(%arg6 : memref<80x16xf32, #tpu.memory_space<vmem>>) dst(%dma_wait3A_42 : memref<10240x16xf32, #tpu.memory_space<vmem_shared>>)
    %dma_wait3A_43 = arith.constant 121 : i32
    %dma_wait3A_44 = arith.constant 0 : i32
    %dma_wait3A_45 = tpu.memref_slice %arg5[%dma_wait3A_43, %dma_wait3A_44] : memref<125x80xi32, #tpu.memory_space<vmem>> -> memref<1x80xi32, #tpu.memory_space<vmem>>
    %dma_wait3A_46 = tpu.memref_squeeze %dma_wait3A_45 : memref<1x80xi32, #tpu.memory_space<vmem>> -> memref<80xi32, #tpu.memory_space<vmem>>
    %dma_wait3A_47 = arith.constant 0 : i32
    %dma_wait3A_48 = arith.constant 0 : i32
    %dma_wait3A_49 = tpu.memref_slice %arg4[%dma_wait3A_47, %dma_wait3A_48] : memref<10240x16xf32, #tpu.memory_space<vmem_shared>> -> memref<10240x16xf32, #tpu.memory_space<vmem_shared>>
    tpu.wait_indirect_dma semaphore(%arg9 : memref<!tpu.dma_semaphore, #tpu.memory_space<semaphore_mem>>) src(%arg6 : memref<80x16xf32, #tpu.memory_space<vmem>>) dst(%dma_wait3A_49 : memref<10240x16xf32, #tpu.memory_space<vmem_shared>>)
    %dma_wait3A_50 = arith.constant 122 : i32
    %dma_wait3A_51 = arith.constant 0 : i32
    %dma_wait3A_52 = tpu.memref_slice %arg5[%dma_wait3A_50, %dma_wait3A_51] : memref<125x80xi32, #tpu.memory_space<vmem>> -> memref<1x80xi32, #tpu.memory_space<vmem>>
    %dma_wait3A_53 = tpu.memref_squeeze %dma_wait3A_52 : memref<1x80xi32, #tpu.memory_space<vmem>> -> memref<80xi32, #tpu.memory_space<vmem>>
    %dma_wait3A_54 = arith.constant 0 : i32
    %dma_wait3A_55 = arith.constant 0 : i32
    %dma_wait3A_56 = tpu.memref_slice %arg4[%dma_wait3A_54, %dma_wait3A_55] : memref<10240x16xf32, #tpu.memory_space<vmem_shared>> -> memref<10240x16xf32, #tpu.memory_space<vmem_shared>>
    tpu.wait_indirect_dma semaphore(%arg10 : memref<!tpu.dma_semaphore, #tpu.memory_space<semaphore_mem>>) src(%arg6 : memref<80x16xf32, #tpu.memory_space<vmem>>) dst(%dma_wait3A_56 : memref<10240x16xf32, #tpu.memory_space<vmem_shared>>)
    %dma_wait3A_57 = arith.constant 123 : i32
    %dma_wait3A_58 = arith.constant 0 : i32
    %dma_wait3A_59 = tpu.memref_slice %arg5[%dma_wait3A_57, %dma_wait3A_58] : memref<125x80xi32, #tpu.memory_space<vmem>> -> memref<1x80xi32, #tpu.memory_space<vmem>>
    %dma_wait3A_60 = tpu.memref_squeeze %dma_wait3A_59 : memref<1x80xi32, #tpu.memory_space<vmem>> -> memref<80xi32, #tpu.memory_space<vmem>>
    %dma_wait3A_61 = arith.constant 0 : i32
    %dma_wait3A_62 = arith.constant 0 : i32
    %dma_wait3A_63 = tpu.memref_slice %arg4[%dma_wait3A_61, %dma_wait3A_62] : memref<10240x16xf32, #tpu.memory_space<vmem_shared>> -> memref<10240x16xf32, #tpu.memory_space<vmem_shared>>
    tpu.wait_indirect_dma semaphore(%arg11 : memref<!tpu.dma_semaphore, #tpu.memory_space<semaphore_mem>>) src(%arg6 : memref<80x16xf32, #tpu.memory_space<vmem>>) dst(%dma_wait3A_63 : memref<10240x16xf32, #tpu.memory_space<vmem_shared>>)
    %dma_wait3A_64 = arith.constant 124 : i32
    %dma_wait3A_65 = arith.constant 0 : i32
    %dma_wait3A_66 = tpu.memref_slice %arg5[%dma_wait3A_64, %dma_wait3A_65] : memref<125x80xi32, #tpu.memory_space<vmem>> -> memref<1x80xi32, #tpu.memory_space<vmem>>
    %dma_wait3A_67 = tpu.memref_squeeze %dma_wait3A_66 : memref<1x80xi32, #tpu.memory_space<vmem>> -> memref<80xi32, #tpu.memory_space<vmem>>
    %dma_wait3A_68 = arith.constant 0 : i32
    %dma_wait3A_69 = arith.constant 0 : i32
    %dma_wait3A_70 = tpu.memref_slice %arg4[%dma_wait3A_68, %dma_wait3A_69] : memref<10240x16xf32, #tpu.memory_space<vmem_shared>> -> memref<10240x16xf32, #tpu.memory_space<vmem_shared>>
    tpu.wait_indirect_dma semaphore(%arg12 : memref<!tpu.dma_semaphore, #tpu.memory_space<semaphore_mem>>) src(%arg6 : memref<80x16xf32, #tpu.memory_space<vmem>>) dst(%dma_wait3A_70 : memref<10240x16xf32, #tpu.memory_space<vmem_shared>>)
    %barrier3A_71 = arith.constant 0 : index
    tpu.barrier barrier_id(%barrier3A_71)
    %mul3A_72 = arith.constant 640 : i32
    %mul3A_73 = arith.muli %arg1, %mul3A_72 : i32
    "tpu.region"() ({
      %run_scoped3A = tpu.sem_alloc : memref<!tpu.dma_semaphore, #tpu.memory_space<semaphore_mem>>
      %dma_start3A = arith.constant 0 : i32
      %dma_start3A_74 = tpu.memref_slice %arg3[%arg0, %mul3A_73, %dma_start3A] : memref<2x10240x16xf32, #tpu.memory_space<hbm>> -> memref<1x640x16xf32, #tpu.memory_space<hbm>>
      %dma_start3A_75 = tpu.memref_squeeze %dma_start3A_74 : memref<1x640x16xf32, #tpu.memory_space<hbm>> -> memref<640x16xf32, #tpu.memory_space<hbm>>
      %dma_start3A_76 = arith.constant 0 : i32
      %dma_start3A_77 = tpu.memref_slice %arg4[%mul3A_73, %dma_start3A_76] : memref<10240x16xf32, #tpu.memory_space<vmem_shared>> -> memref<640x16xf32, #tpu.memory_space<vmem_shared>>
      tpu.enqueue_dma source(%dma_start3A_77 : memref<640x16xf32, #tpu.memory_space<vmem_shared>>) target(%dma_start3A_75 : memref<640x16xf32, #tpu.memory_space<hbm>>) target_semaphore(%run_scoped3A : memref<!tpu.dma_semaphore, #tpu.memory_space<semaphore_mem>>)
      %dma_wait3A_78 = arith.constant 0 : i32
      %dma_wait3A_79 = tpu.memref_slice %arg3[%arg0, %mul3A_73, %dma_wait3A_78] : memref<2x10240x16xf32, #tpu.memory_space<hbm>> -> memref<1x640x16xf32, #tpu.memory_space<hbm>>
      %dma_wait3A_80 = tpu.memref_squeeze %dma_wait3A_79 : memref<1x640x16xf32, #tpu.memory_space<hbm>> -> memref<640x16xf32, #tpu.memory_space<hbm>>
      %dma_wait3A_81 = arith.constant 0 : i32
      %dma_wait3A_82 = tpu.memref_slice %arg4[%mul3A_73, %dma_wait3A_81] : memref<10240x16xf32, #tpu.memory_space<vmem_shared>> -> memref<640x16xf32, #tpu.memory_space<vmem_shared>>
      tpu.wait_dma2 semaphore(%run_scoped3A : memref<!tpu.dma_semaphore, #tpu.memory_space<semaphore_mem>>) src(%dma_wait3A_82 : memref<640x16xf32, #tpu.memory_space<vmem_shared>>) dst(%dma_wait3A_80 : memref<640x16xf32, #tpu.memory_space<hbm>>)
      tpu.yield
    }) : () -> ()
    return
  }
}

#map = affine_map<(d0, d1) -> (0, 0)>
#map1 = affine_map<(d0, d1) -> (0)>
#map2 = affine_map<(d0, d1) -> (0, 0, 0)>
module attributes {stable_mosaic.version = 14 : i64} {
  func.func @_scatter_body(%arg0: i32, %arg1: i32, %arg2: memref<10240x128xf32, #tpu.memory_space<hbm>>, %arg3: memref<320000xi32, #tpu.memory_space<hbm>>, %arg4: memref<320000xi32, #tpu.memory_space<hbm>>, %arg5: memref<2x10240x128xf32, #tpu.memory_space<hbm>>, %arg6: memref<10240x128xf32, #tpu.memory_space<vmem_shared>>, %arg7: memref<10000xi32, #tpu.memory_space<vmem>>, %arg8: memref<40xi32, #tpu.memory_space<vmem>>, %arg9: memref<40xi32, #tpu.memory_space<vmem>>, %arg10: memref<40xi32, #tpu.memory_space<vmem>>, %arg11: memref<40xi32, #tpu.memory_space<vmem>>, %arg12: memref<40xi32, #tpu.memory_space<vmem>>, %arg13: memref<40x128xf32, #tpu.memory_space<vmem>>, %arg14: memref<40x128xf32, #tpu.memory_space<vmem>>, %arg15: memref<40x128xf32, #tpu.memory_space<vmem>>, %arg16: memref<40x128xf32, #tpu.memory_space<vmem>>, %arg17: memref<40x128xf32, #tpu.memory_space<vmem>>, %arg18: memref<!tpu.dma_semaphore, #tpu.memory_space<semaphore_mem>>, %arg19: memref<!tpu.dma_semaphore, #tpu.memory_space<semaphore_mem>>, %arg20: memref<!tpu.dma_semaphore, #tpu.memory_space<semaphore_mem>>, %arg21: memref<!tpu.dma_semaphore, #tpu.memory_space<semaphore_mem>>, %arg22: memref<!tpu.dma_semaphore, #tpu.memory_space<semaphore_mem>>, %arg23: memref<!tpu.dma_semaphore, #tpu.memory_space<semaphore_mem>>, %arg24: memref<!tpu.dma_semaphore, #tpu.memory_space<semaphore_mem>>, %arg25: memref<!tpu.dma_semaphore, #tpu.memory_space<semaphore_mem>>, %arg26: memref<!tpu.dma_semaphore, #tpu.memory_space<semaphore_mem>>, %arg27: memref<!tpu.dma_semaphore, #tpu.memory_space<semaphore_mem>>, %arg28: memref<!tpu.dma_semaphore, #tpu.memory_space<semaphore_mem>>, %arg29: memref<!tpu.dma_semaphore, #tpu.memory_space<semaphore_mem>>, %arg30: memref<!tpu.dma_semaphore, #tpu.memory_space<semaphore_mem>>, %arg31: memref<!tpu.dma_semaphore, #tpu.memory_space<semaphore_mem>>, %arg32: memref<!tpu.dma_semaphore, #tpu.memory_space<semaphore_mem>>, %arg33: memref<!tpu.dma_semaphore, #tpu.memory_space<semaphore_mem>>) attributes {dimension_semantics = [#tpu.dimension_semantics<core_parallel>, #tpu.dimension_semantics<subcore_parallel>], iteration_bounds = array<i64: 2, 16>, scalar_prefetch = 0 : i64, scratch_operands = 28 : i64, tpu.core_type = #tpu.core_type<sc_vector_subcore>, window_params = [{transform_indices = #map}, {transform_indices = #map1}, {transform_indices = #map1}, {transform_indices = #map2}]} {
    %mul3A = arith.constant 16 : i32
    %mul3A_0 = arith.muli %arg0, %mul3A : i32
    %add3A = arith.addi %mul3A_0, %arg1 : i32
    %mul3A_1 = arith.constant 10000 : i32
    %mul3A_2 = arith.muli %add3A, %mul3A_1 : i32
    %broadcast_in_dim3A = arith.constant 0.000000e+00 : f32
    %broadcast_in_dim3A_3 = vector.broadcast %broadcast_in_dim3A : f32 to vector<16xf32>
    %scan3A = arith.constant 0 : i32
    %scan3A_4 = arith.constant 0 : i32
    %scan3A_5 = arith.constant 40 : i32
    %scan3A_6 = arith.addi %scan3A_4, %scan3A_5 : i32
    %scan3A_7 = arith.constant 1 : i32
    scf.for %scan3A_323 = %scan3A_4 to %scan3A_6 step %scan3A_7  : i32 {
      %swap3A = arith.index_cast %scan3A_323 : i32 to index
      %swap3A_324 = arith.constant 0 : index
      %swap3A_325 = tpu.vector_load %arg13[%swap3A, %swap3A_324] {strides = array<i32>} : memref<40x128xf32, #tpu.memory_space<vmem>>, vector<1x16xf32>,
      %swap3A_326 = vector.shape_cast %swap3A_325 : vector<1x16xf32> to vector<16xf32>
      %swap3A_327 = vector.shape_cast %broadcast_in_dim3A_3 : vector<16xf32> to vector<1x16xf32>
      tpu.vector_store %arg13[%swap3A, %swap3A_324], %swap3A_327 {strides = array<i32>} : memref<40x128xf32, #tpu.memory_space<vmem>>, vector<1x16xf32>,
      %swap3A_328 = arith.index_cast %scan3A_323 : i32 to index
      %swap3A_329 = arith.constant 16 : index
      %swap3A_330 = tpu.vector_load %arg13[%swap3A_328, %swap3A_329] {strides = array<i32>} : memref<40x128xf32, #tpu.memory_space<vmem>>, vector<1x16xf32>,
      %swap3A_331 = vector.shape_cast %swap3A_330 : vector<1x16xf32> to vector<16xf32>
      %swap3A_332 = vector.shape_cast %broadcast_in_dim3A_3 : vector<16xf32> to vector<1x16xf32>
      tpu.vector_store %arg13[%swap3A_328, %swap3A_329], %swap3A_332 {strides = array<i32>} : memref<40x128xf32, #tpu.memory_space<vmem>>, vector<1x16xf32>,
      %swap3A_333 = arith.index_cast %scan3A_323 : i32 to index
      %swap3A_334 = arith.constant 32 : index
      %swap3A_335 = tpu.vector_load %arg13[%swap3A_333, %swap3A_334] {strides = array<i32>} : memref<40x128xf32, #tpu.memory_space<vmem>>, vector<1x16xf32>,
      %swap3A_336 = vector.shape_cast %swap3A_335 : vector<1x16xf32> to vector<16xf32>
      %swap3A_337 = vector.shape_cast %broadcast_in_dim3A_3 : vector<16xf32> to vector<1x16xf32>
      tpu.vector_store %arg13[%swap3A_333, %swap3A_334], %swap3A_337 {strides = array<i32>} : memref<40x128xf32, #tpu.memory_space<vmem>>, vector<1x16xf32>,
      %swap3A_338 = arith.index_cast %scan3A_323 : i32 to index
      %swap3A_339 = arith.constant 48 : index
      %swap3A_340 = tpu.vector_load %arg13[%swap3A_338, %swap3A_339] {strides = array<i32>} : memref<40x128xf32, #tpu.memory_space<vmem>>, vector<1x16xf32>,
      %swap3A_341 = vector.shape_cast %swap3A_340 : vector<1x16xf32> to vector<16xf32>
      %swap3A_342 = vector.shape_cast %broadcast_in_dim3A_3 : vector<16xf32> to vector<1x16xf32>
      tpu.vector_store %arg13[%swap3A_338, %swap3A_339], %swap3A_342 {strides = array<i32>} : memref<40x128xf32, #tpu.memory_space<vmem>>, vector<1x16xf32>,
      %swap3A_343 = arith.index_cast %scan3A_323 : i32 to index
      %swap3A_344 = arith.constant 64 : index
      %swap3A_345 = tpu.vector_load %arg13[%swap3A_343, %swap3A_344] {strides = array<i32>} : memref<40x128xf32, #tpu.memory_space<vmem>>, vector<1x16xf32>,
      %swap3A_346 = vector.shape_cast %swap3A_345 : vector<1x16xf32> to vector<16xf32>
      %swap3A_347 = vector.shape_cast %broadcast_in_dim3A_3 : vector<16xf32> to vector<1x16xf32>
      tpu.vector_store %arg13[%swap3A_343, %swap3A_344], %swap3A_347 {strides = array<i32>} : memref<40x128xf32, #tpu.memory_space<vmem>>, vector<1x16xf32>,
      %swap3A_348 = arith.index_cast %scan3A_323 : i32 to index
      %swap3A_349 = arith.constant 80 : index
      %swap3A_350 = tpu.vector_load %arg13[%swap3A_348, %swap3A_349] {strides = array<i32>} : memref<40x128xf32, #tpu.memory_space<vmem>>, vector<1x16xf32>,
      %swap3A_351 = vector.shape_cast %swap3A_350 : vector<1x16xf32> to vector<16xf32>
      %swap3A_352 = vector.shape_cast %broadcast_in_dim3A_3 : vector<16xf32> to vector<1x16xf32>
      tpu.vector_store %arg13[%swap3A_348, %swap3A_349], %swap3A_352 {strides = array<i32>} : memref<40x128xf32, #tpu.memory_space<vmem>>, vector<1x16xf32>,
      %swap3A_353 = arith.index_cast %scan3A_323 : i32 to index
      %swap3A_354 = arith.constant 96 : index
      %swap3A_355 = tpu.vector_load %arg13[%swap3A_353, %swap3A_354] {strides = array<i32>} : memref<40x128xf32, #tpu.memory_space<vmem>>, vector<1x16xf32>,
      %swap3A_356 = vector.shape_cast %swap3A_355 : vector<1x16xf32> to vector<16xf32>
      %swap3A_357 = vector.shape_cast %broadcast_in_dim3A_3 : vector<16xf32> to vector<1x16xf32>
      tpu.vector_store %arg13[%swap3A_353, %swap3A_354], %swap3A_357 {strides = array<i32>} : memref<40x128xf32, #tpu.memory_space<vmem>>, vector<1x16xf32>,
      %swap3A_358 = arith.index_cast %scan3A_323 : i32 to index
      %swap3A_359 = arith.constant 112 : index
      %swap3A_360 = tpu.vector_load %arg13[%swap3A_358, %swap3A_359] {strides = array<i32>} : memref<40x128xf32, #tpu.memory_space<vmem>>, vector<1x16xf32>,
      %swap3A_361 = vector.shape_cast %swap3A_360 : vector<1x16xf32> to vector<16xf32>
      %swap3A_362 = vector.shape_cast %broadcast_in_dim3A_3 : vector<16xf32> to vector<1x16xf32>
      tpu.vector_store %arg13[%swap3A_358, %swap3A_359], %swap3A_362 {strides = array<i32>} : memref<40x128xf32, #tpu.memory_space<vmem>>, vector<1x16xf32>,
    }
    %scan3A_8 = arith.constant 40 : i32
    %mul3A_9 = arith.constant 640 : i32
    %mul3A_10 = arith.muli %arg1, %mul3A_9 : i32
    %add3A_11 = arith.constant 0 : i32
    %add3A_12 = arith.addi %mul3A_10, %add3A_11 : i32
    %dma_start3A = arith.constant 0 : i32
    %dma_start3A_13 = tpu.memref_slice %arg6[%add3A_12, %dma_start3A] : memref<10240x128xf32, #tpu.memory_space<vmem_shared>> -> memref<40x128xf32, #tpu.memory_space<vmem_shared>>
    %dma_start3A_14 = arith.constant 0 : i32
    %dma_start3A_15 = tpu.memref_slice %arg6[%add3A_12, %dma_start3A_14] : memref<10240x128xf32, #tpu.memory_space<vmem_shared>> -> memref<40x128xf32, #tpu.memory_space<vmem_shared>>
    tpu.enqueue_dma source(%arg13 : memref<40x128xf32, #tpu.memory_space<vmem>>) target(%dma_start3A_15 : memref<40x128xf32, #tpu.memory_space<vmem_shared>>) target_semaphore(%arg33 : memref<!tpu.dma_semaphore, #tpu.memory_space<semaphore_mem>>)
    %mul3A_16 = arith.constant 640 : i32
    %mul3A_17 = arith.muli %arg1, %mul3A_16 : i32
    %add3A_18 = arith.constant 40 : i32
    %add3A_19 = arith.addi %mul3A_17, %add3A_18 : i32
    %dma_start3A_20 = arith.constant 0 : i32
    %dma_start3A_21 = tpu.memref_slice %arg6[%add3A_19, %dma_start3A_20] : memref<10240x128xf32, #tpu.memory_space<vmem_shared>> -> memref<40x128xf32, #tpu.memory_space<vmem_shared>>
    %dma_start3A_22 = arith.constant 0 : i32
    %dma_start3A_23 = tpu.memref_slice %arg6[%add3A_19, %dma_start3A_22] : memref<10240x128xf32, #tpu.memory_space<vmem_shared>> -> memref<40x128xf32, #tpu.memory_space<vmem_shared>>
    tpu.enqueue_dma source(%arg13 : memref<40x128xf32, #tpu.memory_space<vmem>>) target(%dma_start3A_23 : memref<40x128xf32, #tpu.memory_space<vmem_shared>>) target_semaphore(%arg33 : memref<!tpu.dma_semaphore, #tpu.memory_space<semaphore_mem>>)
    %mul3A_24 = arith.constant 640 : i32
    %mul3A_25 = arith.muli %arg1, %mul3A_24 : i32
    %add3A_26 = arith.constant 80 : i32
    %add3A_27 = arith.addi %mul3A_25, %add3A_26 : i32
    %dma_start3A_28 = arith.constant 0 : i32
    %dma_start3A_29 = tpu.memref_slice %arg6[%add3A_27, %dma_start3A_28] : memref<10240x128xf32, #tpu.memory_space<vmem_shared>> -> memref<40x128xf32, #tpu.memory_space<vmem_shared>>
    %dma_start3A_30 = arith.constant 0 : i32
    %dma_start3A_31 = tpu.memref_slice %arg6[%add3A_27, %dma_start3A_30] : memref<10240x128xf32, #tpu.memory_space<vmem_shared>> -> memref<40x128xf32, #tpu.memory_space<vmem_shared>>
    tpu.enqueue_dma source(%arg13 : memref<40x128xf32, #tpu.memory_space<vmem>>) target(%dma_start3A_31 : memref<40x128xf32, #tpu.memory_space<vmem_shared>>) target_semaphore(%arg33 : memref<!tpu.dma_semaphore, #tpu.memory_space<semaphore_mem>>)
    %mul3A_32 = arith.constant 640 : i32
    %mul3A_33 = arith.muli %arg1, %mul3A_32 : i32
    %add3A_34 = arith.constant 120 : i32
    %add3A_35 = arith.addi %mul3A_33, %add3A_34 : i32
    %dma_start3A_36 = arith.constant 0 : i32
    %dma_start3A_37 = tpu.memref_slice %arg6[%add3A_35, %dma_start3A_36] : memref<10240x128xf32, #tpu.memory_space<vmem_shared>> -> memref<40x128xf32, #tpu.memory_space<vmem_shared>>
    %dma_start3A_38 = arith.constant 0 : i32
    %dma_start3A_39 = tpu.memref_slice %arg6[%add3A_35, %dma_start3A_38] : memref<10240x128xf32, #tpu.memory_space<vmem_shared>> -> memref<40x128xf32, #tpu.memory_space<vmem_shared>>
    tpu.enqueue_dma source(%arg13 : memref<40x128xf32, #tpu.memory_space<vmem>>) target(%dma_start3A_39 : memref<40x128xf32, #tpu.memory_space<vmem_shared>>) target_semaphore(%arg33 : memref<!tpu.dma_semaphore, #tpu.memory_space<semaphore_mem>>)
    %mul3A_40 = arith.constant 640 : i32
    %mul3A_41 = arith.muli %arg1, %mul3A_40 : i32
    %add3A_42 = arith.constant 160 : i32
    %add3A_43 = arith.addi %mul3A_41, %add3A_42 : i32
    %dma_start3A_44 = arith.constant 0 : i32
    %dma_start3A_45 = tpu.memref_slice %arg6[%add3A_43, %dma_start3A_44] : memref<10240x128xf32, #tpu.memory_space<vmem_shared>> -> memref<40x128xf32, #tpu.memory_space<vmem_shared>>
    %dma_start3A_46 = arith.constant 0 : i32
    %dma_start3A_47 = tpu.memref_slice %arg6[%add3A_43, %dma_start3A_46] : memref<10240x128xf32, #tpu.memory_space<vmem_shared>> -> memref<40x128xf32, #tpu.memory_space<vmem_shared>>
    tpu.enqueue_dma source(%arg13 : memref<40x128xf32, #tpu.memory_space<vmem>>) target(%dma_start3A_47 : memref<40x128xf32, #tpu.memory_space<vmem_shared>>) target_semaphore(%arg33 : memref<!tpu.dma_semaphore, #tpu.memory_space<semaphore_mem>>)
    %mul3A_48 = arith.constant 640 : i32
    %mul3A_49 = arith.muli %arg1, %mul3A_48 : i32
    %add3A_50 = arith.constant 200 : i32
    %add3A_51 = arith.addi %mul3A_49, %add3A_50 : i32
    %dma_start3A_52 = arith.constant 0 : i32
    %dma_start3A_53 = tpu.memref_slice %arg6[%add3A_51, %dma_start3A_52] : memref<10240x128xf32, #tpu.memory_space<vmem_shared>> -> memref<40x128xf32, #tpu.memory_space<vmem_shared>>
    %dma_start3A_54 = arith.constant 0 : i32
    %dma_start3A_55 = tpu.memref_slice %arg6[%add3A_51, %dma_start3A_54] : memref<10240x128xf32, #tpu.memory_space<vmem_shared>> -> memref<40x128xf32, #tpu.memory_space<vmem_shared>>
    tpu.enqueue_dma source(%arg13 : memref<40x128xf32, #tpu.memory_space<vmem>>) target(%dma_start3A_55 : memref<40x128xf32, #tpu.memory_space<vmem_shared>>) target_semaphore(%arg33 : memref<!tpu.dma_semaphore, #tpu.memory_space<semaphore_mem>>)
    %mul3A_56 = arith.constant 640 : i32
    %mul3A_57 = arith.muli %arg1, %mul3A_56 : i32
    %add3A_58 = arith.constant 240 : i32
    %add3A_59 = arith.addi %mul3A_57, %add3A_58 : i32
    %dma_start3A_60 = arith.constant 0 : i32
    %dma_start3A_61 = tpu.memref_slice %arg6[%add3A_59, %dma_start3A_60] : memref<10240x128xf32, #tpu.memory_space<vmem_shared>> -> memref<40x128xf32, #tpu.memory_space<vmem_shared>>
    %dma_start3A_62 = arith.constant 0 : i32
    %dma_start3A_63 = tpu.memref_slice %arg6[%add3A_59, %dma_start3A_62] : memref<10240x128xf32, #tpu.memory_space<vmem_shared>> -> memref<40x128xf32, #tpu.memory_space<vmem_shared>>
    tpu.enqueue_dma source(%arg13 : memref<40x128xf32, #tpu.memory_space<vmem>>) target(%dma_start3A_63 : memref<40x128xf32, #tpu.memory_space<vmem_shared>>) target_semaphore(%arg33 : memref<!tpu.dma_semaphore, #tpu.memory_space<semaphore_mem>>)
    %mul3A_64 = arith.constant 640 : i32
    %mul3A_65 = arith.muli %arg1, %mul3A_64 : i32
    %add3A_66 = arith.constant 280 : i32
    %add3A_67 = arith.addi %mul3A_65, %add3A_66 : i32
    %dma_start3A_68 = arith.constant 0 : i32
    %dma_start3A_69 = tpu.memref_slice %arg6[%add3A_67, %dma_start3A_68] : memref<10240x128xf32, #tpu.memory_space<vmem_shared>> -> memref<40x128xf32, #tpu.memory_space<vmem_shared>>
    %dma_start3A_70 = arith.constant 0 : i32
    %dma_start3A_71 = tpu.memref_slice %arg6[%add3A_67, %dma_start3A_70] : memref<10240x128xf32, #tpu.memory_space<vmem_shared>> -> memref<40x128xf32, #tpu.memory_space<vmem_shared>>
    tpu.enqueue_dma source(%arg13 : memref<40x128xf32, #tpu.memory_space<vmem>>) target(%dma_start3A_71 : memref<40x128xf32, #tpu.memory_space<vmem_shared>>) target_semaphore(%arg33 : memref<!tpu.dma_semaphore, #tpu.memory_space<semaphore_mem>>)
    %mul3A_72 = arith.constant 640 : i32
    %mul3A_73 = arith.muli %arg1, %mul3A_72 : i32
    %add3A_74 = arith.constant 320 : i32
    %add3A_75 = arith.addi %mul3A_73, %add3A_74 : i32
    %dma_start3A_76 = arith.constant 0 : i32
    %dma_start3A_77 = tpu.memref_slice %arg6[%add3A_75, %dma_start3A_76] : memref<10240x128xf32, #tpu.memory_space<vmem_shared>> -> memref<40x128xf32, #tpu.memory_space<vmem_shared>>
    %dma_start3A_78 = arith.constant 0 : i32
    %dma_start3A_79 = tpu.memref_slice %arg6[%add3A_75, %dma_start3A_78] : memref<10240x128xf32, #tpu.memory_space<vmem_shared>> -> memref<40x128xf32, #tpu.memory_space<vmem_shared>>
    tpu.enqueue_dma source(%arg13 : memref<40x128xf32, #tpu.memory_space<vmem>>) target(%dma_start3A_79 : memref<40x128xf32, #tpu.memory_space<vmem_shared>>) target_semaphore(%arg33 : memref<!tpu.dma_semaphore, #tpu.memory_space<semaphore_mem>>)
    %mul3A_80 = arith.constant 640 : i32
    %mul3A_81 = arith.muli %arg1, %mul3A_80 : i32
    %add3A_82 = arith.constant 360 : i32
    %add3A_83 = arith.addi %mul3A_81, %add3A_82 : i32
    %dma_start3A_84 = arith.constant 0 : i32
    %dma_start3A_85 = tpu.memref_slice %arg6[%add3A_83, %dma_start3A_84] : memref<10240x128xf32, #tpu.memory_space<vmem_shared>> -> memref<40x128xf32, #tpu.memory_space<vmem_shared>>
    %dma_start3A_86 = arith.constant 0 : i32
    %dma_start3A_87 = tpu.memref_slice %arg6[%add3A_83, %dma_start3A_86] : memref<10240x128xf32, #tpu.memory_space<vmem_shared>> -> memref<40x128xf32, #tpu.memory_space<vmem_shared>>
    tpu.enqueue_dma source(%arg13 : memref<40x128xf32, #tpu.memory_space<vmem>>) target(%dma_start3A_87 : memref<40x128xf32, #tpu.memory_space<vmem_shared>>) target_semaphore(%arg33 : memref<!tpu.dma_semaphore, #tpu.memory_space<semaphore_mem>>)
    %mul3A_88 = arith.constant 640 : i32
    %mul3A_89 = arith.muli %arg1, %mul3A_88 : i32
    %add3A_90 = arith.constant 400 : i32
    %add3A_91 = arith.addi %mul3A_89, %add3A_90 : i32
    %dma_start3A_92 = arith.constant 0 : i32
    %dma_start3A_93 = tpu.memref_slice %arg6[%add3A_91, %dma_start3A_92] : memref<10240x128xf32, #tpu.memory_space<vmem_shared>> -> memref<40x128xf32, #tpu.memory_space<vmem_shared>>
    %dma_start3A_94 = arith.constant 0 : i32
    %dma_start3A_95 = tpu.memref_slice %arg6[%add3A_91, %dma_start3A_94] : memref<10240x128xf32, #tpu.memory_space<vmem_shared>> -> memref<40x128xf32, #tpu.memory_space<vmem_shared>>
    tpu.enqueue_dma source(%arg13 : memref<40x128xf32, #tpu.memory_space<vmem>>) target(%dma_start3A_95 : memref<40x128xf32, #tpu.memory_space<vmem_shared>>) target_semaphore(%arg33 : memref<!tpu.dma_semaphore, #tpu.memory_space<semaphore_mem>>)
    %mul3A_96 = arith.constant 640 : i32
    %mul3A_97 = arith.muli %arg1, %mul3A_96 : i32
    %add3A_98 = arith.constant 440 : i32
    %add3A_99 = arith.addi %mul3A_97, %add3A_98 : i32
    %dma_start3A_100 = arith.constant 0 : i32
    %dma_start3A_101 = tpu.memref_slice %arg6[%add3A_99, %dma_start3A_100] : memref<10240x128xf32, #tpu.memory_space<vmem_shared>> -> memref<40x128xf32, #tpu.memory_space<vmem_shared>>
    %dma_start3A_102 = arith.constant 0 : i32
    %dma_start3A_103 = tpu.memref_slice %arg6[%add3A_99, %dma_start3A_102] : memref<10240x128xf32, #tpu.memory_space<vmem_shared>> -> memref<40x128xf32, #tpu.memory_space<vmem_shared>>
    tpu.enqueue_dma source(%arg13 : memref<40x128xf32, #tpu.memory_space<vmem>>) target(%dma_start3A_103 : memref<40x128xf32, #tpu.memory_space<vmem_shared>>) target_semaphore(%arg33 : memref<!tpu.dma_semaphore, #tpu.memory_space<semaphore_mem>>)
    %mul3A_104 = arith.constant 640 : i32
    %mul3A_105 = arith.muli %arg1, %mul3A_104 : i32
    %add3A_106 = arith.constant 480 : i32
    %add3A_107 = arith.addi %mul3A_105, %add3A_106 : i32
    %dma_start3A_108 = arith.constant 0 : i32
    %dma_start3A_109 = tpu.memref_slice %arg6[%add3A_107, %dma_start3A_108] : memref<10240x128xf32, #tpu.memory_space<vmem_shared>> -> memref<40x128xf32, #tpu.memory_space<vmem_shared>>
    %dma_start3A_110 = arith.constant 0 : i32
    %dma_start3A_111 = tpu.memref_slice %arg6[%add3A_107, %dma_start3A_110] : memref<10240x128xf32, #tpu.memory_space<vmem_shared>> -> memref<40x128xf32, #tpu.memory_space<vmem_shared>>
    tpu.enqueue_dma source(%arg13 : memref<40x128xf32, #tpu.memory_space<vmem>>) target(%dma_start3A_111 : memref<40x128xf32, #tpu.memory_space<vmem_shared>>) target_semaphore(%arg33 : memref<!tpu.dma_semaphore, #tpu.memory_space<semaphore_mem>>)
    %mul3A_112 = arith.constant 640 : i32
    %mul3A_113 = arith.muli %arg1, %mul3A_112 : i32
    %add3A_114 = arith.constant 520 : i32
    %add3A_115 = arith.addi %mul3A_113, %add3A_114 : i32
    %dma_start3A_116 = arith.constant 0 : i32
    %dma_start3A_117 = tpu.memref_slice %arg6[%add3A_115, %dma_start3A_116] : memref<10240x128xf32, #tpu.memory_space<vmem_shared>> -> memref<40x128xf32, #tpu.memory_space<vmem_shared>>
    %dma_start3A_118 = arith.constant 0 : i32
    %dma_start3A_119 = tpu.memref_slice %arg6[%add3A_115, %dma_start3A_118] : memref<10240x128xf32, #tpu.memory_space<vmem_shared>> -> memref<40x128xf32, #tpu.memory_space<vmem_shared>>
    tpu.enqueue_dma source(%arg13 : memref<40x128xf32, #tpu.memory_space<vmem>>) target(%dma_start3A_119 : memref<40x128xf32, #tpu.memory_space<vmem_shared>>) target_semaphore(%arg33 : memref<!tpu.dma_semaphore, #tpu.memory_space<semaphore_mem>>)
    %mul3A_120 = arith.constant 640 : i32
    %mul3A_121 = arith.muli %arg1, %mul3A_120 : i32
    %add3A_122 = arith.constant 560 : i32
    %add3A_123 = arith.addi %mul3A_121, %add3A_122 : i32
    %dma_start3A_124 = arith.constant 0 : i32
    %dma_start3A_125 = tpu.memref_slice %arg6[%add3A_123, %dma_start3A_124] : memref<10240x128xf32, #tpu.memory_space<vmem_shared>> -> memref<40x128xf32, #tpu.memory_space<vmem_shared>>
    %dma_start3A_126 = arith.constant 0 : i32
    %dma_start3A_127 = tpu.memref_slice %arg6[%add3A_123, %dma_start3A_126] : memref<10240x128xf32, #tpu.memory_space<vmem_shared>> -> memref<40x128xf32, #tpu.memory_space<vmem_shared>>
    tpu.enqueue_dma source(%arg13 : memref<40x128xf32, #tpu.memory_space<vmem>>) target(%dma_start3A_127 : memref<40x128xf32, #tpu.memory_space<vmem_shared>>) target_semaphore(%arg33 : memref<!tpu.dma_semaphore, #tpu.memory_space<semaphore_mem>>)
    %mul3A_128 = arith.constant 640 : i32
    %mul3A_129 = arith.muli %arg1, %mul3A_128 : i32
    %add3A_130 = arith.constant 600 : i32
    %add3A_131 = arith.addi %mul3A_129, %add3A_130 : i32
    %dma_start3A_132 = arith.constant 0 : i32
    %dma_start3A_133 = tpu.memref_slice %arg6[%add3A_131, %dma_start3A_132] : memref<10240x128xf32, #tpu.memory_space<vmem_shared>> -> memref<40x128xf32, #tpu.memory_space<vmem_shared>>
    %dma_start3A_134 = arith.constant 0 : i32
    %dma_start3A_135 = tpu.memref_slice %arg6[%add3A_131, %dma_start3A_134] : memref<10240x128xf32, #tpu.memory_space<vmem_shared>> -> memref<40x128xf32, #tpu.memory_space<vmem_shared>>
    tpu.enqueue_dma source(%arg13 : memref<40x128xf32, #tpu.memory_space<vmem>>) target(%dma_start3A_135 : memref<40x128xf32, #tpu.memory_space<vmem_shared>>) target_semaphore(%arg33 : memref<!tpu.dma_semaphore, #tpu.memory_space<semaphore_mem>>)
    "tpu.region"() ({
      %run_scoped3A = tpu.sem_alloc : memref<!tpu.dma_semaphore, #tpu.memory_space<semaphore_mem>>
      %dma_start3A_323 = tpu.memref_slice %arg3[%mul3A_2] : memref<320000xi32, #tpu.memory_space<hbm>> -> memref<10000xi32, #tpu.memory_space<hbm>>
      %dma_start3A_324 = tpu.memref_slice %arg3[%mul3A_2] : memref<320000xi32, #tpu.memory_space<hbm>> -> memref<10000xi32, #tpu.memory_space<hbm>>
      tpu.enqueue_dma source(%dma_start3A_324 : memref<10000xi32, #tpu.memory_space<hbm>>) target(%arg7 : memref<10000xi32, #tpu.memory_space<vmem>>) target_semaphore(%run_scoped3A : memref<!tpu.dma_semaphore, #tpu.memory_space<semaphore_mem>>)
      %dma_wait3A_325 = tpu.memref_slice %arg3[%mul3A_2] : memref<320000xi32, #tpu.memory_space<hbm>> -> memref<10000xi32, #tpu.memory_space<hbm>>
      %dma_wait3A_326 = tpu.memref_slice %arg3[%mul3A_2] : memref<320000xi32, #tpu.memory_space<hbm>> -> memref<10000xi32, #tpu.memory_space<hbm>>
      tpu.wait_dma2 semaphore(%run_scoped3A : memref<!tpu.dma_semaphore, #tpu.memory_space<semaphore_mem>>) src(%dma_wait3A_326 : memref<10000xi32, #tpu.memory_space<hbm>>) dst(%arg7 : memref<10000xi32, #tpu.memory_space<vmem>>)
      tpu.yield
    }) : () -> ()
    %mul3A_136 = arith.constant 640 : i32
    %mul3A_137 = arith.muli %arg1, %mul3A_136 : i32
    %add3A_138 = arith.constant 0 : i32
    %add3A_139 = arith.addi %mul3A_137, %add3A_138 : i32
    %dma_wait3A = arith.constant 0 : i32
    %dma_wait3A_140 = tpu.memref_slice %arg6[%add3A_139, %dma_wait3A] : memref<10240x128xf32, #tpu.memory_space<vmem_shared>> -> memref<40x128xf32, #tpu.memory_space<vmem_shared>>
    %dma_wait3A_141 = arith.constant 0 : i32
    %dma_wait3A_142 = tpu.memref_slice %arg6[%add3A_139, %dma_wait3A_141] : memref<10240x128xf32, #tpu.memory_space<vmem_shared>> -> memref<40x128xf32, #tpu.memory_space<vmem_shared>>
    tpu.wait_dma2 semaphore(%arg33 : memref<!tpu.dma_semaphore, #tpu.memory_space<semaphore_mem>>) src(%arg13 : memref<40x128xf32, #tpu.memory_space<vmem>>) dst(%dma_wait3A_142 : memref<40x128xf32, #tpu.memory_space<vmem_shared>>)
    %mul3A_143 = arith.constant 640 : i32
    %mul3A_144 = arith.muli %arg1, %mul3A_143 : i32
    %add3A_145 = arith.constant 40 : i32
    %add3A_146 = arith.addi %mul3A_144, %add3A_145 : i32
    %dma_wait3A_147 = arith.constant 0 : i32
    %dma_wait3A_148 = tpu.memref_slice %arg6[%add3A_146, %dma_wait3A_147] : memref<10240x128xf32, #tpu.memory_space<vmem_shared>> -> memref<40x128xf32, #tpu.memory_space<vmem_shared>>
    %dma_wait3A_149 = arith.constant 0 : i32
    %dma_wait3A_150 = tpu.memref_slice %arg6[%add3A_146, %dma_wait3A_149] : memref<10240x128xf32, #tpu.memory_space<vmem_shared>> -> memref<40x128xf32, #tpu.memory_space<vmem_shared>>
    tpu.wait_dma2 semaphore(%arg33 : memref<!tpu.dma_semaphore, #tpu.memory_space<semaphore_mem>>) src(%arg13 : memref<40x128xf32, #tpu.memory_space<vmem>>) dst(%dma_wait3A_150 : memref<40x128xf32, #tpu.memory_space<vmem_shared>>)
    %mul3A_151 = arith.constant 640 : i32
    %mul3A_152 = arith.muli %arg1, %mul3A_151 : i32
    %add3A_153 = arith.constant 80 : i32
    %add3A_154 = arith.addi %mul3A_152, %add3A_153 : i32
    %dma_wait3A_155 = arith.constant 0 : i32
    %dma_wait3A_156 = tpu.memref_slice %arg6[%add3A_154, %dma_wait3A_155] : memref<10240x128xf32, #tpu.memory_space<vmem_shared>> -> memref<40x128xf32, #tpu.memory_space<vmem_shared>>
    %dma_wait3A_157 = arith.constant 0 : i32
    %dma_wait3A_158 = tpu.memref_slice %arg6[%add3A_154, %dma_wait3A_157] : memref<10240x128xf32, #tpu.memory_space<vmem_shared>> -> memref<40x128xf32, #tpu.memory_space<vmem_shared>>
    tpu.wait_dma2 semaphore(%arg33 : memref<!tpu.dma_semaphore, #tpu.memory_space<semaphore_mem>>) src(%arg13 : memref<40x128xf32, #tpu.memory_space<vmem>>) dst(%dma_wait3A_158 : memref<40x128xf32, #tpu.memory_space<vmem_shared>>)
    %mul3A_159 = arith.constant 640 : i32
    %mul3A_160 = arith.muli %arg1, %mul3A_159 : i32
    %add3A_161 = arith.constant 120 : i32
    %add3A_162 = arith.addi %mul3A_160, %add3A_161 : i32
    %dma_wait3A_163 = arith.constant 0 : i32
    %dma_wait3A_164 = tpu.memref_slice %arg6[%add3A_162, %dma_wait3A_163] : memref<10240x128xf32, #tpu.memory_space<vmem_shared>> -> memref<40x128xf32, #tpu.memory_space<vmem_shared>>
    %dma_wait3A_165 = arith.constant 0 : i32
    %dma_wait3A_166 = tpu.memref_slice %arg6[%add3A_162, %dma_wait3A_165] : memref<10240x128xf32, #tpu.memory_space<vmem_shared>> -> memref<40x128xf32, #tpu.memory_space<vmem_shared>>
    tpu.wait_dma2 semaphore(%arg33 : memref<!tpu.dma_semaphore, #tpu.memory_space<semaphore_mem>>) src(%arg13 : memref<40x128xf32, #tpu.memory_space<vmem>>) dst(%dma_wait3A_166 : memref<40x128xf32, #tpu.memory_space<vmem_shared>>)
    %mul3A_167 = arith.constant 640 : i32
    %mul3A_168 = arith.muli %arg1, %mul3A_167 : i32
    %add3A_169 = arith.constant 160 : i32
    %add3A_170 = arith.addi %mul3A_168, %add3A_169 : i32
    %dma_wait3A_171 = arith.constant 0 : i32
    %dma_wait3A_172 = tpu.memref_slice %arg6[%add3A_170, %dma_wait3A_171] : memref<10240x128xf32, #tpu.memory_space<vmem_shared>> -> memref<40x128xf32, #tpu.memory_space<vmem_shared>>
    %dma_wait3A_173 = arith.constant 0 : i32
    %dma_wait3A_174 = tpu.memref_slice %arg6[%add3A_170, %dma_wait3A_173] : memref<10240x128xf32, #tpu.memory_space<vmem_shared>> -> memref<40x128xf32, #tpu.memory_space<vmem_shared>>
    tpu.wait_dma2 semaphore(%arg33 : memref<!tpu.dma_semaphore, #tpu.memory_space<semaphore_mem>>) src(%arg13 : memref<40x128xf32, #tpu.memory_space<vmem>>) dst(%dma_wait3A_174 : memref<40x128xf32, #tpu.memory_space<vmem_shared>>)
    %mul3A_175 = arith.constant 640 : i32
    %mul3A_176 = arith.muli %arg1, %mul3A_175 : i32
    %add3A_177 = arith.constant 200 : i32
    %add3A_178 = arith.addi %mul3A_176, %add3A_177 : i32
    %dma_wait3A_179 = arith.constant 0 : i32
    %dma_wait3A_180 = tpu.memref_slice %arg6[%add3A_178, %dma_wait3A_179] : memref<10240x128xf32, #tpu.memory_space<vmem_shared>> -> memref<40x128xf32, #tpu.memory_space<vmem_shared>>
    %dma_wait3A_181 = arith.constant 0 : i32
    %dma_wait3A_182 = tpu.memref_slice %arg6[%add3A_178, %dma_wait3A_181] : memref<10240x128xf32, #tpu.memory_space<vmem_shared>> -> memref<40x128xf32, #tpu.memory_space<vmem_shared>>
    tpu.wait_dma2 semaphore(%arg33 : memref<!tpu.dma_semaphore, #tpu.memory_space<semaphore_mem>>) src(%arg13 : memref<40x128xf32, #tpu.memory_space<vmem>>) dst(%dma_wait3A_182 : memref<40x128xf32, #tpu.memory_space<vmem_shared>>)
    %mul3A_183 = arith.constant 640 : i32
    %mul3A_184 = arith.muli %arg1, %mul3A_183 : i32
    %add3A_185 = arith.constant 240 : i32
    %add3A_186 = arith.addi %mul3A_184, %add3A_185 : i32
    %dma_wait3A_187 = arith.constant 0 : i32
    %dma_wait3A_188 = tpu.memref_slice %arg6[%add3A_186, %dma_wait3A_187] : memref<10240x128xf32, #tpu.memory_space<vmem_shared>> -> memref<40x128xf32, #tpu.memory_space<vmem_shared>>
    %dma_wait3A_189 = arith.constant 0 : i32
    %dma_wait3A_190 = tpu.memref_slice %arg6[%add3A_186, %dma_wait3A_189] : memref<10240x128xf32, #tpu.memory_space<vmem_shared>> -> memref<40x128xf32, #tpu.memory_space<vmem_shared>>
    tpu.wait_dma2 semaphore(%arg33 : memref<!tpu.dma_semaphore, #tpu.memory_space<semaphore_mem>>) src(%arg13 : memref<40x128xf32, #tpu.memory_space<vmem>>) dst(%dma_wait3A_190 : memref<40x128xf32, #tpu.memory_space<vmem_shared>>)
    %mul3A_191 = arith.constant 640 : i32
    %mul3A_192 = arith.muli %arg1, %mul3A_191 : i32
    %add3A_193 = arith.constant 280 : i32
    %add3A_194 = arith.addi %mul3A_192, %add3A_193 : i32
    %dma_wait3A_195 = arith.constant 0 : i32
    %dma_wait3A_196 = tpu.memref_slice %arg6[%add3A_194, %dma_wait3A_195] : memref<10240x128xf32, #tpu.memory_space<vmem_shared>> -> memref<40x128xf32, #tpu.memory_space<vmem_shared>>
    %dma_wait3A_197 = arith.constant 0 : i32
    %dma_wait3A_198 = tpu.memref_slice %arg6[%add3A_194, %dma_wait3A_197] : memref<10240x128xf32, #tpu.memory_space<vmem_shared>> -> memref<40x128xf32, #tpu.memory_space<vmem_shared>>
    tpu.wait_dma2 semaphore(%arg33 : memref<!tpu.dma_semaphore, #tpu.memory_space<semaphore_mem>>) src(%arg13 : memref<40x128xf32, #tpu.memory_space<vmem>>) dst(%dma_wait3A_198 : memref<40x128xf32, #tpu.memory_space<vmem_shared>>)
    %mul3A_199 = arith.constant 640 : i32
    %mul3A_200 = arith.muli %arg1, %mul3A_199 : i32
    %add3A_201 = arith.constant 320 : i32
    %add3A_202 = arith.addi %mul3A_200, %add3A_201 : i32
    %dma_wait3A_203 = arith.constant 0 : i32
    %dma_wait3A_204 = tpu.memref_slice %arg6[%add3A_202, %dma_wait3A_203] : memref<10240x128xf32, #tpu.memory_space<vmem_shared>> -> memref<40x128xf32, #tpu.memory_space<vmem_shared>>
    %dma_wait3A_205 = arith.constant 0 : i32
    %dma_wait3A_206 = tpu.memref_slice %arg6[%add3A_202, %dma_wait3A_205] : memref<10240x128xf32, #tpu.memory_space<vmem_shared>> -> memref<40x128xf32, #tpu.memory_space<vmem_shared>>
    tpu.wait_dma2 semaphore(%arg33 : memref<!tpu.dma_semaphore, #tpu.memory_space<semaphore_mem>>) src(%arg13 : memref<40x128xf32, #tpu.memory_space<vmem>>) dst(%dma_wait3A_206 : memref<40x128xf32, #tpu.memory_space<vmem_shared>>)
    %mul3A_207 = arith.constant 640 : i32
    %mul3A_208 = arith.muli %arg1, %mul3A_207 : i32
    %add3A_209 = arith.constant 360 : i32
    %add3A_210 = arith.addi %mul3A_208, %add3A_209 : i32
    %dma_wait3A_211 = arith.constant 0 : i32
    %dma_wait3A_212 = tpu.memref_slice %arg6[%add3A_210, %dma_wait3A_211] : memref<10240x128xf32, #tpu.memory_space<vmem_shared>> -> memref<40x128xf32, #tpu.memory_space<vmem_shared>>
    %dma_wait3A_213 = arith.constant 0 : i32
    %dma_wait3A_214 = tpu.memref_slice %arg6[%add3A_210, %dma_wait3A_213] : memref<10240x128xf32, #tpu.memory_space<vmem_shared>> -> memref<40x128xf32, #tpu.memory_space<vmem_shared>>
    tpu.wait_dma2 semaphore(%arg33 : memref<!tpu.dma_semaphore, #tpu.memory_space<semaphore_mem>>) src(%arg13 : memref<40x128xf32, #tpu.memory_space<vmem>>) dst(%dma_wait3A_214 : memref<40x128xf32, #tpu.memory_space<vmem_shared>>)
    %mul3A_215 = arith.constant 640 : i32
    %mul3A_216 = arith.muli %arg1, %mul3A_215 : i32
    %add3A_217 = arith.constant 400 : i32
    %add3A_218 = arith.addi %mul3A_216, %add3A_217 : i32
    %dma_wait3A_219 = arith.constant 0 : i32
    %dma_wait3A_220 = tpu.memref_slice %arg6[%add3A_218, %dma_wait3A_219] : memref<10240x128xf32, #tpu.memory_space<vmem_shared>> -> memref<40x128xf32, #tpu.memory_space<vmem_shared>>
    %dma_wait3A_221 = arith.constant 0 : i32
    %dma_wait3A_222 = tpu.memref_slice %arg6[%add3A_218, %dma_wait3A_221] : memref<10240x128xf32, #tpu.memory_space<vmem_shared>> -> memref<40x128xf32, #tpu.memory_space<vmem_shared>>
    tpu.wait_dma2 semaphore(%arg33 : memref<!tpu.dma_semaphore, #tpu.memory_space<semaphore_mem>>) src(%arg13 : memref<40x128xf32, #tpu.memory_space<vmem>>) dst(%dma_wait3A_222 : memref<40x128xf32, #tpu.memory_space<vmem_shared>>)
    %mul3A_223 = arith.constant 640 : i32
    %mul3A_224 = arith.muli %arg1, %mul3A_223 : i32
    %add3A_225 = arith.constant 440 : i32
    %add3A_226 = arith.addi %mul3A_224, %add3A_225 : i32
    %dma_wait3A_227 = arith.constant 0 : i32
    %dma_wait3A_228 = tpu.memref_slice %arg6[%add3A_226, %dma_wait3A_227] : memref<10240x128xf32, #tpu.memory_space<vmem_shared>> -> memref<40x128xf32, #tpu.memory_space<vmem_shared>>
    %dma_wait3A_229 = arith.constant 0 : i32
    %dma_wait3A_230 = tpu.memref_slice %arg6[%add3A_226, %dma_wait3A_229] : memref<10240x128xf32, #tpu.memory_space<vmem_shared>> -> memref<40x128xf32, #tpu.memory_space<vmem_shared>>
    tpu.wait_dma2 semaphore(%arg33 : memref<!tpu.dma_semaphore, #tpu.memory_space<semaphore_mem>>) src(%arg13 : memref<40x128xf32, #tpu.memory_space<vmem>>) dst(%dma_wait3A_230 : memref<40x128xf32, #tpu.memory_space<vmem_shared>>)
    %mul3A_231 = arith.constant 640 : i32
    %mul3A_232 = arith.muli %arg1, %mul3A_231 : i32
    %add3A_233 = arith.constant 480 : i32
    %add3A_234 = arith.addi %mul3A_232, %add3A_233 : i32
    %dma_wait3A_235 = arith.constant 0 : i32
    %dma_wait3A_236 = tpu.memref_slice %arg6[%add3A_234, %dma_wait3A_235] : memref<10240x128xf32, #tpu.memory_space<vmem_shared>> -> memref<40x128xf32, #tpu.memory_space<vmem_shared>>
    %dma_wait3A_237 = arith.constant 0 : i32
    %dma_wait3A_238 = tpu.memref_slice %arg6[%add3A_234, %dma_wait3A_237] : memref<10240x128xf32, #tpu.memory_space<vmem_shared>> -> memref<40x128xf32, #tpu.memory_space<vmem_shared>>
    tpu.wait_dma2 semaphore(%arg33 : memref<!tpu.dma_semaphore, #tpu.memory_space<semaphore_mem>>) src(%arg13 : memref<40x128xf32, #tpu.memory_space<vmem>>) dst(%dma_wait3A_238 : memref<40x128xf32, #tpu.memory_space<vmem_shared>>)
    %mul3A_239 = arith.constant 640 : i32
    %mul3A_240 = arith.muli %arg1, %mul3A_239 : i32
    %add3A_241 = arith.constant 520 : i32
    %add3A_242 = arith.addi %mul3A_240, %add3A_241 : i32
    %dma_wait3A_243 = arith.constant 0 : i32
    %dma_wait3A_244 = tpu.memref_slice %arg6[%add3A_242, %dma_wait3A_243] : memref<10240x128xf32, #tpu.memory_space<vmem_shared>> -> memref<40x128xf32, #tpu.memory_space<vmem_shared>>
    %dma_wait3A_245 = arith.constant 0 : i32
    %dma_wait3A_246 = tpu.memref_slice %arg6[%add3A_242, %dma_wait3A_245] : memref<10240x128xf32, #tpu.memory_space<vmem_shared>> -> memref<40x128xf32, #tpu.memory_space<vmem_shared>>
    tpu.wait_dma2 semaphore(%arg33 : memref<!tpu.dma_semaphore, #tpu.memory_space<semaphore_mem>>) src(%arg13 : memref<40x128xf32, #tpu.memory_space<vmem>>) dst(%dma_wait3A_246 : memref<40x128xf32, #tpu.memory_space<vmem_shared>>)
    %mul3A_247 = arith.constant 640 : i32
    %mul3A_248 = arith.muli %arg1, %mul3A_247 : i32
    %add3A_249 = arith.constant 560 : i32
    %add3A_250 = arith.addi %mul3A_248, %add3A_249 : i32
    %dma_wait3A_251 = arith.constant 0 : i32
    %dma_wait3A_252 = tpu.memref_slice %arg6[%add3A_250, %dma_wait3A_251] : memref<10240x128xf32, #tpu.memory_space<vmem_shared>> -> memref<40x128xf32, #tpu.memory_space<vmem_shared>>
    %dma_wait3A_253 = arith.constant 0 : i32
    %dma_wait3A_254 = tpu.memref_slice %arg6[%add3A_250, %dma_wait3A_253] : memref<10240x128xf32, #tpu.memory_space<vmem_shared>> -> memref<40x128xf32, #tpu.memory_space<vmem_shared>>
    tpu.wait_dma2 semaphore(%arg33 : memref<!tpu.dma_semaphore, #tpu.memory_space<semaphore_mem>>) src(%arg13 : memref<40x128xf32, #tpu.memory_space<vmem>>) dst(%dma_wait3A_254 : memref<40x128xf32, #tpu.memory_space<vmem_shared>>)
    %mul3A_255 = arith.constant 640 : i32
    %mul3A_256 = arith.muli %arg1, %mul3A_255 : i32
    %add3A_257 = arith.constant 600 : i32
    %add3A_258 = arith.addi %mul3A_256, %add3A_257 : i32
    %dma_wait3A_259 = arith.constant 0 : i32
    %dma_wait3A_260 = tpu.memref_slice %arg6[%add3A_258, %dma_wait3A_259] : memref<10240x128xf32, #tpu.memory_space<vmem_shared>> -> memref<40x128xf32, #tpu.memory_space<vmem_shared>>
    %dma_wait3A_261 = arith.constant 0 : i32
    %dma_wait3A_262 = tpu.memref_slice %arg6[%add3A_258, %dma_wait3A_261] : memref<10240x128xf32, #tpu.memory_space<vmem_shared>> -> memref<40x128xf32, #tpu.memory_space<vmem_shared>>
    tpu.wait_dma2 semaphore(%arg33 : memref<!tpu.dma_semaphore, #tpu.memory_space<semaphore_mem>>) src(%arg13 : memref<40x128xf32, #tpu.memory_space<vmem>>) dst(%dma_wait3A_262 : memref<40x128xf32, #tpu.memory_space<vmem_shared>>)
    %barrier3A = arith.constant 0 : index
    tpu.barrier barrier_id(%barrier3A)
    %add3A_263 = arith.constant 0 : i32
    %add3A_264 = arith.addi %mul3A_2, %add3A_263 : i32
    %dma_start3A_265 = tpu.memref_slice %arg4[%add3A_264] : memref<320000xi32, #tpu.memory_space<hbm>> -> memref<40xi32, #tpu.memory_space<hbm>>
    %dma_start3A_266 = tpu.memref_slice %arg4[%add3A_264] : memref<320000xi32, #tpu.memory_space<hbm>> -> memref<40xi32, #tpu.memory_space<hbm>>
    tpu.enqueue_dma source(%dma_start3A_266 : memref<40xi32, #tpu.memory_space<hbm>>) target(%arg8 : memref<40xi32, #tpu.memory_space<vmem>>) target_semaphore(%arg28 : memref<!tpu.dma_semaphore, #tpu.memory_space<semaphore_mem>>)
    %dma_start3A_267 = arith.constant 0 : i32
    %dma_start3A_268 = tpu.memref_slice %arg7[%dma_start3A_267] : memref<10000xi32, #tpu.memory_space<vmem>> -> memref<40xi32, #tpu.memory_space<vmem>>
    %dma_start3A_269 = arith.constant 0 : i32
    %dma_start3A_270 = arith.constant 0 : i32
    %dma_start3A_271 = tpu.memref_slice %arg2[%dma_start3A_269, %dma_start3A_270] : memref<10240x128xf32, #tpu.memory_space<hbm>> -> memref<10240x128xf32, #tpu.memory_space<hbm>>
    tpu.enqueue_indirect_dma source(%dma_start3A_271 : memref<10240x128xf32, #tpu.memory_space<hbm>>) target(%arg13 : memref<40x128xf32, #tpu.memory_space<vmem>>) offsets(%dma_start3A_268 : memref<40xi32, #tpu.memory_space<vmem>>) semaphore(%arg18 : memref<!tpu.dma_semaphore, #tpu.memory_space<semaphore_mem>>)
    %add3A_272 = arith.constant 40 : i32
    %add3A_273 = arith.addi %mul3A_2, %add3A_272 : i32
    %dma_start3A_274 = tpu.memref_slice %arg4[%add3A_273] : memref<320000xi32, #tpu.memory_space<hbm>> -> memref<40xi32, #tpu.memory_space<hbm>>
    %dma_start3A_275 = tpu.memref_slice %arg4[%add3A_273] : memref<320000xi32, #tpu.memory_space<hbm>> -> memref<40xi32, #tpu.memory_space<hbm>>
    tpu.enqueue_dma source(%dma_start3A_275 : memref<40xi32, #tpu.memory_space<hbm>>) target(%arg9 : memref<40xi32, #tpu.memory_space<vmem>>) target_semaphore(%arg29 : memref<!tpu.dma_semaphore, #tpu.memory_space<semaphore_mem>>)
    %dma_start3A_276 = arith.constant 40 : i32
    %dma_start3A_277 = tpu.memref_slice %arg7[%dma_start3A_276] : memref<10000xi32, #tpu.memory_space<vmem>> -> memref<40xi32, #tpu.memory_space<vmem>>
    %dma_start3A_278 = arith.constant 0 : i32
    %dma_start3A_279 = arith.constant 0 : i32
    %dma_start3A_280 = tpu.memref_slice %arg2[%dma_start3A_278, %dma_start3A_279] : memref<10240x128xf32, #tpu.memory_space<hbm>> -> memref<10240x128xf32, #tpu.memory_space<hbm>>
    tpu.enqueue_indirect_dma source(%dma_start3A_280 : memref<10240x128xf32, #tpu.memory_space<hbm>>) target(%arg14 : memref<40x128xf32, #tpu.memory_space<vmem>>) offsets(%dma_start3A_277 : memref<40xi32, #tpu.memory_space<vmem>>) semaphore(%arg19 : memref<!tpu.dma_semaphore, #tpu.memory_space<semaphore_mem>>)
    %add3A_281 = arith.constant 80 : i32
    %add3A_282 = arith.addi %mul3A_2, %add3A_281 : i32
    %dma_start3A_283 = tpu.memref_slice %arg4[%add3A_282] : memref<320000xi32, #tpu.memory_space<hbm>> -> memref<40xi32, #tpu.memory_space<hbm>>
    %dma_start3A_284 = tpu.memref_slice %arg4[%add3A_282] : memref<320000xi32, #tpu.memory_space<hbm>> -> memref<40xi32, #tpu.memory_space<hbm>>
    tpu.enqueue_dma source(%dma_start3A_284 : memref<40xi32, #tpu.memory_space<hbm>>) target(%arg10 : memref<40xi32, #tpu.memory_space<vmem>>) target_semaphore(%arg30 : memref<!tpu.dma_semaphore, #tpu.memory_space<semaphore_mem>>)
    %dma_start3A_285 = arith.constant 80 : i32
    %dma_start3A_286 = tpu.memref_slice %arg7[%dma_start3A_285] : memref<10000xi32, #tpu.memory_space<vmem>> -> memref<40xi32, #tpu.memory_space<vmem>>
    %dma_start3A_287 = arith.constant 0 : i32
    %dma_start3A_288 = arith.constant 0 : i32
    %dma_start3A_289 = tpu.memref_slice %arg2[%dma_start3A_287, %dma_start3A_288] : memref<10240x128xf32, #tpu.memory_space<hbm>> -> memref<10240x128xf32, #tpu.memory_space<hbm>>
    tpu.enqueue_indirect_dma source(%dma_start3A_289 : memref<10240x128xf32, #tpu.memory_space<hbm>>) target(%arg15 : memref<40x128xf32, #tpu.memory_space<vmem>>) offsets(%dma_start3A_286 : memref<40xi32, #tpu.memory_space<vmem>>) semaphore(%arg20 : memref<!tpu.dma_semaphore, #tpu.memory_space<semaphore_mem>>)
    %add3A_290 = arith.constant 120 : i32
    %add3A_291 = arith.addi %mul3A_2, %add3A_290 : i32
    %dma_start3A_292 = tpu.memref_slice %arg4[%add3A_291] : memref<320000xi32, #tpu.memory_space<hbm>> -> memref<40xi32, #tpu.memory_space<hbm>>
    %dma_start3A_293 = tpu.memref_slice %arg4[%add3A_291] : memref<320000xi32, #tpu.memory_space<hbm>> -> memref<40xi32, #tpu.memory_space<hbm>>
    tpu.enqueue_dma source(%dma_start3A_293 : memref<40xi32, #tpu.memory_space<hbm>>) target(%arg11 : memref<40xi32, #tpu.memory_space<vmem>>) target_semaphore(%arg31 : memref<!tpu.dma_semaphore, #tpu.memory_space<semaphore_mem>>)
    %dma_start3A_294 = arith.constant 120 : i32
    %dma_start3A_295 = tpu.memref_slice %arg7[%dma_start3A_294] : memref<10000xi32, #tpu.memory_space<vmem>> -> memref<40xi32, #tpu.memory_space<vmem>>
    %dma_start3A_296 = arith.constant 0 : i32
    %dma_start3A_297 = arith.constant 0 : i32
    %dma_start3A_298 = tpu.memref_slice %arg2[%dma_start3A_296, %dma_start3A_297] : memref<10240x128xf32, #tpu.memory_space<hbm>> -> memref<10240x128xf32, #tpu.memory_space<hbm>>
    tpu.enqueue_indirect_dma source(%dma_start3A_298 : memref<10240x128xf32, #tpu.memory_space<hbm>>) target(%arg16 : memref<40x128xf32, #tpu.memory_space<vmem>>) offsets(%dma_start3A_295 : memref<40xi32, #tpu.memory_space<vmem>>) semaphore(%arg21 : memref<!tpu.dma_semaphore, #tpu.memory_space<semaphore_mem>>)
    %scan3A_299 = arith.constant 0 : i32
    %scan3A_300 = arith.constant 0 : i32
    %scan3A_301 = arith.constant 50 : i32
    %scan3A_302 = arith.addi %scan3A_300, %scan3A_301 : i32
    %scan3A_303 = arith.constant 1 : i32
    scf.for %scan3A_323 = %scan3A_300 to %scan3A_302 step %scan3A_303  : i32 {
      %mul3A_324 = arith.constant 5 : i32
      %mul3A_325 = arith.muli %scan3A_323, %mul3A_324 : i32
      %add3A_326 = arith.constant 0 : i32
      %add3A_327 = arith.addi %mul3A_325, %add3A_326 : i32
      %mul3A_328 = arith.constant 40 : i32
      %mul3A_329 = arith.muli %add3A_327, %mul3A_328 : i32
      %dma_wait3A_330 = tpu.memref_slice %arg7[%mul3A_329] : memref<10000xi32, #tpu.memory_space<vmem>> -> memref<40xi32, #tpu.memory_space<vmem>>
      %dma_wait3A_331 = arith.constant 0 : i32
      %dma_wait3A_332 = arith.constant 0 : i32
      %dma_wait3A_333 = tpu.memref_slice %arg2[%dma_wait3A_331, %dma_wait3A_332] : memref<10240x128xf32, #tpu.memory_space<hbm>> -> memref<10240x128xf32, #tpu.memory_space<hbm>>
      tpu.wait_indirect_dma semaphore(%arg18 : memref<!tpu.dma_semaphore, #tpu.memory_space<semaphore_mem>>) src(%dma_wait3A_333 : memref<10240x128xf32, #tpu.memory_space<hbm>>) dst(%arg13 : memref<40x128xf32, #tpu.memory_space<vmem>>)
      %mul3A_334 = arith.constant 40 : i32
      %mul3A_335 = arith.muli %add3A_327, %mul3A_334 : i32
      %add3A_336 = arith.addi %mul3A_2, %mul3A_335 : i32
      %dma_wait3A_337 = tpu.memref_slice %arg4[%add3A_336] : memref<320000xi32, #tpu.memory_space<hbm>> -> memref<40xi32, #tpu.memory_space<hbm>>
      %dma_wait3A_338 = tpu.memref_slice %arg4[%add3A_336] : memref<320000xi32, #tpu.memory_space<hbm>> -> memref<40xi32, #tpu.memory_space<hbm>>
      tpu.wait_dma2 semaphore(%arg28 : memref<!tpu.dma_semaphore, #tpu.memory_space<semaphore_mem>>) src(%dma_wait3A_338 : memref<40xi32, #tpu.memory_space<hbm>>) dst(%arg8 : memref<40xi32, #tpu.memory_space<vmem>>)
      %dma_start3A_339 = arith.constant 0 : i32
      %dma_start3A_340 = arith.constant 0 : i32
      %dma_start3A_341 = tpu.memref_slice %arg6[%dma_start3A_339, %dma_start3A_340] : memref<10240x128xf32, #tpu.memory_space<vmem_shared>> -> memref<10240x128xf32, #tpu.memory_space<vmem_shared>>
      tpu.enqueue_indirect_dma source(%arg13 : memref<40x128xf32, #tpu.memory_space<vmem>>) target(%dma_start3A_341 : memref<10240x128xf32, #tpu.memory_space<vmem_shared>>) offsets(%arg8 : memref<40xi32, #tpu.memory_space<vmem>>) semaphore(%arg23 : memref<!tpu.dma_semaphore, #tpu.memory_space<semaphore_mem>>) {add = true}
      %add3A_342 = arith.constant 5 : i32
      %add3A_343 = arith.addi %add3A_327, %add3A_342 : i32
      %sub3A = arith.constant 1 : i32
      %sub3A_344 = arith.subi %add3A_343, %sub3A : i32
      %lt3A = arith.constant 250 : i32
      %lt3A_345 = arith.cmpi slt, %sub3A_344, %lt3A : i32
      %convert_element_type3A = arith.extui %lt3A_345 : i1 to i32
      %cond3A = arith.constant 0 : i32
      %cond3A_346 = arith.cmpi ne, %convert_element_type3A, %cond3A : i32
      scf.if %cond3A_346 {
        %ge3A = arith.constant 1 : i32
        %ge3A_455 = arith.cmpi sge, %scan3A_323, %ge3A : i32
        %convert_element_type3A_456 = arith.extui %ge3A_455 : i1 to i32
        %cond3A_457 = arith.constant 0 : i32
        %cond3A_458 = arith.cmpi ne, %convert_element_type3A_456, %cond3A_457 : i32
        scf.if %cond3A_458 {
          %dma_wait3A_474 = arith.constant 0 : i32
          %dma_wait3A_475 = arith.constant 0 : i32
          %dma_wait3A_476 = tpu.memref_slice %arg6[%dma_wait3A_474, %dma_wait3A_475] : memref<10240x128xf32, #tpu.memory_space<vmem_shared>> -> memref<10240x128xf32, #tpu.memory_space<vmem_shared>>
          tpu.wait_indirect_dma semaphore(%arg27 : memref<!tpu.dma_semaphore, #tpu.memory_space<semaphore_mem>>) src(%arg17 : memref<40x128xf32, #tpu.memory_space<vmem>>) dst(%dma_wait3A_476 : memref<10240x128xf32, #tpu.memory_space<vmem_shared>>)
        } else {
        }
        %add3A_459 = arith.constant 5 : i32
        %add3A_460 = arith.addi %add3A_327, %add3A_459 : i32
        %sub3A_461 = arith.constant 1 : i32
        %sub3A_462 = arith.subi %add3A_460, %sub3A_461 : i32
        %mul3A_463 = arith.constant 40 : i32
        %mul3A_464 = arith.muli %sub3A_462, %mul3A_463 : i32
        %add3A_465 = arith.addi %mul3A_2, %mul3A_464 : i32
        %dma_start3A_466 = tpu.memref_slice %arg4[%add3A_465] : memref<320000xi32, #tpu.memory_space<hbm>> -> memref<40xi32, #tpu.memory_space<hbm>>
        %dma_start3A_467 = tpu.memref_slice %arg4[%add3A_465] : memref<320000xi32, #tpu.memory_space<hbm>> -> memref<40xi32, #tpu.memory_space<hbm>>
        tpu.enqueue_dma source(%dma_start3A_467 : memref<40xi32, #tpu.memory_space<hbm>>) target(%arg12 : memref<40xi32, #tpu.memory_space<vmem>>) target_semaphore(%arg32 : memref<!tpu.dma_semaphore, #tpu.memory_space<semaphore_mem>>)
        %mul3A_468 = arith.constant 40 : i32
        %mul3A_469 = arith.muli %sub3A_462, %mul3A_468 : i32
        %dma_start3A_470 = tpu.memref_slice %arg7[%mul3A_469] : memref<10000xi32, #tpu.memory_space<vmem>> -> memref<40xi32, #tpu.memory_space<vmem>>
        %dma_start3A_471 = arith.constant 0 : i32
        %dma_start3A_472 = arith.constant 0 : i32
        %dma_start3A_473 = tpu.memref_slice %arg2[%dma_start3A_471, %dma_start3A_472] : memref<10240x128xf32, #tpu.memory_space<hbm>> -> memref<10240x128xf32, #tpu.memory_space<hbm>>
        tpu.enqueue_indirect_dma source(%dma_start3A_473 : memref<10240x128xf32, #tpu.memory_space<hbm>>) target(%arg17 : memref<40x128xf32, #tpu.memory_space<vmem>>) offsets(%dma_start3A_470 : memref<40xi32, #tpu.memory_space<vmem>>) semaphore(%arg22 : memref<!tpu.dma_semaphore, #tpu.memory_space<semaphore_mem>>)
      } else {
      }
      %mul3A_347 = arith.constant 5 : i32
      %mul3A_348 = arith.muli %scan3A_323, %mul3A_347 : i32
      %add3A_349 = arith.constant 1 : i32
      %add3A_350 = arith.addi %mul3A_348, %add3A_349 : i32
      %mul3A_351 = arith.constant 40 : i32
      %mul3A_352 = arith.muli %add3A_350, %mul3A_351 : i32
      %dma_wait3A_353 = tpu.memref_slice %arg7[%mul3A_352] : memref<10000xi32, #tpu.memory_space<vmem>> -> memref<40xi32, #tpu.memory_space<vmem>>
      %dma_wait3A_354 = arith.constant 0 : i32
      %dma_wait3A_355 = arith.constant 0 : i32
      %dma_wait3A_356 = tpu.memref_slice %arg2[%dma_wait3A_354, %dma_wait3A_355] : memref<10240x128xf32, #tpu.memory_space<hbm>> -> memref<10240x128xf32, #tpu.memory_space<hbm>>
      tpu.wait_indirect_dma semaphore(%arg19 : memref<!tpu.dma_semaphore, #tpu.memory_space<semaphore_mem>>) src(%dma_wait3A_356 : memref<10240x128xf32, #tpu.memory_space<hbm>>) dst(%arg14 : memref<40x128xf32, #tpu.memory_space<vmem>>)
      %mul3A_357 = arith.constant 40 : i32
      %mul3A_358 = arith.muli %add3A_350, %mul3A_357 : i32
      %add3A_359 = arith.addi %mul3A_2, %mul3A_358 : i32
      %dma_wait3A_360 = tpu.memref_slice %arg4[%add3A_359] : memref<320000xi32, #tpu.memory_space<hbm>> -> memref<40xi32, #tpu.memory_space<hbm>>
      %dma_wait3A_361 = tpu.memref_slice %arg4[%add3A_359] : memref<320000xi32, #tpu.memory_space<hbm>> -> memref<40xi32, #tpu.memory_space<hbm>>
      tpu.wait_dma2 semaphore(%arg29 : memref<!tpu.dma_semaphore, #tpu.memory_space<semaphore_mem>>) src(%dma_wait3A_361 : memref<40xi32, #tpu.memory_space<hbm>>) dst(%arg9 : memref<40xi32, #tpu.memory_space<vmem>>)
      %dma_start3A_362 = arith.constant 0 : i32
      %dma_start3A_363 = arith.constant 0 : i32
      %dma_start3A_364 = tpu.memref_slice %arg6[%dma_start3A_362, %dma_start3A_363] : memref<10240x128xf32, #tpu.memory_space<vmem_shared>> -> memref<10240x128xf32, #tpu.memory_space<vmem_shared>>
      tpu.enqueue_indirect_dma source(%arg14 : memref<40x128xf32, #tpu.memory_space<vmem>>) target(%dma_start3A_364 : memref<10240x128xf32, #tpu.memory_space<vmem_shared>>) offsets(%arg9 : memref<40xi32, #tpu.memory_space<vmem>>) semaphore(%arg24 : memref<!tpu.dma_semaphore, #tpu.memory_space<semaphore_mem>>) {add = true}
      %add3A_365 = arith.constant 5 : i32
      %add3A_366 = arith.addi %add3A_350, %add3A_365 : i32
      %sub3A_367 = arith.constant 1 : i32
      %sub3A_368 = arith.subi %add3A_366, %sub3A_367 : i32
      %lt3A_369 = arith.constant 250 : i32
      %lt3A_370 = arith.cmpi slt, %sub3A_368, %lt3A_369 : i32
      %convert_element_type3A_371 = arith.extui %lt3A_370 : i1 to i32
      %cond3A_372 = arith.constant 0 : i32
      %cond3A_373 = arith.cmpi ne, %convert_element_type3A_371, %cond3A_372 : i32
      scf.if %cond3A_373 {
        %dma_wait3A_455 = arith.constant 0 : i32
        %dma_wait3A_456 = arith.constant 0 : i32
        %dma_wait3A_457 = tpu.memref_slice %arg6[%dma_wait3A_455, %dma_wait3A_456] : memref<10240x128xf32, #tpu.memory_space<vmem_shared>> -> memref<10240x128xf32, #tpu.memory_space<vmem_shared>>
        tpu.wait_indirect_dma semaphore(%arg23 : memref<!tpu.dma_semaphore, #tpu.memory_space<semaphore_mem>>) src(%arg13 : memref<40x128xf32, #tpu.memory_space<vmem>>) dst(%dma_wait3A_457 : memref<10240x128xf32, #tpu.memory_space<vmem_shared>>)
        %add3A_458 = arith.constant 5 : i32
        %add3A_459 = arith.addi %add3A_350, %add3A_458 : i32
        %sub3A_460 = arith.constant 1 : i32
        %sub3A_461 = arith.subi %add3A_459, %sub3A_460 : i32
        %mul3A_462 = arith.constant 40 : i32
        %mul3A_463 = arith.muli %sub3A_461, %mul3A_462 : i32
        %add3A_464 = arith.addi %mul3A_2, %mul3A_463 : i32
        %dma_start3A_465 = tpu.memref_slice %arg4[%add3A_464] : memref<320000xi32, #tpu.memory_space<hbm>> -> memref<40xi32, #tpu.memory_space<hbm>>
        %dma_start3A_466 = tpu.memref_slice %arg4[%add3A_464] : memref<320000xi32, #tpu.memory_space<hbm>> -> memref<40xi32, #tpu.memory_space<hbm>>
        tpu.enqueue_dma source(%dma_start3A_466 : memref<40xi32, #tpu.memory_space<hbm>>) target(%arg8 : memref<40xi32, #tpu.memory_space<vmem>>) target_semaphore(%arg28 : memref<!tpu.dma_semaphore, #tpu.memory_space<semaphore_mem>>)
        %mul3A_467 = arith.constant 40 : i32
        %mul3A_468 = arith.muli %sub3A_461, %mul3A_467 : i32
        %dma_start3A_469 = tpu.memref_slice %arg7[%mul3A_468] : memref<10000xi32, #tpu.memory_space<vmem>> -> memref<40xi32, #tpu.memory_space<vmem>>
        %dma_start3A_470 = arith.constant 0 : i32
        %dma_start3A_471 = arith.constant 0 : i32
        %dma_start3A_472 = tpu.memref_slice %arg2[%dma_start3A_470, %dma_start3A_471] : memref<10240x128xf32, #tpu.memory_space<hbm>> -> memref<10240x128xf32, #tpu.memory_space<hbm>>
        tpu.enqueue_indirect_dma source(%dma_start3A_472 : memref<10240x128xf32, #tpu.memory_space<hbm>>) target(%arg13 : memref<40x128xf32, #tpu.memory_space<vmem>>) offsets(%dma_start3A_469 : memref<40xi32, #tpu.memory_space<vmem>>) semaphore(%arg18 : memref<!tpu.dma_semaphore, #tpu.memory_space<semaphore_mem>>)
      } else {
      }
      %mul3A_374 = arith.constant 5 : i32
      %mul3A_375 = arith.muli %scan3A_323, %mul3A_374 : i32
      %add3A_376 = arith.constant 2 : i32
      %add3A_377 = arith.addi %mul3A_375, %add3A_376 : i32
      %mul3A_378 = arith.constant 40 : i32
      %mul3A_379 = arith.muli %add3A_377, %mul3A_378 : i32
      %dma_wait3A_380 = tpu.memref_slice %arg7[%mul3A_379] : memref<10000xi32, #tpu.memory_space<vmem>> -> memref<40xi32, #tpu.memory_space<vmem>>
      %dma_wait3A_381 = arith.constant 0 : i32
      %dma_wait3A_382 = arith.constant 0 : i32
      %dma_wait3A_383 = tpu.memref_slice %arg2[%dma_wait3A_381, %dma_wait3A_382] : memref<10240x128xf32, #tpu.memory_space<hbm>> -> memref<10240x128xf32, #tpu.memory_space<hbm>>
      tpu.wait_indirect_dma semaphore(%arg20 : memref<!tpu.dma_semaphore, #tpu.memory_space<semaphore_mem>>) src(%dma_wait3A_383 : memref<10240x128xf32, #tpu.memory_space<hbm>>) dst(%arg15 : memref<40x128xf32, #tpu.memory_space<vmem>>)
      %mul3A_384 = arith.constant 40 : i32
      %mul3A_385 = arith.muli %add3A_377, %mul3A_384 : i32
      %add3A_386 = arith.addi %mul3A_2, %mul3A_385 : i32
      %dma_wait3A_387 = tpu.memref_slice %arg4[%add3A_386] : memref<320000xi32, #tpu.memory_space<hbm>> -> memref<40xi32, #tpu.memory_space<hbm>>
      %dma_wait3A_388 = tpu.memref_slice %arg4[%add3A_386] : memref<320000xi32, #tpu.memory_space<hbm>> -> memref<40xi32, #tpu.memory_space<hbm>>
      tpu.wait_dma2 semaphore(%arg30 : memref<!tpu.dma_semaphore, #tpu.memory_space<semaphore_mem>>) src(%dma_wait3A_388 : memref<40xi32, #tpu.memory_space<hbm>>) dst(%arg10 : memref<40xi32, #tpu.memory_space<vmem>>)
      %dma_start3A_389 = arith.constant 0 : i32
      %dma_start3A_390 = arith.constant 0 : i32
      %dma_start3A_391 = tpu.memref_slice %arg6[%dma_start3A_389, %dma_start3A_390] : memref<10240x128xf32, #tpu.memory_space<vmem_shared>> -> memref<10240x128xf32, #tpu.memory_space<vmem_shared>>
      tpu.enqueue_indirect_dma source(%arg15 : memref<40x128xf32, #tpu.memory_space<vmem>>) target(%dma_start3A_391 : memref<10240x128xf32, #tpu.memory_space<vmem_shared>>) offsets(%arg10 : memref<40xi32, #tpu.memory_space<vmem>>) semaphore(%arg25 : memref<!tpu.dma_semaphore, #tpu.memory_space<semaphore_mem>>) {add = true}
      %add3A_392 = arith.constant 5 : i32
      %add3A_393 = arith.addi %add3A_377, %add3A_392 : i32
      %sub3A_394 = arith.constant 1 : i32
      %sub3A_395 = arith.subi %add3A_393, %sub3A_394 : i32
      %lt3A_396 = arith.constant 250 : i32
      %lt3A_397 = arith.cmpi slt, %sub3A_395, %lt3A_396 : i32
      %convert_element_type3A_398 = arith.extui %lt3A_397 : i1 to i32
      %cond3A_399 = arith.constant 0 : i32
      %cond3A_400 = arith.cmpi ne, %convert_element_type3A_398, %cond3A_399 : i32
      scf.if %cond3A_400 {
        %dma_wait3A_455 = arith.constant 0 : i32
        %dma_wait3A_456 = arith.constant 0 : i32
        %dma_wait3A_457 = tpu.memref_slice %arg6[%dma_wait3A_455, %dma_wait3A_456] : memref<10240x128xf32, #tpu.memory_space<vmem_shared>> -> memref<10240x128xf32, #tpu.memory_space<vmem_shared>>
        tpu.wait_indirect_dma semaphore(%arg24 : memref<!tpu.dma_semaphore, #tpu.memory_space<semaphore_mem>>) src(%arg14 : memref<40x128xf32, #tpu.memory_space<vmem>>) dst(%dma_wait3A_457 : memref<10240x128xf32, #tpu.memory_space<vmem_shared>>)
        %add3A_458 = arith.constant 5 : i32
        %add3A_459 = arith.addi %add3A_377, %add3A_458 : i32
        %sub3A_460 = arith.constant 1 : i32
        %sub3A_461 = arith.subi %add3A_459, %sub3A_460 : i32
        %mul3A_462 = arith.constant 40 : i32
        %mul3A_463 = arith.muli %sub3A_461, %mul3A_462 : i32
        %add3A_464 = arith.addi %mul3A_2, %mul3A_463 : i32
        %dma_start3A_465 = tpu.memref_slice %arg4[%add3A_464] : memref<320000xi32, #tpu.memory_space<hbm>> -> memref<40xi32, #tpu.memory_space<hbm>>
        %dma_start3A_466 = tpu.memref_slice %arg4[%add3A_464] : memref<320000xi32, #tpu.memory_space<hbm>> -> memref<40xi32, #tpu.memory_space<hbm>>
        tpu.enqueue_dma source(%dma_start3A_466 : memref<40xi32, #tpu.memory_space<hbm>>) target(%arg9 : memref<40xi32, #tpu.memory_space<vmem>>) target_semaphore(%arg29 : memref<!tpu.dma_semaphore, #tpu.memory_space<semaphore_mem>>)
        %mul3A_467 = arith.constant 40 : i32
        %mul3A_468 = arith.muli %sub3A_461, %mul3A_467 : i32
        %dma_start3A_469 = tpu.memref_slice %arg7[%mul3A_468] : memref<10000xi32, #tpu.memory_space<vmem>> -> memref<40xi32, #tpu.memory_space<vmem>>
        %dma_start3A_470 = arith.constant 0 : i32
        %dma_start3A_471 = arith.constant 0 : i32
        %dma_start3A_472 = tpu.memref_slice %arg2[%dma_start3A_470, %dma_start3A_471] : memref<10240x128xf32, #tpu.memory_space<hbm>> -> memref<10240x128xf32, #tpu.memory_space<hbm>>
        tpu.enqueue_indirect_dma source(%dma_start3A_472 : memref<10240x128xf32, #tpu.memory_space<hbm>>) target(%arg14 : memref<40x128xf32, #tpu.memory_space<vmem>>) offsets(%dma_start3A_469 : memref<40xi32, #tpu.memory_space<vmem>>) semaphore(%arg19 : memref<!tpu.dma_semaphore, #tpu.memory_space<semaphore_mem>>)
      } else {
      }
      %mul3A_401 = arith.constant 5 : i32
      %mul3A_402 = arith.muli %scan3A_323, %mul3A_401 : i32
      %add3A_403 = arith.constant 3 : i32
      %add3A_404 = arith.addi %mul3A_402, %add3A_403 : i32
      %mul3A_405 = arith.constant 40 : i32
      %mul3A_406 = arith.muli %add3A_404, %mul3A_405 : i32
      %dma_wait3A_407 = tpu.memref_slice %arg7[%mul3A_406] : memref<10000xi32, #tpu.memory_space<vmem>> -> memref<40xi32, #tpu.memory_space<vmem>>
      %dma_wait3A_408 = arith.constant 0 : i32
      %dma_wait3A_409 = arith.constant 0 : i32
      %dma_wait3A_410 = tpu.memref_slice %arg2[%dma_wait3A_408, %dma_wait3A_409] : memref<10240x128xf32, #tpu.memory_space<hbm>> -> memref<10240x128xf32, #tpu.memory_space<hbm>>
      tpu.wait_indirect_dma semaphore(%arg21 : memref<!tpu.dma_semaphore, #tpu.memory_space<semaphore_mem>>) src(%dma_wait3A_410 : memref<10240x128xf32, #tpu.memory_space<hbm>>) dst(%arg16 : memref<40x128xf32, #tpu.memory_space<vmem>>)
      %mul3A_411 = arith.constant 40 : i32
      %mul3A_412 = arith.muli %add3A_404, %mul3A_411 : i32
      %add3A_413 = arith.addi %mul3A_2, %mul3A_412 : i32
      %dma_wait3A_414 = tpu.memref_slice %arg4[%add3A_413] : memref<320000xi32, #tpu.memory_space<hbm>> -> memref<40xi32, #tpu.memory_space<hbm>>
      %dma_wait3A_415 = tpu.memref_slice %arg4[%add3A_413] : memref<320000xi32, #tpu.memory_space<hbm>> -> memref<40xi32, #tpu.memory_space<hbm>>
      tpu.wait_dma2 semaphore(%arg31 : memref<!tpu.dma_semaphore, #tpu.memory_space<semaphore_mem>>) src(%dma_wait3A_415 : memref<40xi32, #tpu.memory_space<hbm>>) dst(%arg11 : memref<40xi32, #tpu.memory_space<vmem>>)
      %dma_start3A_416 = arith.constant 0 : i32
      %dma_start3A_417 = arith.constant 0 : i32
      %dma_start3A_418 = tpu.memref_slice %arg6[%dma_start3A_416, %dma_start3A_417] : memref<10240x128xf32, #tpu.memory_space<vmem_shared>> -> memref<10240x128xf32, #tpu.memory_space<vmem_shared>>
      tpu.enqueue_indirect_dma source(%arg16 : memref<40x128xf32, #tpu.memory_space<vmem>>) target(%dma_start3A_418 : memref<10240x128xf32, #tpu.memory_space<vmem_shared>>) offsets(%arg11 : memref<40xi32, #tpu.memory_space<vmem>>) semaphore(%arg26 : memref<!tpu.dma_semaphore, #tpu.memory_space<semaphore_mem>>) {add = true}
      %add3A_419 = arith.constant 5 : i32
      %add3A_420 = arith.addi %add3A_404, %add3A_419 : i32
      %sub3A_421 = arith.constant 1 : i32
      %sub3A_422 = arith.subi %add3A_420, %sub3A_421 : i32
      %lt3A_423 = arith.constant 250 : i32
      %lt3A_424 = arith.cmpi slt, %sub3A_422, %lt3A_423 : i32
      %convert_element_type3A_425 = arith.extui %lt3A_424 : i1 to i32
      %cond3A_426 = arith.constant 0 : i32
      %cond3A_427 = arith.cmpi ne, %convert_element_type3A_425, %cond3A_426 : i32
      scf.if %cond3A_427 {
        %dma_wait3A_455 = arith.constant 0 : i32
        %dma_wait3A_456 = arith.constant 0 : i32
        %dma_wait3A_457 = tpu.memref_slice %arg6[%dma_wait3A_455, %dma_wait3A_456] : memref<10240x128xf32, #tpu.memory_space<vmem_shared>> -> memref<10240x128xf32, #tpu.memory_space<vmem_shared>>
        tpu.wait_indirect_dma semaphore(%arg25 : memref<!tpu.dma_semaphore, #tpu.memory_space<semaphore_mem>>) src(%arg15 : memref<40x128xf32, #tpu.memory_space<vmem>>) dst(%dma_wait3A_457 : memref<10240x128xf32, #tpu.memory_space<vmem_shared>>)
        %add3A_458 = arith.constant 5 : i32
        %add3A_459 = arith.addi %add3A_404, %add3A_458 : i32
        %sub3A_460 = arith.constant 1 : i32
        %sub3A_461 = arith.subi %add3A_459, %sub3A_460 : i32
        %mul3A_462 = arith.constant 40 : i32
        %mul3A_463 = arith.muli %sub3A_461, %mul3A_462 : i32
        %add3A_464 = arith.addi %mul3A_2, %mul3A_463 : i32
        %dma_start3A_465 = tpu.memref_slice %arg4[%add3A_464] : memref<320000xi32, #tpu.memory_space<hbm>> -> memref<40xi32, #tpu.memory_space<hbm>>
        %dma_start3A_466 = tpu.memref_slice %arg4[%add3A_464] : memref<320000xi32, #tpu.memory_space<hbm>> -> memref<40xi32, #tpu.memory_space<hbm>>
        tpu.enqueue_dma source(%dma_start3A_466 : memref<40xi32, #tpu.memory_space<hbm>>) target(%arg10 : memref<40xi32, #tpu.memory_space<vmem>>) target_semaphore(%arg30 : memref<!tpu.dma_semaphore, #tpu.memory_space<semaphore_mem>>)
        %mul3A_467 = arith.constant 40 : i32
        %mul3A_468 = arith.muli %sub3A_461, %mul3A_467 : i32
        %dma_start3A_469 = tpu.memref_slice %arg7[%mul3A_468] : memref<10000xi32, #tpu.memory_space<vmem>> -> memref<40xi32, #tpu.memory_space<vmem>>
        %dma_start3A_470 = arith.constant 0 : i32
        %dma_start3A_471 = arith.constant 0 : i32
        %dma_start3A_472 = tpu.memref_slice %arg2[%dma_start3A_470, %dma_start3A_471] : memref<10240x128xf32, #tpu.memory_space<hbm>> -> memref<10240x128xf32, #tpu.memory_space<hbm>>
        tpu.enqueue_indirect_dma source(%dma_start3A_472 : memref<10240x128xf32, #tpu.memory_space<hbm>>) target(%arg15 : memref<40x128xf32, #tpu.memory_space<vmem>>) offsets(%dma_start3A_469 : memref<40xi32, #tpu.memory_space<vmem>>) semaphore(%arg20 : memref<!tpu.dma_semaphore, #tpu.memory_space<semaphore_mem>>)
      } else {
      }
      %mul3A_428 = arith.constant 5 : i32
      %mul3A_429 = arith.muli %scan3A_323, %mul3A_428 : i32
      %add3A_430 = arith.constant 4 : i32
      %add3A_431 = arith.addi %mul3A_429, %add3A_430 : i32
      %mul3A_432 = arith.constant 40 : i32
      %mul3A_433 = arith.muli %add3A_431, %mul3A_432 : i32
      %dma_wait3A_434 = tpu.memref_slice %arg7[%mul3A_433] : memref<10000xi32, #tpu.memory_space<vmem>> -> memref<40xi32, #tpu.memory_space<vmem>>
      %dma_wait3A_435 = arith.constant 0 : i32
      %dma_wait3A_436 = arith.constant 0 : i32
      %dma_wait3A_437 = tpu.memref_slice %arg2[%dma_wait3A_435, %dma_wait3A_436] : memref<10240x128xf32, #tpu.memory_space<hbm>> -> memref<10240x128xf32, #tpu.memory_space<hbm>>
      tpu.wait_indirect_dma semaphore(%arg22 : memref<!tpu.dma_semaphore, #tpu.memory_space<semaphore_mem>>) src(%dma_wait3A_437 : memref<10240x128xf32, #tpu.memory_space<hbm>>) dst(%arg17 : memref<40x128xf32, #tpu.memory_space<vmem>>)
      %mul3A_438 = arith.constant 40 : i32
      %mul3A_439 = arith.muli %add3A_431, %mul3A_438 : i32
      %add3A_440 = arith.addi %mul3A_2, %mul3A_439 : i32
      %dma_wait3A_441 = tpu.memref_slice %arg4[%add3A_440] : memref<320000xi32, #tpu.memory_space<hbm>> -> memref<40xi32, #tpu.memory_space<hbm>>
      %dma_wait3A_442 = tpu.memref_slice %arg4[%add3A_440] : memref<320000xi32, #tpu.memory_space<hbm>> -> memref<40xi32, #tpu.memory_space<hbm>>
      tpu.wait_dma2 semaphore(%arg32 : memref<!tpu.dma_semaphore, #tpu.memory_space<semaphore_mem>>) src(%dma_wait3A_442 : memref<40xi32, #tpu.memory_space<hbm>>) dst(%arg12 : memref<40xi32, #tpu.memory_space<vmem>>)
      %dma_start3A_443 = arith.constant 0 : i32
      %dma_start3A_444 = arith.constant 0 : i32
      %dma_start3A_445 = tpu.memref_slice %arg6[%dma_start3A_443, %dma_start3A_444] : memref<10240x128xf32, #tpu.memory_space<vmem_shared>> -> memref<10240x128xf32, #tpu.memory_space<vmem_shared>>
      tpu.enqueue_indirect_dma source(%arg17 : memref<40x128xf32, #tpu.memory_space<vmem>>) target(%dma_start3A_445 : memref<10240x128xf32, #tpu.memory_space<vmem_shared>>) offsets(%arg12 : memref<40xi32, #tpu.memory_space<vmem>>) semaphore(%arg27 : memref<!tpu.dma_semaphore, #tpu.memory_space<semaphore_mem>>) {add = true}
      %add3A_446 = arith.constant 5 : i32
      %add3A_447 = arith.addi %add3A_431, %add3A_446 : i32
      %sub3A_448 = arith.constant 1 : i32
      %sub3A_449 = arith.subi %add3A_447, %sub3A_448 : i32
      %lt3A_450 = arith.constant 250 : i32
      %lt3A_451 = arith.cmpi slt, %sub3A_449, %lt3A_450 : i32
      %convert_element_type3A_452 = arith.extui %lt3A_451 : i1 to i32
      %cond3A_453 = arith.constant 0 : i32
      %cond3A_454 = arith.cmpi ne, %convert_element_type3A_452, %cond3A_453 : i32
      scf.if %cond3A_454 {
        %dma_wait3A_455 = arith.constant 0 : i32
        %dma_wait3A_456 = arith.constant 0 : i32
        %dma_wait3A_457 = tpu.memref_slice %arg6[%dma_wait3A_455, %dma_wait3A_456] : memref<10240x128xf32, #tpu.memory_space<vmem_shared>> -> memref<10240x128xf32, #tpu.memory_space<vmem_shared>>
        tpu.wait_indirect_dma semaphore(%arg26 : memref<!tpu.dma_semaphore, #tpu.memory_space<semaphore_mem>>) src(%arg16 : memref<40x128xf32, #tpu.memory_space<vmem>>) dst(%dma_wait3A_457 : memref<10240x128xf32, #tpu.memory_space<vmem_shared>>)
        %add3A_458 = arith.constant 5 : i32
        %add3A_459 = arith.addi %add3A_431, %add3A_458 : i32
        %sub3A_460 = arith.constant 1 : i32
        %sub3A_461 = arith.subi %add3A_459, %sub3A_460 : i32
        %mul3A_462 = arith.constant 40 : i32
        %mul3A_463 = arith.muli %sub3A_461, %mul3A_462 : i32
        %add3A_464 = arith.addi %mul3A_2, %mul3A_463 : i32
        %dma_start3A_465 = tpu.memref_slice %arg4[%add3A_464] : memref<320000xi32, #tpu.memory_space<hbm>> -> memref<40xi32, #tpu.memory_space<hbm>>
        %dma_start3A_466 = tpu.memref_slice %arg4[%add3A_464] : memref<320000xi32, #tpu.memory_space<hbm>> -> memref<40xi32, #tpu.memory_space<hbm>>
        tpu.enqueue_dma source(%dma_start3A_466 : memref<40xi32, #tpu.memory_space<hbm>>) target(%arg11 : memref<40xi32, #tpu.memory_space<vmem>>) target_semaphore(%arg31 : memref<!tpu.dma_semaphore, #tpu.memory_space<semaphore_mem>>)
        %mul3A_467 = arith.constant 40 : i32
        %mul3A_468 = arith.muli %sub3A_461, %mul3A_467 : i32
        %dma_start3A_469 = tpu.memref_slice %arg7[%mul3A_468] : memref<10000xi32, #tpu.memory_space<vmem>> -> memref<40xi32, #tpu.memory_space<vmem>>
        %dma_start3A_470 = arith.constant 0 : i32
        %dma_start3A_471 = arith.constant 0 : i32
        %dma_start3A_472 = tpu.memref_slice %arg2[%dma_start3A_470, %dma_start3A_471] : memref<10240x128xf32, #tpu.memory_space<hbm>> -> memref<10240x128xf32, #tpu.memory_space<hbm>>
        tpu.enqueue_indirect_dma source(%dma_start3A_472 : memref<10240x128xf32, #tpu.memory_space<hbm>>) target(%arg16 : memref<40x128xf32, #tpu.memory_space<vmem>>) offsets(%dma_start3A_469 : memref<40xi32, #tpu.memory_space<vmem>>) semaphore(%arg21 : memref<!tpu.dma_semaphore, #tpu.memory_space<semaphore_mem>>)
      } else {
      }
    }
    %scan3A_304 = arith.constant 50 : i32
    %dma_wait3A_305 = arith.constant 0 : i32
    %dma_wait3A_306 = arith.constant 0 : i32
    %dma_wait3A_307 = tpu.memref_slice %arg6[%dma_wait3A_305, %dma_wait3A_306] : memref<10240x128xf32, #tpu.memory_space<vmem_shared>> -> memref<10240x128xf32, #tpu.memory_space<vmem_shared>>
    tpu.wait_indirect_dma semaphore(%arg23 : memref<!tpu.dma_semaphore, #tpu.memory_space<semaphore_mem>>) src(%arg13 : memref<40x128xf32, #tpu.memory_space<vmem>>) dst(%dma_wait3A_307 : memref<10240x128xf32, #tpu.memory_space<vmem_shared>>)
    %dma_wait3A_308 = arith.constant 0 : i32
    %dma_wait3A_309 = arith.constant 0 : i32
    %dma_wait3A_310 = tpu.memref_slice %arg6[%dma_wait3A_308, %dma_wait3A_309] : memref<10240x128xf32, #tpu.memory_space<vmem_shared>> -> memref<10240x128xf32, #tpu.memory_space<vmem_shared>>
    tpu.wait_indirect_dma semaphore(%arg24 : memref<!tpu.dma_semaphore, #tpu.memory_space<semaphore_mem>>) src(%arg14 : memref<40x128xf32, #tpu.memory_space<vmem>>) dst(%dma_wait3A_310 : memref<10240x128xf32, #tpu.memory_space<vmem_shared>>)
    %dma_wait3A_311 = arith.constant 0 : i32
    %dma_wait3A_312 = arith.constant 0 : i32
    %dma_wait3A_313 = tpu.memref_slice %arg6[%dma_wait3A_311, %dma_wait3A_312] : memref<10240x128xf32, #tpu.memory_space<vmem_shared>> -> memref<10240x128xf32, #tpu.memory_space<vmem_shared>>
    tpu.wait_indirect_dma semaphore(%arg25 : memref<!tpu.dma_semaphore, #tpu.memory_space<semaphore_mem>>) src(%arg15 : memref<40x128xf32, #tpu.memory_space<vmem>>) dst(%dma_wait3A_313 : memref<10240x128xf32, #tpu.memory_space<vmem_shared>>)
    %dma_wait3A_314 = arith.constant 0 : i32
    %dma_wait3A_315 = arith.constant 0 : i32
    %dma_wait3A_316 = tpu.memref_slice %arg6[%dma_wait3A_314, %dma_wait3A_315] : memref<10240x128xf32, #tpu.memory_space<vmem_shared>> -> memref<10240x128xf32, #tpu.memory_space<vmem_shared>>
    tpu.wait_indirect_dma semaphore(%arg26 : memref<!tpu.dma_semaphore, #tpu.memory_space<semaphore_mem>>) src(%arg16 : memref<40x128xf32, #tpu.memory_space<vmem>>) dst(%dma_wait3A_316 : memref<10240x128xf32, #tpu.memory_space<vmem_shared>>)
    %dma_wait3A_317 = arith.constant 0 : i32
    %dma_wait3A_318 = arith.constant 0 : i32
    %dma_wait3A_319 = tpu.memref_slice %arg6[%dma_wait3A_317, %dma_wait3A_318] : memref<10240x128xf32, #tpu.memory_space<vmem_shared>> -> memref<10240x128xf32, #tpu.memory_space<vmem_shared>>
    tpu.wait_indirect_dma semaphore(%arg27 : memref<!tpu.dma_semaphore, #tpu.memory_space<semaphore_mem>>) src(%arg17 : memref<40x128xf32, #tpu.memory_space<vmem>>) dst(%dma_wait3A_319 : memref<10240x128xf32, #tpu.memory_space<vmem_shared>>)
    %barrier3A_320 = arith.constant 0 : index
    tpu.barrier barrier_id(%barrier3A_320)
    %mul3A_321 = arith.constant 640 : i32
    %mul3A_322 = arith.muli %arg1, %mul3A_321 : i32
    "tpu.region"() ({
      %run_scoped3A = tpu.sem_alloc : memref<!tpu.dma_semaphore, #tpu.memory_space<semaphore_mem>>
      %dma_start3A_323 = arith.constant 0 : i32
      %dma_start3A_324 = tpu.memref_slice %arg5[%arg0, %mul3A_322, %dma_start3A_323] : memref<2x10240x128xf32, #tpu.memory_space<hbm>> -> memref<1x640x128xf32, #tpu.memory_space<hbm>>
      %dma_start3A_325 = tpu.memref_squeeze %dma_start3A_324 : memref<1x640x128xf32, #tpu.memory_space<hbm>> -> memref<640x128xf32, #tpu.memory_space<hbm>>
      %dma_start3A_326 = arith.constant 0 : i32
      %dma_start3A_327 = tpu.memref_slice %arg6[%mul3A_322, %dma_start3A_326] : memref<10240x128xf32, #tpu.memory_space<vmem_shared>> -> memref<640x128xf32, #tpu.memory_space<vmem_shared>>
      tpu.enqueue_dma source(%dma_start3A_327 : memref<640x128xf32, #tpu.memory_space<vmem_shared>>) target(%dma_start3A_325 : memref<640x128xf32, #tpu.memory_space<hbm>>) target_semaphore(%run_scoped3A : memref<!tpu.dma_semaphore, #tpu.memory_space<semaphore_mem>>)
      %dma_wait3A_328 = arith.constant 0 : i32
      %dma_wait3A_329 = tpu.memref_slice %arg5[%arg0, %mul3A_322, %dma_wait3A_328] : memref<2x10240x128xf32, #tpu.memory_space<hbm>> -> memref<1x640x128xf32, #tpu.memory_space<hbm>>
      %dma_wait3A_330 = tpu.memref_squeeze %dma_wait3A_329 : memref<1x640x128xf32, #tpu.memory_space<hbm>> -> memref<640x128xf32, #tpu.memory_space<hbm>>
      %dma_wait3A_331 = arith.constant 0 : i32
      %dma_wait3A_332 = tpu.memref_slice %arg6[%mul3A_322, %dma_wait3A_331] : memref<10240x128xf32, #tpu.memory_space<vmem_shared>> -> memref<640x128xf32, #tpu.memory_space<vmem_shared>>
      tpu.wait_dma2 semaphore(%run_scoped3A : memref<!tpu.dma_semaphore, #tpu.memory_space<semaphore_mem>>) src(%dma_wait3A_332 : memref<640x128xf32, #tpu.memory_space<vmem_shared>>) dst(%dma_wait3A_330 : memref<640x128xf32, #tpu.memory_space<hbm>>)
      tpu.yield
    }) : () -> ()
    return
  }
}

#map = affine_map<(d0, d1) -> (0, 0)>
#map1 = affine_map<(d0, d1) -> (0)>
#map2 = affine_map<(d0, d1) -> (0, 0, 0)>
module attributes {stable_mosaic.version = 14 : i64} {
  func.func @_scatter_body(%arg0: i32, %arg1: i32, %arg2: memref<10240x128xf32, #tpu.memory_space<hbm>>, %arg3: memref<320000xi32, #tpu.memory_space<hbm>>, %arg4: memref<320000xi32, #tpu.memory_space<hbm>>, %arg5: memref<2x10240x128xf32, #tpu.memory_space<hbm>>, %arg6: memref<10240x128xf32, #tpu.memory_space<vmem_shared>>, %arg7: memref<10000xi32, #tpu.memory_space<vmem>>, %arg8: memref<40xi32, #tpu.memory_space<vmem>>, %arg9: memref<40xi32, #tpu.memory_space<vmem>>, %arg10: memref<40xi32, #tpu.memory_space<vmem>>, %arg11: memref<40xi32, #tpu.memory_space<vmem>>, %arg12: memref<40xi32, #tpu.memory_space<vmem>>, %arg13: memref<40x128xf32, #tpu.memory_space<vmem>>, %arg14: memref<40x128xf32, #tpu.memory_space<vmem>>, %arg15: memref<40x128xf32, #tpu.memory_space<vmem>>, %arg16: memref<40x128xf32, #tpu.memory_space<vmem>>, %arg17: memref<40x128xf32, #tpu.memory_space<vmem>>, %arg18: memref<!tpu.dma_semaphore, #tpu.memory_space<semaphore_mem>>, %arg19: memref<!tpu.dma_semaphore, #tpu.memory_space<semaphore_mem>>, %arg20: memref<!tpu.dma_semaphore, #tpu.memory_space<semaphore_mem>>, %arg21: memref<!tpu.dma_semaphore, #tpu.memory_space<semaphore_mem>>, %arg22: memref<!tpu.dma_semaphore, #tpu.memory_space<semaphore_mem>>, %arg23: memref<!tpu.dma_semaphore, #tpu.memory_space<semaphore_mem>>, %arg24: memref<!tpu.dma_semaphore, #tpu.memory_space<semaphore_mem>>, %arg25: memref<!tpu.dma_semaphore, #tpu.memory_space<semaphore_mem>>, %arg26: memref<!tpu.dma_semaphore, #tpu.memory_space<semaphore_mem>>, %arg27: memref<!tpu.dma_semaphore, #tpu.memory_space<semaphore_mem>>, %arg28: memref<!tpu.dma_semaphore, #tpu.memory_space<semaphore_mem>>, %arg29: memref<!tpu.dma_semaphore, #tpu.memory_space<semaphore_mem>>, %arg30: memref<!tpu.dma_semaphore, #tpu.memory_space<semaphore_mem>>, %arg31: memref<!tpu.dma_semaphore, #tpu.memory_space<semaphore_mem>>, %arg32: memref<!tpu.dma_semaphore, #tpu.memory_space<semaphore_mem>>, %arg33: memref<!tpu.dma_semaphore, #tpu.memory_space<semaphore_mem>>) attributes {dimension_semantics = [#tpu.dimension_semantics<core_parallel>, #tpu.dimension_semantics<subcore_parallel>], iteration_bounds = array<i64: 2, 16>, scalar_prefetch = 0 : i64, scratch_operands = 28 : i64, tpu.core_type = #tpu.core_type<sc_vector_subcore>, window_params = [{transform_indices = #map}, {transform_indices = #map1}, {transform_indices = #map1}, {transform_indices = #map2}]} {
    %mul3A = arith.constant 16 : i32
    %mul3A_0 = arith.muli %arg0, %mul3A : i32
    %add3A = arith.addi %mul3A_0, %arg1 : i32
    %mul3A_1 = arith.constant 10000 : i32
    %mul3A_2 = arith.muli %add3A, %mul3A_1 : i32
    %broadcast_in_dim3A = arith.constant 0.000000e+00 : f32
    %broadcast_in_dim3A_3 = vector.broadcast %broadcast_in_dim3A : f32 to vector<16xf32>
    %scan3A = arith.constant 0 : i32
    %scan3A_4 = arith.constant 0 : i32
    %scan3A_5 = arith.constant 40 : i32
    %scan3A_6 = arith.addi %scan3A_4, %scan3A_5 : i32
    %scan3A_7 = arith.constant 1 : i32
    scf.for %scan3A_323 = %scan3A_4 to %scan3A_6 step %scan3A_7  : i32 {
      %swap3A = arith.index_cast %scan3A_323 : i32 to index
      %swap3A_324 = arith.constant 0 : index
      %swap3A_325 = tpu.vector_load %arg13[%swap3A, %swap3A_324] {strides = array<i32>} : memref<40x128xf32, #tpu.memory_space<vmem>>, vector<1x16xf32>,
      %swap3A_326 = vector.shape_cast %swap3A_325 : vector<1x16xf32> to vector<16xf32>
      %swap3A_327 = vector.shape_cast %broadcast_in_dim3A_3 : vector<16xf32> to vector<1x16xf32>
      tpu.vector_store %arg13[%swap3A, %swap3A_324], %swap3A_327 {strides = array<i32>} : memref<40x128xf32, #tpu.memory_space<vmem>>, vector<1x16xf32>,
      %swap3A_328 = arith.index_cast %scan3A_323 : i32 to index
      %swap3A_329 = arith.constant 16 : index
      %swap3A_330 = tpu.vector_load %arg13[%swap3A_328, %swap3A_329] {strides = array<i32>} : memref<40x128xf32, #tpu.memory_space<vmem>>, vector<1x16xf32>,
      %swap3A_331 = vector.shape_cast %swap3A_330 : vector<1x16xf32> to vector<16xf32>
      %swap3A_332 = vector.shape_cast %broadcast_in_dim3A_3 : vector<16xf32> to vector<1x16xf32>
      tpu.vector_store %arg13[%swap3A_328, %swap3A_329], %swap3A_332 {strides = array<i32>} : memref<40x128xf32, #tpu.memory_space<vmem>>, vector<1x16xf32>,
      %swap3A_333 = arith.index_cast %scan3A_323 : i32 to index
      %swap3A_334 = arith.constant 32 : index
      %swap3A_335 = tpu.vector_load %arg13[%swap3A_333, %swap3A_334] {strides = array<i32>} : memref<40x128xf32, #tpu.memory_space<vmem>>, vector<1x16xf32>,
      %swap3A_336 = vector.shape_cast %swap3A_335 : vector<1x16xf32> to vector<16xf32>
      %swap3A_337 = vector.shape_cast %broadcast_in_dim3A_3 : vector<16xf32> to vector<1x16xf32>
      tpu.vector_store %arg13[%swap3A_333, %swap3A_334], %swap3A_337 {strides = array<i32>} : memref<40x128xf32, #tpu.memory_space<vmem>>, vector<1x16xf32>,
      %swap3A_338 = arith.index_cast %scan3A_323 : i32 to index
      %swap3A_339 = arith.constant 48 : index
      %swap3A_340 = tpu.vector_load %arg13[%swap3A_338, %swap3A_339] {strides = array<i32>} : memref<40x128xf32, #tpu.memory_space<vmem>>, vector<1x16xf32>,
      %swap3A_341 = vector.shape_cast %swap3A_340 : vector<1x16xf32> to vector<16xf32>
      %swap3A_342 = vector.shape_cast %broadcast_in_dim3A_3 : vector<16xf32> to vector<1x16xf32>
      tpu.vector_store %arg13[%swap3A_338, %swap3A_339], %swap3A_342 {strides = array<i32>} : memref<40x128xf32, #tpu.memory_space<vmem>>, vector<1x16xf32>,
      %swap3A_343 = arith.index_cast %scan3A_323 : i32 to index
      %swap3A_344 = arith.constant 64 : index
      %swap3A_345 = tpu.vector_load %arg13[%swap3A_343, %swap3A_344] {strides = array<i32>} : memref<40x128xf32, #tpu.memory_space<vmem>>, vector<1x16xf32>,
      %swap3A_346 = vector.shape_cast %swap3A_345 : vector<1x16xf32> to vector<16xf32>
      %swap3A_347 = vector.shape_cast %broadcast_in_dim3A_3 : vector<16xf32> to vector<1x16xf32>
      tpu.vector_store %arg13[%swap3A_343, %swap3A_344], %swap3A_347 {strides = array<i32>} : memref<40x128xf32, #tpu.memory_space<vmem>>, vector<1x16xf32>,
      %swap3A_348 = arith.index_cast %scan3A_323 : i32 to index
      %swap3A_349 = arith.constant 80 : index
      %swap3A_350 = tpu.vector_load %arg13[%swap3A_348, %swap3A_349] {strides = array<i32>} : memref<40x128xf32, #tpu.memory_space<vmem>>, vector<1x16xf32>,
      %swap3A_351 = vector.shape_cast %swap3A_350 : vector<1x16xf32> to vector<16xf32>
      %swap3A_352 = vector.shape_cast %broadcast_in_dim3A_3 : vector<16xf32> to vector<1x16xf32>
      tpu.vector_store %arg13[%swap3A_348, %swap3A_349], %swap3A_352 {strides = array<i32>} : memref<40x128xf32, #tpu.memory_space<vmem>>, vector<1x16xf32>,
      %swap3A_353 = arith.index_cast %scan3A_323 : i32 to index
      %swap3A_354 = arith.constant 96 : index
      %swap3A_355 = tpu.vector_load %arg13[%swap3A_353, %swap3A_354] {strides = array<i32>} : memref<40x128xf32, #tpu.memory_space<vmem>>, vector<1x16xf32>,
      %swap3A_356 = vector.shape_cast %swap3A_355 : vector<1x16xf32> to vector<16xf32>
      %swap3A_357 = vector.shape_cast %broadcast_in_dim3A_3 : vector<16xf32> to vector<1x16xf32>
      tpu.vector_store %arg13[%swap3A_353, %swap3A_354], %swap3A_357 {strides = array<i32>} : memref<40x128xf32, #tpu.memory_space<vmem>>, vector<1x16xf32>,
      %swap3A_358 = arith.index_cast %scan3A_323 : i32 to index
      %swap3A_359 = arith.constant 112 : index
      %swap3A_360 = tpu.vector_load %arg13[%swap3A_358, %swap3A_359] {strides = array<i32>} : memref<40x128xf32, #tpu.memory_space<vmem>>, vector<1x16xf32>,
      %swap3A_361 = vector.shape_cast %swap3A_360 : vector<1x16xf32> to vector<16xf32>
      %swap3A_362 = vector.shape_cast %broadcast_in_dim3A_3 : vector<16xf32> to vector<1x16xf32>
      tpu.vector_store %arg13[%swap3A_358, %swap3A_359], %swap3A_362 {strides = array<i32>} : memref<40x128xf32, #tpu.memory_space<vmem>>, vector<1x16xf32>,
    }
    %scan3A_8 = arith.constant 40 : i32
    %mul3A_9 = arith.constant 640 : i32
    %mul3A_10 = arith.muli %arg1, %mul3A_9 : i32
    %add3A_11 = arith.constant 0 : i32
    %add3A_12 = arith.addi %mul3A_10, %add3A_11 : i32
    %dma_start3A = arith.constant 0 : i32
    %dma_start3A_13 = tpu.memref_slice %arg6[%add3A_12, %dma_start3A] : memref<10240x128xf32, #tpu.memory_space<vmem_shared>> -> memref<40x128xf32, #tpu.memory_space<vmem_shared>>
    %dma_start3A_14 = arith.constant 0 : i32
    %dma_start3A_15 = tpu.memref_slice %arg6[%add3A_12, %dma_start3A_14] : memref<10240x128xf32, #tpu.memory_space<vmem_shared>> -> memref<40x128xf32, #tpu.memory_space<vmem_shared>>
    tpu.enqueue_dma source(%arg13 : memref<40x128xf32, #tpu.memory_space<vmem>>) target(%dma_start3A_15 : memref<40x128xf32, #tpu.memory_space<vmem_shared>>) target_semaphore(%arg33 : memref<!tpu.dma_semaphore, #tpu.memory_space<semaphore_mem>>)
    %mul3A_16 = arith.constant 640 : i32
    %mul3A_17 = arith.muli %arg1, %mul3A_16 : i32
    %add3A_18 = arith.constant 40 : i32
    %add3A_19 = arith.addi %mul3A_17, %add3A_18 : i32
    %dma_start3A_20 = arith.constant 0 : i32
    %dma_start3A_21 = tpu.memref_slice %arg6[%add3A_19, %dma_start3A_20] : memref<10240x128xf32, #tpu.memory_space<vmem_shared>> -> memref<40x128xf32, #tpu.memory_space<vmem_shared>>
    %dma_start3A_22 = arith.constant 0 : i32
    %dma_start3A_23 = tpu.memref_slice %arg6[%add3A_19, %dma_start3A_22] : memref<10240x128xf32, #tpu.memory_space<vmem_shared>> -> memref<40x128xf32, #tpu.memory_space<vmem_shared>>
    tpu.enqueue_dma source(%arg13 : memref<40x128xf32, #tpu.memory_space<vmem>>) target(%dma_start3A_23 : memref<40x128xf32, #tpu.memory_space<vmem_shared>>) target_semaphore(%arg33 : memref<!tpu.dma_semaphore, #tpu.memory_space<semaphore_mem>>)
    %mul3A_24 = arith.constant 640 : i32
    %mul3A_25 = arith.muli %arg1, %mul3A_24 : i32
    %add3A_26 = arith.constant 80 : i32
    %add3A_27 = arith.addi %mul3A_25, %add3A_26 : i32
    %dma_start3A_28 = arith.constant 0 : i32
    %dma_start3A_29 = tpu.memref_slice %arg6[%add3A_27, %dma_start3A_28] : memref<10240x128xf32, #tpu.memory_space<vmem_shared>> -> memref<40x128xf32, #tpu.memory_space<vmem_shared>>
    %dma_start3A_30 = arith.constant 0 : i32
    %dma_start3A_31 = tpu.memref_slice %arg6[%add3A_27, %dma_start3A_30] : memref<10240x128xf32, #tpu.memory_space<vmem_shared>> -> memref<40x128xf32, #tpu.memory_space<vmem_shared>>
    tpu.enqueue_dma source(%arg13 : memref<40x128xf32, #tpu.memory_space<vmem>>) target(%dma_start3A_31 : memref<40x128xf32, #tpu.memory_space<vmem_shared>>) target_semaphore(%arg33 : memref<!tpu.dma_semaphore, #tpu.memory_space<semaphore_mem>>)
    %mul3A_32 = arith.constant 640 : i32
    %mul3A_33 = arith.muli %arg1, %mul3A_32 : i32
    %add3A_34 = arith.constant 120 : i32
    %add3A_35 = arith.addi %mul3A_33, %add3A_34 : i32
    %dma_start3A_36 = arith.constant 0 : i32
    %dma_start3A_37 = tpu.memref_slice %arg6[%add3A_35, %dma_start3A_36] : memref<10240x128xf32, #tpu.memory_space<vmem_shared>> -> memref<40x128xf32, #tpu.memory_space<vmem_shared>>
    %dma_start3A_38 = arith.constant 0 : i32
    %dma_start3A_39 = tpu.memref_slice %arg6[%add3A_35, %dma_start3A_38] : memref<10240x128xf32, #tpu.memory_space<vmem_shared>> -> memref<40x128xf32, #tpu.memory_space<vmem_shared>>
    tpu.enqueue_dma source(%arg13 : memref<40x128xf32, #tpu.memory_space<vmem>>) target(%dma_start3A_39 : memref<40x128xf32, #tpu.memory_space<vmem_shared>>) target_semaphore(%arg33 : memref<!tpu.dma_semaphore, #tpu.memory_space<semaphore_mem>>)
    %mul3A_40 = arith.constant 640 : i32
    %mul3A_41 = arith.muli %arg1, %mul3A_40 : i32
    %add3A_42 = arith.constant 160 : i32
    %add3A_43 = arith.addi %mul3A_41, %add3A_42 : i32
    %dma_start3A_44 = arith.constant 0 : i32
    %dma_start3A_45 = tpu.memref_slice %arg6[%add3A_43, %dma_start3A_44] : memref<10240x128xf32, #tpu.memory_space<vmem_shared>> -> memref<40x128xf32, #tpu.memory_space<vmem_shared>>
    %dma_start3A_46 = arith.constant 0 : i32
    %dma_start3A_47 = tpu.memref_slice %arg6[%add3A_43, %dma_start3A_46] : memref<10240x128xf32, #tpu.memory_space<vmem_shared>> -> memref<40x128xf32, #tpu.memory_space<vmem_shared>>
    tpu.enqueue_dma source(%arg13 : memref<40x128xf32, #tpu.memory_space<vmem>>) target(%dma_start3A_47 : memref<40x128xf32, #tpu.memory_space<vmem_shared>>) target_semaphore(%arg33 : memref<!tpu.dma_semaphore, #tpu.memory_space<semaphore_mem>>)
    %mul3A_48 = arith.constant 640 : i32
    %mul3A_49 = arith.muli %arg1, %mul3A_48 : i32
    %add3A_50 = arith.constant 200 : i32
    %add3A_51 = arith.addi %mul3A_49, %add3A_50 : i32
    %dma_start3A_52 = arith.constant 0 : i32
    %dma_start3A_53 = tpu.memref_slice %arg6[%add3A_51, %dma_start3A_52] : memref<10240x128xf32, #tpu.memory_space<vmem_shared>> -> memref<40x128xf32, #tpu.memory_space<vmem_shared>>
    %dma_start3A_54 = arith.constant 0 : i32
    %dma_start3A_55 = tpu.memref_slice %arg6[%add3A_51, %dma_start3A_54] : memref<10240x128xf32, #tpu.memory_space<vmem_shared>> -> memref<40x128xf32, #tpu.memory_space<vmem_shared>>
    tpu.enqueue_dma source(%arg13 : memref<40x128xf32, #tpu.memory_space<vmem>>) target(%dma_start3A_55 : memref<40x128xf32, #tpu.memory_space<vmem_shared>>) target_semaphore(%arg33 : memref<!tpu.dma_semaphore, #tpu.memory_space<semaphore_mem>>)
    %mul3A_56 = arith.constant 640 : i32
    %mul3A_57 = arith.muli %arg1, %mul3A_56 : i32
    %add3A_58 = arith.constant 240 : i32
    %add3A_59 = arith.addi %mul3A_57, %add3A_58 : i32
    %dma_start3A_60 = arith.constant 0 : i32
    %dma_start3A_61 = tpu.memref_slice %arg6[%add3A_59, %dma_start3A_60] : memref<10240x128xf32, #tpu.memory_space<vmem_shared>> -> memref<40x128xf32, #tpu.memory_space<vmem_shared>>
    %dma_start3A_62 = arith.constant 0 : i32
    %dma_start3A_63 = tpu.memref_slice %arg6[%add3A_59, %dma_start3A_62] : memref<10240x128xf32, #tpu.memory_space<vmem_shared>> -> memref<40x128xf32, #tpu.memory_space<vmem_shared>>
    tpu.enqueue_dma source(%arg13 : memref<40x128xf32, #tpu.memory_space<vmem>>) target(%dma_start3A_63 : memref<40x128xf32, #tpu.memory_space<vmem_shared>>) target_semaphore(%arg33 : memref<!tpu.dma_semaphore, #tpu.memory_space<semaphore_mem>>)
    %mul3A_64 = arith.constant 640 : i32
    %mul3A_65 = arith.muli %arg1, %mul3A_64 : i32
    %add3A_66 = arith.constant 280 : i32
    %add3A_67 = arith.addi %mul3A_65, %add3A_66 : i32
    %dma_start3A_68 = arith.constant 0 : i32
    %dma_start3A_69 = tpu.memref_slice %arg6[%add3A_67, %dma_start3A_68] : memref<10240x128xf32, #tpu.memory_space<vmem_shared>> -> memref<40x128xf32, #tpu.memory_space<vmem_shared>>
    %dma_start3A_70 = arith.constant 0 : i32
    %dma_start3A_71 = tpu.memref_slice %arg6[%add3A_67, %dma_start3A_70] : memref<10240x128xf32, #tpu.memory_space<vmem_shared>> -> memref<40x128xf32, #tpu.memory_space<vmem_shared>>
    tpu.enqueue_dma source(%arg13 : memref<40x128xf32, #tpu.memory_space<vmem>>) target(%dma_start3A_71 : memref<40x128xf32, #tpu.memory_space<vmem_shared>>) target_semaphore(%arg33 : memref<!tpu.dma_semaphore, #tpu.memory_space<semaphore_mem>>)
    %mul3A_72 = arith.constant 640 : i32
    %mul3A_73 = arith.muli %arg1, %mul3A_72 : i32
    %add3A_74 = arith.constant 320 : i32
    %add3A_75 = arith.addi %mul3A_73, %add3A_74 : i32
    %dma_start3A_76 = arith.constant 0 : i32
    %dma_start3A_77 = tpu.memref_slice %arg6[%add3A_75, %dma_start3A_76] : memref<10240x128xf32, #tpu.memory_space<vmem_shared>> -> memref<40x128xf32, #tpu.memory_space<vmem_shared>>
    %dma_start3A_78 = arith.constant 0 : i32
    %dma_start3A_79 = tpu.memref_slice %arg6[%add3A_75, %dma_start3A_78] : memref<10240x128xf32, #tpu.memory_space<vmem_shared>> -> memref<40x128xf32, #tpu.memory_space<vmem_shared>>
    tpu.enqueue_dma source(%arg13 : memref<40x128xf32, #tpu.memory_space<vmem>>) target(%dma_start3A_79 : memref<40x128xf32, #tpu.memory_space<vmem_shared>>) target_semaphore(%arg33 : memref<!tpu.dma_semaphore, #tpu.memory_space<semaphore_mem>>)
    %mul3A_80 = arith.constant 640 : i32
    %mul3A_81 = arith.muli %arg1, %mul3A_80 : i32
    %add3A_82 = arith.constant 360 : i32
    %add3A_83 = arith.addi %mul3A_81, %add3A_82 : i32
    %dma_start3A_84 = arith.constant 0 : i32
    %dma_start3A_85 = tpu.memref_slice %arg6[%add3A_83, %dma_start3A_84] : memref<10240x128xf32, #tpu.memory_space<vmem_shared>> -> memref<40x128xf32, #tpu.memory_space<vmem_shared>>
    %dma_start3A_86 = arith.constant 0 : i32
    %dma_start3A_87 = tpu.memref_slice %arg6[%add3A_83, %dma_start3A_86] : memref<10240x128xf32, #tpu.memory_space<vmem_shared>> -> memref<40x128xf32, #tpu.memory_space<vmem_shared>>
    tpu.enqueue_dma source(%arg13 : memref<40x128xf32, #tpu.memory_space<vmem>>) target(%dma_start3A_87 : memref<40x128xf32, #tpu.memory_space<vmem_shared>>) target_semaphore(%arg33 : memref<!tpu.dma_semaphore, #tpu.memory_space<semaphore_mem>>)
    %mul3A_88 = arith.constant 640 : i32
    %mul3A_89 = arith.muli %arg1, %mul3A_88 : i32
    %add3A_90 = arith.constant 400 : i32
    %add3A_91 = arith.addi %mul3A_89, %add3A_90 : i32
    %dma_start3A_92 = arith.constant 0 : i32
    %dma_start3A_93 = tpu.memref_slice %arg6[%add3A_91, %dma_start3A_92] : memref<10240x128xf32, #tpu.memory_space<vmem_shared>> -> memref<40x128xf32, #tpu.memory_space<vmem_shared>>
    %dma_start3A_94 = arith.constant 0 : i32
    %dma_start3A_95 = tpu.memref_slice %arg6[%add3A_91, %dma_start3A_94] : memref<10240x128xf32, #tpu.memory_space<vmem_shared>> -> memref<40x128xf32, #tpu.memory_space<vmem_shared>>
    tpu.enqueue_dma source(%arg13 : memref<40x128xf32, #tpu.memory_space<vmem>>) target(%dma_start3A_95 : memref<40x128xf32, #tpu.memory_space<vmem_shared>>) target_semaphore(%arg33 : memref<!tpu.dma_semaphore, #tpu.memory_space<semaphore_mem>>)
    %mul3A_96 = arith.constant 640 : i32
    %mul3A_97 = arith.muli %arg1, %mul3A_96 : i32
    %add3A_98 = arith.constant 440 : i32
    %add3A_99 = arith.addi %mul3A_97, %add3A_98 : i32
    %dma_start3A_100 = arith.constant 0 : i32
    %dma_start3A_101 = tpu.memref_slice %arg6[%add3A_99, %dma_start3A_100] : memref<10240x128xf32, #tpu.memory_space<vmem_shared>> -> memref<40x128xf32, #tpu.memory_space<vmem_shared>>
    %dma_start3A_102 = arith.constant 0 : i32
    %dma_start3A_103 = tpu.memref_slice %arg6[%add3A_99, %dma_start3A_102] : memref<10240x128xf32, #tpu.memory_space<vmem_shared>> -> memref<40x128xf32, #tpu.memory_space<vmem_shared>>
    tpu.enqueue_dma source(%arg13 : memref<40x128xf32, #tpu.memory_space<vmem>>) target(%dma_start3A_103 : memref<40x128xf32, #tpu.memory_space<vmem_shared>>) target_semaphore(%arg33 : memref<!tpu.dma_semaphore, #tpu.memory_space<semaphore_mem>>)
    %mul3A_104 = arith.constant 640 : i32
    %mul3A_105 = arith.muli %arg1, %mul3A_104 : i32
    %add3A_106 = arith.constant 480 : i32
    %add3A_107 = arith.addi %mul3A_105, %add3A_106 : i32
    %dma_start3A_108 = arith.constant 0 : i32
    %dma_start3A_109 = tpu.memref_slice %arg6[%add3A_107, %dma_start3A_108] : memref<10240x128xf32, #tpu.memory_space<vmem_shared>> -> memref<40x128xf32, #tpu.memory_space<vmem_shared>>
    %dma_start3A_110 = arith.constant 0 : i32
    %dma_start3A_111 = tpu.memref_slice %arg6[%add3A_107, %dma_start3A_110] : memref<10240x128xf32, #tpu.memory_space<vmem_shared>> -> memref<40x128xf32, #tpu.memory_space<vmem_shared>>
    tpu.enqueue_dma source(%arg13 : memref<40x128xf32, #tpu.memory_space<vmem>>) target(%dma_start3A_111 : memref<40x128xf32, #tpu.memory_space<vmem_shared>>) target_semaphore(%arg33 : memref<!tpu.dma_semaphore, #tpu.memory_space<semaphore_mem>>)
    %mul3A_112 = arith.constant 640 : i32
    %mul3A_113 = arith.muli %arg1, %mul3A_112 : i32
    %add3A_114 = arith.constant 520 : i32
    %add3A_115 = arith.addi %mul3A_113, %add3A_114 : i32
    %dma_start3A_116 = arith.constant 0 : i32
    %dma_start3A_117 = tpu.memref_slice %arg6[%add3A_115, %dma_start3A_116] : memref<10240x128xf32, #tpu.memory_space<vmem_shared>> -> memref<40x128xf32, #tpu.memory_space<vmem_shared>>
    %dma_start3A_118 = arith.constant 0 : i32
    %dma_start3A_119 = tpu.memref_slice %arg6[%add3A_115, %dma_start3A_118] : memref<10240x128xf32, #tpu.memory_space<vmem_shared>> -> memref<40x128xf32, #tpu.memory_space<vmem_shared>>
    tpu.enqueue_dma source(%arg13 : memref<40x128xf32, #tpu.memory_space<vmem>>) target(%dma_start3A_119 : memref<40x128xf32, #tpu.memory_space<vmem_shared>>) target_semaphore(%arg33 : memref<!tpu.dma_semaphore, #tpu.memory_space<semaphore_mem>>)
    %mul3A_120 = arith.constant 640 : i32
    %mul3A_121 = arith.muli %arg1, %mul3A_120 : i32
    %add3A_122 = arith.constant 560 : i32
    %add3A_123 = arith.addi %mul3A_121, %add3A_122 : i32
    %dma_start3A_124 = arith.constant 0 : i32
    %dma_start3A_125 = tpu.memref_slice %arg6[%add3A_123, %dma_start3A_124] : memref<10240x128xf32, #tpu.memory_space<vmem_shared>> -> memref<40x128xf32, #tpu.memory_space<vmem_shared>>
    %dma_start3A_126 = arith.constant 0 : i32
    %dma_start3A_127 = tpu.memref_slice %arg6[%add3A_123, %dma_start3A_126] : memref<10240x128xf32, #tpu.memory_space<vmem_shared>> -> memref<40x128xf32, #tpu.memory_space<vmem_shared>>
    tpu.enqueue_dma source(%arg13 : memref<40x128xf32, #tpu.memory_space<vmem>>) target(%dma_start3A_127 : memref<40x128xf32, #tpu.memory_space<vmem_shared>>) target_semaphore(%arg33 : memref<!tpu.dma_semaphore, #tpu.memory_space<semaphore_mem>>)
    %mul3A_128 = arith.constant 640 : i32
    %mul3A_129 = arith.muli %arg1, %mul3A_128 : i32
    %add3A_130 = arith.constant 600 : i32
    %add3A_131 = arith.addi %mul3A_129, %add3A_130 : i32
    %dma_start3A_132 = arith.constant 0 : i32
    %dma_start3A_133 = tpu.memref_slice %arg6[%add3A_131, %dma_start3A_132] : memref<10240x128xf32, #tpu.memory_space<vmem_shared>> -> memref<40x128xf32, #tpu.memory_space<vmem_shared>>
    %dma_start3A_134 = arith.constant 0 : i32
    %dma_start3A_135 = tpu.memref_slice %arg6[%add3A_131, %dma_start3A_134] : memref<10240x128xf32, #tpu.memory_space<vmem_shared>> -> memref<40x128xf32, #tpu.memory_space<vmem_shared>>
    tpu.enqueue_dma source(%arg13 : memref<40x128xf32, #tpu.memory_space<vmem>>) target(%dma_start3A_135 : memref<40x128xf32, #tpu.memory_space<vmem_shared>>) target_semaphore(%arg33 : memref<!tpu.dma_semaphore, #tpu.memory_space<semaphore_mem>>)
    "tpu.region"() ({
      %run_scoped3A = tpu.sem_alloc : memref<!tpu.dma_semaphore, #tpu.memory_space<semaphore_mem>>
      %dma_start3A_323 = tpu.memref_slice %arg3[%mul3A_2] : memref<320000xi32, #tpu.memory_space<hbm>> -> memref<10000xi32, #tpu.memory_space<hbm>>
      %dma_start3A_324 = tpu.memref_slice %arg3[%mul3A_2] : memref<320000xi32, #tpu.memory_space<hbm>> -> memref<10000xi32, #tpu.memory_space<hbm>>
      tpu.enqueue_dma source(%dma_start3A_324 : memref<10000xi32, #tpu.memory_space<hbm>>) target(%arg7 : memref<10000xi32, #tpu.memory_space<vmem>>) target_semaphore(%run_scoped3A : memref<!tpu.dma_semaphore, #tpu.memory_space<semaphore_mem>>)
      %dma_wait3A_325 = tpu.memref_slice %arg3[%mul3A_2] : memref<320000xi32, #tpu.memory_space<hbm>> -> memref<10000xi32, #tpu.memory_space<hbm>>
      %dma_wait3A_326 = tpu.memref_slice %arg3[%mul3A_2] : memref<320000xi32, #tpu.memory_space<hbm>> -> memref<10000xi32, #tpu.memory_space<hbm>>
      tpu.wait_dma2 semaphore(%run_scoped3A : memref<!tpu.dma_semaphore, #tpu.memory_space<semaphore_mem>>) src(%dma_wait3A_326 : memref<10000xi32, #tpu.memory_space<hbm>>) dst(%arg7 : memref<10000xi32, #tpu.memory_space<vmem>>)
      tpu.yield
    }) : () -> ()
    %mul3A_136 = arith.constant 640 : i32
    %mul3A_137 = arith.muli %arg1, %mul3A_136 : i32
    %add3A_138 = arith.constant 0 : i32
    %add3A_139 = arith.addi %mul3A_137, %add3A_138 : i32
    %dma_wait3A = arith.constant 0 : i32
    %dma_wait3A_140 = tpu.memref_slice %arg6[%add3A_139, %dma_wait3A] : memref<10240x128xf32, #tpu.memory_space<vmem_shared>> -> memref<40x128xf32, #tpu.memory_space<vmem_shared>>
    %dma_wait3A_141 = arith.constant 0 : i32
    %dma_wait3A_142 = tpu.memref_slice %arg6[%add3A_139, %dma_wait3A_141] : memref<10240x128xf32, #tpu.memory_space<vmem_shared>> -> memref<40x128xf32, #tpu.memory_space<vmem_shared>>
    tpu.wait_dma2 semaphore(%arg33 : memref<!tpu.dma_semaphore, #tpu.memory_space<semaphore_mem>>) src(%arg13 : memref<40x128xf32, #tpu.memory_space<vmem>>) dst(%dma_wait3A_142 : memref<40x128xf32, #tpu.memory_space<vmem_shared>>)
    %mul3A_143 = arith.constant 640 : i32
    %mul3A_144 = arith.muli %arg1, %mul3A_143 : i32
    %add3A_145 = arith.constant 40 : i32
    %add3A_146 = arith.addi %mul3A_144, %add3A_145 : i32
    %dma_wait3A_147 = arith.constant 0 : i32
    %dma_wait3A_148 = tpu.memref_slice %arg6[%add3A_146, %dma_wait3A_147] : memref<10240x128xf32, #tpu.memory_space<vmem_shared>> -> memref<40x128xf32, #tpu.memory_space<vmem_shared>>
    %dma_wait3A_149 = arith.constant 0 : i32
    %dma_wait3A_150 = tpu.memref_slice %arg6[%add3A_146, %dma_wait3A_149] : memref<10240x128xf32, #tpu.memory_space<vmem_shared>> -> memref<40x128xf32, #tpu.memory_space<vmem_shared>>
    tpu.wait_dma2 semaphore(%arg33 : memref<!tpu.dma_semaphore, #tpu.memory_space<semaphore_mem>>) src(%arg13 : memref<40x128xf32, #tpu.memory_space<vmem>>) dst(%dma_wait3A_150 : memref<40x128xf32, #tpu.memory_space<vmem_shared>>)
    %mul3A_151 = arith.constant 640 : i32
    %mul3A_152 = arith.muli %arg1, %mul3A_151 : i32
    %add3A_153 = arith.constant 80 : i32
    %add3A_154 = arith.addi %mul3A_152, %add3A_153 : i32
    %dma_wait3A_155 = arith.constant 0 : i32
    %dma_wait3A_156 = tpu.memref_slice %arg6[%add3A_154, %dma_wait3A_155] : memref<10240x128xf32, #tpu.memory_space<vmem_shared>> -> memref<40x128xf32, #tpu.memory_space<vmem_shared>>
    %dma_wait3A_157 = arith.constant 0 : i32
    %dma_wait3A_158 = tpu.memref_slice %arg6[%add3A_154, %dma_wait3A_157] : memref<10240x128xf32, #tpu.memory_space<vmem_shared>> -> memref<40x128xf32, #tpu.memory_space<vmem_shared>>
    tpu.wait_dma2 semaphore(%arg33 : memref<!tpu.dma_semaphore, #tpu.memory_space<semaphore_mem>>) src(%arg13 : memref<40x128xf32, #tpu.memory_space<vmem>>) dst(%dma_wait3A_158 : memref<40x128xf32, #tpu.memory_space<vmem_shared>>)
    %mul3A_159 = arith.constant 640 : i32
    %mul3A_160 = arith.muli %arg1, %mul3A_159 : i32
    %add3A_161 = arith.constant 120 : i32
    %add3A_162 = arith.addi %mul3A_160, %add3A_161 : i32
    %dma_wait3A_163 = arith.constant 0 : i32
    %dma_wait3A_164 = tpu.memref_slice %arg6[%add3A_162, %dma_wait3A_163] : memref<10240x128xf32, #tpu.memory_space<vmem_shared>> -> memref<40x128xf32, #tpu.memory_space<vmem_shared>>
    %dma_wait3A_165 = arith.constant 0 : i32
    %dma_wait3A_166 = tpu.memref_slice %arg6[%add3A_162, %dma_wait3A_165] : memref<10240x128xf32, #tpu.memory_space<vmem_shared>> -> memref<40x128xf32, #tpu.memory_space<vmem_shared>>
    tpu.wait_dma2 semaphore(%arg33 : memref<!tpu.dma_semaphore, #tpu.memory_space<semaphore_mem>>) src(%arg13 : memref<40x128xf32, #tpu.memory_space<vmem>>) dst(%dma_wait3A_166 : memref<40x128xf32, #tpu.memory_space<vmem_shared>>)
    %mul3A_167 = arith.constant 640 : i32
    %mul3A_168 = arith.muli %arg1, %mul3A_167 : i32
    %add3A_169 = arith.constant 160 : i32
    %add3A_170 = arith.addi %mul3A_168, %add3A_169 : i32
    %dma_wait3A_171 = arith.constant 0 : i32
    %dma_wait3A_172 = tpu.memref_slice %arg6[%add3A_170, %dma_wait3A_171] : memref<10240x128xf32, #tpu.memory_space<vmem_shared>> -> memref<40x128xf32, #tpu.memory_space<vmem_shared>>
    %dma_wait3A_173 = arith.constant 0 : i32
    %dma_wait3A_174 = tpu.memref_slice %arg6[%add3A_170, %dma_wait3A_173] : memref<10240x128xf32, #tpu.memory_space<vmem_shared>> -> memref<40x128xf32, #tpu.memory_space<vmem_shared>>
    tpu.wait_dma2 semaphore(%arg33 : memref<!tpu.dma_semaphore, #tpu.memory_space<semaphore_mem>>) src(%arg13 : memref<40x128xf32, #tpu.memory_space<vmem>>) dst(%dma_wait3A_174 : memref<40x128xf32, #tpu.memory_space<vmem_shared>>)
    %mul3A_175 = arith.constant 640 : i32
    %mul3A_176 = arith.muli %arg1, %mul3A_175 : i32
    %add3A_177 = arith.constant 200 : i32
    %add3A_178 = arith.addi %mul3A_176, %add3A_177 : i32
    %dma_wait3A_179 = arith.constant 0 : i32
    %dma_wait3A_180 = tpu.memref_slice %arg6[%add3A_178, %dma_wait3A_179] : memref<10240x128xf32, #tpu.memory_space<vmem_shared>> -> memref<40x128xf32, #tpu.memory_space<vmem_shared>>
    %dma_wait3A_181 = arith.constant 0 : i32
    %dma_wait3A_182 = tpu.memref_slice %arg6[%add3A_178, %dma_wait3A_181] : memref<10240x128xf32, #tpu.memory_space<vmem_shared>> -> memref<40x128xf32, #tpu.memory_space<vmem_shared>>
    tpu.wait_dma2 semaphore(%arg33 : memref<!tpu.dma_semaphore, #tpu.memory_space<semaphore_mem>>) src(%arg13 : memref<40x128xf32, #tpu.memory_space<vmem>>) dst(%dma_wait3A_182 : memref<40x128xf32, #tpu.memory_space<vmem_shared>>)
    %mul3A_183 = arith.constant 640 : i32
    %mul3A_184 = arith.muli %arg1, %mul3A_183 : i32
    %add3A_185 = arith.constant 240 : i32
    %add3A_186 = arith.addi %mul3A_184, %add3A_185 : i32
    %dma_wait3A_187 = arith.constant 0 : i32
    %dma_wait3A_188 = tpu.memref_slice %arg6[%add3A_186, %dma_wait3A_187] : memref<10240x128xf32, #tpu.memory_space<vmem_shared>> -> memref<40x128xf32, #tpu.memory_space<vmem_shared>>
    %dma_wait3A_189 = arith.constant 0 : i32
    %dma_wait3A_190 = tpu.memref_slice %arg6[%add3A_186, %dma_wait3A_189] : memref<10240x128xf32, #tpu.memory_space<vmem_shared>> -> memref<40x128xf32, #tpu.memory_space<vmem_shared>>
    tpu.wait_dma2 semaphore(%arg33 : memref<!tpu.dma_semaphore, #tpu.memory_space<semaphore_mem>>) src(%arg13 : memref<40x128xf32, #tpu.memory_space<vmem>>) dst(%dma_wait3A_190 : memref<40x128xf32, #tpu.memory_space<vmem_shared>>)
    %mul3A_191 = arith.constant 640 : i32
    %mul3A_192 = arith.muli %arg1, %mul3A_191 : i32
    %add3A_193 = arith.constant 280 : i32
    %add3A_194 = arith.addi %mul3A_192, %add3A_193 : i32
    %dma_wait3A_195 = arith.constant 0 : i32
    %dma_wait3A_196 = tpu.memref_slice %arg6[%add3A_194, %dma_wait3A_195] : memref<10240x128xf32, #tpu.memory_space<vmem_shared>> -> memref<40x128xf32, #tpu.memory_space<vmem_shared>>
    %dma_wait3A_197 = arith.constant 0 : i32
    %dma_wait3A_198 = tpu.memref_slice %arg6[%add3A_194, %dma_wait3A_197] : memref<10240x128xf32, #tpu.memory_space<vmem_shared>> -> memref<40x128xf32, #tpu.memory_space<vmem_shared>>
    tpu.wait_dma2 semaphore(%arg33 : memref<!tpu.dma_semaphore, #tpu.memory_space<semaphore_mem>>) src(%arg13 : memref<40x128xf32, #tpu.memory_space<vmem>>) dst(%dma_wait3A_198 : memref<40x128xf32, #tpu.memory_space<vmem_shared>>)
    %mul3A_199 = arith.constant 640 : i32
    %mul3A_200 = arith.muli %arg1, %mul3A_199 : i32
    %add3A_201 = arith.constant 320 : i32
    %add3A_202 = arith.addi %mul3A_200, %add3A_201 : i32
    %dma_wait3A_203 = arith.constant 0 : i32
    %dma_wait3A_204 = tpu.memref_slice %arg6[%add3A_202, %dma_wait3A_203] : memref<10240x128xf32, #tpu.memory_space<vmem_shared>> -> memref<40x128xf32, #tpu.memory_space<vmem_shared>>
    %dma_wait3A_205 = arith.constant 0 : i32
    %dma_wait3A_206 = tpu.memref_slice %arg6[%add3A_202, %dma_wait3A_205] : memref<10240x128xf32, #tpu.memory_space<vmem_shared>> -> memref<40x128xf32, #tpu.memory_space<vmem_shared>>
    tpu.wait_dma2 semaphore(%arg33 : memref<!tpu.dma_semaphore, #tpu.memory_space<semaphore_mem>>) src(%arg13 : memref<40x128xf32, #tpu.memory_space<vmem>>) dst(%dma_wait3A_206 : memref<40x128xf32, #tpu.memory_space<vmem_shared>>)
    %mul3A_207 = arith.constant 640 : i32
    %mul3A_208 = arith.muli %arg1, %mul3A_207 : i32
    %add3A_209 = arith.constant 360 : i32
    %add3A_210 = arith.addi %mul3A_208, %add3A_209 : i32
    %dma_wait3A_211 = arith.constant 0 : i32
    %dma_wait3A_212 = tpu.memref_slice %arg6[%add3A_210, %dma_wait3A_211] : memref<10240x128xf32, #tpu.memory_space<vmem_shared>> -> memref<40x128xf32, #tpu.memory_space<vmem_shared>>
    %dma_wait3A_213 = arith.constant 0 : i32
    %dma_wait3A_214 = tpu.memref_slice %arg6[%add3A_210, %dma_wait3A_213] : memref<10240x128xf32, #tpu.memory_space<vmem_shared>> -> memref<40x128xf32, #tpu.memory_space<vmem_shared>>
    tpu.wait_dma2 semaphore(%arg33 : memref<!tpu.dma_semaphore, #tpu.memory_space<semaphore_mem>>) src(%arg13 : memref<40x128xf32, #tpu.memory_space<vmem>>) dst(%dma_wait3A_214 : memref<40x128xf32, #tpu.memory_space<vmem_shared>>)
    %mul3A_215 = arith.constant 640 : i32
    %mul3A_216 = arith.muli %arg1, %mul3A_215 : i32
    %add3A_217 = arith.constant 400 : i32
    %add3A_218 = arith.addi %mul3A_216, %add3A_217 : i32
    %dma_wait3A_219 = arith.constant 0 : i32
    %dma_wait3A_220 = tpu.memref_slice %arg6[%add3A_218, %dma_wait3A_219] : memref<10240x128xf32, #tpu.memory_space<vmem_shared>> -> memref<40x128xf32, #tpu.memory_space<vmem_shared>>
    %dma_wait3A_221 = arith.constant 0 : i32
    %dma_wait3A_222 = tpu.memref_slice %arg6[%add3A_218, %dma_wait3A_221] : memref<10240x128xf32, #tpu.memory_space<vmem_shared>> -> memref<40x128xf32, #tpu.memory_space<vmem_shared>>
    tpu.wait_dma2 semaphore(%arg33 : memref<!tpu.dma_semaphore, #tpu.memory_space<semaphore_mem>>) src(%arg13 : memref<40x128xf32, #tpu.memory_space<vmem>>) dst(%dma_wait3A_222 : memref<40x128xf32, #tpu.memory_space<vmem_shared>>)
    %mul3A_223 = arith.constant 640 : i32
    %mul3A_224 = arith.muli %arg1, %mul3A_223 : i32
    %add3A_225 = arith.constant 440 : i32
    %add3A_226 = arith.addi %mul3A_224, %add3A_225 : i32
    %dma_wait3A_227 = arith.constant 0 : i32
    %dma_wait3A_228 = tpu.memref_slice %arg6[%add3A_226, %dma_wait3A_227] : memref<10240x128xf32, #tpu.memory_space<vmem_shared>> -> memref<40x128xf32, #tpu.memory_space<vmem_shared>>
    %dma_wait3A_229 = arith.constant 0 : i32
    %dma_wait3A_230 = tpu.memref_slice %arg6[%add3A_226, %dma_wait3A_229] : memref<10240x128xf32, #tpu.memory_space<vmem_shared>> -> memref<40x128xf32, #tpu.memory_space<vmem_shared>>
    tpu.wait_dma2 semaphore(%arg33 : memref<!tpu.dma_semaphore, #tpu.memory_space<semaphore_mem>>) src(%arg13 : memref<40x128xf32, #tpu.memory_space<vmem>>) dst(%dma_wait3A_230 : memref<40x128xf32, #tpu.memory_space<vmem_shared>>)
    %mul3A_231 = arith.constant 640 : i32
    %mul3A_232 = arith.muli %arg1, %mul3A_231 : i32
    %add3A_233 = arith.constant 480 : i32
    %add3A_234 = arith.addi %mul3A_232, %add3A_233 : i32
    %dma_wait3A_235 = arith.constant 0 : i32
    %dma_wait3A_236 = tpu.memref_slice %arg6[%add3A_234, %dma_wait3A_235] : memref<10240x128xf32, #tpu.memory_space<vmem_shared>> -> memref<40x128xf32, #tpu.memory_space<vmem_shared>>
    %dma_wait3A_237 = arith.constant 0 : i32
    %dma_wait3A_238 = tpu.memref_slice %arg6[%add3A_234, %dma_wait3A_237] : memref<10240x128xf32, #tpu.memory_space<vmem_shared>> -> memref<40x128xf32, #tpu.memory_space<vmem_shared>>
    tpu.wait_dma2 semaphore(%arg33 : memref<!tpu.dma_semaphore, #tpu.memory_space<semaphore_mem>>) src(%arg13 : memref<40x128xf32, #tpu.memory_space<vmem>>) dst(%dma_wait3A_238 : memref<40x128xf32, #tpu.memory_space<vmem_shared>>)
    %mul3A_239 = arith.constant 640 : i32
    %mul3A_240 = arith.muli %arg1, %mul3A_239 : i32
    %add3A_241 = arith.constant 520 : i32
    %add3A_242 = arith.addi %mul3A_240, %add3A_241 : i32
    %dma_wait3A_243 = arith.constant 0 : i32
    %dma_wait3A_244 = tpu.memref_slice %arg6[%add3A_242, %dma_wait3A_243] : memref<10240x128xf32, #tpu.memory_space<vmem_shared>> -> memref<40x128xf32, #tpu.memory_space<vmem_shared>>
    %dma_wait3A_245 = arith.constant 0 : i32
    %dma_wait3A_246 = tpu.memref_slice %arg6[%add3A_242, %dma_wait3A_245] : memref<10240x128xf32, #tpu.memory_space<vmem_shared>> -> memref<40x128xf32, #tpu.memory_space<vmem_shared>>
    tpu.wait_dma2 semaphore(%arg33 : memref<!tpu.dma_semaphore, #tpu.memory_space<semaphore_mem>>) src(%arg13 : memref<40x128xf32, #tpu.memory_space<vmem>>) dst(%dma_wait3A_246 : memref<40x128xf32, #tpu.memory_space<vmem_shared>>)
    %mul3A_247 = arith.constant 640 : i32
    %mul3A_248 = arith.muli %arg1, %mul3A_247 : i32
    %add3A_249 = arith.constant 560 : i32
    %add3A_250 = arith.addi %mul3A_248, %add3A_249 : i32
    %dma_wait3A_251 = arith.constant 0 : i32
    %dma_wait3A_252 = tpu.memref_slice %arg6[%add3A_250, %dma_wait3A_251] : memref<10240x128xf32, #tpu.memory_space<vmem_shared>> -> memref<40x128xf32, #tpu.memory_space<vmem_shared>>
    %dma_wait3A_253 = arith.constant 0 : i32
    %dma_wait3A_254 = tpu.memref_slice %arg6[%add3A_250, %dma_wait3A_253] : memref<10240x128xf32, #tpu.memory_space<vmem_shared>> -> memref<40x128xf32, #tpu.memory_space<vmem_shared>>
    tpu.wait_dma2 semaphore(%arg33 : memref<!tpu.dma_semaphore, #tpu.memory_space<semaphore_mem>>) src(%arg13 : memref<40x128xf32, #tpu.memory_space<vmem>>) dst(%dma_wait3A_254 : memref<40x128xf32, #tpu.memory_space<vmem_shared>>)
    %mul3A_255 = arith.constant 640 : i32
    %mul3A_256 = arith.muli %arg1, %mul3A_255 : i32
    %add3A_257 = arith.constant 600 : i32
    %add3A_258 = arith.addi %mul3A_256, %add3A_257 : i32
    %dma_wait3A_259 = arith.constant 0 : i32
    %dma_wait3A_260 = tpu.memref_slice %arg6[%add3A_258, %dma_wait3A_259] : memref<10240x128xf32, #tpu.memory_space<vmem_shared>> -> memref<40x128xf32, #tpu.memory_space<vmem_shared>>
    %dma_wait3A_261 = arith.constant 0 : i32
    %dma_wait3A_262 = tpu.memref_slice %arg6[%add3A_258, %dma_wait3A_261] : memref<10240x128xf32, #tpu.memory_space<vmem_shared>> -> memref<40x128xf32, #tpu.memory_space<vmem_shared>>
    tpu.wait_dma2 semaphore(%arg33 : memref<!tpu.dma_semaphore, #tpu.memory_space<semaphore_mem>>) src(%arg13 : memref<40x128xf32, #tpu.memory_space<vmem>>) dst(%dma_wait3A_262 : memref<40x128xf32, #tpu.memory_space<vmem_shared>>)
    %barrier3A = arith.constant 0 : index
    tpu.barrier barrier_id(%barrier3A)
    %add3A_263 = arith.constant 0 : i32
    %add3A_264 = arith.addi %mul3A_2, %add3A_263 : i32
    %dma_start3A_265 = tpu.memref_slice %arg4[%add3A_264] : memref<320000xi32, #tpu.memory_space<hbm>> -> memref<40xi32, #tpu.memory_space<hbm>>
    %dma_start3A_266 = tpu.memref_slice %arg4[%add3A_264] : memref<320000xi32, #tpu.memory_space<hbm>> -> memref<40xi32, #tpu.memory_space<hbm>>
    tpu.enqueue_dma source(%dma_start3A_266 : memref<40xi32, #tpu.memory_space<hbm>>) target(%arg8 : memref<40xi32, #tpu.memory_space<vmem>>) target_semaphore(%arg28 : memref<!tpu.dma_semaphore, #tpu.memory_space<semaphore_mem>>)
    %dma_start3A_267 = arith.constant 0 : i32
    %dma_start3A_268 = tpu.memref_slice %arg7[%dma_start3A_267] : memref<10000xi32, #tpu.memory_space<vmem>> -> memref<40xi32, #tpu.memory_space<vmem>>
    %dma_start3A_269 = arith.constant 0 : i32
    %dma_start3A_270 = arith.constant 0 : i32
    %dma_start3A_271 = tpu.memref_slice %arg2[%dma_start3A_269, %dma_start3A_270] : memref<10240x128xf32, #tpu.memory_space<hbm>> -> memref<10240x128xf32, #tpu.memory_space<hbm>>
    tpu.enqueue_indirect_dma source(%dma_start3A_271 : memref<10240x128xf32, #tpu.memory_space<hbm>>) target(%arg13 : memref<40x128xf32, #tpu.memory_space<vmem>>) offsets(%dma_start3A_268 : memref<40xi32, #tpu.memory_space<vmem>>) semaphore(%arg18 : memref<!tpu.dma_semaphore, #tpu.memory_space<semaphore_mem>>)
    %add3A_272 = arith.constant 40 : i32
    %add3A_273 = arith.addi %mul3A_2, %add3A_272 : i32
    %dma_start3A_274 = tpu.memref_slice %arg4[%add3A_273] : memref<320000xi32, #tpu.memory_space<hbm>> -> memref<40xi32, #tpu.memory_space<hbm>>
    %dma_start3A_275 = tpu.memref_slice %arg4[%add3A_273] : memref<320000xi32, #tpu.memory_space<hbm>> -> memref<40xi32, #tpu.memory_space<hbm>>
    tpu.enqueue_dma source(%dma_start3A_275 : memref<40xi32, #tpu.memory_space<hbm>>) target(%arg9 : memref<40xi32, #tpu.memory_space<vmem>>) target_semaphore(%arg29 : memref<!tpu.dma_semaphore, #tpu.memory_space<semaphore_mem>>)
    %dma_start3A_276 = arith.constant 40 : i32
    %dma_start3A_277 = tpu.memref_slice %arg7[%dma_start3A_276] : memref<10000xi32, #tpu.memory_space<vmem>> -> memref<40xi32, #tpu.memory_space<vmem>>
    %dma_start3A_278 = arith.constant 0 : i32
    %dma_start3A_279 = arith.constant 0 : i32
    %dma_start3A_280 = tpu.memref_slice %arg2[%dma_start3A_278, %dma_start3A_279] : memref<10240x128xf32, #tpu.memory_space<hbm>> -> memref<10240x128xf32, #tpu.memory_space<hbm>>
    tpu.enqueue_indirect_dma source(%dma_start3A_280 : memref<10240x128xf32, #tpu.memory_space<hbm>>) target(%arg14 : memref<40x128xf32, #tpu.memory_space<vmem>>) offsets(%dma_start3A_277 : memref<40xi32, #tpu.memory_space<vmem>>) semaphore(%arg19 : memref<!tpu.dma_semaphore, #tpu.memory_space<semaphore_mem>>)
    %add3A_281 = arith.constant 80 : i32
    %add3A_282 = arith.addi %mul3A_2, %add3A_281 : i32
    %dma_start3A_283 = tpu.memref_slice %arg4[%add3A_282] : memref<320000xi32, #tpu.memory_space<hbm>> -> memref<40xi32, #tpu.memory_space<hbm>>
    %dma_start3A_284 = tpu.memref_slice %arg4[%add3A_282] : memref<320000xi32, #tpu.memory_space<hbm>> -> memref<40xi32, #tpu.memory_space<hbm>>
    tpu.enqueue_dma source(%dma_start3A_284 : memref<40xi32, #tpu.memory_space<hbm>>) target(%arg10 : memref<40xi32, #tpu.memory_space<vmem>>) target_semaphore(%arg30 : memref<!tpu.dma_semaphore, #tpu.memory_space<semaphore_mem>>)
    %dma_start3A_285 = arith.constant 80 : i32
    %dma_start3A_286 = tpu.memref_slice %arg7[%dma_start3A_285] : memref<10000xi32, #tpu.memory_space<vmem>> -> memref<40xi32, #tpu.memory_space<vmem>>
    %dma_start3A_287 = arith.constant 0 : i32
    %dma_start3A_288 = arith.constant 0 : i32
    %dma_start3A_289 = tpu.memref_slice %arg2[%dma_start3A_287, %dma_start3A_288] : memref<10240x128xf32, #tpu.memory_space<hbm>> -> memref<10240x128xf32, #tpu.memory_space<hbm>>
    tpu.enqueue_indirect_dma source(%dma_start3A_289 : memref<10240x128xf32, #tpu.memory_space<hbm>>) target(%arg15 : memref<40x128xf32, #tpu.memory_space<vmem>>) offsets(%dma_start3A_286 : memref<40xi32, #tpu.memory_space<vmem>>) semaphore(%arg20 : memref<!tpu.dma_semaphore, #tpu.memory_space<semaphore_mem>>)
    %add3A_290 = arith.constant 120 : i32
    %add3A_291 = arith.addi %mul3A_2, %add3A_290 : i32
    %dma_start3A_292 = tpu.memref_slice %arg4[%add3A_291] : memref<320000xi32, #tpu.memory_space<hbm>> -> memref<40xi32, #tpu.memory_space<hbm>>
    %dma_start3A_293 = tpu.memref_slice %arg4[%add3A_291] : memref<320000xi32, #tpu.memory_space<hbm>> -> memref<40xi32, #tpu.memory_space<hbm>>
    tpu.enqueue_dma source(%dma_start3A_293 : memref<40xi32, #tpu.memory_space<hbm>>) target(%arg11 : memref<40xi32, #tpu.memory_space<vmem>>) target_semaphore(%arg31 : memref<!tpu.dma_semaphore, #tpu.memory_space<semaphore_mem>>)
    %dma_start3A_294 = arith.constant 120 : i32
    %dma_start3A_295 = tpu.memref_slice %arg7[%dma_start3A_294] : memref<10000xi32, #tpu.memory_space<vmem>> -> memref<40xi32, #tpu.memory_space<vmem>>
    %dma_start3A_296 = arith.constant 0 : i32
    %dma_start3A_297 = arith.constant 0 : i32
    %dma_start3A_298 = tpu.memref_slice %arg2[%dma_start3A_296, %dma_start3A_297] : memref<10240x128xf32, #tpu.memory_space<hbm>> -> memref<10240x128xf32, #tpu.memory_space<hbm>>
    tpu.enqueue_indirect_dma source(%dma_start3A_298 : memref<10240x128xf32, #tpu.memory_space<hbm>>) target(%arg16 : memref<40x128xf32, #tpu.memory_space<vmem>>) offsets(%dma_start3A_295 : memref<40xi32, #tpu.memory_space<vmem>>) semaphore(%arg21 : memref<!tpu.dma_semaphore, #tpu.memory_space<semaphore_mem>>)
    %scan3A_299 = arith.constant 0 : i32
    %scan3A_300 = arith.constant 0 : i32
    %scan3A_301 = arith.constant 50 : i32
    %scan3A_302 = arith.addi %scan3A_300, %scan3A_301 : i32
    %scan3A_303 = arith.constant 1 : i32
    scf.for %scan3A_323 = %scan3A_300 to %scan3A_302 step %scan3A_303  : i32 {
      %mul3A_324 = arith.constant 5 : i32
      %mul3A_325 = arith.muli %scan3A_323, %mul3A_324 : i32
      %add3A_326 = arith.constant 0 : i32
      %add3A_327 = arith.addi %mul3A_325, %add3A_326 : i32
      %mul3A_328 = arith.constant 40 : i32
      %mul3A_329 = arith.muli %add3A_327, %mul3A_328 : i32
      %dma_wait3A_330 = tpu.memref_slice %arg7[%mul3A_329] : memref<10000xi32, #tpu.memory_space<vmem>> -> memref<40xi32, #tpu.memory_space<vmem>>
      %dma_wait3A_331 = arith.constant 0 : i32
      %dma_wait3A_332 = arith.constant 0 : i32
      %dma_wait3A_333 = tpu.memref_slice %arg2[%dma_wait3A_331, %dma_wait3A_332] : memref<10240x128xf32, #tpu.memory_space<hbm>> -> memref<10240x128xf32, #tpu.memory_space<hbm>>
      tpu.wait_indirect_dma semaphore(%arg18 : memref<!tpu.dma_semaphore, #tpu.memory_space<semaphore_mem>>) src(%dma_wait3A_333 : memref<10240x128xf32, #tpu.memory_space<hbm>>) dst(%arg13 : memref<40x128xf32, #tpu.memory_space<vmem>>)
      %mul3A_334 = arith.constant 40 : i32
      %mul3A_335 = arith.muli %add3A_327, %mul3A_334 : i32
      %add3A_336 = arith.addi %mul3A_2, %mul3A_335 : i32
      %dma_wait3A_337 = tpu.memref_slice %arg4[%add3A_336] : memref<320000xi32, #tpu.memory_space<hbm>> -> memref<40xi32, #tpu.memory_space<hbm>>
      %dma_wait3A_338 = tpu.memref_slice %arg4[%add3A_336] : memref<320000xi32, #tpu.memory_space<hbm>> -> memref<40xi32, #tpu.memory_space<hbm>>
      tpu.wait_dma2 semaphore(%arg28 : memref<!tpu.dma_semaphore, #tpu.memory_space<semaphore_mem>>) src(%dma_wait3A_338 : memref<40xi32, #tpu.memory_space<hbm>>) dst(%arg8 : memref<40xi32, #tpu.memory_space<vmem>>)
      %dma_start3A_339 = arith.constant 0 : i32
      %dma_start3A_340 = arith.constant 0 : i32
      %dma_start3A_341 = tpu.memref_slice %arg6[%dma_start3A_339, %dma_start3A_340] : memref<10240x128xf32, #tpu.memory_space<vmem_shared>> -> memref<10240x128xf32, #tpu.memory_space<vmem_shared>>
      tpu.enqueue_indirect_dma source(%arg13 : memref<40x128xf32, #tpu.memory_space<vmem>>) target(%dma_start3A_341 : memref<10240x128xf32, #tpu.memory_space<vmem_shared>>) offsets(%arg8 : memref<40xi32, #tpu.memory_space<vmem>>) semaphore(%arg23 : memref<!tpu.dma_semaphore, #tpu.memory_space<semaphore_mem>>) {add = true}
      %add3A_342 = arith.constant 5 : i32
      %add3A_343 = arith.addi %add3A_327, %add3A_342 : i32
      %sub3A = arith.constant 1 : i32
      %sub3A_344 = arith.subi %add3A_343, %sub3A : i32
      %lt3A = arith.constant 250 : i32
      %lt3A_345 = arith.cmpi slt, %sub3A_344, %lt3A : i32
      %convert_element_type3A = arith.extui %lt3A_345 : i1 to i32
      %cond3A = arith.constant 0 : i32
      %cond3A_346 = arith.cmpi ne, %convert_element_type3A, %cond3A : i32
      scf.if %cond3A_346 {
        %ge3A = arith.constant 1 : i32
        %ge3A_455 = arith.cmpi sge, %scan3A_323, %ge3A : i32
        %convert_element_type3A_456 = arith.extui %ge3A_455 : i1 to i32
        %cond3A_457 = arith.constant 0 : i32
        %cond3A_458 = arith.cmpi ne, %convert_element_type3A_456, %cond3A_457 : i32
        scf.if %cond3A_458 {
          %dma_wait3A_474 = arith.constant 0 : i32
          %dma_wait3A_475 = arith.constant 0 : i32
          %dma_wait3A_476 = tpu.memref_slice %arg6[%dma_wait3A_474, %dma_wait3A_475] : memref<10240x128xf32, #tpu.memory_space<vmem_shared>> -> memref<10240x128xf32, #tpu.memory_space<vmem_shared>>
          tpu.wait_indirect_dma semaphore(%arg27 : memref<!tpu.dma_semaphore, #tpu.memory_space<semaphore_mem>>) src(%arg17 : memref<40x128xf32, #tpu.memory_space<vmem>>) dst(%dma_wait3A_476 : memref<10240x128xf32, #tpu.memory_space<vmem_shared>>)
        } else {
        }
        %add3A_459 = arith.constant 5 : i32
        %add3A_460 = arith.addi %add3A_327, %add3A_459 : i32
        %sub3A_461 = arith.constant 1 : i32
        %sub3A_462 = arith.subi %add3A_460, %sub3A_461 : i32
        %mul3A_463 = arith.constant 40 : i32
        %mul3A_464 = arith.muli %sub3A_462, %mul3A_463 : i32
        %add3A_465 = arith.addi %mul3A_2, %mul3A_464 : i32
        %dma_start3A_466 = tpu.memref_slice %arg4[%add3A_465] : memref<320000xi32, #tpu.memory_space<hbm>> -> memref<40xi32, #tpu.memory_space<hbm>>
        %dma_start3A_467 = tpu.memref_slice %arg4[%add3A_465] : memref<320000xi32, #tpu.memory_space<hbm>> -> memref<40xi32, #tpu.memory_space<hbm>>
        tpu.enqueue_dma source(%dma_start3A_467 : memref<40xi32, #tpu.memory_space<hbm>>) target(%arg12 : memref<40xi32, #tpu.memory_space<vmem>>) target_semaphore(%arg32 : memref<!tpu.dma_semaphore, #tpu.memory_space<semaphore_mem>>)
        %mul3A_468 = arith.constant 40 : i32
        %mul3A_469 = arith.muli %sub3A_462, %mul3A_468 : i32
        %dma_start3A_470 = tpu.memref_slice %arg7[%mul3A_469] : memref<10000xi32, #tpu.memory_space<vmem>> -> memref<40xi32, #tpu.memory_space<vmem>>
        %dma_start3A_471 = arith.constant 0 : i32
        %dma_start3A_472 = arith.constant 0 : i32
        %dma_start3A_473 = tpu.memref_slice %arg2[%dma_start3A_471, %dma_start3A_472] : memref<10240x128xf32, #tpu.memory_space<hbm>> -> memref<10240x128xf32, #tpu.memory_space<hbm>>
        tpu.enqueue_indirect_dma source(%dma_start3A_473 : memref<10240x128xf32, #tpu.memory_space<hbm>>) target(%arg17 : memref<40x128xf32, #tpu.memory_space<vmem>>) offsets(%dma_start3A_470 : memref<40xi32, #tpu.memory_space<vmem>>) semaphore(%arg22 : memref<!tpu.dma_semaphore, #tpu.memory_space<semaphore_mem>>)
      } else {
      }
      %mul3A_347 = arith.constant 5 : i32
      %mul3A_348 = arith.muli %scan3A_323, %mul3A_347 : i32
      %add3A_349 = arith.constant 1 : i32
      %add3A_350 = arith.addi %mul3A_348, %add3A_349 : i32
      %mul3A_351 = arith.constant 40 : i32
      %mul3A_352 = arith.muli %add3A_350, %mul3A_351 : i32
      %dma_wait3A_353 = tpu.memref_slice %arg7[%mul3A_352] : memref<10000xi32, #tpu.memory_space<vmem>> -> memref<40xi32, #tpu.memory_space<vmem>>
      %dma_wait3A_354 = arith.constant 0 : i32
      %dma_wait3A_355 = arith.constant 0 : i32
      %dma_wait3A_356 = tpu.memref_slice %arg2[%dma_wait3A_354, %dma_wait3A_355] : memref<10240x128xf32, #tpu.memory_space<hbm>> -> memref<10240x128xf32, #tpu.memory_space<hbm>>
      tpu.wait_indirect_dma semaphore(%arg19 : memref<!tpu.dma_semaphore, #tpu.memory_space<semaphore_mem>>) src(%dma_wait3A_356 : memref<10240x128xf32, #tpu.memory_space<hbm>>) dst(%arg14 : memref<40x128xf32, #tpu.memory_space<vmem>>)
      %mul3A_357 = arith.constant 40 : i32
      %mul3A_358 = arith.muli %add3A_350, %mul3A_357 : i32
      %add3A_359 = arith.addi %mul3A_2, %mul3A_358 : i32
      %dma_wait3A_360 = tpu.memref_slice %arg4[%add3A_359] : memref<320000xi32, #tpu.memory_space<hbm>> -> memref<40xi32, #tpu.memory_space<hbm>>
      %dma_wait3A_361 = tpu.memref_slice %arg4[%add3A_359] : memref<320000xi32, #tpu.memory_space<hbm>> -> memref<40xi32, #tpu.memory_space<hbm>>
      tpu.wait_dma2 semaphore(%arg29 : memref<!tpu.dma_semaphore, #tpu.memory_space<semaphore_mem>>) src(%dma_wait3A_361 : memref<40xi32, #tpu.memory_space<hbm>>) dst(%arg9 : memref<40xi32, #tpu.memory_space<vmem>>)
      %dma_start3A_362 = arith.constant 0 : i32
      %dma_start3A_363 = arith.constant 0 : i32
      %dma_start3A_364 = tpu.memref_slice %arg6[%dma_start3A_362, %dma_start3A_363] : memref<10240x128xf32, #tpu.memory_space<vmem_shared>> -> memref<10240x128xf32, #tpu.memory_space<vmem_shared>>
      tpu.enqueue_indirect_dma source(%arg14 : memref<40x128xf32, #tpu.memory_space<vmem>>) target(%dma_start3A_364 : memref<10240x128xf32, #tpu.memory_space<vmem_shared>>) offsets(%arg9 : memref<40xi32, #tpu.memory_space<vmem>>) semaphore(%arg24 : memref<!tpu.dma_semaphore, #tpu.memory_space<semaphore_mem>>) {add = true}
      %add3A_365 = arith.constant 5 : i32
      %add3A_366 = arith.addi %add3A_350, %add3A_365 : i32
      %sub3A_367 = arith.constant 1 : i32
      %sub3A_368 = arith.subi %add3A_366, %sub3A_367 : i32
      %lt3A_369 = arith.constant 250 : i32
      %lt3A_370 = arith.cmpi slt, %sub3A_368, %lt3A_369 : i32
      %convert_element_type3A_371 = arith.extui %lt3A_370 : i1 to i32
      %cond3A_372 = arith.constant 0 : i32
      %cond3A_373 = arith.cmpi ne, %convert_element_type3A_371, %cond3A_372 : i32
      scf.if %cond3A_373 {
        %dma_wait3A_455 = arith.constant 0 : i32
        %dma_wait3A_456 = arith.constant 0 : i32
        %dma_wait3A_457 = tpu.memref_slice %arg6[%dma_wait3A_455, %dma_wait3A_456] : memref<10240x128xf32, #tpu.memory_space<vmem_shared>> -> memref<10240x128xf32, #tpu.memory_space<vmem_shared>>
        tpu.wait_indirect_dma semaphore(%arg23 : memref<!tpu.dma_semaphore, #tpu.memory_space<semaphore_mem>>) src(%arg13 : memref<40x128xf32, #tpu.memory_space<vmem>>) dst(%dma_wait3A_457 : memref<10240x128xf32, #tpu.memory_space<vmem_shared>>)
        %add3A_458 = arith.constant 5 : i32
        %add3A_459 = arith.addi %add3A_350, %add3A_458 : i32
        %sub3A_460 = arith.constant 1 : i32
        %sub3A_461 = arith.subi %add3A_459, %sub3A_460 : i32
        %mul3A_462 = arith.constant 40 : i32
        %mul3A_463 = arith.muli %sub3A_461, %mul3A_462 : i32
        %add3A_464 = arith.addi %mul3A_2, %mul3A_463 : i32
        %dma_start3A_465 = tpu.memref_slice %arg4[%add3A_464] : memref<320000xi32, #tpu.memory_space<hbm>> -> memref<40xi32, #tpu.memory_space<hbm>>
        %dma_start3A_466 = tpu.memref_slice %arg4[%add3A_464] : memref<320000xi32, #tpu.memory_space<hbm>> -> memref<40xi32, #tpu.memory_space<hbm>>
        tpu.enqueue_dma source(%dma_start3A_466 : memref<40xi32, #tpu.memory_space<hbm>>) target(%arg8 : memref<40xi32, #tpu.memory_space<vmem>>) target_semaphore(%arg28 : memref<!tpu.dma_semaphore, #tpu.memory_space<semaphore_mem>>)
        %mul3A_467 = arith.constant 40 : i32
        %mul3A_468 = arith.muli %sub3A_461, %mul3A_467 : i32
        %dma_start3A_469 = tpu.memref_slice %arg7[%mul3A_468] : memref<10000xi32, #tpu.memory_space<vmem>> -> memref<40xi32, #tpu.memory_space<vmem>>
        %dma_start3A_470 = arith.constant 0 : i32
        %dma_start3A_471 = arith.constant 0 : i32
        %dma_start3A_472 = tpu.memref_slice %arg2[%dma_start3A_470, %dma_start3A_471] : memref<10240x128xf32, #tpu.memory_space<hbm>> -> memref<10240x128xf32, #tpu.memory_space<hbm>>
        tpu.enqueue_indirect_dma source(%dma_start3A_472 : memref<10240x128xf32, #tpu.memory_space<hbm>>) target(%arg13 : memref<40x128xf32, #tpu.memory_space<vmem>>) offsets(%dma_start3A_469 : memref<40xi32, #tpu.memory_space<vmem>>) semaphore(%arg18 : memref<!tpu.dma_semaphore, #tpu.memory_space<semaphore_mem>>)
      } else {
      }
      %mul3A_374 = arith.constant 5 : i32
      %mul3A_375 = arith.muli %scan3A_323, %mul3A_374 : i32
      %add3A_376 = arith.constant 2 : i32
      %add3A_377 = arith.addi %mul3A_375, %add3A_376 : i32
      %mul3A_378 = arith.constant 40 : i32
      %mul3A_379 = arith.muli %add3A_377, %mul3A_378 : i32
      %dma_wait3A_380 = tpu.memref_slice %arg7[%mul3A_379] : memref<10000xi32, #tpu.memory_space<vmem>> -> memref<40xi32, #tpu.memory_space<vmem>>
      %dma_wait3A_381 = arith.constant 0 : i32
      %dma_wait3A_382 = arith.constant 0 : i32
      %dma_wait3A_383 = tpu.memref_slice %arg2[%dma_wait3A_381, %dma_wait3A_382] : memref<10240x128xf32, #tpu.memory_space<hbm>> -> memref<10240x128xf32, #tpu.memory_space<hbm>>
      tpu.wait_indirect_dma semaphore(%arg20 : memref<!tpu.dma_semaphore, #tpu.memory_space<semaphore_mem>>) src(%dma_wait3A_383 : memref<10240x128xf32, #tpu.memory_space<hbm>>) dst(%arg15 : memref<40x128xf32, #tpu.memory_space<vmem>>)
      %mul3A_384 = arith.constant 40 : i32
      %mul3A_385 = arith.muli %add3A_377, %mul3A_384 : i32
      %add3A_386 = arith.addi %mul3A_2, %mul3A_385 : i32
      %dma_wait3A_387 = tpu.memref_slice %arg4[%add3A_386] : memref<320000xi32, #tpu.memory_space<hbm>> -> memref<40xi32, #tpu.memory_space<hbm>>
      %dma_wait3A_388 = tpu.memref_slice %arg4[%add3A_386] : memref<320000xi32, #tpu.memory_space<hbm>> -> memref<40xi32, #tpu.memory_space<hbm>>
      tpu.wait_dma2 semaphore(%arg30 : memref<!tpu.dma_semaphore, #tpu.memory_space<semaphore_mem>>) src(%dma_wait3A_388 : memref<40xi32, #tpu.memory_space<hbm>>) dst(%arg10 : memref<40xi32, #tpu.memory_space<vmem>>)
      %dma_start3A_389 = arith.constant 0 : i32
      %dma_start3A_390 = arith.constant 0 : i32
      %dma_start3A_391 = tpu.memref_slice %arg6[%dma_start3A_389, %dma_start3A_390] : memref<10240x128xf32, #tpu.memory_space<vmem_shared>> -> memref<10240x128xf32, #tpu.memory_space<vmem_shared>>
      tpu.enqueue_indirect_dma source(%arg15 : memref<40x128xf32, #tpu.memory_space<vmem>>) target(%dma_start3A_391 : memref<10240x128xf32, #tpu.memory_space<vmem_shared>>) offsets(%arg10 : memref<40xi32, #tpu.memory_space<vmem>>) semaphore(%arg25 : memref<!tpu.dma_semaphore, #tpu.memory_space<semaphore_mem>>) {add = true}
      %add3A_392 = arith.constant 5 : i32
      %add3A_393 = arith.addi %add3A_377, %add3A_392 : i32
      %sub3A_394 = arith.constant 1 : i32
      %sub3A_395 = arith.subi %add3A_393, %sub3A_394 : i32
      %lt3A_396 = arith.constant 250 : i32
      %lt3A_397 = arith.cmpi slt, %sub3A_395, %lt3A_396 : i32
      %convert_element_type3A_398 = arith.extui %lt3A_397 : i1 to i32
      %cond3A_399 = arith.constant 0 : i32
      %cond3A_400 = arith.cmpi ne, %convert_element_type3A_398, %cond3A_399 : i32
      scf.if %cond3A_400 {
        %dma_wait3A_455 = arith.constant 0 : i32
        %dma_wait3A_456 = arith.constant 0 : i32
        %dma_wait3A_457 = tpu.memref_slice %arg6[%dma_wait3A_455, %dma_wait3A_456] : memref<10240x128xf32, #tpu.memory_space<vmem_shared>> -> memref<10240x128xf32, #tpu.memory_space<vmem_shared>>
        tpu.wait_indirect_dma semaphore(%arg24 : memref<!tpu.dma_semaphore, #tpu.memory_space<semaphore_mem>>) src(%arg14 : memref<40x128xf32, #tpu.memory_space<vmem>>) dst(%dma_wait3A_457 : memref<10240x128xf32, #tpu.memory_space<vmem_shared>>)
        %add3A_458 = arith.constant 5 : i32
        %add3A_459 = arith.addi %add3A_377, %add3A_458 : i32
        %sub3A_460 = arith.constant 1 : i32
        %sub3A_461 = arith.subi %add3A_459, %sub3A_460 : i32
        %mul3A_462 = arith.constant 40 : i32
        %mul3A_463 = arith.muli %sub3A_461, %mul3A_462 : i32
        %add3A_464 = arith.addi %mul3A_2, %mul3A_463 : i32
        %dma_start3A_465 = tpu.memref_slice %arg4[%add3A_464] : memref<320000xi32, #tpu.memory_space<hbm>> -> memref<40xi32, #tpu.memory_space<hbm>>
        %dma_start3A_466 = tpu.memref_slice %arg4[%add3A_464] : memref<320000xi32, #tpu.memory_space<hbm>> -> memref<40xi32, #tpu.memory_space<hbm>>
        tpu.enqueue_dma source(%dma_start3A_466 : memref<40xi32, #tpu.memory_space<hbm>>) target(%arg9 : memref<40xi32, #tpu.memory_space<vmem>>) target_semaphore(%arg29 : memref<!tpu.dma_semaphore, #tpu.memory_space<semaphore_mem>>)
        %mul3A_467 = arith.constant 40 : i32
        %mul3A_468 = arith.muli %sub3A_461, %mul3A_467 : i32
        %dma_start3A_469 = tpu.memref_slice %arg7[%mul3A_468] : memref<10000xi32, #tpu.memory_space<vmem>> -> memref<40xi32, #tpu.memory_space<vmem>>
        %dma_start3A_470 = arith.constant 0 : i32
        %dma_start3A_471 = arith.constant 0 : i32
        %dma_start3A_472 = tpu.memref_slice %arg2[%dma_start3A_470, %dma_start3A_471] : memref<10240x128xf32, #tpu.memory_space<hbm>> -> memref<10240x128xf32, #tpu.memory_space<hbm>>
        tpu.enqueue_indirect_dma source(%dma_start3A_472 : memref<10240x128xf32, #tpu.memory_space<hbm>>) target(%arg14 : memref<40x128xf32, #tpu.memory_space<vmem>>) offsets(%dma_start3A_469 : memref<40xi32, #tpu.memory_space<vmem>>) semaphore(%arg19 : memref<!tpu.dma_semaphore, #tpu.memory_space<semaphore_mem>>)
      } else {
      }
      %mul3A_401 = arith.constant 5 : i32
      %mul3A_402 = arith.muli %scan3A_323, %mul3A_401 : i32
      %add3A_403 = arith.constant 3 : i32
      %add3A_404 = arith.addi %mul3A_402, %add3A_403 : i32
      %mul3A_405 = arith.constant 40 : i32
      %mul3A_406 = arith.muli %add3A_404, %mul3A_405 : i32
      %dma_wait3A_407 = tpu.memref_slice %arg7[%mul3A_406] : memref<10000xi32, #tpu.memory_space<vmem>> -> memref<40xi32, #tpu.memory_space<vmem>>
      %dma_wait3A_408 = arith.constant 0 : i32
      %dma_wait3A_409 = arith.constant 0 : i32
      %dma_wait3A_410 = tpu.memref_slice %arg2[%dma_wait3A_408, %dma_wait3A_409] : memref<10240x128xf32, #tpu.memory_space<hbm>> -> memref<10240x128xf32, #tpu.memory_space<hbm>>
      tpu.wait_indirect_dma semaphore(%arg21 : memref<!tpu.dma_semaphore, #tpu.memory_space<semaphore_mem>>) src(%dma_wait3A_410 : memref<10240x128xf32, #tpu.memory_space<hbm>>) dst(%arg16 : memref<40x128xf32, #tpu.memory_space<vmem>>)
      %mul3A_411 = arith.constant 40 : i32
      %mul3A_412 = arith.muli %add3A_404, %mul3A_411 : i32
      %add3A_413 = arith.addi %mul3A_2, %mul3A_412 : i32
      %dma_wait3A_414 = tpu.memref_slice %arg4[%add3A_413] : memref<320000xi32, #tpu.memory_space<hbm>> -> memref<40xi32, #tpu.memory_space<hbm>>
      %dma_wait3A_415 = tpu.memref_slice %arg4[%add3A_413] : memref<320000xi32, #tpu.memory_space<hbm>> -> memref<40xi32, #tpu.memory_space<hbm>>
      tpu.wait_dma2 semaphore(%arg31 : memref<!tpu.dma_semaphore, #tpu.memory_space<semaphore_mem>>) src(%dma_wait3A_415 : memref<40xi32, #tpu.memory_space<hbm>>) dst(%arg11 : memref<40xi32, #tpu.memory_space<vmem>>)
      %dma_start3A_416 = arith.constant 0 : i32
      %dma_start3A_417 = arith.constant 0 : i32
      %dma_start3A_418 = tpu.memref_slice %arg6[%dma_start3A_416, %dma_start3A_417] : memref<10240x128xf32, #tpu.memory_space<vmem_shared>> -> memref<10240x128xf32, #tpu.memory_space<vmem_shared>>
      tpu.enqueue_indirect_dma source(%arg16 : memref<40x128xf32, #tpu.memory_space<vmem>>) target(%dma_start3A_418 : memref<10240x128xf32, #tpu.memory_space<vmem_shared>>) offsets(%arg11 : memref<40xi32, #tpu.memory_space<vmem>>) semaphore(%arg26 : memref<!tpu.dma_semaphore, #tpu.memory_space<semaphore_mem>>) {add = true}
      %add3A_419 = arith.constant 5 : i32
      %add3A_420 = arith.addi %add3A_404, %add3A_419 : i32
      %sub3A_421 = arith.constant 1 : i32
      %sub3A_422 = arith.subi %add3A_420, %sub3A_421 : i32
      %lt3A_423 = arith.constant 250 : i32
      %lt3A_424 = arith.cmpi slt, %sub3A_422, %lt3A_423 : i32
      %convert_element_type3A_425 = arith.extui %lt3A_424 : i1 to i32
      %cond3A_426 = arith.constant 0 : i32
      %cond3A_427 = arith.cmpi ne, %convert_element_type3A_425, %cond3A_426 : i32
      scf.if %cond3A_427 {
        %dma_wait3A_455 = arith.constant 0 : i32
        %dma_wait3A_456 = arith.constant 0 : i32
        %dma_wait3A_457 = tpu.memref_slice %arg6[%dma_wait3A_455, %dma_wait3A_456] : memref<10240x128xf32, #tpu.memory_space<vmem_shared>> -> memref<10240x128xf32, #tpu.memory_space<vmem_shared>>
        tpu.wait_indirect_dma semaphore(%arg25 : memref<!tpu.dma_semaphore, #tpu.memory_space<semaphore_mem>>) src(%arg15 : memref<40x128xf32, #tpu.memory_space<vmem>>) dst(%dma_wait3A_457 : memref<10240x128xf32, #tpu.memory_space<vmem_shared>>)
        %add3A_458 = arith.constant 5 : i32
        %add3A_459 = arith.addi %add3A_404, %add3A_458 : i32
        %sub3A_460 = arith.constant 1 : i32
        %sub3A_461 = arith.subi %add3A_459, %sub3A_460 : i32
        %mul3A_462 = arith.constant 40 : i32
        %mul3A_463 = arith.muli %sub3A_461, %mul3A_462 : i32
        %add3A_464 = arith.addi %mul3A_2, %mul3A_463 : i32
        %dma_start3A_465 = tpu.memref_slice %arg4[%add3A_464] : memref<320000xi32, #tpu.memory_space<hbm>> -> memref<40xi32, #tpu.memory_space<hbm>>
        %dma_start3A_466 = tpu.memref_slice %arg4[%add3A_464] : memref<320000xi32, #tpu.memory_space<hbm>> -> memref<40xi32, #tpu.memory_space<hbm>>
        tpu.enqueue_dma source(%dma_start3A_466 : memref<40xi32, #tpu.memory_space<hbm>>) target(%arg10 : memref<40xi32, #tpu.memory_space<vmem>>) target_semaphore(%arg30 : memref<!tpu.dma_semaphore, #tpu.memory_space<semaphore_mem>>)
        %mul3A_467 = arith.constant 40 : i32
        %mul3A_468 = arith.muli %sub3A_461, %mul3A_467 : i32
        %dma_start3A_469 = tpu.memref_slice %arg7[%mul3A_468] : memref<10000xi32, #tpu.memory_space<vmem>> -> memref<40xi32, #tpu.memory_space<vmem>>
        %dma_start3A_470 = arith.constant 0 : i32
        %dma_start3A_471 = arith.constant 0 : i32
        %dma_start3A_472 = tpu.memref_slice %arg2[%dma_start3A_470, %dma_start3A_471] : memref<10240x128xf32, #tpu.memory_space<hbm>> -> memref<10240x128xf32, #tpu.memory_space<hbm>>
        tpu.enqueue_indirect_dma source(%dma_start3A_472 : memref<10240x128xf32, #tpu.memory_space<hbm>>) target(%arg15 : memref<40x128xf32, #tpu.memory_space<vmem>>) offsets(%dma_start3A_469 : memref<40xi32, #tpu.memory_space<vmem>>) semaphore(%arg20 : memref<!tpu.dma_semaphore, #tpu.memory_space<semaphore_mem>>)
      } else {
      }
      %mul3A_428 = arith.constant 5 : i32
      %mul3A_429 = arith.muli %scan3A_323, %mul3A_428 : i32
      %add3A_430 = arith.constant 4 : i32
      %add3A_431 = arith.addi %mul3A_429, %add3A_430 : i32
      %mul3A_432 = arith.constant 40 : i32
      %mul3A_433 = arith.muli %add3A_431, %mul3A_432 : i32
      %dma_wait3A_434 = tpu.memref_slice %arg7[%mul3A_433] : memref<10000xi32, #tpu.memory_space<vmem>> -> memref<40xi32, #tpu.memory_space<vmem>>
      %dma_wait3A_435 = arith.constant 0 : i32
      %dma_wait3A_436 = arith.constant 0 : i32
      %dma_wait3A_437 = tpu.memref_slice %arg2[%dma_wait3A_435, %dma_wait3A_436] : memref<10240x128xf32, #tpu.memory_space<hbm>> -> memref<10240x128xf32, #tpu.memory_space<hbm>>
      tpu.wait_indirect_dma semaphore(%arg22 : memref<!tpu.dma_semaphore, #tpu.memory_space<semaphore_mem>>) src(%dma_wait3A_437 : memref<10240x128xf32, #tpu.memory_space<hbm>>) dst(%arg17 : memref<40x128xf32, #tpu.memory_space<vmem>>)
      %mul3A_438 = arith.constant 40 : i32
      %mul3A_439 = arith.muli %add3A_431, %mul3A_438 : i32
      %add3A_440 = arith.addi %mul3A_2, %mul3A_439 : i32
      %dma_wait3A_441 = tpu.memref_slice %arg4[%add3A_440] : memref<320000xi32, #tpu.memory_space<hbm>> -> memref<40xi32, #tpu.memory_space<hbm>>
      %dma_wait3A_442 = tpu.memref_slice %arg4[%add3A_440] : memref<320000xi32, #tpu.memory_space<hbm>> -> memref<40xi32, #tpu.memory_space<hbm>>
      tpu.wait_dma2 semaphore(%arg32 : memref<!tpu.dma_semaphore, #tpu.memory_space<semaphore_mem>>) src(%dma_wait3A_442 : memref<40xi32, #tpu.memory_space<hbm>>) dst(%arg12 : memref<40xi32, #tpu.memory_space<vmem>>)
      %dma_start3A_443 = arith.constant 0 : i32
      %dma_start3A_444 = arith.constant 0 : i32
      %dma_start3A_445 = tpu.memref_slice %arg6[%dma_start3A_443, %dma_start3A_444] : memref<10240x128xf32, #tpu.memory_space<vmem_shared>> -> memref<10240x128xf32, #tpu.memory_space<vmem_shared>>
      tpu.enqueue_indirect_dma source(%arg17 : memref<40x128xf32, #tpu.memory_space<vmem>>) target(%dma_start3A_445 : memref<10240x128xf32, #tpu.memory_space<vmem_shared>>) offsets(%arg12 : memref<40xi32, #tpu.memory_space<vmem>>) semaphore(%arg27 : memref<!tpu.dma_semaphore, #tpu.memory_space<semaphore_mem>>) {add = true}
      %add3A_446 = arith.constant 5 : i32
      %add3A_447 = arith.addi %add3A_431, %add3A_446 : i32
      %sub3A_448 = arith.constant 1 : i32
      %sub3A_449 = arith.subi %add3A_447, %sub3A_448 : i32
      %lt3A_450 = arith.constant 250 : i32
      %lt3A_451 = arith.cmpi slt, %sub3A_449, %lt3A_450 : i32
      %convert_element_type3A_452 = arith.extui %lt3A_451 : i1 to i32
      %cond3A_453 = arith.constant 0 : i32
      %cond3A_454 = arith.cmpi ne, %convert_element_type3A_452, %cond3A_453 : i32
      scf.if %cond3A_454 {
        %dma_wait3A_455 = arith.constant 0 : i32
        %dma_wait3A_456 = arith.constant 0 : i32
        %dma_wait3A_457 = tpu.memref_slice %arg6[%dma_wait3A_455, %dma_wait3A_456] : memref<10240x128xf32, #tpu.memory_space<vmem_shared>> -> memref<10240x128xf32, #tpu.memory_space<vmem_shared>>
        tpu.wait_indirect_dma semaphore(%arg26 : memref<!tpu.dma_semaphore, #tpu.memory_space<semaphore_mem>>) src(%arg16 : memref<40x128xf32, #tpu.memory_space<vmem>>) dst(%dma_wait3A_457 : memref<10240x128xf32, #tpu.memory_space<vmem_shared>>)
        %add3A_458 = arith.constant 5 : i32
        %add3A_459 = arith.addi %add3A_431, %add3A_458 : i32
        %sub3A_460 = arith.constant 1 : i32
        %sub3A_461 = arith.subi %add3A_459, %sub3A_460 : i32
        %mul3A_462 = arith.constant 40 : i32
        %mul3A_463 = arith.muli %sub3A_461, %mul3A_462 : i32
        %add3A_464 = arith.addi %mul3A_2, %mul3A_463 : i32
        %dma_start3A_465 = tpu.memref_slice %arg4[%add3A_464] : memref<320000xi32, #tpu.memory_space<hbm>> -> memref<40xi32, #tpu.memory_space<hbm>>
        %dma_start3A_466 = tpu.memref_slice %arg4[%add3A_464] : memref<320000xi32, #tpu.memory_space<hbm>> -> memref<40xi32, #tpu.memory_space<hbm>>
        tpu.enqueue_dma source(%dma_start3A_466 : memref<40xi32, #tpu.memory_space<hbm>>) target(%arg11 : memref<40xi32, #tpu.memory_space<vmem>>) target_semaphore(%arg31 : memref<!tpu.dma_semaphore, #tpu.memory_space<semaphore_mem>>)
        %mul3A_467 = arith.constant 40 : i32
        %mul3A_468 = arith.muli %sub3A_461, %mul3A_467 : i32
        %dma_start3A_469 = tpu.memref_slice %arg7[%mul3A_468] : memref<10000xi32, #tpu.memory_space<vmem>> -> memref<40xi32, #tpu.memory_space<vmem>>
        %dma_start3A_470 = arith.constant 0 : i32
        %dma_start3A_471 = arith.constant 0 : i32
        %dma_start3A_472 = tpu.memref_slice %arg2[%dma_start3A_470, %dma_start3A_471] : memref<10240x128xf32, #tpu.memory_space<hbm>> -> memref<10240x128xf32, #tpu.memory_space<hbm>>
        tpu.enqueue_indirect_dma source(%dma_start3A_472 : memref<10240x128xf32, #tpu.memory_space<hbm>>) target(%arg16 : memref<40x128xf32, #tpu.memory_space<vmem>>) offsets(%dma_start3A_469 : memref<40xi32, #tpu.memory_space<vmem>>) semaphore(%arg21 : memref<!tpu.dma_semaphore, #tpu.memory_space<semaphore_mem>>)
      } else {
      }
    }
    %scan3A_304 = arith.constant 50 : i32
    %dma_wait3A_305 = arith.constant 0 : i32
    %dma_wait3A_306 = arith.constant 0 : i32
    %dma_wait3A_307 = tpu.memref_slice %arg6[%dma_wait3A_305, %dma_wait3A_306] : memref<10240x128xf32, #tpu.memory_space<vmem_shared>> -> memref<10240x128xf32, #tpu.memory_space<vmem_shared>>
    tpu.wait_indirect_dma semaphore(%arg23 : memref<!tpu.dma_semaphore, #tpu.memory_space<semaphore_mem>>) src(%arg13 : memref<40x128xf32, #tpu.memory_space<vmem>>) dst(%dma_wait3A_307 : memref<10240x128xf32, #tpu.memory_space<vmem_shared>>)
    %dma_wait3A_308 = arith.constant 0 : i32
    %dma_wait3A_309 = arith.constant 0 : i32
    %dma_wait3A_310 = tpu.memref_slice %arg6[%dma_wait3A_308, %dma_wait3A_309] : memref<10240x128xf32, #tpu.memory_space<vmem_shared>> -> memref<10240x128xf32, #tpu.memory_space<vmem_shared>>
    tpu.wait_indirect_dma semaphore(%arg24 : memref<!tpu.dma_semaphore, #tpu.memory_space<semaphore_mem>>) src(%arg14 : memref<40x128xf32, #tpu.memory_space<vmem>>) dst(%dma_wait3A_310 : memref<10240x128xf32, #tpu.memory_space<vmem_shared>>)
    %dma_wait3A_311 = arith.constant 0 : i32
    %dma_wait3A_312 = arith.constant 0 : i32
    %dma_wait3A_313 = tpu.memref_slice %arg6[%dma_wait3A_311, %dma_wait3A_312] : memref<10240x128xf32, #tpu.memory_space<vmem_shared>> -> memref<10240x128xf32, #tpu.memory_space<vmem_shared>>
    tpu.wait_indirect_dma semaphore(%arg25 : memref<!tpu.dma_semaphore, #tpu.memory_space<semaphore_mem>>) src(%arg15 : memref<40x128xf32, #tpu.memory_space<vmem>>) dst(%dma_wait3A_313 : memref<10240x128xf32, #tpu.memory_space<vmem_shared>>)
    %dma_wait3A_314 = arith.constant 0 : i32
    %dma_wait3A_315 = arith.constant 0 : i32
    %dma_wait3A_316 = tpu.memref_slice %arg6[%dma_wait3A_314, %dma_wait3A_315] : memref<10240x128xf32, #tpu.memory_space<vmem_shared>> -> memref<10240x128xf32, #tpu.memory_space<vmem_shared>>
    tpu.wait_indirect_dma semaphore(%arg26 : memref<!tpu.dma_semaphore, #tpu.memory_space<semaphore_mem>>) src(%arg16 : memref<40x128xf32, #tpu.memory_space<vmem>>) dst(%dma_wait3A_316 : memref<10240x128xf32, #tpu.memory_space<vmem_shared>>)
    %dma_wait3A_317 = arith.constant 0 : i32
    %dma_wait3A_318 = arith.constant 0 : i32
    %dma_wait3A_319 = tpu.memref_slice %arg6[%dma_wait3A_317, %dma_wait3A_318] : memref<10240x128xf32, #tpu.memory_space<vmem_shared>> -> memref<10240x128xf32, #tpu.memory_space<vmem_shared>>
    tpu.wait_indirect_dma semaphore(%arg27 : memref<!tpu.dma_semaphore, #tpu.memory_space<semaphore_mem>>) src(%arg17 : memref<40x128xf32, #tpu.memory_space<vmem>>) dst(%dma_wait3A_319 : memref<10240x128xf32, #tpu.memory_space<vmem_shared>>)
    %barrier3A_320 = arith.constant 0 : index
    tpu.barrier barrier_id(%barrier3A_320)
    %mul3A_321 = arith.constant 640 : i32
    %mul3A_322 = arith.muli %arg1, %mul3A_321 : i32
    "tpu.region"() ({
      %run_scoped3A = tpu.sem_alloc : memref<!tpu.dma_semaphore, #tpu.memory_space<semaphore_mem>>
      %dma_start3A_323 = arith.constant 0 : i32
      %dma_start3A_324 = tpu.memref_slice %arg5[%arg0, %mul3A_322, %dma_start3A_323] : memref<2x10240x128xf32, #tpu.memory_space<hbm>> -> memref<1x640x128xf32, #tpu.memory_space<hbm>>
      %dma_start3A_325 = tpu.memref_squeeze %dma_start3A_324 : memref<1x640x128xf32, #tpu.memory_space<hbm>> -> memref<640x128xf32, #tpu.memory_space<hbm>>
      %dma_start3A_326 = arith.constant 0 : i32
      %dma_start3A_327 = tpu.memref_slice %arg6[%mul3A_322, %dma_start3A_326] : memref<10240x128xf32, #tpu.memory_space<vmem_shared>> -> memref<640x128xf32, #tpu.memory_space<vmem_shared>>
      tpu.enqueue_dma source(%dma_start3A_327 : memref<640x128xf32, #tpu.memory_space<vmem_shared>>) target(%dma_start3A_325 : memref<640x128xf32, #tpu.memory_space<hbm>>) target_semaphore(%run_scoped3A : memref<!tpu.dma_semaphore, #tpu.memory_space<semaphore_mem>>)
      %dma_wait3A_328 = arith.constant 0 : i32
      %dma_wait3A_329 = tpu.memref_slice %arg5[%arg0, %mul3A_322, %dma_wait3A_328] : memref<2x10240x128xf32, #tpu.memory_space<hbm>> -> memref<1x640x128xf32, #tpu.memory_space<hbm>>
      %dma_wait3A_330 = tpu.memref_squeeze %dma_wait3A_329 : memref<1x640x128xf32, #tpu.memory_space<hbm>> -> memref<640x128xf32, #tpu.memory_space<hbm>>
      %dma_wait3A_331 = arith.constant 0 : i32
      %dma_wait3A_332 = tpu.memref_slice %arg6[%mul3A_322, %dma_wait3A_331] : memref<10240x128xf32, #tpu.memory_space<vmem_shared>> -> memref<640x128xf32, #tpu.memory_space<vmem_shared>>
      tpu.wait_dma2 semaphore(%run_scoped3A : memref<!tpu.dma_semaphore, #tpu.memory_space<semaphore_mem>>) src(%dma_wait3A_332 : memref<640x128xf32, #tpu.memory_space<vmem_shared>>) dst(%dma_wait3A_330 : memref<640x128xf32, #tpu.memory_space<hbm>>)
      tpu.yield
    }) : () -> ()
    return
  }
}

module attributes {stable_mosaic.version = 14 : i64} {
  func.func @_prep_body(%arg0: memref<10240x128xf32, #tpu.memory_space<vmem>>, %arg1: memref<2x10240x16xf32, #tpu.memory_space<vmem>>, %arg2: memref<10240x1xf32, #tpu.memory_space<vmem>>, %arg3: memref<10240x128xf32, #tpu.memory_space<vmem>>) attributes {dimension_semantics = [], scalar_prefetch = 0 : i64, scratch_operands = 0 : i64, tpu.core_type = #tpu.core_type<tc>} {
    %get3A = arith.constant 0 : index
    %get3A_0 = arith.constant 0 : index
    %get3A_1 = arith.constant 0 : index
    %get3A_2 = vector.load %arg1[%get3A, %get3A_0, %get3A_1] : memref<2x10240x16xf32, #tpu.memory_space<vmem>>, vector<1x10240x1xf32>
    %get3A_3 = vector.shape_cast %get3A_2 : vector<1x10240x1xf32> to vector<10240x1xf32>
    %add3A = arith.constant 1.000000e+00 : f32
    %add3A_4 = vector.broadcast %add3A : f32 to vector<10240x1xf32>
    %add3A_5 = arith.addf %add3A_4, %get3A_3 : vector<10240x1xf32>
    %get3A_6 = arith.constant 1 : index
    %get3A_7 = arith.constant 0 : index
    %get3A_8 = arith.constant 0 : index
    %get3A_9 = vector.load %arg1[%get3A_6, %get3A_7, %get3A_8] : memref<2x10240x16xf32, #tpu.memory_space<vmem>>, vector<1x10240x1xf32>
    %get3A_10 = vector.shape_cast %get3A_9 : vector<1x10240x1xf32> to vector<10240x1xf32>
    %add3A_11 = arith.addf %add3A_5, %get3A_10 : vector<10240x1xf32>
    %rsqrt3A = math.rsqrt %add3A_11 : vector<10240x1xf32>
    %swap3A = arith.constant 0 : index
    %swap3A_12 = arith.constant 0 : index
    %swap3A_13 = vector.load %arg2[%swap3A, %swap3A_12] : memref<10240x1xf32, #tpu.memory_space<vmem>>, vector<10240x1xf32>
    tpu.vector_store %arg2[%swap3A, %swap3A_12], %rsqrt3A {strides = array<i32>} : memref<10240x1xf32, #tpu.memory_space<vmem>>, vector<10240x1xf32>,
    %get3A_14 = arith.constant 0 : index
    %get3A_15 = arith.constant 0 : index
    %get3A_16 = vector.load %arg0[%get3A_14, %get3A_15] : memref<10240x128xf32, #tpu.memory_space<vmem>>, vector<10240x128xf32>
    %mul3A = vector.broadcast %rsqrt3A : vector<10240x1xf32> to vector<10240x128xf32>
    %mul3A_17 = arith.mulf %get3A_16, %mul3A : vector<10240x128xf32>
    %swap3A_18 = arith.constant 0 : index
    %swap3A_19 = arith.constant 0 : index
    %swap3A_20 = vector.load %arg3[%swap3A_18, %swap3A_19] : memref<10240x128xf32, #tpu.memory_space<vmem>>, vector<10240x128xf32>
    tpu.vector_store %arg3[%swap3A_18, %swap3A_19], %mul3A_17 {strides = array<i32>} : memref<10240x128xf32, #tpu.memory_space<vmem>>, vector<10240x128xf32>,
    return
  }
}

module attributes {stable_mosaic.version = 14 : i64} {
  func.func @_dense_body(%arg0: memref<2x10240x128xf32, #tpu.memory_space<vmem>>, %arg1: memref<10240x128xf32, #tpu.memory_space<vmem>>, %arg2: memref<10240x1xf32, #tpu.memory_space<vmem>>, %arg3: memref<128x128xf32, #tpu.memory_space<vmem>>, %arg4: memref<1x128xf32, #tpu.memory_space<vmem>>, %arg5: memref<10240x128xf32, #tpu.memory_space<vmem>>) attributes {dimension_semantics = [], scalar_prefetch = 0 : i64, scratch_operands = 0 : i64, tpu.core_type = #tpu.core_type<tc>} {
    %get3A = arith.constant 0 : index
    %get3A_0 = arith.constant 0 : index
    %get3A_1 = arith.constant 0 : index
    %get3A_2 = vector.load %arg0[%get3A, %get3A_0, %get3A_1] : memref<2x10240x128xf32, #tpu.memory_space<vmem>>, vector<1x10240x128xf32>
    %get3A_3 = vector.shape_cast %get3A_2 : vector<1x10240x128xf32> to vector<10240x128xf32>
    %get3A_4 = arith.constant 1 : index
    %get3A_5 = arith.constant 0 : index
    %get3A_6 = arith.constant 0 : index
    %get3A_7 = vector.load %arg0[%get3A_4, %get3A_5, %get3A_6] : memref<2x10240x128xf32, #tpu.memory_space<vmem>>, vector<1x10240x128xf32>
    %get3A_8 = vector.shape_cast %get3A_7 : vector<1x10240x128xf32> to vector<10240x128xf32>
    %add3A = arith.addf %get3A_3, %get3A_8 : vector<10240x128xf32>
    %get3A_9 = arith.constant 0 : index
    %get3A_10 = arith.constant 0 : index
    %get3A_11 = vector.load %arg1[%get3A_9, %get3A_10] : memref<10240x128xf32, #tpu.memory_space<vmem>>, vector<10240x128xf32>
    %add3A_12 = arith.addf %add3A, %get3A_11 : vector<10240x128xf32>
    %get3A_13 = arith.constant 0 : index
    %get3A_14 = arith.constant 0 : index
    %get3A_15 = vector.load %arg2[%get3A_13, %get3A_14] : memref<10240x1xf32, #tpu.memory_space<vmem>>, vector<10240x1xf32>
    %mul3A = vector.broadcast %get3A_15 : vector<10240x1xf32> to vector<10240x128xf32>
    %mul3A_16 = arith.mulf %add3A_12, %mul3A : vector<10240x128xf32>
    %get3A_17 = arith.constant 0 : index
    %get3A_18 = arith.constant 0 : index
    %get3A_19 = vector.load %arg3[%get3A_17, %get3A_18] : memref<128x128xf32, #tpu.memory_space<vmem>>, vector<128x128xf32>
    %dot_general3A = arith.constant dense<0.000000e+00> : vector<10240x128xf32>
    %dot_general3A_20 = tpu.matmul %mul3A_16, %get3A_19, %dot_general3A {dimension_numbers = #tpu.dot_dimension_numbers<[1], [0], [0], [1], [0, 0, 1, 1], [], []>, transpose_lhs_hint = false} : vector<10240x128xf32>, vector<128x128xf32>, vector<10240x128xf32> -> vector<10240x128xf32>
    %get3A_21 = arith.constant 0 : index
    %get3A_22 = arith.constant 0 : index
    %get3A_23 = vector.load %arg4[%get3A_21, %get3A_22] : memref<1x128xf32, #tpu.memory_space<vmem>>, vector<1x128xf32>
    %add3A_24 = vector.broadcast %get3A_23 : vector<1x128xf32> to vector<10240x128xf32>
    %add3A_25 = arith.addf %dot_general3A_20, %add3A_24 : vector<10240x128xf32>
    %max3A = arith.constant 0.000000e+00 : f32
    %max3A_26 = vector.broadcast %max3A : f32 to vector<10240x128xf32>
    %max3A_27 = arith.maximumf %add3A_25, %max3A_26 : vector<10240x128xf32>
    %get3A_28 = arith.constant 0 : index
    %get3A_29 = arith.constant 0 : index
    %get3A_30 = vector.load %arg2[%get3A_28, %get3A_29] : memref<10240x1xf32, #tpu.memory_space<vmem>>, vector<10240x1xf32>
    %mul3A_31 = vector.broadcast %get3A_30 : vector<10240x1xf32> to vector<10240x128xf32>
    %mul3A_32 = arith.mulf %max3A_27, %mul3A_31 : vector<10240x128xf32>
    %swap3A = arith.constant 0 : index
    %swap3A_33 = arith.constant 0 : index
    %swap3A_34 = vector.load %arg5[%swap3A, %swap3A_33] : memref<10240x128xf32, #tpu.memory_space<vmem>>, vector<10240x128xf32>
    tpu.vector_store %arg5[%swap3A, %swap3A_33], %mul3A_32 {strides = array<i32>} : memref<10240x128xf32, #tpu.memory_space<vmem>>, vector<10240x128xf32>,
    return
  }
}

module attributes {stable_mosaic.version = 14 : i64} {
  func.func @_head_body(%arg0: memref<2x10240x128xf32, #tpu.memory_space<vmem>>, %arg1: memref<10240x128xf32, #tpu.memory_space<vmem>>, %arg2: memref<10240x1xf32, #tpu.memory_space<vmem>>, %arg3: memref<128x128xf32, #tpu.memory_space<vmem>>, %arg4: memref<1x128xf32, #tpu.memory_space<vmem>>, %arg5: memref<10240x1xi32, #tpu.memory_space<vmem>>, %arg6: memref<512x36xf32, #tpu.memory_space<vmem>>, %arg7: memref<36x64xf32, #tpu.memory_space<vmem>>, %arg8: memref<1x64xf32, #tpu.memory_space<vmem>>, %arg9: memref<128x256xf32, #tpu.memory_space<vmem>>, %arg10: memref<64x256xf32, #tpu.memory_space<vmem>>, %arg11: memref<1x256xf32, #tpu.memory_space<vmem>>, %arg12: memref<256x128xf32, #tpu.memory_space<vmem>>, %arg13: memref<1x128xf32, #tpu.memory_space<vmem>>, %arg14: memref<128x1xf32, #tpu.memory_space<vmem>>, %arg15: memref<1x1xf32, #tpu.memory_space<vmem>>, %arg16: memref<512x1xf32, #tpu.memory_space<vmem>>) attributes {dimension_semantics = [], scalar_prefetch = 0 : i64, scratch_operands = 0 : i64, tpu.core_type = #tpu.core_type<tc>} {
    %get3A = arith.constant 0 : index
    %get3A_0 = arith.constant 0 : index
    %get3A_1 = arith.constant 0 : index
    %get3A_2 = vector.load %arg0[%get3A, %get3A_0, %get3A_1] : memref<2x10240x128xf32, #tpu.memory_space<vmem>>, vector<1x10240x128xf32>
    %get3A_3 = vector.shape_cast %get3A_2 : vector<1x10240x128xf32> to vector<10240x128xf32>
    %get3A_4 = arith.constant 1 : index
    %get3A_5 = arith.constant 0 : index
    %get3A_6 = arith.constant 0 : index
    %get3A_7 = vector.load %arg0[%get3A_4, %get3A_5, %get3A_6] : memref<2x10240x128xf32, #tpu.memory_space<vmem>>, vector<1x10240x128xf32>
    %get3A_8 = vector.shape_cast %get3A_7 : vector<1x10240x128xf32> to vector<10240x128xf32>
    %add3A = arith.addf %get3A_3, %get3A_8 : vector<10240x128xf32>
    %get3A_9 = arith.constant 0 : index
    %get3A_10 = arith.constant 0 : index
    %get3A_11 = vector.load %arg1[%get3A_9, %get3A_10] : memref<10240x128xf32, #tpu.memory_space<vmem>>, vector<10240x128xf32>
    %add3A_12 = arith.addf %add3A, %get3A_11 : vector<10240x128xf32>
    %get3A_13 = arith.constant 0 : index
    %get3A_14 = arith.constant 0 : index
    %get3A_15 = vector.load %arg2[%get3A_13, %get3A_14] : memref<10240x1xf32, #tpu.memory_space<vmem>>, vector<10240x1xf32>
    %mul3A = vector.broadcast %get3A_15 : vector<10240x1xf32> to vector<10240x128xf32>
    %mul3A_16 = arith.mulf %add3A_12, %mul3A : vector<10240x128xf32>
    %get3A_17 = arith.constant 0 : index
    %get3A_18 = arith.constant 0 : index
    %get3A_19 = vector.load %arg3[%get3A_17, %get3A_18] : memref<128x128xf32, #tpu.memory_space<vmem>>, vector<128x128xf32>
    %dot_general3A = arith.constant dense<0.000000e+00> : vector<10240x128xf32>
    %dot_general3A_20 = tpu.matmul %mul3A_16, %get3A_19, %dot_general3A {dimension_numbers = #tpu.dot_dimension_numbers<[1], [0], [0], [1], [0, 0, 1, 1], [], []>, transpose_lhs_hint = false} : vector<10240x128xf32>, vector<128x128xf32>, vector<10240x128xf32> -> vector<10240x128xf32>
    %get3A_21 = arith.constant 0 : index
    %get3A_22 = arith.constant 0 : index
    %get3A_23 = vector.load %arg4[%get3A_21, %get3A_22] : memref<1x128xf32, #tpu.memory_space<vmem>>, vector<1x128xf32>
    %add3A_24 = vector.broadcast %get3A_23 : vector<1x128xf32> to vector<10240x128xf32>
    %add3A_25 = arith.addf %dot_general3A_20, %add3A_24 : vector<10240x128xf32>
    %max3A = arith.constant 0.000000e+00 : f32
    %max3A_26 = vector.broadcast %max3A : f32 to vector<10240x128xf32>
    %max3A_27 = arith.maximumf %add3A_25, %max3A_26 : vector<10240x128xf32>
    %iota3A = tpu.iota {dimensions = array<i32: 1>} : vector<1x512xi32>
    %get3A_28 = arith.constant 0 : index
    %get3A_29 = arith.constant 0 : index
    %get3A_30 = vector.load %arg5[%get3A_28, %get3A_29] : memref<10240x1xi32, #tpu.memory_space<vmem>>, vector<10240x1xi32>
    %eq3A = vector.broadcast %get3A_30 : vector<10240x1xi32> to vector<10240x512xi32>
    %eq3A_31 = vector.broadcast %iota3A : vector<1x512xi32> to vector<10240x512xi32>
    %eq3A_32 = arith.cmpi eq, %eq3A, %eq3A_31 : vector<10240x512xi32>
    %convert_element_type3A = arith.extui %eq3A_32 : vector<10240x512xi1> to vector<10240x512xi32>
    %convert_element_type3A_33 = arith.sitofp %convert_element_type3A : vector<10240x512xi32> to vector<10240x512xf32>
    %dot_general3A_34 = arith.constant dense<0.000000e+00> : vector<512x128xf32>
    %dot_general3A_35 = tpu.matmul %convert_element_type3A_33, %max3A_27, %dot_general3A_34 {dimension_numbers = #tpu.dot_dimension_numbers<[0], [0], [1], [1], [0, 1, 1, 1], [], []>, transpose_lhs_hint = false} : vector<10240x512xf32>, vector<10240x128xf32>, vector<512x128xf32> -> vector<512x128xf32>
    %broadcast_in_dim3A = arith.constant 1.000000e+00 : f32
    %broadcast_in_dim3A_36 = vector.broadcast %broadcast_in_dim3A : f32 to vector<10240x1xf32>
    %dot_general3A_37 = arith.constant dense<0.000000e+00> : vector<512x1xf32>
    %dot_general3A_38 = tpu.matmul %convert_element_type3A_33, %broadcast_in_dim3A_36, %dot_general3A_37 {dimension_numbers = #tpu.dot_dimension_numbers<[0], [0], [1], [1], [0, 1, 1, 1], [], []>, transpose_lhs_hint = false} : vector<10240x512xf32>, vector<10240x1xf32>, vector<512x1xf32> -> vector<512x1xf32>
    %max3A_39 = arith.constant 1.000000e+00 : f32
    %max3A_40 = vector.broadcast %max3A_39 : f32 to vector<512x1xf32>
    %max3A_41 = arith.maximumf %dot_general3A_38, %max3A_40 : vector<512x1xf32>
    %div3A = vector.broadcast %max3A_41 : vector<512x1xf32> to vector<512x128xf32>
    %div3A_42 = arith.divf %dot_general3A_35, %div3A : vector<512x128xf32>
    %get3A_43 = arith.constant 0 : index
    %get3A_44 = arith.constant 0 : index
    %get3A_45 = vector.load %arg6[%get3A_43, %get3A_44] : memref<512x36xf32, #tpu.memory_space<vmem>>, vector<512x36xf32>
    %get3A_46 = arith.constant 0 : index
    %get3A_47 = arith.constant 0 : index
    %get3A_48 = vector.load %arg7[%get3A_46, %get3A_47] : memref<36x64xf32, #tpu.memory_space<vmem>>, vector<36x64xf32>
    %dot_general3A_49 = arith.constant dense<0.000000e+00> : vector<512x64xf32>
    %dot_general3A_50 = tpu.matmul %get3A_45, %get3A_48, %dot_general3A_49 {dimension_numbers = #tpu.dot_dimension_numbers<[1], [0], [0], [1], [0, 0, 1, 1], [], []>, transpose_lhs_hint = false} : vector<512x36xf32>, vector<36x64xf32>, vector<512x64xf32> -> vector<512x64xf32>
    %get3A_51 = arith.constant 0 : index
    %get3A_52 = arith.constant 0 : index
    %get3A_53 = vector.load %arg8[%get3A_51, %get3A_52] : memref<1x64xf32, #tpu.memory_space<vmem>>, vector<1x64xf32>
    %add3A_54 = vector.broadcast %get3A_53 : vector<1x64xf32> to vector<512x64xf32>
    %add3A_55 = arith.addf %dot_general3A_50, %add3A_54 : vector<512x64xf32>
    %max3A_56 = arith.constant 0.000000e+00 : f32
    %max3A_57 = vector.broadcast %max3A_56 : f32 to vector<512x64xf32>
    %max3A_58 = arith.maximumf %add3A_55, %max3A_57 : vector<512x64xf32>
    %get3A_59 = arith.constant 0 : index
    %get3A_60 = arith.constant 0 : index
    %get3A_61 = vector.load %arg9[%get3A_59, %get3A_60] : memref<128x256xf32, #tpu.memory_space<vmem>>, vector<128x256xf32>
    %dot_general3A_62 = arith.constant dense<0.000000e+00> : vector<512x256xf32>
    %dot_general3A_63 = tpu.matmul %div3A_42, %get3A_61, %dot_general3A_62 {dimension_numbers = #tpu.dot_dimension_numbers<[1], [0], [0], [1], [0, 0, 1, 1], [], []>, transpose_lhs_hint = false} : vector<512x128xf32>, vector<128x256xf32>, vector<512x256xf32> -> vector<512x256xf32>
    %get3A_64 = arith.constant 0 : index
    %get3A_65 = arith.constant 0 : index
    %get3A_66 = vector.load %arg10[%get3A_64, %get3A_65] : memref<64x256xf32, #tpu.memory_space<vmem>>, vector<64x256xf32>
    %dot_general3A_67 = arith.constant dense<0.000000e+00> : vector<512x256xf32>
    %dot_general3A_68 = tpu.matmul %max3A_58, %get3A_66, %dot_general3A_67 {dimension_numbers = #tpu.dot_dimension_numbers<[1], [0], [0], [1], [0, 0, 1, 1], [], []>, transpose_lhs_hint = false} : vector<512x64xf32>, vector<64x256xf32>, vector<512x256xf32> -> vector<512x256xf32>
    %add3A_69 = arith.addf %dot_general3A_63, %dot_general3A_68 : vector<512x256xf32>
    %get3A_70 = arith.constant 0 : index
    %get3A_71 = arith.constant 0 : index
    %get3A_72 = vector.load %arg11[%get3A_70, %get3A_71] : memref<1x256xf32, #tpu.memory_space<vmem>>, vector<1x256xf32>
    %add3A_73 = vector.broadcast %get3A_72 : vector<1x256xf32> to vector<512x256xf32>
    %add3A_74 = arith.addf %add3A_69, %add3A_73 : vector<512x256xf32>
    %max3A_75 = arith.constant 0.000000e+00 : f32
    %max3A_76 = vector.broadcast %max3A_75 : f32 to vector<512x256xf32>
    %max3A_77 = arith.maximumf %add3A_74, %max3A_76 : vector<512x256xf32>
    %get3A_78 = arith.constant 0 : index
    %get3A_79 = arith.constant 0 : index
    %get3A_80 = vector.load %arg12[%get3A_78, %get3A_79] : memref<256x128xf32, #tpu.memory_space<vmem>>, vector<256x128xf32>
    %dot_general3A_81 = arith.constant dense<0.000000e+00> : vector<512x128xf32>
    %dot_general3A_82 = tpu.matmul %max3A_77, %get3A_80, %dot_general3A_81 {dimension_numbers = #tpu.dot_dimension_numbers<[1], [0], [0], [1], [0, 0, 1, 1], [], []>, transpose_lhs_hint = false} : vector<512x256xf32>, vector<256x128xf32>, vector<512x128xf32> -> vector<512x128xf32>
    %get3A_83 = arith.constant 0 : index
    %get3A_84 = arith.constant 0 : index
    %get3A_85 = vector.load %arg13[%get3A_83, %get3A_84] : memref<1x128xf32, #tpu.memory_space<vmem>>, vector<1x128xf32>
    %add3A_86 = vector.broadcast %get3A_85 : vector<1x128xf32> to vector<512x128xf32>
    %add3A_87 = arith.addf %dot_general3A_82, %add3A_86 : vector<512x128xf32>
    %max3A_88 = arith.constant 0.000000e+00 : f32
    %max3A_89 = vector.broadcast %max3A_88 : f32 to vector<512x128xf32>
    %max3A_90 = arith.maximumf %add3A_87, %max3A_89 : vector<512x128xf32>
    %get3A_91 = arith.constant 0 : index
    %get3A_92 = arith.constant 0 : index
    %get3A_93 = vector.load %arg14[%get3A_91, %get3A_92] : memref<128x1xf32, #tpu.memory_space<vmem>>, vector<128x1xf32>
    %dot_general3A_94 = arith.constant dense<0.000000e+00> : vector<512x1xf32>
    %dot_general3A_95 = tpu.matmul %max3A_90, %get3A_93, %dot_general3A_94 {dimension_numbers = #tpu.dot_dimension_numbers<[1], [0], [0], [1], [0, 0, 1, 1], [], []>, transpose_lhs_hint = false} : vector<512x128xf32>, vector<128x1xf32>, vector<512x1xf32> -> vector<512x1xf32>
    %get3A_96 = arith.constant 0 : index
    %get3A_97 = arith.constant 0 : index
    %get3A_98 = vector.load %arg15[%get3A_96, %get3A_97] : memref<1x1xf32, #tpu.memory_space<vmem>>, vector<1x1xf32>
    %add3A_99 = vector.broadcast %get3A_98 : vector<1x1xf32> to vector<512x1xf32>
    %add3A_100 = arith.addf %dot_general3A_95, %add3A_99 : vector<512x1xf32>
    %swap3A = arith.constant 0 : index
    %swap3A_101 = arith.constant 0 : index
    %swap3A_102 = vector.load %arg16[%swap3A, %swap3A_101] : memref<512x1xf32, #tpu.memory_space<vmem>>, vector<512x1xf32>
    tpu.vector_store %arg16[%swap3A, %swap3A_101], %add3A_100 {strides = array<i32>} : memref<512x1xf32, #tpu.memory_space<vmem>>, vector<512x1xf32>,
    return
  }
}

</mosaic_0001>

<sc_bundles>
// kernel: kernel.10.cloned.1.call-start
scs
__scs_entry_jumppad:
0x0: {  	(pc) =	sbr.rel $0x88, $3  }
0x1: {  	(tag) =	ssettag $0x0;
	lr =	simm.s32 $0x1  }
0x2: {  	[smem:$0x3F8F] =	sst lr;
	_ =	strace $0xD0000000  }
0x3: {  	_ = 	snop  }
0x4: {  	_ = 	snop  }
0x5: {  	_ = 	snop  }
0x6: {  	_ = 	snop  }
0x7: {  	_ = 	snop  }
__scs_overlays_trampoline_lowered:
0x8: {  	[smem:$0x3F9E] =	sst s0  }
0x9: {  	[smem:$0x3F9F] =	sst s1  }
0xa: {  	[smem:$0x3FA0] =	sst s2  }
0xb: {  	[smem:$0x3FA1] =	sst s3  }
0xc: {  	[smem:$0x3FA2] =	sst s4  }
0xd: {  	[smem:$0x3FA3] =	sst s5  }
0xe: {  	[smem:$0x3FA4] =	sst s6  }
0xf: {  	[smem:$0x3FA5] =	sst s7  }
0x10: {  	[smem:$0x3FA6] =	sst s8  }
0x11: {  	[smem:$0x3FA7] =	sst s9;
	s0 =	simm.s32 @!p0 $0x0  }
0x12: {  	s1 =	sld [smem:$0x3F8D];
	s0 =	simm.s32 @p0 $0x1  }
0x13: {  	[smem:$0x3FA8] =	sst s0;
	s0 =	simm.s32 @!p1 $0x0  }
0x14: {  	s2 =	sld [smem:$0x3F8C];
	s0 =	simm.s32 @p1 $0x1  }
0x15: {  	[smem:$0x3FA9] =	sst s0;
	s0 =	simm.s32 @!p2 $0x0  }
0x16: {  	s3 =	sld [smem:$0x3FDB];
	s0 =	simm.s32 @p2 $0x1  }
0x17: {  	s4 =	simm.s32 $0x1BF5;
	[smem:$0x3FAB] =	sst s0  }
0x18: {  	s0 =	sld [smem:$0x3F8E];
	_ =	swait.ge [sflag:s4], $0x0  }
0x19: {  	s7 =	sld [smem:$0x3F8F]  }
0x1a: {  	s8 =	sadd.s32 $0xFFFFE003, lr  }
0x1b: {  	s9 =	sadd.s32 $0xFFFFFEF7, lr;
	s5 =	simm.s32 $0xFFFFFFFF;
	p2 =	slt.u32 s8, $0xFFFFF086  }
0x1c: {  	p1 =	slt.u32 s9, $0xF7A;
	s5 =	simm.s32 @!p2 $0x0  }
0x1d: {  	s5 =	simm.s32 @p1 $0x1;
	p0 =	seq.s32 s7, s2  }
0x1e: {  	s7 =	smul.u32 @!p0 $0xF7A, s2;
	p2 =	seq.s32 @!p0 s5, $0x0  }
0x1f: {  	s9 =	smul.u32 $0xF7A, s1;
	s8 =	simm.s32 @!p0 $0x1BF5;
	p2 =	por !p2, p0  }
0x20: {  	[sflag:s8] =	ssyncset.s32 @!p0 $0xFFFFF086;
	s6 =	sadd.s32 @!p0 s3, s7;
	s7 =	simm.s32 @!p0 $0x108  }
0x21: {  	s3 =	sadd.s32 s3, s9;
	s6 =	sadd.s32 @!p0 $0x88, s6;
	s7 =	simm.s32 @p2 $0x1082  }
0x22: {  	[simem:s7], [sflag:s8] =	dma.local @!p0 [hbm:s6], $0xF7A  }
0x23: {  	s9 =	sor.u32 $0xD0000000, s2;
	s6 =	simm.s32 $0x108;
	_ =	swait.ge @!p0 [sflag:s8], $0x0  }
0x24: {  	s3 =	sadd.s32 $0x88, s3;
	s6 =	simm.s32 @!p1 $0x1082;
	[sflag:s4] =	ssyncset.s32 $0xFFFFF086  }
0x25: {  	[simem:s6], [sflag:s4] =	dma.local [hbm:s3], $0xF7A  }
0x26: {  	[smem:$0x3F8F] =	sst s1;
	(tag) =	ssettag s2;
	_ =	strace s9  }
0x27: {  	s1 =	sld [smem:$0x3F9F]  }
0x28: {  	s2 =	sld [smem:$0x3FA0]  }
0x29: {  	s4 =	sld [smem:$0x3FA2]  }
0x2a: {  	p0 =	seq.s32 s5, $0x0;
	s5 =	sld [smem:$0x3FA3]  }
0x2b: {  	s6 =	sld [smem:$0x3FA4]  }
0x2c: {  	s7 =	sld [smem:$0x3FA5]  }
0x2d: {  	s3 =	simm.s32 $0x108;
	s8 =	sld [smem:$0x3FA6]  }
0x2e: {  	s3 =	simm.s32 @!p0 $0x1082;
	s9 =	sld [smem:$0x3FA7]  }
0x2f: {  	lr =	sadd.s32 s0, s3;
	s0 =	sld [smem:$0x3F9E]  }
0x30: {  	s3 =	sld [smem:$0x3FA1]  }
0x31: {  	[smem:$0x3FAA] =	sst s10  }
0x32: {  	s10 =	sld [smem:$0x3FA8];
	_ =	sdelay $0x3  }
0x33: {  	p0 =	seq.s32 s10, $0x1;
	s10 =	sld [smem:$0x3FAA];
	_ =	sdelay $0x3  }
0x34: {  	[smem:$0x3FAA] =	sst s10  }
0x35: {  	s10 =	sld [smem:$0x3FA9];
	_ =	sdelay $0x3  }
0x36: {  	p1 =	seq.s32 s10, $0x1;
	s10 =	sld [smem:$0x3FAA];
	_ =	sdelay $0x3  }
0x37: {  	[smem:$0x3FAA] =	sst s10  }
0x38: {  	s10 =	sld [smem:$0x3FAB]  }
0x39: {  	_ = 	snop;
	(pc) =	sbr.ind lr, $3  }
0x3a: {  	_ = 	snop  }
0x3b: {  	_ = 	snop  }
0x3c: {  	p2 =	seq.s32 s10, $0x1;
	s10 =	sld [smem:$0x3FAA]  }
0x3d: {  	_ =	shalt  }
0x3e: {  	_ =	shalt  }
0x3f: {  	_ =	shalt  }
0x40: {  	_ =	shalt  }
0x41: {  	_ =	shalt  }
0x42: {  	_ =	shalt  }
0x43: {  	_ =	shalt  }
0x44: {  	_ =	shalt  }
0x45: {  	_ =	shalt  }
0x46: {  	_ =	shalt  }
0x47: {  	_ =	shalt  }
0x48: {  	_ =	shalt  }
0x49: {  	_ =	shalt  }
0x4a: {  	_ =	shalt  }
0x4b: {  	_ =	shalt  }
0x4c: {  	_ =	shalt  }
0x4d: {  	_ =	shalt  }
0x4e: {  	_ =	shalt  }
0x4f: {  	_ =	shalt  }
0x50: {  	_ =	shalt  }
0x51: {  	_ =	shalt  }
0x52: {  	_ =	shalt  }
0x53: {  	_ =	shalt  }
0x54: {  	_ =	shalt  }
0x55: {  	_ =	shalt  }
0x56: {  	_ =	shalt  }
0x57: {  	_ =	shalt  }
0x58: {  	_ =	shalt  }
0x59: {  	_ =	shalt  }
0x5a: {  	_ =	shalt  }
0x5b: {  	_ =	shalt  }
0x5c: {  	_ =	shalt  }
0x5d: {  	_ =	shalt  }
0x5e: {  	_ =	shalt  }
0x5f: {  	_ =	shalt  }
0x60: {  	_ =	shalt  }
0x61: {  	_ =	shalt  }
0x62: {  	_ =	shalt  }
0x63: {  	_ =	shalt  }
0x64: {  	_ =	shalt  }
0x65: {  	_ =	shalt  }
0x66: {  	_ =	shalt  }
0x67: {  	_ =	shalt  }
0x68: {  	_ =	shalt  }
0x69: {  	_ =	shalt  }
0x6a: {  	_ =	shalt  }
0x6b: {  	_ =	shalt  }
0x6c: {  	_ =	shalt  }
0x6d: {  	_ =	shalt  }
0x6e: {  	_ =	shalt  }
0x6f: {  	_ =	shalt  }
0x70: {  	_ =	shalt  }
0x71: {  	_ =	shalt  }
0x72: {  	_ =	shalt  }
0x73: {  	_ =	shalt  }
0x74: {  	_ =	shalt  }
0x75: {  	_ =	shalt  }
0x76: {  	_ =	shalt  }
0x77: {  	_ =	shalt  }
0x78: {  	_ =	shalt  }
0x79: {  	_ =	shalt  }
0x7a: {  	_ =	shalt  }
0x7b: {  	_ =	shalt  }
0x7c: {  	_ =	shalt  }
0x7d: {  	_ =	shalt  }
0x7e: {  	_ =	shalt  }
0x7f: {  	_ =	shalt  }
0x80: {  	_ =	shalt  }
0x81: {  	_ =	shalt  }
0x82: {  	_ =	shalt  }
0x83: {  	_ =	shalt  }
0x84: {  	_ =	shalt  }
0x85: {  	_ =	shalt  }
0x86: {  	_ =	shalt  }
0x87: {  	_ =	shalt  }
.Lfunc_end0:
.L_simem_size_0:
called_computation_lowered:
.L_overlay_start_0:
0x88: {  	s2 =	sld [smem:$0x3FD9]  }
0x89: {  	s3 =	sld [smem:$0x3FFE];
	_ =	sdelay $0x1  }
0x8a: {  	s1 =	srdreg.scid  }
0x8b: {  	s0 =	sand.u32 $0x1, s1  }
0x8c: {  	s16 =	sshll.u32 s0, $0xA;
	s2 =	sadd.s32 s3, s2  }
0x8d: {  	s2 =	sadd.s32 s2, s16  }
0x8e: {  	[smem:$0x3FB6] =	sst s2  }
0x8f: {  	_ = 	snop  }
0x90: {  	(tm) =	ssettm $0x1  }
0x91: {  	s17 =	sld [smem:$0x3FFB];
	_ =	sdelay $0x3  }
0x92: {  	_ =	strace s17  }
0x93: {  	s2 =	sld [smem:$0x3FFC];
	_ =	sdelay $0x3  }
0x94: {  	_ =	strace s2  }
0x95: {  	s2 =	sld [smem:$0x3FFD];
	_ =	sdelay $0x3  }
0x96: {  	_ =	strace s2  }
0x97: {  	_ =	strace $0x8FFFFFFF  }
0x98: {  	s18 =	sld [smem:$0x3FDB];
	_ =	sdelay $0x1  }
0x99: {  	s19 =	simm.s32 $_scs_section_size  }
0x9a: {  	s4 =	simm.s32 $_size__tile_overlayer_lowered;
	s5 =	simm.s32 $_tile_overlayer_lowered  }
0x9b: {  	s22 =	simm.s32 $0x1BFF;
	s21 =	sshll.u32 s5, $0x1;
	s2 =	sadd.s32 s19, s18  }
0x9c: {  	s6 =	simm.s32 $0x0;
	s20 =	sshll.u32 s4, $0x1;
	s4 =	sadd.s32 s21, s2  }
0x9d: {  	[timem:s6], [sflag:s22] =	dma.local [hbm:s4], s20  }
0x9e: {  	_ =	swait.ge [sflag:s22], s20  }
0x9f: {  	s3 =	ssub.s32 $0x0, s20;
	[sflag:s22] =	ssyncset.done $0x0  }
0xa0: {  	[sflag:s22] =	ssyncadd.s32 s3;
	_ =	sdelay $0x1  }
0xa1: {  	s23 =	simm.s32 $0x1B8B  }
0xa2: {  	_ =	swait.ge [sflag:s23], $0x1  }
0xa3: {  	[sflag:s23] =	ssyncset.done $0x0  }
0xa4: {  	s25 =	simm.s32 $0x1B8E;
	s24 =	sld [smem:$0x3FFE];
	[sflag:s23] =	ssyncadd.s32 $0xFFFFFFFF  }
0xa5: {  	s26 =	simm.s32 $execute0_lowered;
	[smem:$0x3FD2] =	sst s25  }
0xa6: {  	s4 =	sshll.u32 s26, $0x1;
	_ =	strace $0x80000046;
	[dreg:$0x1] =	wrdreg $0xFFFFFFFF  }
0xa7: {  	s28 =	simm.s32 $_size_execute0_lowered;
	s2 =	sadd.s32 s2, s4;
	[dreg:$0x0] =	wrdreg $0x0  }
0xa8: {  	s4 =	sshll.u32 s28, $0x1;
	[dreg:$0x2] =	wrdreg s2  }
0xa9: {  	[dreg:$0x3] =	wrdreg s4  }
0xaa: {  	[dreg:$0x4] =	wrdreg $0xC0  }
0xab: {  	_ =	task [dreg:s6], $0x5FFFF  }
0xac: {  	[dreg:$0x1] =	wrdreg $0xFFFFFFFF  }
0xad: {  	[dreg:$0x0] =	wrdreg $0x60  }
0xae: {  	[dreg:$0x2] =	wrdreg s24  }
0xaf: {  	[dreg:$0x3] =	wrdreg $0x0  }
0xb0: {  	[dreg:$0x4] =	wrdreg $0x9  }
0xb1: {  	_ =	task.clear_ibuf [dreg:s6], $0x5FFFF;
	_ =	strace $0x90000046  }
0xb2: {  	s29 =	simm.s32 $0x9;
	_ =	strace $0x80000048  }
0xb3: {  	_ =	swait.ge [sflag:s29], $0x1  }
0xb4: {  	[sflag:s29] =	ssyncadd.s32 $0xFFFFFFFF  }
0xb5: {  	_ =	strace $0x90000048  }
0xb6: {  	_ =	sfence  }
0xb7: {  	s30 =	sld [smem:$0x0];
	_ =	sdelay $0x2  }
0xb8: {  	s31 =	sshll.u32 s1, $0xD;
	s1 =	sshrl.u32 s1, $0x2  }
0xb9: {  	s3 =	sand.u32 $0x4000, s31;
	s1 =	sadd.s32 s1, s30  }
0xba: {  	s0 =	sor.u32 s3, s0;
	s1 =	sshll.u32 s1, $0x11  }
0xbb: {  	s0 =	sor.u32 s1, s0  }
0xbc: {  	s0 =	sadd.s32 $0x8F2B, s0  }
0xbd: {  	[sflag:s0] =	ssyncadd.remote.s32 $0x1  }
0xbe: {  	_ =	sfence.sel $0xFFFF  }
0xbf: {  	[dreg:$0x0] =	wrdreg $0xFFFFFFFF;
	(pc) =	sbr.abs _section_cstart, $3  }
0xc0: {  	[dreg:$0x1] =	wrdreg $0xFFFFFFFF  }
0xc1: {  	_ =	task.clear_ibuf [dreg:s6], $0x2FFFF;
	_ =	strace $0x9FFFFFFF  }
0xc2: {  	(tm) =	ssettm $0x7FFFFFFF  }
0xc3: {  	_ =	shalt  }
tec
execute0_lowered:
.L_overlay_start_1:
0x0: {  	(tag) =	ssettag $0x1  }
0x1: {  	s4 =	rddreg [dreg:$0x0]  }
0x2: {  	s0 =	srdreg.scid;
	s2 =	rddreg [dreg:$0x1]  }
0x3: {  	s1 =	stileid.u32;
	s3 =	simm.s32 $0x0;
	s12 =	simm.s32 $0x6  }
0x4: {  	s13 =	simm.s32 $0x2800;
	s14 =	simm.s32 $0x50;
	s15 =	simm.s32 $0x6800  }
0x5: {  	s16 =	simm.s32 $0x2880;
	s17 =	simm.s32 $0x2900;
	s18 =	simm.s32 $0x2980  }
0x6: {  	s19 =	simm.s32 $0x2A00;
	s20 =	simm.s32 $0x1;
	s21 =	simm.s32 $0x2  }
0x7: {  	s22 =	simm.s32 $0x3;
	s23 =	simm.s32 $0x4;
	s24 =	simm.s32 $0x5  }
0x8: {  	s6 =	sand.u32 $0x1, s0;
	s0 =	rddreg [dreg:$0x2];
	s7 =	smul.u32 $0x14000, s1  }
0x9: {  	s25 =	simm.s32 $0x0;
	[smem:$0x7FF] =	sst s3;
	s9 =	smul.u32 $0x50000, s1  }
0xa: {  	s8 =	sshll.u32 s1, $0xB;
	s5 =	smul.u32 $0x140000, s6;
	_ =	strace $0x80000047  }
0xb: {  	s8 =	sadd.s32 s8, s4;
	s29 =	ssub.s32 $0x2, s6;
	s31 =	sshll.u32 s6, $0xF  }
0xc: {  	s9 =	sshrl.u32 s9, $0x2;
	s30 =	sshrl.u32 s29, $0x1;
	s5 =	sadd.s32 s7, s5  }
0xd: {  	s8 =	sadd.s32 s31, s8;
	s11 =	ssub.s32 s29, s30;
	s5 =	sshrl.u32 s5, $0x3  }
0xe: {  	s8 =	sadd.s32 $0x17400, s8;
	s10 =	sadd.s32 s5, s4;
	s4 =	sadd.s32 s9, s2  }
0xf: {  	s5 =	sadd.s32 $0x5000, s4;
	s6 =	sadd.s32 $0xA000, s4;
	s7 =	sadd.s32 $0xF000, s4  }
0x10: {  	v0 =	vimm.f32 $1.000000000e+00;
	v1 =	vimm.f32 $0.0e+00;
	s9 =	sadd.s32 $0x27400, s10;
	s10 =	smax.u32 s11, $0x1;
	s11 =	simm.s32 $0x9000  }
.LBB2_1:
0x11: {  	s26 =	simm.s32 $0x0  }
.LBB2_2:
0x12: {  	p0 =	sne.s32 s26, $0x9E00  }
.Ltmp0:
0x13: {  	_ = 	snop;
	(pc) =	sbr.rel @p0 .LBB2_2-.Ltmp0, $3  }
0x14: {  	_ =	sdelay $0x1  }
0x15: {  	s28 =	sshra.s32 s26, $0x2  }
0x16: {  	s26 =	sadd.s32 $0x200, s26;
	[tilespmem:s28+$0x6800] =	vst v0  }
0x17: {  	s26 =	simm.s32 $0x200;
	s28 =	simm.s32 $0x0  }
.LBB2_4:
0x18: {  	p0 =	sne.s32 s26, $0x13E00;
	[tilespmem:s28+$0x9000] =	vst v1;
	s28 =	smov.u32 s26;
	s26 =	sadd.s32 $0x200, s26  }
.Ltmp1:
0x19: {  	(pc) =	sbr.rel @p0 .LBB2_4-.Ltmp1, $2  }
0x1a: {  	_ =	sdelay $0x2  }
0x1b: {  	s28 =	sshra.s32 s28, $0x2  }
0x1c: {  	[tilespmem:s28+$0x9000] =	vst v1  }
0x1d: {  	[spmem:s4] =	stream.linear.scatter [tilespmem:s11], [sflag:$0x6], $0x5000, $0x38;
	[tilespmem:$0xE000] =	vst v63  }
0x1e: {  	_ =	swait.ge [sflag:s12], $0x5000  }
0x1f: {  	[sflag:s12] =	ssyncset.done $0x0  }
0x20: {  	[sflag:s12] =	ssyncadd.s32 $0xFFFFB000  }
0x21: {  	[spmem:s5] =	stream.linear.scatter [tilespmem:s11], [sflag:$0x6], $0x5000, $0x38;
	[tilespmem:$0xE000] =	vst v63  }
0x22: {  	_ =	swait.ge [sflag:s12], $0x5000  }
0x23: {  	[sflag:s12] =	ssyncset.done $0x0  }
0x24: {  	[sflag:s12] =	ssyncadd.s32 $0xFFFFB000  }
0x25: {  	[spmem:s6] =	stream.linear.scatter [tilespmem:s11], [sflag:$0x6], $0x5000, $0x38;
	[tilespmem:$0xE000] =	vst v63  }
0x26: {  	_ =	swait.ge [sflag:s12], $0x5000  }
0x27: {  	[sflag:s12] =	ssyncset.done $0x0  }
0x28: {  	[sflag:s12] =	ssyncadd.s32 $0xFFFFB000  }
0x29: {  	[spmem:s7] =	stream.linear.scatter [tilespmem:s11], [sflag:$0x6], $0x5000, $0x38;
	[tilespmem:$0xE000] =	vst v63  }
0x2a: {  	_ =	swait.ge [sflag:s12], $0x5000  }
0x2b: {  	[sflag:s12] =	ssyncset.done $0x0  }
0x2c: {  	[sflag:s12] =	ssyncadd.s32 $0xFFFFB000  }
0x2d: {  	[tilespmem:s13], [sflag:$0x6] =	stream.linear.gather [hbm4b:s8+s3], $0x3E80, $0x38;
	[tilespmem:$0xE000] =	vst v63  }
0x2e: {  	_ =	swait.ge [sflag:s12], $0x3E80  }
0x2f: {  	[sflag:s12] =	ssyncset.done $0x0  }
0x30: {  	[sflag:s12] =	ssyncadd.s32 $0xFFFFC180  }
0x31: {  	[bflag:$0x0] =	sbarrier.arrive $0xFFFF  }
0x32: {  	[spmem:s2] =	stream.indirect.scatter.add.f32 [tilespmem:s15], [sflag:$0x1], $0x10, s13, s14, $0xb8;
	[tilespmem:$0xE000] =	vst v63  }
0x33: {  	_ = 	snop  }
0x34: {  	[spmem:s2] =	stream.indirect.scatter.add.f32 [tilespmem:s15], [sflag:$0x2], $0x10, s16, s14, $0xb8;
	[tilespmem:$0xE000] =	vst v63  }
0x35: {  	_ = 	snop  }
0x36: {  	[spmem:s2] =	stream.indirect.scatter.add.f32 [tilespmem:s15], [sflag:$0x3], $0x10, s17, s14, $0xb8;
	[tilespmem:$0xE000] =	vst v63  }
0x37: {  	_ = 	snop  }
0x38: {  	[spmem:s2] =	stream.indirect.scatter.add.f32 [tilespmem:s15], [sflag:$0x4], $0x10, s18, s14, $0xb8;
	[tilespmem:$0xE000] =	vst v63  }
0x39: {  	_ = 	snop  }
0x3a: {  	[spmem:s2] =	stream.indirect.scatter.add.f32 [tilespmem:s15], [sflag:$0x5], $0x10, s19, s14, $0xb8;
	[tilespmem:$0xE000] =	vst v63  }
0x3b: {  	_ =	swait.ge [sflag:s20], $0x500  }
0x3c: {  	[sflag:s20] =	ssyncset.done $0x0  }
0x3d: {  	s26 =	simm.s32 $0x2A80;
	[sflag:s20] =	ssyncadd.s32 $0xFFFFFB00  }
0x3e: {  	[spmem:s2] =	stream.indirect.scatter.add.f32 [tilespmem:s15], [sflag:$0x1], $0x10, s26, s14, $0xb8;
	[tilespmem:$0xE000] =	vst v63  }
0x3f: {  	_ =	swait.ge [sflag:s21], $0x500  }
0x40: {  	[sflag:s21] =	ssyncset.done $0x0  }
0x41: {  	s29 =	simm.s32 $0x2B00;
	[sflag:s21] =	ssyncadd.s32 $0xFFFFFB00  }
0x42: {  	[spmem:s2] =	stream.indirect.scatter.add.f32 [tilespmem:s15], [sflag:$0x2], $0x10, s29, s14, $0xb8;
	[tilespmem:$0xE000] =	vst v63  }
0x43: {  	_ =	swait.ge [sflag:s22], $0x500  }
0x44: {  	[sflag:s22] =	ssyncset.done $0x0  }
0x45: {  	s30 =	simm.s32 $0x2B80;
	[sflag:s22] =	ssyncadd.s32 $0xFFFFFB00  }
0x46: {  	[spmem:s2] =	stream.indirect.scatter.add.f32 [tilespmem:s15], [sflag:$0x3], $0x10, s30, s14, $0xb8;
	[tilespmem:$0xE000] =	vst v63  }
0x47: {  	_ =	swait.ge [sflag:s23], $0x500  }
0x48: {  	[sflag:s23] =	ssyncset.done $0x0  }
0x49: {  	s31 =	simm.s32 $0x2C00;
	[sflag:s23] =	ssyncadd.s32 $0xFFFFFB00  }
0x4a: {  	[spmem:s2] =	stream.indirect.scatter.add.f32 [tilespmem:s15], [sflag:$0x4], $0x10, s31, s14, $0xb8;
	[tilespmem:$0xE000] =	vst v63  }
0x4b: {  	_ =	swait.ge [sflag:s24], $0x500  }
0x4c: {  	[sflag:s24] =	ssyncset.done $0x0  }
0x4d: {  	s28 =	simm.s32 $0x2C80;
	s26 =	simm.s32 $0xFFFF1A00;
	[sflag:s24] =	ssyncadd.s32 $0xFFFFFB00  }
.LBB2_6:
0x4e: {  	[spmem:s2] =	stream.indirect.scatter.add.f32 [tilespmem:s15], [sflag:$0x5], $0x10, s28, s14, $0xb8;
	[tilespmem:$0xE000] =	vst v63  }
0x4f: {  	s28 =	smov.u32 s26  }
0x50: {  	p0 =	sne.s32 s26, $0xFFFFF600;
	s26 =	sadd.s32 $0xA00, s26;
	_ =	swait.ge [sflag:s20], $0x500  }
0x51: {  	s28 =	sshra.s32 s28, $0x2;
	[sflag:s20] =	ssyncset.done $0x0  }
0x52: {  	s29 =	sadd.s32 $0x6680, s28;
	[sflag:s20] =	ssyncadd.s32 $0xFFFFFB00  }
0x53: {  	[spmem:s2] =	stream.indirect.scatter.add.f32 [tilespmem:s15], [sflag:$0x1], $0x10, s29, s14, $0xb8;
	[tilespmem:$0xE000] =	vst v63  }
0x54: {  	_ =	swait.ge [sflag:s21], $0x500  }
0x55: {  	[sflag:s21] =	ssyncset.done $0x0  }
0x56: {  	s29 =	sadd.s32 $0x6700, s28;
	[sflag:s21] =	ssyncadd.s32 $0xFFFFFB00  }
0x57: {  	[spmem:s2] =	stream.indirect.scatter.add.f32 [tilespmem:s15], [sflag:$0x2], $0x10, s29, s14, $0xb8;
	[tilespmem:$0xE000] =	vst v63  }
0x58: {  	_ =	swait.ge [sflag:s22], $0x500  }
0x59: {  	[sflag:s22] =	ssyncset.done $0x0  }
0x5a: {  	s29 =	sadd.s32 $0x6780, s28;
	[sflag:s22] =	ssyncadd.s32 $0xFFFFFB00  }
0x5b: {  	[spmem:s2] =	stream.indirect.scatter.add.f32 [tilespmem:s15], [sflag:$0x3], $0x10, s29, s14, $0xb8;
	[tilespmem:$0xE000] =	vst v63  }
0x5c: {  	_ =	swait.ge [sflag:s23], $0x500  }
0x5d: {  	[sflag:s23] =	ssyncset.done $0x0  }
.Ltmp2:
0x5e: {  	s29 =	sadd.s32 $0x6800, s28;
	[sflag:s23] =	ssyncadd.s32 $0xFFFFFB00;
	(pc) =	sbr.rel @p0 .LBB2_6-.Ltmp2, $4  }
0x5f: {  	[spmem:s2] =	stream.indirect.scatter.add.f32 [tilespmem:s15], [sflag:$0x4], $0x10, s29, s14, $0xb8;
	[tilespmem:$0xE000] =	vst v63  }
0x60: {  	_ =	swait.ge [sflag:s24], $0x500  }
0x61: {  	[sflag:s24] =	ssyncset.done $0x0  }
0x62: {  	s28 =	sadd.s32 $0x6880, s28;
	[sflag:s24] =	ssyncadd.s32 $0xFFFFFB00  }
0x63: {  	[spmem:s2] =	stream.indirect.scatter.add.f32 [tilespmem:s15], [sflag:$0x5], $0x10, s28, s14, $0xb8;
	[tilespmem:$0xE000] =	vst v63  }
0x64: {  	_ =	swait.ge [sflag:s20], $0x500  }
0x65: {  	[sflag:s20] =	ssyncset.done $0x0  }
0x66: {  	[sflag:s20] =	ssyncadd.s32 $0xFFFFFB00  }
0x67: {  	_ =	swait.ge [sflag:s21], $0x500  }
0x68: {  	[sflag:s21] =	ssyncset.done $0x0  }
0x69: {  	[sflag:s21] =	ssyncadd.s32 $0xFFFFFB00  }
0x6a: {  	_ =	swait.ge [sflag:s22], $0x500  }
0x6b: {  	[sflag:s22] =	ssyncset.done $0x0  }
0x6c: {  	[sflag:s22] =	ssyncadd.s32 $0xFFFFFB00  }
0x6d: {  	_ =	swait.ge [sflag:s23], $0x500  }
0x6e: {  	[sflag:s23] =	ssyncset.done $0x0  }
0x6f: {  	[sflag:s23] =	ssyncadd.s32 $0xFFFFFB00  }
0x70: {  	_ =	swait.ge [sflag:s24], $0x500  }
0x71: {  	s26 =	sshll.u32 s1, $0x6;
	s25 =	sadd.s32 $0x1, s25;
	[sflag:s24] =	ssyncset.done $0x0  }
0x72: {  	s31 =	sshrl.u32 s4, $0x3;
	p0 =	sne.s32 s25, s10;
	[sflag:s24] =	ssyncadd.s32 $0xFFFFFB00  }
.Ltmp3:
0x73: {  	s26 =	sor.u32 $0x1C06, s26;
	[bflag:$0x0] =	sbarrier.arrive $0xFFFF;
	(pc) =	sbr.rel @p0 .LBB2_1-.Ltmp3, $4  }
0x74: {  	[hbm:s9], [sflag:s26] =	dma.local [spmem:s31], $0x2800  }
0x75: {  	_ =	swait.ge [sflag:s12], $0x2800  }
0x76: {  	[sflag:s12] =	ssyncset.done $0x0  }
0x77: {  	[sflag:s12] =	ssyncadd.s32 $0xFFFFD800  }
0x78: {  	_ =	sfence.sel $0x180000  }
0x79: {  	[bflag:$0x0] =	sbarrier.arrive $0xFFFF  }
0x7a: {  	p0 =	sne.s32 s1, $0x0;
	_ =	strace $0x90000047  }
0x7b: {  	s0 =	sadd.s32 @!p0 $0x100000, s0;
	[bflag:$0x2] =	sbarrier.arrive $0xFFFF  }
0x7c: {  	[sflag:s0] =	ssyncadd.tile.s32 @!p0 $0x1;
	_ =	shalt  }
.Lfunc_end2:
_tile_overlayer_lowered:
.L_overlay_start_2:
0x7d: {  	(tag) =	ssettag $0x2  }
0x7e: {  	s0 =	rddreg [dreg:$0x0];
	s2 =	stileid.u32  }
0x7f: {  	s1 =	rddreg [dreg:$0x1];
	p0 =	sne.s32 s2, $0x0  }
0x80: {  	s3 =	rddreg [dreg:$0x2];
	[bflag:$0x3] =	sbarrier.arrive $0xFFFF;
	s2 =	simm.s32 @!p0 $0x1C06  }
0x81: {  	[timem:s3], [sflag:s2] =	dma.local @!p0 [hbm:s0], s1  }
0x82: {  	s0 =	simm.s32 @!p0 $0x6  }
0x83: {  	_ =	swait.ge @!p0 [sflag:s0], s1  }
0x84: {  	s1 =	ssub.s32 @!p0 $0x0, s1;
	[sflag:s0] =	ssyncset.done @!p0 $0x0  }
0x85: {  	[sflag:s0] =	ssyncadd.s32 @!p0 s1  }
0x86: {  	[bflag:$0x3] =	sbarrier.arrive $0xFFFF  }
0x87: {  	_ =	shalt  }

// kernel: kernel.13.cloned.1.call-start
scs
__scs_entry_jumppad:
0x0: {  	(pc) =	sbr.rel $0x88, $3  }
0x1: {  	(tag) =	ssettag $0x0;
	lr =	simm.s32 $0x1  }
0x2: {  	[smem:$0x3F8F] =	sst lr;
	_ =	strace $0xD0000000  }
0x3: {  	_ = 	snop  }
0x4: {  	_ = 	snop  }
0x5: {  	_ = 	snop  }
0x6: {  	_ = 	snop  }
0x7: {  	_ = 	snop  }
__scs_overlays_trampoline_lowered:
0x8: {  	[smem:$0x3F9E] =	sst s0  }
0x9: {  	[smem:$0x3F9F] =	sst s1  }
0xa: {  	[smem:$0x3FA0] =	sst s2  }
0xb: {  	[smem:$0x3FA1] =	sst s3  }
0xc: {  	[smem:$0x3FA2] =	sst s4  }
0xd: {  	[smem:$0x3FA3] =	sst s5  }
0xe: {  	[smem:$0x3FA4] =	sst s6  }
0xf: {  	[smem:$0x3FA5] =	sst s7  }
0x10: {  	[smem:$0x3FA6] =	sst s8  }
0x11: {  	[smem:$0x3FA7] =	sst s9;
	s0 =	simm.s32 @!p0 $0x0  }
0x12: {  	s1 =	sld [smem:$0x3F8D];
	s0 =	simm.s32 @p0 $0x1  }
0x13: {  	[smem:$0x3FA8] =	sst s0;
	s0 =	simm.s32 @!p1 $0x0  }
0x14: {  	s2 =	sld [smem:$0x3F8C];
	s0 =	simm.s32 @p1 $0x1  }
0x15: {  	[smem:$0x3FA9] =	sst s0;
	s0 =	simm.s32 @!p2 $0x0  }
0x16: {  	s3 =	sld [smem:$0x3FDB];
	s0 =	simm.s32 @p2 $0x1  }
0x17: {  	s4 =	simm.s32 $0x1BF5;
	[smem:$0x3FAB] =	sst s0  }
0x18: {  	s0 =	sld [smem:$0x3F8E];
	_ =	swait.ge [sflag:s4], $0x0  }
0x19: {  	s7 =	sld [smem:$0x3F8F]  }
0x1a: {  	s8 =	sadd.s32 $0xFFFFE003, lr  }
0x1b: {  	s9 =	sadd.s32 $0xFFFFFEF7, lr;
	s5 =	simm.s32 $0xFFFFFFFF;
	p2 =	slt.u32 s8, $0xFFFFF086  }
0x1c: {  	p1 =	slt.u32 s9, $0xF7A;
	s5 =	simm.s32 @!p2 $0x0  }
0x1d: {  	s5 =	simm.s32 @p1 $0x1;
	p0 =	seq.s32 s7, s2  }
0x1e: {  	s7 =	smul.u32 @!p0 $0xF7A, s2;
	p2 =	seq.s32 @!p0 s5, $0x0  }
0x1f: {  	s9 =	smul.u32 $0xF7A, s1;
	s8 =	simm.s32 @!p0 $0x1BF5;
	p2 =	por !p2, p0  }
0x20: {  	[sflag:s8] =	ssyncset.s32 @!p0 $0xFFFFF086;
	s6 =	sadd.s32 @!p0 s3, s7;
	s7 =	simm.s32 @!p0 $0x108  }
0x21: {  	s3 =	sadd.s32 s3, s9;
	s6 =	sadd.s32 @!p0 $0x88, s6;
	s7 =	simm.s32 @p2 $0x1082  }
0x22: {  	[simem:s7], [sflag:s8] =	dma.local @!p0 [hbm:s6], $0xF7A  }
0x23: {  	s9 =	sor.u32 $0xD0000000, s2;
	s6 =	simm.s32 $0x108;
	_ =	swait.ge @!p0 [sflag:s8], $0x0  }
0x24: {  	s3 =	sadd.s32 $0x88, s3;
	s6 =	simm.s32 @!p1 $0x1082;
	[sflag:s4] =	ssyncset.s32 $0xFFFFF086  }
0x25: {  	[simem:s6], [sflag:s4] =	dma.local [hbm:s3], $0xF7A  }
0x26: {  	[smem:$0x3F8F] =	sst s1;
	(tag) =	ssettag s2;
	_ =	strace s9  }
0x27: {  	s1 =	sld [smem:$0x3F9F]  }
0x28: {  	s2 =	sld [smem:$0x3FA0]  }
0x29: {  	s4 =	sld [smem:$0x3FA2]  }
0x2a: {  	p0 =	seq.s32 s5, $0x0;
	s5 =	sld [smem:$0x3FA3]  }
0x2b: {  	s6 =	sld [smem:$0x3FA4]  }
0x2c: {  	s7 =	sld [smem:$0x3FA5]  }
0x2d: {  	s3 =	simm.s32 $0x108;
	s8 =	sld [smem:$0x3FA6]  }
0x2e: {  	s3 =	simm.s32 @!p0 $0x1082;
	s9 =	sld [smem:$0x3FA7]  }
0x2f: {  	lr =	sadd.s32 s0, s3;
	s0 =	sld [smem:$0x3F9E]  }
0x30: {  	s3 =	sld [smem:$0x3FA1]  }
0x31: {  	[smem:$0x3FAA] =	sst s10  }
0x32: {  	s10 =	sld [smem:$0x3FA8];
	_ =	sdelay $0x3  }
0x33: {  	p0 =	seq.s32 s10, $0x1;
	s10 =	sld [smem:$0x3FAA];
	_ =	sdelay $0x3  }
0x34: {  	[smem:$0x3FAA] =	sst s10  }
0x35: {  	s10 =	sld [smem:$0x3FA9];
	_ =	sdelay $0x3  }
0x36: {  	p1 =	seq.s32 s10, $0x1;
	s10 =	sld [smem:$0x3FAA];
	_ =	sdelay $0x3  }
0x37: {  	[smem:$0x3FAA] =	sst s10  }
0x38: {  	s10 =	sld [smem:$0x3FAB]  }
0x39: {  	_ = 	snop;
	(pc) =	sbr.ind lr, $3  }
0x3a: {  	_ = 	snop  }
0x3b: {  	_ = 	snop  }
0x3c: {  	p2 =	seq.s32 s10, $0x1;
	s10 =	sld [smem:$0x3FAA]  }
0x3d: {  	_ =	shalt  }
0x3e: {  	_ =	shalt  }
0x3f: {  	_ =	shalt  }
0x40: {  	_ =	shalt  }
0x41: {  	_ =	shalt  }
0x42: {  	_ =	shalt  }
0x43: {  	_ =	shalt  }
0x44: {  	_ =	shalt  }
0x45: {  	_ =	shalt  }
0x46: {  	_ =	shalt  }
0x47: {  	_ =	shalt  }
0x48: {  	_ =	shalt  }
0x49: {  	_ =	shalt  }
0x4a: {  	_ =	shalt  }
0x4b: {  	_ =	shalt  }
0x4c: {  	_ =	shalt  }
0x4d: {  	_ =	shalt  }
0x4e: {  	_ =	shalt  }
0x4f: {  	_ =	shalt  }
0x50: {  	_ =	shalt  }
0x51: {  	_ =	shalt  }
0x52: {  	_ =	shalt  }
0x53: {  	_ =	shalt  }
0x54: {  	_ =	shalt  }
0x55: {  	_ =	shalt  }
0x56: {  	_ =	shalt  }
0x57: {  	_ =	shalt  }
0x58: {  	_ =	shalt  }
0x59: {  	_ =	shalt  }
0x5a: {  	_ =	shalt  }
0x5b: {  	_ =	shalt  }
0x5c: {  	_ =	shalt  }
0x5d: {  	_ =	shalt  }
0x5e: {  	_ =	shalt  }
0x5f: {  	_ =	shalt  }
0x60: {  	_ =	shalt  }
0x61: {  	_ =	shalt  }
0x62: {  	_ =	shalt  }
0x63: {  	_ =	shalt  }
0x64: {  	_ =	shalt  }
0x65: {  	_ =	shalt  }
0x66: {  	_ =	shalt  }
0x67: {  	_ =	shalt  }
0x68: {  	_ =	shalt  }
0x69: {  	_ =	shalt  }
0x6a: {  	_ =	shalt  }
0x6b: {  	_ =	shalt  }
0x6c: {  	_ =	shalt  }
0x6d: {  	_ =	shalt  }
0x6e: {  	_ =	shalt  }
0x6f: {  	_ =	shalt  }
0x70: {  	_ =	shalt  }
0x71: {  	_ =	shalt  }
0x72: {  	_ =	shalt  }
0x73: {  	_ =	shalt  }
0x74: {  	_ =	shalt  }
0x75: {  	_ =	shalt  }
0x76: {  	_ =	shalt  }
0x77: {  	_ =	shalt  }
0x78: {  	_ =	shalt  }
0x79: {  	_ =	shalt  }
0x7a: {  	_ =	shalt  }
0x7b: {  	_ =	shalt  }
0x7c: {  	_ =	shalt  }
0x7d: {  	_ =	shalt  }
0x7e: {  	_ =	shalt  }
0x7f: {  	_ =	shalt  }
0x80: {  	_ =	shalt  }
0x81: {  	_ =	shalt  }
0x82: {  	_ =	shalt  }
0x83: {  	_ =	shalt  }
0x84: {  	_ =	shalt  }
0x85: {  	_ =	shalt  }
0x86: {  	_ =	shalt  }
0x87: {  	_ =	shalt  }
.Lfunc_end0:
.L_simem_size_0:
called_computation.1_lowered:
.L_overlay_start_0:
0x88: {  	s2 =	sld [smem:$0x3FD9]  }
0x89: {  	s3 =	sld [smem:$0x3FFE];
	_ =	sdelay $0x1  }
0x8a: {  	s1 =	srdreg.scid  }
0x8b: {  	s0 =	sand.u32 $0x1, s1  }
0x8c: {  	s16 =	sshll.u32 s0, $0xA;
	s2 =	sadd.s32 s3, s2  }
0x8d: {  	s2 =	sadd.s32 s2, s16  }
0x8e: {  	[smem:$0x3FB6] =	sst s2  }
0x8f: {  	_ = 	snop  }
0x90: {  	(tm) =	ssettm $0x1  }
0x91: {  	s17 =	sld [smem:$0x3FFB];
	_ =	sdelay $0x3  }
0x92: {  	_ =	strace s17  }
0x93: {  	s2 =	sld [smem:$0x3FFC];
	_ =	sdelay $0x3  }
0x94: {  	_ =	strace s2  }
0x95: {  	s2 =	sld [smem:$0x3FFD];
	_ =	sdelay $0x3  }
0x96: {  	_ =	strace s2  }
0x97: {  	_ =	strace $0x8FFFFFFF  }
0x98: {  	s18 =	sld [smem:$0x3FDB];
	_ =	sdelay $0x1  }
0x99: {  	s19 =	simm.s32 $_scs_section_size  }
0x9a: {  	s4 =	simm.s32 $_size__tile_overlayer_lowered;
	s5 =	simm.s32 $_tile_overlayer_lowered  }
0x9b: {  	s22 =	simm.s32 $0x1BFF;
	s21 =	sshll.u32 s5, $0x1;
	s2 =	sadd.s32 s19, s18  }
0x9c: {  	s6 =	simm.s32 $0x0;
	s20 =	sshll.u32 s4, $0x1;
	s4 =	sadd.s32 s21, s2  }
0x9d: {  	[timem:s6], [sflag:s22] =	dma.local [hbm:s4], s20  }
0x9e: {  	_ =	swait.ge [sflag:s22], s20  }
0x9f: {  	s3 =	ssub.s32 $0x0, s20;
	[sflag:s22] =	ssyncset.done $0x0  }
0xa0: {  	[sflag:s22] =	ssyncadd.s32 s3;
	_ =	sdelay $0x1  }
0xa1: {  	s23 =	simm.s32 $0x1B8B  }
0xa2: {  	_ =	swait.ge [sflag:s23], $0x1  }
0xa3: {  	[sflag:s23] =	ssyncset.done $0x0  }
0xa4: {  	s25 =	simm.s32 $0x1B8E;
	s24 =	sld [smem:$0x3FFE];
	[sflag:s23] =	ssyncadd.s32 $0xFFFFFFFF  }
0xa5: {  	s26 =	simm.s32 $execute0_lowered;
	[smem:$0x3FD2] =	sst s25  }
0xa6: {  	s4 =	sshll.u32 s26, $0x1;
	_ =	strace $0x80000049;
	[dreg:$0x1] =	wrdreg $0xFFFFFFFF  }
0xa7: {  	s28 =	simm.s32 $_size_execute0_lowered;
	s2 =	sadd.s32 s2, s4;
	[dreg:$0x0] =	wrdreg $0x0  }
0xa8: {  	s4 =	sshll.u32 s28, $0x1;
	[dreg:$0x2] =	wrdreg s2  }
0xa9: {  	[dreg:$0x3] =	wrdreg s4  }
0xaa: {  	[dreg:$0x4] =	wrdreg $0xC0  }
0xab: {  	_ =	task [dreg:s6], $0x5FFFF  }
0xac: {  	[dreg:$0x1] =	wrdreg $0xFFFFFFFF  }
0xad: {  	[dreg:$0x0] =	wrdreg $0x60  }
0xae: {  	[dreg:$0x2] =	wrdreg s24  }
0xaf: {  	[dreg:$0x3] =	wrdreg $0x0  }
0xb0: {  	[dreg:$0x4] =	wrdreg $0x9  }
0xb1: {  	_ =	task.clear_ibuf [dreg:s6], $0x5FFFF;
	_ =	strace $0x90000049  }
0xb2: {  	s29 =	simm.s32 $0x9;
	_ =	strace $0x8000004B  }
0xb3: {  	_ =	swait.ge [sflag:s29], $0x1  }
0xb4: {  	[sflag:s29] =	ssyncadd.s32 $0xFFFFFFFF  }
0xb5: {  	_ =	strace $0x9000004B  }
0xb6: {  	_ =	sfence  }
0xb7: {  	s30 =	sld [smem:$0x0];
	_ =	sdelay $0x2  }
0xb8: {  	s31 =	sshll.u32 s1, $0xD;
	s1 =	sshrl.u32 s1, $0x2  }
0xb9: {  	s3 =	sand.u32 $0x4000, s31;
	s1 =	sadd.s32 s1, s30  }
0xba: {  	s0 =	sor.u32 s3, s0;
	s1 =	sshll.u32 s1, $0x11  }
0xbb: {  	s0 =	sor.u32 s1, s0  }
0xbc: {  	s0 =	sadd.s32 $0x8F2B, s0  }
0xbd: {  	[sflag:s0] =	ssyncadd.remote.s32 $0x1  }
0xbe: {  	_ =	sfence.sel $0xFFFF  }
0xbf: {  	[dreg:$0x0] =	wrdreg $0xFFFFFFFF;
	(pc) =	sbr.abs _section_cstart, $3  }
0xc0: {  	[dreg:$0x1] =	wrdreg $0xFFFFFFFF  }
0xc1: {  	_ =	task.clear_ibuf [dreg:s6], $0x2FFFF;
	_ =	strace $0x9FFFFFFF  }
0xc2: {  	(tm) =	ssettm $0x7FFFFFFF  }
0xc3: {  	_ =	shalt  }
tec
execute0_lowered:
.L_overlay_start_1:
0x0: {  	(tag) =	ssettag $0x1  }
0x1: {  	s0 =	srdreg.scid;
	s6 =	rddreg [dreg:$0x0]  }
0x2: {  	s13 =	stileid.u32;
	s2 =	rddreg [dreg:$0x1]  }
0x3: {  	s3 =	simm.s32 $0x0;
	s28 =	simm.s32 $0xC;
	s29 =	simm.s32 $0xE  }
0x4: {  	s30 =	simm.s32 $0xF;
	s0 =	sand.u32 $0x1, s0;
	s8 =	smul.u32 $0x14000, s13  }
0x5: {  	[smem:$0x7FF] =	sst s3;
	s10 =	smul.u32 $0x50000, s13;
	s4 =	sadd.s32 $0x17400, s6  }
0x6: {  	s5 =	sadd.s32 $0xD600, s6;
	s26 =	smul.u32 $0x2710, s13;
	s1 =	sshll.u32 s0, $0x4  }
0x7: {  	s7 =	smul.u32 $0x140000, s0;
	_ =	strace $0x8000004A;
	s16 =	ssub.s32 $0x2, s0  }
0x8: {  	s0 =	smul.u32 $0x27100, s0;
	[dreg:$0x1f] =	wrdreg s5;
	s10 =	sshrl.u32 s10, $0x2  }
0x9: {  	s1 =	sor.u32 s13, s1;
	s12 =	sshrl.u32 s16, $0x1;
	s10 =	sadd.s32 s10, s2  }
0xa: {  	s1 =	smul.u32 $0x2710, s1;
	s18 =	sadd.s32 $0x1400, s10;
	[dreg:$0x3] =	wrdreg s10  }
0xb: {  	s7 =	sadd.s32 s8, s7;
	s19 =	sadd.s32 $0x2800, s10;
	[dreg:$0x4] =	wrdreg s18  }
0xc: {  	s17 =	ssub.s32 s16, s12;
	s20 =	sadd.s32 $0x3C00, s10;
	[dreg:$0x5] =	wrdreg s19  }
0xd: {  	s0 =	sadd.s32 s26, s0;
	s21 =	sadd.s32 $0x5000, s10;
	[dreg:$0x6] =	wrdreg s20  }
0xe: {  	s7 =	sshrl.u32 s7, $0x3;
	s22 =	sadd.s32 $0x6400, s10;
	[dreg:$0x7] =	wrdreg s21  }
0xf: {  	s23 =	sadd.s32 $0x7800, s10;
	s24 =	sadd.s32 $0x8C00, s10;
	[dreg:$0x8] =	wrdreg s22  }
0x10: {  	s25 =	sadd.s32 $0xA000, s10;
	s12 =	sadd.s32 $0xF0, s0;
	[dreg:$0x9] =	wrdreg s23  }
0x11: {  	s15 =	smax.u32 s17, $0x1;
	s16 =	sadd.s32 $0xC8, s0;
	[dreg:$0xa] =	wrdreg s24  }
0x12: {  	s17 =	sadd.s32 $0x118, s0;
	s26 =	sadd.s32 $0x12C00, s10;
	[dreg:$0xb] =	wrdreg s25  }
0x13: {  	s9 =	sshrl.u32 s1, $0x3;
	s31 =	sadd.s32 $0x28, s1;
	[dreg:$0x11] =	wrdreg s15  }
0x14: {  	s1 =	sadd.s32 $0x78, s1;
	s14 =	sshrl.u32 s12, $0x3;
	[dreg:$0x12] =	wrdreg s16  }
0x15: {  	s18 =	sadd.s32 $0x140, s0;
	s20 =	sadd.s32 $0xB400, s10;
	[dreg:$0x1d] =	wrdreg s26  }
0x16: {  	s0 =	sadd.s32 $0xA0, s0;
	s21 =	sadd.s32 $0xC800, s10;
	[dreg:$0x17] =	wrdreg s20  }
0x17: {  	s22 =	sadd.s32 $0xDC00, s10;
	s23 =	sadd.s32 $0xF000, s10;
	[dreg:$0x18] =	wrdreg s21  }
0x18: {  	s24 =	sadd.s32 $0x10400, s10;
	s25 =	sadd.s32 $0x11800, s10;
	[dreg:$0x19] =	wrdreg s22  }
0x19: {  	s16 =	simm.s32 $0x1A600;
	s26 =	simm.s32 $0x1BA00;
	[dreg:$0x1a] =	wrdreg s23  }
0x1a: {  	s11 =	sadd.s32 s9, s6;
	s6 =	sadd.s32 s7, s6;
	[dreg:$0x1b] =	wrdreg s24  }
0x1b: {  	s1 =	sshrl.u32 s1, $0x3;
	s0 =	sshrl.u32 s0, $0x3;
	[dreg:$0x1c] =	wrdreg s25  }
0x1c: {  	s20 =	simm.s32 $0x1;
	s21 =	simm.s32 $0xB;
	s22 =	simm.s32 $0x16980  }
0x1d: {  	s23 =	simm.s32 $0x2;
	s24 =	simm.s32 $0x4;
	s11 =	sadd.s32 $0x3800, s11  }
0x1e: {  	s25 =	simm.s32 $0x5;
	s1 =	sadd.s32 s5, s1;
	[dreg:$0xc] =	wrdreg s11  }
0x1f: {  	s7 =	simm.s32 $0x0;
	s13 =	sadd.s32 $0x3F400, s6;
	[dreg:$0xf] =	wrdreg s1  }
0x20: {  	s6 =	sshrl.u32 s18, $0x3;
	s0 =	sadd.s32 s0, s5;
	[dreg:$0x10] =	wrdreg s13  }
0x21: {  	s11 =	sadd.s32 s5, s9;
	s1 =	sadd.s32 s14, s5;
	[dreg:$0x16] =	wrdreg s0  }
0x22: {  	s9 =	sshrl.u32 s31, $0x3;
	s19 =	sadd.s32 s6, s5;
	[dreg:$0x13] =	wrdreg s1  }
.Ltmp0:
0x23: {  	s13 =	simm.s32 $0x28;
	[dreg:$0x15] =	wrdreg s19;
	(pc) =	sbr.rel .LBB2_1-.Ltmp0, $4  }
0x24: {  	s0 =	simm.s32 $0x9;
	s9 =	sadd.s32 s5, s9;
	[dreg:$0xd] =	wrdreg s11  }
0x25: {  	s1 =	sshrl.u32 s17, $0x3;
	s31 =	sadd.s32 $0xA, s11;
	[dreg:$0xe] =	wrdreg s9  }
0x26: {  	s19 =	simm.s32 $0x16900;
	s1 =	sadd.s32 s1, s5;
	[dreg:$0x1e] =	wrdreg s31  }
0x27: {  	v0 =	vimm.f32 $0.0e+00;
	s5 =	simm.s32 $0x11;
	[dreg:$0x14] =	wrdreg s1;
	s1 =	simm.s32 $0x8  }
.LBB2_6:
0x28: {  	_ =	swait.ge [sflag:s25], $0x1400  }
0x29: {  	[sflag:s25] =	ssyncset.done $0x0  }
0x2a: {  	[sflag:s25] =	ssyncadd.s32 $0xFFFFEC00  }
0x2b: {  	_ =	swait.ge [sflag:s30], $0x28  }
0x2c: {  	[sflag:s30] =	ssyncset.done $0x0  }
0x2d: {  	s5 =	simm.s32 $0x6;
	[sflag:s30] =	ssyncadd.s32 $0xFFFFFFD8  }
0x2e: {  	[spmem:s2] =	stream.indirect.scatter.add.f32 [tilespmem:s26], [sflag:$0xA], $0x80, s22, s13, $0xb8;
	[tilespmem:$0x1CE00] =	vst v63  }
0x2f: {  	_ =	swait.ge [sflag:s5], $0x1400  }
0x30: {  	[sflag:s5] =	ssyncset.done $0x0  }
0x31: {  	s15 =	simm.s32 $0x7;
	[sflag:s5] =	ssyncadd.s32 $0xFFFFEC00  }
0x32: {  	_ =	swait.ge [sflag:s15], $0x1400  }
0x33: {  	[sflag:s15] =	ssyncset.done $0x0  }
0x34: {  	[sflag:s15] =	ssyncadd.s32 $0xFFFFEC00  }
0x35: {  	_ =	swait.ge [sflag:s1], $0x1400  }
0x36: {  	[sflag:s1] =	ssyncset.done $0x0  }
0x37: {  	[sflag:s1] =	ssyncadd.s32 $0xFFFFEC00  }
0x38: {  	_ =	swait.ge [sflag:s0], $0x1400  }
0x39: {  	[sflag:s0] =	ssyncset.done $0x0  }
0x3a: {  	s17 =	simm.s32 $0xA;
	[sflag:s0] =	ssyncadd.s32 $0xFFFFEC00  }
0x3b: {  	_ =	swait.ge [sflag:s17], $0x1400  }
0x3c: {  	[sflag:s17] =	ssyncset.done $0x0  }
0x3d: {  	s6 =	stileid.u32;
	[sflag:s17] =	ssyncadd.s32 $0xFFFFEC00  }
0x3e: {  	s6 =	sshll.u32 s6, $0x6;
	[bflag:$0x0] =	sbarrier.arrive $0xFFFF  }
0x3f: {  	s6 =	sor.u32 $0x1C11, s6;
	s10 =	rddreg [dreg:$0x3]  }
0x40: {  	s5 =	simm.s32 $0x11;
	s8 =	rddreg [dreg:$0x10];
	s7 =	sshrl.u32 s10, $0x3  }
0x41: {  	[hbm:s8], [sflag:s6] =	dma.local [spmem:s7], $0x2800  }
0x42: {  	_ =	swait.ge [sflag:s5], $0x2800  }
0x43: {  	s18 =	sld [smem:$0x7FD];
	_ =	sdelay $0x2  }
0x44: {  	s31 =	rddreg [dreg:$0x11];
	s7 =	sadd.s32 $0x1, s18  }
0x45: {  	p0 =	sne.s32 s7, s31  }
.Ltmp1:
0x46: {  	_ = 	snop;
	(pc) =	sbr.rel @!p0 .LBB2_7-.Ltmp1, $3  }
0x47: {  	_ =	sdelay $0x1  }
0x48: {  	[sflag:s5] =	ssyncset.done $0x0  }
0x49: {  	[sflag:s5] =	ssyncadd.s32 $0xFFFFD800  }
.LBB2_1:
0x4a: {  	[smem:$0x7FD] =	sst s7;
	s6 =	simm.s32 $0x0;
	s7 =	simm.s32 $0x200  }
.LBB2_2:
0x4b: {  	p0 =	sne.s32 s7, $0x4E00;
	[tilespmem:s6+$0x16A70] =	vst v0  }
0x4c: {  	[tilespmem:s6+$0x16A00] =	vst v0  }
0x4d: {  	[tilespmem:s6+$0x16A10] =	vst v0  }
.Ltmp2:
0x4e: {  	[tilespmem:s6+$0x16A20] =	vst v0;
	(pc) =	sbr.rel @p0 .LBB2_2-.Ltmp2, $4  }
0x4f: {  	[tilespmem:s6+$0x16A30] =	vst v0  }
0x50: {  	[tilespmem:s6+$0x16A40] =	vst v0  }
0x51: {  	[tilespmem:s6+$0x16A50] =	vst v0  }
0x52: {  	[tilespmem:s6+$0x16A60] =	vst v0;
	s6 =	sshra.s32 s7, $0x2;
	s7 =	sadd.s32 $0x200, s7  }
0x53: {  	[tilespmem:s6+$0x16A70] =	vst v0  }
0x54: {  	[tilespmem:s6+$0x16A00] =	vst v0  }
0x55: {  	[tilespmem:s6+$0x16A10] =	vst v0  }
0x56: {  	[tilespmem:s6+$0x16A20] =	vst v0  }
0x57: {  	[tilespmem:s6+$0x16A30] =	vst v0  }
0x58: {  	[tilespmem:s6+$0x16A40] =	vst v0  }
0x59: {  	[tilespmem:s6+$0x16A50] =	vst v0  }
0x5a: {  	[tilespmem:s6+$0x16A60] =	vst v0;
	s7 =	simm.s32 $0x16A00  }
0x5b: {  	[spmem:s10] =	stream.linear.scatter [tilespmem:s7], [sflag:$0x10], $0x1400, $0x38;
	[tilespmem:$0x1CE00] =	vst v63  }
0x5c: {  	s15 =	rddreg [dreg:$0x4]  }
0x5d: {  	[spmem:s15] =	stream.linear.scatter [tilespmem:s7], [sflag:$0x10], $0x1400, $0x38;
	[tilespmem:$0x1CE00] =	vst v63  }
0x5e: {  	s17 =	rddreg [dreg:$0x5]  }
0x5f: {  	[spmem:s17] =	stream.linear.scatter [tilespmem:s7], [sflag:$0x10], $0x1400, $0x38;
	[tilespmem:$0x1CE00] =	vst v63  }
0x60: {  	s18 =	rddreg [dreg:$0x6]  }
0x61: {  	[spmem:s18] =	stream.linear.scatter [tilespmem:s7], [sflag:$0x10], $0x1400, $0x38;
	[tilespmem:$0x1CE00] =	vst v63  }
0x62: {  	s8 =	rddreg [dreg:$0x7]  }
0x63: {  	[spmem:s8] =	stream.linear.scatter [tilespmem:s7], [sflag:$0x10], $0x1400, $0x38;
	[tilespmem:$0x1CE00] =	vst v63  }
0x64: {  	s9 =	rddreg [dreg:$0x8]  }
0x65: {  	[spmem:s9] =	stream.linear.scatter [tilespmem:s7], [sflag:$0x10], $0x1400, $0x38;
	[tilespmem:$0x1CE00] =	vst v63  }
0x66: {  	s10 =	rddreg [dreg:$0x9]  }
0x67: {  	[spmem:s10] =	stream.linear.scatter [tilespmem:s7], [sflag:$0x10], $0x1400, $0x38;
	[tilespmem:$0x1CE00] =	vst v63  }
0x68: {  	s11 =	rddreg [dreg:$0xa]  }
0x69: {  	[spmem:s11] =	stream.linear.scatter [tilespmem:s7], [sflag:$0x10], $0x1400, $0x38;
	[tilespmem:$0x1CE00] =	vst v63  }
0x6a: {  	s12 =	rddreg [dreg:$0xb]  }
0x6b: {  	[spmem:s12] =	stream.linear.scatter [tilespmem:s7], [sflag:$0x10], $0x1400, $0x38;
	[tilespmem:$0x1CE00] =	vst v63  }
0x6c: {  	s14 =	rddreg [dreg:$0x17]  }
0x6d: {  	[spmem:s14] =	stream.linear.scatter [tilespmem:s7], [sflag:$0x10], $0x1400, $0x38;
	[tilespmem:$0x1CE00] =	vst v63  }
0x6e: {  	s15 =	rddreg [dreg:$0x18]  }
0x6f: {  	[spmem:s15] =	stream.linear.scatter [tilespmem:s7], [sflag:$0x10], $0x1400, $0x38;
	[tilespmem:$0x1CE00] =	vst v63  }
0x70: {  	s17 =	rddreg [dreg:$0x19]  }
0x71: {  	[spmem:s17] =	stream.linear.scatter [tilespmem:s7], [sflag:$0x10], $0x1400, $0x38;
	[tilespmem:$0x1CE00] =	vst v63  }
0x72: {  	s18 =	rddreg [dreg:$0x1a]  }
0x73: {  	[spmem:s18] =	stream.linear.scatter [tilespmem:s7], [sflag:$0x10], $0x1400, $0x38;
	[tilespmem:$0x1CE00] =	vst v63  }
0x74: {  	s8 =	rddreg [dreg:$0x1b]  }
0x75: {  	[spmem:s8] =	stream.linear.scatter [tilespmem:s7], [sflag:$0x10], $0x1400, $0x38;
	[tilespmem:$0x1CE00] =	vst v63  }
0x76: {  	s9 =	rddreg [dreg:$0x1c]  }
0x77: {  	[spmem:s9] =	stream.linear.scatter [tilespmem:s7], [sflag:$0x10], $0x1400, $0x38;
	[tilespmem:$0x1CE00] =	vst v63  }
0x78: {  	s10 =	rddreg [dreg:$0x1d]  }
0x79: {  	[spmem:s10] =	stream.linear.scatter [tilespmem:s7], [sflag:$0x10], $0x1400, $0x38;
	[tilespmem:$0x1CE00] =	vst v63  }
0x7a: {  	s11 =	rddreg [dreg:$0xc];
	s8 =	simm.s32 $0x14000;
	s9 =	simm.s32 $0x0  }
0x7b: {  	[tilespmem:s8], [sflag:$0x11] =	stream.linear.gather [hbm4b:s11+s9], $0x2710, $0x38;
	[tilespmem:$0x1CE00] =	vst v63  }
0x7c: {  	_ =	swait.ge [sflag:s5], $0x2710  }
0x7d: {  	[sflag:s5] =	ssyncset.done $0x0  }
0x7e: {  	s12 =	simm.s32 $0x10;
	[sflag:s5] =	ssyncadd.s32 $0xFFFFD8F0  }
0x7f: {  	_ =	swait.ge [sflag:s12], $0x1400  }
0x80: {  	[sflag:s12] =	ssyncset.done $0x0  }
0x81: {  	[sflag:s12] =	ssyncadd.s32 $0xFFFFEC00  }
0x82: {  	_ =	swait.ge [sflag:s12], $0x1400  }
0x83: {  	[sflag:s12] =	ssyncset.done $0x0  }
0x84: {  	[sflag:s12] =	ssyncadd.s32 $0xFFFFEC00  }
0x85: {  	_ =	swait.ge [sflag:s12], $0x1400  }
0x86: {  	[sflag:s12] =	ssyncset.done $0x0  }
0x87: {  	[sflag:s12] =	ssyncadd.s32 $0xFFFFEC00  }
0x88: {  	_ =	swait.ge [sflag:s12], $0x1400  }
0x89: {  	[sflag:s12] =	ssyncset.done $0x0  }
0x8a: {  	[sflag:s12] =	ssyncadd.s32 $0xFFFFEC00  }
0x8b: {  	_ =	swait.ge [sflag:s12], $0x1400  }
0x8c: {  	[sflag:s12] =	ssyncset.done $0x0  }
0x8d: {  	[sflag:s12] =	ssyncadd.s32 $0xFFFFEC00  }
0x8e: {  	_ =	swait.ge [sflag:s12], $0x1400  }
0x8f: {  	[sflag:s12] =	ssyncset.done $0x0  }
0x90: {  	[sflag:s12] =	ssyncadd.s32 $0xFFFFEC00  }
0x91: {  	_ =	swait.ge [sflag:s12], $0x1400  }
0x92: {  	[sflag:s12] =	ssyncset.done $0x0  }
0x93: {  	[sflag:s12] =	ssyncadd.s32 $0xFFFFEC00  }
0x94: {  	_ =	swait.ge [sflag:s12], $0x1400  }
0x95: {  	[sflag:s12] =	ssyncset.done $0x0  }
0x96: {  	[sflag:s12] =	ssyncadd.s32 $0xFFFFEC00  }
0x97: {  	_ =	swait.ge [sflag:s12], $0x1400  }
0x98: {  	[sflag:s12] =	ssyncset.done $0x0  }
0x99: {  	[sflag:s12] =	ssyncadd.s32 $0xFFFFEC00  }
0x9a: {  	_ =	swait.ge [sflag:s12], $0x1400  }
0x9b: {  	[sflag:s12] =	ssyncset.done $0x0  }
0x9c: {  	[sflag:s12] =	ssyncadd.s32 $0xFFFFEC00  }
0x9d: {  	_ =	swait.ge [sflag:s12], $0x1400  }
0x9e: {  	[sflag:s12] =	ssyncset.done $0x0  }
0x9f: {  	[sflag:s12] =	ssyncadd.s32 $0xFFFFEC00  }
0xa0: {  	_ =	swait.ge [sflag:s12], $0x1400  }
0xa1: {  	[sflag:s12] =	ssyncset.done $0x0  }
0xa2: {  	[sflag:s12] =	ssyncadd.s32 $0xFFFFEC00  }
0xa3: {  	_ =	swait.ge [sflag:s12], $0x1400  }
0xa4: {  	[sflag:s12] =	ssyncset.done $0x0  }
0xa5: {  	[sflag:s12] =	ssyncadd.s32 $0xFFFFEC00  }
0xa6: {  	_ =	swait.ge [sflag:s12], $0x1400  }
0xa7: {  	[sflag:s12] =	ssyncset.done $0x0  }
0xa8: {  	[sflag:s12] =	ssyncadd.s32 $0xFFFFEC00  }
0xa9: {  	_ =	swait.ge [sflag:s12], $0x1400  }
0xaa: {  	[sflag:s12] =	ssyncset.done $0x0  }
0xab: {  	[sflag:s12] =	ssyncadd.s32 $0xFFFFEC00  }
0xac: {  	_ =	swait.ge [sflag:s12], $0x1400  }
0xad: {  	[sflag:s12] =	ssyncset.done $0x0  }
0xae: {  	[sflag:s12] =	ssyncadd.s32 $0xFFFFEC00  }
0xaf: {  	[bflag:$0x0] =	sbarrier.arrive $0xFFFF  }
0xb0: {  	s14 =	rddreg [dreg:$0xd]  }
0xb1: {  	s15 =	simm.s32 $0x16780;
	s17 =	rddreg [dreg:$0xe]  }
0xb2: {  	[tilespmem:s15], [sflag:$0xB] =	stream.linear.gather [hbm4b:s14+s9], $0x28, $0x38;
	[tilespmem:$0x1CE00] =	vst v63  }
0xb3: {  	s11 =	rddreg [dreg:$0x1e]  }
0xb4: {  	[tilespmem:s7], [sflag:$0x1] =	stream.indirect.gather [hbm4b:s4+s13], $0x80, s8, s13, $0xb8;
	[tilespmem:$0x1CE00] =	vst v63  }
0xb5: {  	s18 =	simm.s32 $0x16800;
	s6 =	rddreg [dreg:$0x15]  }
0xb6: {  	[tilespmem:s18], [sflag:$0xC] =	stream.linear.gather [hbm4b:s17+s9], $0x28, $0x38;
	[tilespmem:$0x1CE00] =	vst v63  }
0xb7: {  	s10 =	simm.s32 $0x17E00;
	s31 =	rddreg [dreg:$0x13];
	s8 =	simm.s32 $0x14028  }
0xb8: {  	[tilespmem:s10], [sflag:$0x2] =	stream.indirect.gather [hbm4b:s4+s13], $0x80, s8, s13, $0xb8;
	[tilespmem:$0x1CE00] =	vst v63  }
0xb9: {  	s12 =	simm.s32 $0x16880;
	s7 =	rddreg [dreg:$0x16]  }
0xba: {  	[tilespmem:s12], [sflag:$0xD] =	stream.linear.gather [hbm4b:s11+s9], $0x28, $0x38;
	[tilespmem:$0x1CE00] =	vst v63  }
0xbb: {  	s14 =	simm.s32 $0x14050;
	s15 =	simm.s32 $0x19200;
	s17 =	rddreg [dreg:$0xf]  }
0xbc: {  	[tilespmem:s15], [sflag:$0x3] =	stream.indirect.gather [hbm4b:s4+s13], $0x80, s14, s13, $0xb8;
	[tilespmem:$0x1CE00] =	vst v63  }
0xbd: {  	s10 =	rddreg [dreg:$0x14]  }
0xbe: {  	[tilespmem:s19], [sflag:$0xE] =	stream.linear.gather [hbm4b:s17+s9], $0x28, $0x38;
	[tilespmem:$0x1CE00] =	vst v63  }
0xbf: {  	s5 =	simm.s32 $0x16A00;
	s18 =	simm.s32 $0x14078;
	s17 =	rddreg [dreg:$0x12]  }
0xc0: {  	[tilespmem:s16], [sflag:$0x4] =	stream.indirect.gather [hbm4b:s4+s13], $0x80, s18, s13, $0xb8;
	[tilespmem:$0x1CE00] =	vst v63  }
.LBB2_4:
0xc1: {  	_ =	swait.ge [sflag:s20], $0x1400  }
0xc2: {  	[sflag:s20] =	ssyncset.done $0x0  }
0xc3: {  	[sflag:s20] =	ssyncadd.s32 $0xFFFFEC00  }
0xc4: {  	_ =	swait.ge [sflag:s21], $0x28  }
0xc5: {  	p0 =	seq.s32 s9, $0x0;
	[sflag:s21] =	ssyncset.done $0x0  }
0xc6: {  	s8 =	simm.s32 $0x16780;
	s18 =	simm.s32 @!p0 $0xA;
	[sflag:s21] =	ssyncadd.s32 $0xFFFFFFD8  }
0xc7: {  	[spmem:s2] =	stream.indirect.scatter.add.f32 [tilespmem:s5], [sflag:$0x6], $0x80, s8, s13, $0xb8;
	[tilespmem:$0x1CE00] =	vst v63  }
0xc8: {  	_ =	swait.ge @!p0 [sflag:s18], $0x1400  }
0xc9: {  	[sflag:s18] =	ssyncset.done @!p0 $0x0  }
0xca: {  	[sflag:s18] =	ssyncadd.s32 @!p0 $0xFFFFEC00;
	s18 =	sshra.s32 s9, $0x2  }
0xcb: {  	[tilespmem:s22], [sflag:$0xF] =	stream.linear.gather [hbm4b:s7+s3], $0x28, $0x38;
	[tilespmem:$0x1CE00] =	vst v63  }
0xcc: {  	s12 =	sadd.s32 $0x140A0, s18  }
0xcd: {  	[tilespmem:s26], [sflag:$0x5] =	stream.indirect.gather [hbm4b:s4+s13], $0x80, s12, s13, $0xb8;
	[tilespmem:$0x1CE00] =	vst v63  }
0xce: {  	_ =	swait.ge [sflag:s23], $0x1400  }
0xcf: {  	[sflag:s23] =	ssyncset.done $0x0  }
0xd0: {  	[sflag:s23] =	ssyncadd.s32 $0xFFFFEC00  }
0xd1: {  	_ =	swait.ge [sflag:s28], $0x28  }
0xd2: {  	s15 =	simm.s32 $0x16800;
	p0 =	seq.s32 s9, $0x9920;
	[sflag:s28] =	ssyncset.done $0x0  }
0xd3: {  	s11 =	simm.s32 $0x17E00;
	s12 =	simm.s32 @p0 $0x3;
	[sflag:s28] =	ssyncadd.s32 $0xFFFFFFD8  }
0xd4: {  	[spmem:s2] =	stream.indirect.scatter.add.f32 [tilespmem:s11], [sflag:$0x7], $0x80, s15, s13, $0xb8;
	[tilespmem:$0x1CE00] =	vst v63  }
0xd5: {  	_ =	swait.ge @p0 [sflag:s12], $0x1400  }
0xd6: {  	[sflag:s12] =	ssyncset.done @p0 $0x0  }
0xd7: {  	[sflag:s12] =	ssyncadd.s32 @p0 $0xFFFFEC00;
	s12 =	simm.s32 @p0 $0xD  }
0xd8: {  	_ =	swait.ge @p0 [sflag:s12], $0x28  }
0xd9: {  	s14 =	simm.s32 @p0 $0x16880;
	[sflag:s12] =	ssyncset.done @p0 $0x0  }
0xda: {  	s15 =	simm.s32 @p0 $0x19200;
	[sflag:s12] =	ssyncadd.s32 @p0 $0xFFFFFFD8;
	s12 =	simm.s32 @p0 $0x28  }
0xdb: {  	[spmem:s2] =	stream.indirect.scatter.add.f32 @p0 [tilespmem:s15], [sflag:$0x8], $0x80, s14, s12, $0xb8;
	[tilespmem:$0x1CE00] =	vst v63  }
0xdc: {  	s12 =	simm.s32 @!p0 $0x6  }
0xdd: {  	_ =	swait.ge @!p0 [sflag:s12], $0x1400  }
0xde: {  	[sflag:s12] =	ssyncset.done @!p0 $0x0  }
0xdf: {  	s8 =	rddreg [dreg:$0x1f];
	[sflag:s12] =	ssyncadd.s32 @!p0 $0xFFFFEC00;
	s12 =	sshrl.u32 @!p0 s17, $0x3  }
0xe0: {  	s14 =	simm.s32 @!p0 $0x0;
	s15 =	simm.s32 @!p0 $0x16780;
	s12 =	sadd.s32 @!p0 s8, s12  }
0xe1: {  	[tilespmem:s15], [sflag:$0xB] =	stream.linear.gather @!p0 [hbm4b:s12+s14], $0x28, $0x38;
	[tilespmem:$0x1CE00] =	vst v63  }
0xe2: {  	s12 =	sshra.s32 @!p0 s9, $0x2  }
0xe3: {  	s11 =	simm.s32 @!p0 $0x28;
	s8 =	simm.s32 @!p0 $0x16A00;
	s15 =	sadd.s32 @!p0 $0x140C8, s12  }
0xe4: {  	[tilespmem:s8], [sflag:$0x1] =	stream.indirect.gather @!p0 [hbm4b:s4+s11], $0x80, s15, s11, $0xb8;
	[tilespmem:$0x1CE00] =	vst v63  }
0xe5: {  	s8 =	simm.s32 @!p0 $0x3  }
0xe6: {  	_ =	swait.ge @!p0 [sflag:s8], $0x1400  }
0xe7: {  	[sflag:s8] =	ssyncset.done @!p0 $0x0  }
0xe8: {  	[sflag:s8] =	ssyncadd.s32 @!p0 $0xFFFFEC00;
	s8 =	simm.s32 @!p0 $0xD  }
0xe9: {  	_ =	swait.ge @!p0 [sflag:s8], $0x28  }
0xea: {  	[sflag:s8] =	ssyncset.done @!p0 $0x0  }
0xeb: {  	s15 =	simm.s32 @!p0 $0x19200;
	[sflag:s8] =	ssyncadd.s32 @!p0 $0xFFFFFFD8;
	s8 =	simm.s32 @!p0 $0x16880  }
0xec: {  	[spmem:s2] =	stream.indirect.scatter.add.f32 @!p0 [tilespmem:s15], [sflag:$0x8], $0x80, s8, s11, $0xb8;
	[tilespmem:$0x1CE00] =	vst v63  }
0xed: {  	s8 =	simm.s32 @!p0 $0x7  }
0xee: {  	_ =	swait.ge @!p0 [sflag:s8], $0x1400  }
0xef: {  	[sflag:s8] =	ssyncset.done @!p0 $0x0  }
0xf0: {  	[sflag:s8] =	ssyncadd.s32 @!p0 $0xFFFFEC00;
	s8 =	simm.s32 @!p0 $0x16800  }
0xf1: {  	[tilespmem:s8], [sflag:$0xC] =	stream.linear.gather @!p0 [hbm4b:s31+s14], $0x28, $0x38;
	[tilespmem:$0x1CE00] =	vst v63  }
0xf2: {  	s8 =	sadd.s32 @!p0 $0x140F0, s12;
	s12 =	simm.s32 @!p0 $0x17E00  }
0xf3: {  	[tilespmem:s12], [sflag:$0x2] =	stream.indirect.gather @!p0 [hbm4b:s4+s11], $0x80, s8, s11, $0xb8;
	[tilespmem:$0x1CE00] =	vst v63  }
0xf4: {  	_ =	swait.ge [sflag:s24], $0x1400  }
0xf5: {  	[sflag:s24] =	ssyncset.done $0x0  }
.Ltmp3:
0xf6: {  	[sflag:s24] =	ssyncadd.s32 $0xFFFFEC00;
	(pc) =	sbr.rel @p0 .LBB2_6-.Ltmp3, $4  }
0xf7: {  	_ =	swait.ge [sflag:s29], $0x28  }
0xf8: {  	[sflag:s29] =	ssyncset.done $0x0  }
0xf9: {  	[sflag:s29] =	ssyncadd.s32 $0xFFFFFFD8  }
0xfa: {  	[spmem:s2] =	stream.indirect.scatter.add.f32 [tilespmem:s16], [sflag:$0x9], $0x80, s19, s13, $0xb8;
	[tilespmem:$0x1CE00] =	vst v63  }
0xfb: {  	_ =	swait.ge [sflag:s1], $0x1400  }
0xfc: {  	[sflag:s1] =	ssyncset.done $0x0  }
0xfd: {  	s8 =	simm.s32 $0x16880;
	[sflag:s1] =	ssyncadd.s32 $0xFFFFEC00  }
0xfe: {  	[tilespmem:s8], [sflag:$0xD] =	stream.linear.gather [hbm4b:s10+s3], $0x28, $0x38;
	[tilespmem:$0x1CE00] =	vst v63  }
0xff: {  	s15 =	sadd.s32 $0x14118, s18;
	s11 =	simm.s32 $0x19200  }
0x100: {  	[tilespmem:s11], [sflag:$0x3] =	stream.indirect.gather [hbm4b:s4+s13], $0x80, s15, s13, $0xb8;
	[tilespmem:$0x1CE00] =	vst v63  }
0x101: {  	_ =	swait.ge [sflag:s25], $0x1400  }
0x102: {  	[sflag:s25] =	ssyncset.done $0x0  }
0x103: {  	[sflag:s25] =	ssyncadd.s32 $0xFFFFEC00  }
0x104: {  	_ =	swait.ge [sflag:s30], $0x28  }
0x105: {  	[sflag:s30] =	ssyncset.done $0x0  }
0x106: {  	[sflag:s30] =	ssyncadd.s32 $0xFFFFFFD8  }
0x107: {  	[spmem:s2] =	stream.indirect.scatter.add.f32 [tilespmem:s26], [sflag:$0xA], $0x80, s22, s13, $0xb8;
	[tilespmem:$0x1CE00] =	vst v63  }
0x108: {  	s18 =	sadd.s32 $0x14140, s18;
	_ =	swait.ge [sflag:s0], $0x1400  }
.Ltmp4:
0x109: {  	s9 =	sadd.s32 $0x320, s9;
	[sflag:s0] =	ssyncset.done $0x0;
	(pc) =	sbr.rel .LBB2_4-.Ltmp4, $4  }
0x10a: {  	s17 =	sadd.s32 $0xC8, s17;
	s31 =	sadd.s32 $0x19, s31;
	[sflag:s0] =	ssyncadd.s32 $0xFFFFEC00  }
0x10b: {  	[tilespmem:s19], [sflag:$0xE] =	stream.linear.gather [hbm4b:s6+s3], $0x28, $0x38;
	[tilespmem:$0x1CE00] =	vst v63  }
0x10c: {  	s7 =	sadd.s32 $0x19, s7;
	s10 =	sadd.s32 $0x19, s10;
	s6 =	sadd.s32 $0x19, s6  }
0x10d: {  	[tilespmem:s16], [sflag:$0x4] =	stream.indirect.gather [hbm4b:s4+s13], $0x80, s18, s13, $0xb8;
	[tilespmem:$0x1CE00] =	vst v63  }
.LBB2_7:
0x10e: {  	_ =	sfence.sel $0x180000  }
0x10f: {  	[bflag:$0x0] =	sbarrier.arrive $0xFFFF  }
0x110: {  	_ =	strace $0x9000004A  }
0x111: {  	s0 =	stileid.u32;
	[bflag:$0x2] =	sbarrier.arrive $0xFFFF  }
0x112: {  	p0 =	sne.s32 s0, $0x0;
	s0 =	rddreg [dreg:$0x2]  }
0x113: {  	s0 =	sadd.s32 @!p0 $0x100000, s0  }
0x114: {  	[sflag:s0] =	ssyncadd.tile.s32 @!p0 $0x1;
	_ =	shalt  }
.Lfunc_end2:
_tile_overlayer_lowered:
.L_overlay_start_2:
0x115: {  	(tag) =	ssettag $0x2  }
0x116: {  	s0 =	rddreg [dreg:$0x0];
	s2 =	stileid.u32  }
0x117: {  	s1 =	rddreg [dreg:$0x1];
	p0 =	sne.s32 s2, $0x0  }
0x118: {  	s3 =	rddreg [dreg:$0x2];
	[bflag:$0x3] =	sbarrier.arrive $0xFFFF;
	s2 =	simm.s32 @!p0 $0x1C11  }
0x119: {  	[timem:s3], [sflag:s2] =	dma.local @!p0 [hbm:s0], s1  }
0x11a: {  	s0 =	simm.s32 @!p0 $0x11  }
0x11b: {  	_ =	swait.ge @!p0 [sflag:s0], s1  }
0x11c: {  	s1 =	ssub.s32 @!p0 $0x0, s1;
	[sflag:s0] =	ssyncset.done @!p0 $0x0  }
0x11d: {  	[sflag:s0] =	ssyncadd.s32 @!p0 s1  }
0x11e: {  	[bflag:$0x3] =	sbarrier.arrive $0xFFFF  }
0x11f: {  	_ =	shalt  }

// kernel: kernel.16.cloned.1.call-start
scs
__scs_entry_jumppad:
0x0: {  	(pc) =	sbr.rel $0x88, $3  }
0x1: {  	(tag) =	ssettag $0x0;
	lr =	simm.s32 $0x1  }
0x2: {  	[smem:$0x3F8F] =	sst lr;
	_ =	strace $0xD0000000  }
0x3: {  	_ = 	snop  }
0x4: {  	_ = 	snop  }
0x5: {  	_ = 	snop  }
0x6: {  	_ = 	snop  }
0x7: {  	_ = 	snop  }
__scs_overlays_trampoline_lowered:
0x8: {  	[smem:$0x3F9E] =	sst s0  }
0x9: {  	[smem:$0x3F9F] =	sst s1  }
0xa: {  	[smem:$0x3FA0] =	sst s2  }
0xb: {  	[smem:$0x3FA1] =	sst s3  }
0xc: {  	[smem:$0x3FA2] =	sst s4  }
0xd: {  	[smem:$0x3FA3] =	sst s5  }
0xe: {  	[smem:$0x3FA4] =	sst s6  }
0xf: {  	[smem:$0x3FA5] =	sst s7  }
0x10: {  	[smem:$0x3FA6] =	sst s8  }
0x11: {  	[smem:$0x3FA7] =	sst s9;
	s0 =	simm.s32 @!p0 $0x0  }
0x12: {  	s1 =	sld [smem:$0x3F8D];
	s0 =	simm.s32 @p0 $0x1  }
0x13: {  	[smem:$0x3FA8] =	sst s0;
	s0 =	simm.s32 @!p1 $0x0  }
0x14: {  	s2 =	sld [smem:$0x3F8C];
	s0 =	simm.s32 @p1 $0x1  }
0x15: {  	[smem:$0x3FA9] =	sst s0;
	s0 =	simm.s32 @!p2 $0x0  }
0x16: {  	s3 =	sld [smem:$0x3FDB];
	s0 =	simm.s32 @p2 $0x1  }
0x17: {  	s4 =	simm.s32 $0x1BF5;
	[smem:$0x3FAB] =	sst s0  }
0x18: {  	s0 =	sld [smem:$0x3F8E];
	_ =	swait.ge [sflag:s4], $0x0  }
0x19: {  	s7 =	sld [smem:$0x3F8F]  }
0x1a: {  	s8 =	sadd.s32 $0xFFFFE003, lr  }
0x1b: {  	s9 =	sadd.s32 $0xFFFFFEF7, lr;
	s5 =	simm.s32 $0xFFFFFFFF;
	p2 =	slt.u32 s8, $0xFFFFF086  }
0x1c: {  	p1 =	slt.u32 s9, $0xF7A;
	s5 =	simm.s32 @!p2 $0x0  }
0x1d: {  	s5 =	simm.s32 @p1 $0x1;
	p0 =	seq.s32 s7, s2  }
0x1e: {  	s7 =	smul.u32 @!p0 $0xF7A, s2;
	p2 =	seq.s32 @!p0 s5, $0x0  }
0x1f: {  	s9 =	smul.u32 $0xF7A, s1;
	s8 =	simm.s32 @!p0 $0x1BF5;
	p2 =	por !p2, p0  }
0x20: {  	[sflag:s8] =	ssyncset.s32 @!p0 $0xFFFFF086;
	s6 =	sadd.s32 @!p0 s3, s7;
	s7 =	simm.s32 @!p0 $0x108  }
0x21: {  	s3 =	sadd.s32 s3, s9;
	s6 =	sadd.s32 @!p0 $0x88, s6;
	s7 =	simm.s32 @p2 $0x1082  }
0x22: {  	[simem:s7], [sflag:s8] =	dma.local @!p0 [hbm:s6], $0xF7A  }
0x23: {  	s9 =	sor.u32 $0xD0000000, s2;
	s6 =	simm.s32 $0x108;
	_ =	swait.ge @!p0 [sflag:s8], $0x0  }
0x24: {  	s3 =	sadd.s32 $0x88, s3;
	s6 =	simm.s32 @!p1 $0x1082;
	[sflag:s4] =	ssyncset.s32 $0xFFFFF086  }
0x25: {  	[simem:s6], [sflag:s4] =	dma.local [hbm:s3], $0xF7A  }
0x26: {  	[smem:$0x3F8F] =	sst s1;
	(tag) =	ssettag s2;
	_ =	strace s9  }
0x27: {  	s1 =	sld [smem:$0x3F9F]  }
0x28: {  	s2 =	sld [smem:$0x3FA0]  }
0x29: {  	s4 =	sld [smem:$0x3FA2]  }
0x2a: {  	p0 =	seq.s32 s5, $0x0;
	s5 =	sld [smem:$0x3FA3]  }
0x2b: {  	s6 =	sld [smem:$0x3FA4]  }
0x2c: {  	s7 =	sld [smem:$0x3FA5]  }
0x2d: {  	s3 =	simm.s32 $0x108;
	s8 =	sld [smem:$0x3FA6]  }
0x2e: {  	s3 =	simm.s32 @!p0 $0x1082;
	s9 =	sld [smem:$0x3FA7]  }
0x2f: {  	lr =	sadd.s32 s0, s3;
	s0 =	sld [smem:$0x3F9E]  }
0x30: {  	s3 =	sld [smem:$0x3FA1]  }
0x31: {  	[smem:$0x3FAA] =	sst s10  }
0x32: {  	s10 =	sld [smem:$0x3FA8];
	_ =	sdelay $0x3  }
0x33: {  	p0 =	seq.s32 s10, $0x1;
	s10 =	sld [smem:$0x3FAA];
	_ =	sdelay $0x3  }
0x34: {  	[smem:$0x3FAA] =	sst s10  }
0x35: {  	s10 =	sld [smem:$0x3FA9];
	_ =	sdelay $0x3  }
0x36: {  	p1 =	seq.s32 s10, $0x1;
	s10 =	sld [smem:$0x3FAA];
	_ =	sdelay $0x3  }
0x37: {  	[smem:$0x3FAA] =	sst s10  }
0x38: {  	s10 =	sld [smem:$0x3FAB]  }
0x39: {  	_ = 	snop;
	(pc) =	sbr.ind lr, $3  }
0x3a: {  	_ = 	snop  }
0x3b: {  	_ = 	snop  }
0x3c: {  	p2 =	seq.s32 s10, $0x1;
	s10 =	sld [smem:$0x3FAA]  }
0x3d: {  	_ =	shalt  }
0x3e: {  	_ =	shalt  }
0x3f: {  	_ =	shalt  }
0x40: {  	_ =	shalt  }
0x41: {  	_ =	shalt  }
0x42: {  	_ =	shalt  }
0x43: {  	_ =	shalt  }
0x44: {  	_ =	shalt  }
0x45: {  	_ =	shalt  }
0x46: {  	_ =	shalt  }
0x47: {  	_ =	shalt  }
0x48: {  	_ =	shalt  }
0x49: {  	_ =	shalt  }
0x4a: {  	_ =	shalt  }
0x4b: {  	_ =	shalt  }
0x4c: {  	_ =	shalt  }
0x4d: {  	_ =	shalt  }
0x4e: {  	_ =	shalt  }
0x4f: {  	_ =	shalt  }
0x50: {  	_ =	shalt  }
0x51: {  	_ =	shalt  }
0x52: {  	_ =	shalt  }
0x53: {  	_ =	shalt  }
0x54: {  	_ =	shalt  }
0x55: {  	_ =	shalt  }
0x56: {  	_ =	shalt  }
0x57: {  	_ =	shalt  }
0x58: {  	_ =	shalt  }
0x59: {  	_ =	shalt  }
0x5a: {  	_ =	shalt  }
0x5b: {  	_ =	shalt  }
0x5c: {  	_ =	shalt  }
0x5d: {  	_ =	shalt  }
0x5e: {  	_ =	shalt  }
0x5f: {  	_ =	shalt  }
0x60: {  	_ =	shalt  }
0x61: {  	_ =	shalt  }
0x62: {  	_ =	shalt  }
0x63: {  	_ =	shalt  }
0x64: {  	_ =	shalt  }
0x65: {  	_ =	shalt  }
0x66: {  	_ =	shalt  }
0x67: {  	_ =	shalt  }
0x68: {  	_ =	shalt  }
0x69: {  	_ =	shalt  }
0x6a: {  	_ =	shalt  }
0x6b: {  	_ =	shalt  }
0x6c: {  	_ =	shalt  }
0x6d: {  	_ =	shalt  }
0x6e: {  	_ =	shalt  }
0x6f: {  	_ =	shalt  }
0x70: {  	_ =	shalt  }
0x71: {  	_ =	shalt  }
0x72: {  	_ =	shalt  }
0x73: {  	_ =	shalt  }
0x74: {  	_ =	shalt  }
0x75: {  	_ =	shalt  }
0x76: {  	_ =	shalt  }
0x77: {  	_ =	shalt  }
0x78: {  	_ =	shalt  }
0x79: {  	_ =	shalt  }
0x7a: {  	_ =	shalt  }
0x7b: {  	_ =	shalt  }
0x7c: {  	_ =	shalt  }
0x7d: {  	_ =	shalt  }
0x7e: {  	_ =	shalt  }
0x7f: {  	_ =	shalt  }
0x80: {  	_ =	shalt  }
0x81: {  	_ =	shalt  }
0x82: {  	_ =	shalt  }
0x83: {  	_ =	shalt  }
0x84: {  	_ =	shalt  }
0x85: {  	_ =	shalt  }
0x86: {  	_ =	shalt  }
0x87: {  	_ =	shalt  }
.Lfunc_end0:
.L_simem_size_0:
called_computation.2_lowered:
.L_overlay_start_0:
0x88: {  	s2 =	sld [smem:$0x3FD9]  }
0x89: {  	s3 =	sld [smem:$0x3FFE];
	_ =	sdelay $0x1  }
0x8a: {  	s1 =	srdreg.scid  }
0x8b: {  	s0 =	sand.u32 $0x1, s1  }
0x8c: {  	s16 =	sshll.u32 s0, $0xA;
	s2 =	sadd.s32 s3, s2  }
0x8d: {  	s2 =	sadd.s32 s2, s16  }
0x8e: {  	[smem:$0x3FB6] =	sst s2  }
0x8f: {  	_ = 	snop  }
0x90: {  	(tm) =	ssettm $0x1  }
0x91: {  	s17 =	sld [smem:$0x3FFB];
	_ =	sdelay $0x3  }
0x92: {  	_ =	strace s17  }
0x93: {  	s2 =	sld [smem:$0x3FFC];
	_ =	sdelay $0x3  }
0x94: {  	_ =	strace s2  }
0x95: {  	s2 =	sld [smem:$0x3FFD];
	_ =	sdelay $0x3  }
0x96: {  	_ =	strace s2  }
0x97: {  	_ =	strace $0x8FFFFFFF  }
0x98: {  	s18 =	sld [smem:$0x3FDB];
	_ =	sdelay $0x1  }
0x99: {  	s19 =	simm.s32 $_scs_section_size  }
0x9a: {  	s4 =	simm.s32 $_size__tile_overlayer_lowered;
	s5 =	simm.s32 $_tile_overlayer_lowered  }
0x9b: {  	s22 =	simm.s32 $0x1BFF;
	s21 =	sshll.u32 s5, $0x1;
	s2 =	sadd.s32 s19, s18  }
0x9c: {  	s6 =	simm.s32 $0x0;
	s20 =	sshll.u32 s4, $0x1;
	s4 =	sadd.s32 s21, s2  }
0x9d: {  	[timem:s6], [sflag:s22] =	dma.local [hbm:s4], s20  }
0x9e: {  	_ =	swait.ge [sflag:s22], s20  }
0x9f: {  	s3 =	ssub.s32 $0x0, s20;
	[sflag:s22] =	ssyncset.done $0x0  }
0xa0: {  	[sflag:s22] =	ssyncadd.s32 s3;
	_ =	sdelay $0x1  }
0xa1: {  	s23 =	simm.s32 $0x1B8B  }
0xa2: {  	_ =	swait.ge [sflag:s23], $0x1  }
0xa3: {  	[sflag:s23] =	ssyncset.done $0x0  }
0xa4: {  	s25 =	simm.s32 $0x1B8E;
	s24 =	sld [smem:$0x3FFE];
	[sflag:s23] =	ssyncadd.s32 $0xFFFFFFFF  }
0xa5: {  	s26 =	simm.s32 $execute0_lowered;
	[smem:$0x3FD2] =	sst s25  }
0xa6: {  	s4 =	sshll.u32 s26, $0x1;
	_ =	strace $0x8000004C;
	[dreg:$0x1] =	wrdreg $0xFFFFFFFF  }
0xa7: {  	s28 =	simm.s32 $_size_execute0_lowered;
	s2 =	sadd.s32 s2, s4;
	[dreg:$0x0] =	wrdreg $0x0  }
0xa8: {  	s4 =	sshll.u32 s28, $0x1;
	[dreg:$0x2] =	wrdreg s2  }
0xa9: {  	[dreg:$0x3] =	wrdreg s4  }
0xaa: {  	[dreg:$0x4] =	wrdreg $0xC0  }
0xab: {  	_ =	task [dreg:s6], $0x5FFFF  }
0xac: {  	[dreg:$0x1] =	wrdreg $0xFFFFFFFF  }
0xad: {  	[dreg:$0x0] =	wrdreg $0x60  }
0xae: {  	[dreg:$0x2] =	wrdreg s24  }
0xaf: {  	[dreg:$0x3] =	wrdreg $0x0  }
0xb0: {  	[dreg:$0x4] =	wrdreg $0x9  }
0xb1: {  	_ =	task.clear_ibuf [dreg:s6], $0x5FFFF;
	_ =	strace $0x9000004C  }
0xb2: {  	s29 =	simm.s32 $0x9;
	_ =	strace $0x8000004E  }
0xb3: {  	_ =	swait.ge [sflag:s29], $0x1  }
0xb4: {  	[sflag:s29] =	ssyncadd.s32 $0xFFFFFFFF  }
0xb5: {  	_ =	strace $0x9000004E  }
0xb6: {  	_ =	sfence  }
0xb7: {  	s30 =	sld [smem:$0x0];
	_ =	sdelay $0x2  }
0xb8: {  	s31 =	sshll.u32 s1, $0xD;
	s1 =	sshrl.u32 s1, $0x2  }
0xb9: {  	s3 =	sand.u32 $0x4000, s31;
	s1 =	sadd.s32 s1, s30  }
0xba: {  	s0 =	sor.u32 s3, s0;
	s1 =	sshll.u32 s1, $0x11  }
0xbb: {  	s0 =	sor.u32 s1, s0  }
0xbc: {  	s0 =	sadd.s32 $0x8F2B, s0  }
0xbd: {  	[sflag:s0] =	ssyncadd.remote.s32 $0x1  }
0xbe: {  	_ =	sfence.sel $0xFFFF  }
0xbf: {  	[dreg:$0x0] =	wrdreg $0xFFFFFFFF;
	(pc) =	sbr.abs _section_cstart, $3  }
0xc0: {  	[dreg:$0x1] =	wrdreg $0xFFFFFFFF  }
0xc1: {  	_ =	task.clear_ibuf [dreg:s6], $0x2FFFF;
	_ =	strace $0x9FFFFFFF  }
0xc2: {  	(tm) =	ssettm $0x7FFFFFFF  }
0xc3: {  	_ =	shalt  }
tec
execute0_lowered:
.L_overlay_start_1:
0x0: {  	(tag) =	ssettag $0x1  }
0x1: {  	s0 =	srdreg.scid;
	s6 =	rddreg [dreg:$0x0]  }
0x2: {  	s13 =	stileid.u32;
	s2 =	rddreg [dreg:$0x1]  }
0x3: {  	s3 =	simm.s32 $0x0;
	s28 =	simm.s32 $0xC;
	s29 =	simm.s32 $0xE  }
0x4: {  	s30 =	simm.s32 $0xF;
	s0 =	sand.u32 $0x1, s0;
	s8 =	smul.u32 $0x14000, s13  }
0x5: {  	[smem:$0x7FF] =	sst s3;
	s10 =	smul.u32 $0x50000, s13;
	s4 =	sadd.s32 $0x17400, s6  }
0x6: {  	s5 =	sadd.s32 $0xD600, s6;
	s26 =	smul.u32 $0x2710, s13;
	s1 =	sshll.u32 s0, $0x4  }
0x7: {  	s7 =	smul.u32 $0x140000, s0;
	_ =	strace $0x8000004D;
	s16 =	ssub.s32 $0x2, s0  }
0x8: {  	s0 =	smul.u32 $0x27100, s0;
	[dreg:$0x1f] =	wrdreg s5;
	s10 =	sshrl.u32 s10, $0x2  }
0x9: {  	s1 =	sor.u32 s13, s1;
	s12 =	sshrl.u32 s16, $0x1;
	s10 =	sadd.s32 s10, s2  }
0xa: {  	s1 =	smul.u32 $0x2710, s1;
	s18 =	sadd.s32 $0x1400, s10;
	[dreg:$0x3] =	wrdreg s10  }
0xb: {  	s7 =	sadd.s32 s8, s7;
	s19 =	sadd.s32 $0x2800, s10;
	[dreg:$0x4] =	wrdreg s18  }
0xc: {  	s17 =	ssub.s32 s16, s12;
	s20 =	sadd.s32 $0x3C00, s10;
	[dreg:$0x5] =	wrdreg s19  }
0xd: {  	s0 =	sadd.s32 s26, s0;
	s21 =	sadd.s32 $0x5000, s10;
	[dreg:$0x6] =	wrdreg s20  }
0xe: {  	s7 =	sshrl.u32 s7, $0x3;
	s22 =	sadd.s32 $0x6400, s10;
	[dreg:$0x7] =	wrdreg s21  }
0xf: {  	s23 =	sadd.s32 $0x7800, s10;
	s24 =	sadd.s32 $0x8C00, s10;
	[dreg:$0x8] =	wrdreg s22  }
0x10: {  	s25 =	sadd.s32 $0xA000, s10;
	s12 =	sadd.s32 $0xF0, s0;
	[dreg:$0x9] =	wrdreg s23  }
0x11: {  	s15 =	smax.u32 s17, $0x1;
	s16 =	sadd.s32 $0xC8, s0;
	[dreg:$0xa] =	wrdreg s24  }
0x12: {  	s17 =	sadd.s32 $0x118, s0;
	s26 =	sadd.s32 $0x12C00, s10;
	[dreg:$0xb] =	wrdreg s25  }
0x13: {  	s9 =	sshrl.u32 s1, $0x3;
	s31 =	sadd.s32 $0x28, s1;
	[dreg:$0x11] =	wrdreg s15  }
0x14: {  	s1 =	sadd.s32 $0x78, s1;
	s14 =	sshrl.u32 s12, $0x3;
	[dreg:$0x12] =	wrdreg s16  }
0x15: {  	s18 =	sadd.s32 $0x140, s0;
	s20 =	sadd.s32 $0xB400, s10;
	[dreg:$0x1d] =	wrdreg s26  }
0x16: {  	s0 =	sadd.s32 $0xA0, s0;
	s21 =	sadd.s32 $0xC800, s10;
	[dreg:$0x17] =	wrdreg s20  }
0x17: {  	s22 =	sadd.s32 $0xDC00, s10;
	s23 =	sadd.s32 $0xF000, s10;
	[dreg:$0x18] =	wrdreg s21  }
0x18: {  	s24 =	sadd.s32 $0x10400, s10;
	s25 =	sadd.s32 $0x11800, s10;
	[dreg:$0x19] =	wrdreg s22  }
0x19: {  	s16 =	simm.s32 $0x1A600;
	s26 =	simm.s32 $0x1BA00;
	[dreg:$0x1a] =	wrdreg s23  }
0x1a: {  	s11 =	sadd.s32 s9, s6;
	s6 =	sadd.s32 s7, s6;
	[dreg:$0x1b] =	wrdreg s24  }
0x1b: {  	s1 =	sshrl.u32 s1, $0x3;
	s0 =	sshrl.u32 s0, $0x3;
	[dreg:$0x1c] =	wrdreg s25  }
0x1c: {  	s20 =	simm.s32 $0x1;
	s21 =	simm.s32 $0xB;
	s22 =	simm.s32 $0x16980  }
0x1d: {  	s23 =	simm.s32 $0x2;
	s24 =	simm.s32 $0x4;
	s11 =	sadd.s32 $0x3800, s11  }
0x1e: {  	s25 =	simm.s32 $0x5;
	s1 =	sadd.s32 s5, s1;
	[dreg:$0xc] =	wrdreg s11  }
0x1f: {  	s7 =	simm.s32 $0x0;
	s13 =	sadd.s32 $0x3F400, s6;
	[dreg:$0xf] =	wrdreg s1  }
0x20: {  	s6 =	sshrl.u32 s18, $0x3;
	s0 =	sadd.s32 s0, s5;
	[dreg:$0x10] =	wrdreg s13  }
0x21: {  	s11 =	sadd.s32 s5, s9;
	s1 =	sadd.s32 s14, s5;
	[dreg:$0x16] =	wrdreg s0  }
0x22: {  	s9 =	sshrl.u32 s31, $0x3;
	s19 =	sadd.s32 s6, s5;
	[dreg:$0x13] =	wrdreg s1  }
.Ltmp0:
0x23: {  	s13 =	simm.s32 $0x28;
	[dreg:$0x15] =	wrdreg s19;
	(pc) =	sbr.rel .LBB2_1-.Ltmp0, $4  }
0x24: {  	s0 =	simm.s32 $0x9;
	s9 =	sadd.s32 s5, s9;
	[dreg:$0xd] =	wrdreg s11  }
0x25: {  	s1 =	sshrl.u32 s17, $0x3;
	s31 =	sadd.s32 $0xA, s11;
	[dreg:$0xe] =	wrdreg s9  }
0x26: {  	s19 =	simm.s32 $0x16900;
	s1 =	sadd.s32 s1, s5;
	[dreg:$0x1e] =	wrdreg s31  }
0x27: {  	v0 =	vimm.f32 $0.0e+00;
	s5 =	simm.s32 $0x11;
	[dreg:$0x14] =	wrdreg s1;
	s1 =	simm.s32 $0x8  }
.LBB2_6:
0x28: {  	_ =	swait.ge [sflag:s25], $0x1400  }
0x29: {  	[sflag:s25] =	ssyncset.done $0x0  }
0x2a: {  	[sflag:s25] =	ssyncadd.s32 $0xFFFFEC00  }
0x2b: {  	_ =	swait.ge [sflag:s30], $0x28  }
0x2c: {  	[sflag:s30] =	ssyncset.done $0x0  }
0x2d: {  	s5 =	simm.s32 $0x6;
	[sflag:s30] =	ssyncadd.s32 $0xFFFFFFD8  }
0x2e: {  	[spmem:s2] =	stream.indirect.scatter.add.f32 [tilespmem:s26], [sflag:$0xA], $0x80, s22, s13, $0xb8;
	[tilespmem:$0x1CE00] =	vst v63  }
0x2f: {  	_ =	swait.ge [sflag:s5], $0x1400  }
0x30: {  	[sflag:s5] =	ssyncset.done $0x0  }
0x31: {  	s15 =	simm.s32 $0x7;
	[sflag:s5] =	ssyncadd.s32 $0xFFFFEC00  }
0x32: {  	_ =	swait.ge [sflag:s15], $0x1400  }
0x33: {  	[sflag:s15] =	ssyncset.done $0x0  }
0x34: {  	[sflag:s15] =	ssyncadd.s32 $0xFFFFEC00  }
0x35: {  	_ =	swait.ge [sflag:s1], $0x1400  }
0x36: {  	[sflag:s1] =	ssyncset.done $0x0  }
0x37: {  	[sflag:s1] =	ssyncadd.s32 $0xFFFFEC00  }
0x38: {  	_ =	swait.ge [sflag:s0], $0x1400  }
0x39: {  	[sflag:s0] =	ssyncset.done $0x0  }
0x3a: {  	s17 =	simm.s32 $0xA;
	[sflag:s0] =	ssyncadd.s32 $0xFFFFEC00  }
0x3b: {  	_ =	swait.ge [sflag:s17], $0x1400  }
0x3c: {  	[sflag:s17] =	ssyncset.done $0x0  }
0x3d: {  	s6 =	stileid.u32;
	[sflag:s17] =	ssyncadd.s32 $0xFFFFEC00  }
0x3e: {  	s6 =	sshll.u32 s6, $0x6;
	[bflag:$0x0] =	sbarrier.arrive $0xFFFF  }
0x3f: {  	s6 =	sor.u32 $0x1C11, s6;
	s10 =	rddreg [dreg:$0x3]  }
0x40: {  	s5 =	simm.s32 $0x11;
	s8 =	rddreg [dreg:$0x10];
	s7 =	sshrl.u32 s10, $0x3  }
0x41: {  	[hbm:s8], [sflag:s6] =	dma.local [spmem:s7], $0x2800  }
0x42: {  	_ =	swait.ge [sflag:s5], $0x2800  }
0x43: {  	s18 =	sld [smem:$0x7FD];
	_ =	sdelay $0x2  }
0x44: {  	s31 =	rddreg [dreg:$0x11];
	s7 =	sadd.s32 $0x1, s18  }
0x45: {  	p0 =	sne.s32 s7, s31  }
.Ltmp1:
0x46: {  	_ = 	snop;
	(pc) =	sbr.rel @!p0 .LBB2_7-.Ltmp1, $3  }
0x47: {  	_ =	sdelay $0x1  }
0x48: {  	[sflag:s5] =	ssyncset.done $0x0  }
0x49: {  	[sflag:s5] =	ssyncadd.s32 $0xFFFFD800  }
.LBB2_1:
0x4a: {  	[smem:$0x7FD] =	sst s7;
	s6 =	simm.s32 $0x0;
	s7 =	simm.s32 $0x200  }
.LBB2_2:
0x4b: {  	p0 =	sne.s32 s7, $0x4E00;
	[tilespmem:s6+$0x16A70] =	vst v0  }
0x4c: {  	[tilespmem:s6+$0x16A00] =	vst v0  }
0x4d: {  	[tilespmem:s6+$0x16A10] =	vst v0  }
.Ltmp2:
0x4e: {  	[tilespmem:s6+$0x16A20] =	vst v0;
	(pc) =	sbr.rel @p0 .LBB2_2-.Ltmp2, $4  }
0x4f: {  	[tilespmem:s6+$0x16A30] =	vst v0  }
0x50: {  	[tilespmem:s6+$0x16A40] =	vst v0  }
0x51: {  	[tilespmem:s6+$0x16A50] =	vst v0  }
0x52: {  	[tilespmem:s6+$0x16A60] =	vst v0;
	s6 =	sshra.s32 s7, $0x2;
	s7 =	sadd.s32 $0x200, s7  }
0x53: {  	[tilespmem:s6+$0x16A70] =	vst v0  }
0x54: {  	[tilespmem:s6+$0x16A00] =	vst v0  }
0x55: {  	[tilespmem:s6+$0x16A10] =	vst v0  }
0x56: {  	[tilespmem:s6+$0x16A20] =	vst v0  }
0x57: {  	[tilespmem:s6+$0x16A30] =	vst v0  }
0x58: {  	[tilespmem:s6+$0x16A40] =	vst v0  }
0x59: {  	[tilespmem:s6+$0x16A50] =	vst v0  }
0x5a: {  	[tilespmem:s6+$0x16A60] =	vst v0;
	s7 =	simm.s32 $0x16A00  }
0x5b: {  	[spmem:s10] =	stream.linear.scatter [tilespmem:s7], [sflag:$0x10], $0x1400, $0x38;
	[tilespmem:$0x1CE00] =	vst v63  }
0x5c: {  	s15 =	rddreg [dreg:$0x4]  }
0x5d: {  	[spmem:s15] =	stream.linear.scatter [tilespmem:s7], [sflag:$0x10], $0x1400, $0x38;
	[tilespmem:$0x1CE00] =	vst v63  }
0x5e: {  	s17 =	rddreg [dreg:$0x5]  }
0x5f: {  	[spmem:s17] =	stream.linear.scatter [tilespmem:s7], [sflag:$0x10], $0x1400, $0x38;
	[tilespmem:$0x1CE00] =	vst v63  }
0x60: {  	s18 =	rddreg [dreg:$0x6]  }
0x61: {  	[spmem:s18] =	stream.linear.scatter [tilespmem:s7], [sflag:$0x10], $0x1400, $0x38;
	[tilespmem:$0x1CE00] =	vst v63  }
0x62: {  	s8 =	rddreg [dreg:$0x7]  }
0x63: {  	[spmem:s8] =	stream.linear.scatter [tilespmem:s7], [sflag:$0x10], $0x1400, $0x38;
	[tilespmem:$0x1CE00] =	vst v63  }
0x64: {  	s9 =	rddreg [dreg:$0x8]  }
0x65: {  	[spmem:s9] =	stream.linear.scatter [tilespmem:s7], [sflag:$0x10], $0x1400, $0x38;
	[tilespmem:$0x1CE00] =	vst v63  }
0x66: {  	s10 =	rddreg [dreg:$0x9]  }
0x67: {  	[spmem:s10] =	stream.linear.scatter [tilespmem:s7], [sflag:$0x10], $0x1400, $0x38;
	[tilespmem:$0x1CE00] =	vst v63  }
0x68: {  	s11 =	rddreg [dreg:$0xa]  }
0x69: {  	[spmem:s11] =	stream.linear.scatter [tilespmem:s7], [sflag:$0x10], $0x1400, $0x38;
	[tilespmem:$0x1CE00] =	vst v63  }
0x6a: {  	s12 =	rddreg [dreg:$0xb]  }
0x6b: {  	[spmem:s12] =	stream.linear.scatter [tilespmem:s7], [sflag:$0x10], $0x1400, $0x38;
	[tilespmem:$0x1CE00] =	vst v63  }
0x6c: {  	s14 =	rddreg [dreg:$0x17]  }
0x6d: {  	[spmem:s14] =	stream.linear.scatter [tilespmem:s7], [sflag:$0x10], $0x1400, $0x38;
	[tilespmem:$0x1CE00] =	vst v63  }
0x6e: {  	s15 =	rddreg [dreg:$0x18]  }
0x6f: {  	[spmem:s15] =	stream.linear.scatter [tilespmem:s7], [sflag:$0x10], $0x1400, $0x38;
	[tilespmem:$0x1CE00] =	vst v63  }
0x70: {  	s17 =	rddreg [dreg:$0x19]  }
0x71: {  	[spmem:s17] =	stream.linear.scatter [tilespmem:s7], [sflag:$0x10], $0x1400, $0x38;
	[tilespmem:$0x1CE00] =	vst v63  }
0x72: {  	s18 =	rddreg [dreg:$0x1a]  }
0x73: {  	[spmem:s18] =	stream.linear.scatter [tilespmem:s7], [sflag:$0x10], $0x1400, $0x38;
	[tilespmem:$0x1CE00] =	vst v63  }
0x74: {  	s8 =	rddreg [dreg:$0x1b]  }
0x75: {  	[spmem:s8] =	stream.linear.scatter [tilespmem:s7], [sflag:$0x10], $0x1400, $0x38;
	[tilespmem:$0x1CE00] =	vst v63  }
0x76: {  	s9 =	rddreg [dreg:$0x1c]  }
0x77: {  	[spmem:s9] =	stream.linear.scatter [tilespmem:s7], [sflag:$0x10], $0x1400, $0x38;
	[tilespmem:$0x1CE00] =	vst v63  }
0x78: {  	s10 =	rddreg [dreg:$0x1d]  }
0x79: {  	[spmem:s10] =	stream.linear.scatter [tilespmem:s7], [sflag:$0x10], $0x1400, $0x38;
	[tilespmem:$0x1CE00] =	vst v63  }
0x7a: {  	s11 =	rddreg [dreg:$0xc];
	s8 =	simm.s32 $0x14000;
	s9 =	simm.s32 $0x0  }
0x7b: {  	[tilespmem:s8], [sflag:$0x11] =	stream.linear.gather [hbm4b:s11+s9], $0x2710, $0x38;
	[tilespmem:$0x1CE00] =	vst v63  }
0x7c: {  	_ =	swait.ge [sflag:s5], $0x2710  }
0x7d: {  	[sflag:s5] =	ssyncset.done $0x0  }
0x7e: {  	s12 =	simm.s32 $0x10;
	[sflag:s5] =	ssyncadd.s32 $0xFFFFD8F0  }
0x7f: {  	_ =	swait.ge [sflag:s12], $0x1400  }
0x80: {  	[sflag:s12] =	ssyncset.done $0x0  }
0x81: {  	[sflag:s12] =	ssyncadd.s32 $0xFFFFEC00  }
0x82: {  	_ =	swait.ge [sflag:s12], $0x1400  }
0x83: {  	[sflag:s12] =	ssyncset.done $0x0  }
0x84: {  	[sflag:s12] =	ssyncadd.s32 $0xFFFFEC00  }
0x85: {  	_ =	swait.ge [sflag:s12], $0x1400  }
0x86: {  	[sflag:s12] =	ssyncset.done $0x0  }
0x87: {  	[sflag:s12] =	ssyncadd.s32 $0xFFFFEC00  }
0x88: {  	_ =	swait.ge [sflag:s12], $0x1400  }
0x89: {  	[sflag:s12] =	ssyncset.done $0x0  }
0x8a: {  	[sflag:s12] =	ssyncadd.s32 $0xFFFFEC00  }
0x8b: {  	_ =	swait.ge [sflag:s12], $0x1400  }
0x8c: {  	[sflag:s12] =	ssyncset.done $0x0  }
0x8d: {  	[sflag:s12] =	ssyncadd.s32 $0xFFFFEC00  }
0x8e: {  	_ =	swait.ge [sflag:s12], $0x1400  }
0x8f: {  	[sflag:s12] =	ssyncset.done $0x0  }
0x90: {  	[sflag:s12] =	ssyncadd.s32 $0xFFFFEC00  }
0x91: {  	_ =	swait.ge [sflag:s12], $0x1400  }
0x92: {  	[sflag:s12] =	ssyncset.done $0x0  }
0x93: {  	[sflag:s12] =	ssyncadd.s32 $0xFFFFEC00  }
0x94: {  	_ =	swait.ge [sflag:s12], $0x1400  }
0x95: {  	[sflag:s12] =	ssyncset.done $0x0  }
0x96: {  	[sflag:s12] =	ssyncadd.s32 $0xFFFFEC00  }
0x97: {  	_ =	swait.ge [sflag:s12], $0x1400  }
0x98: {  	[sflag:s12] =	ssyncset.done $0x0  }
0x99: {  	[sflag:s12] =	ssyncadd.s32 $0xFFFFEC00  }
0x9a: {  	_ =	swait.ge [sflag:s12], $0x1400  }
0x9b: {  	[sflag:s12] =	ssyncset.done $0x0  }
0x9c: {  	[sflag:s12] =	ssyncadd.s32 $0xFFFFEC00  }
0x9d: {  	_ =	swait.ge [sflag:s12], $0x1400  }
0x9e: {  	[sflag:s12] =	ssyncset.done $0x0  }
0x9f: {  	[sflag:s12] =	ssyncadd.s32 $0xFFFFEC00  }
0xa0: {  	_ =	swait.ge [sflag:s12], $0x1400  }
0xa1: {  	[sflag:s12] =	ssyncset.done $0x0  }
0xa2: {  	[sflag:s12] =	ssyncadd.s32 $0xFFFFEC00  }
0xa3: {  	_ =	swait.ge [sflag:s12], $0x1400  }
0xa4: {  	[sflag:s12] =	ssyncset.done $0x0  }
0xa5: {  	[sflag:s12] =	ssyncadd.s32 $0xFFFFEC00  }
0xa6: {  	_ =	swait.ge [sflag:s12], $0x1400  }
0xa7: {  	[sflag:s12] =	ssyncset.done $0x0  }
0xa8: {  	[sflag:s12] =	ssyncadd.s32 $0xFFFFEC00  }
0xa9: {  	_ =	swait.ge [sflag:s12], $0x1400  }
0xaa: {  	[sflag:s12] =	ssyncset.done $0x0  }
0xab: {  	[sflag:s12] =	ssyncadd.s32 $0xFFFFEC00  }
0xac: {  	_ =	swait.ge [sflag:s12], $0x1400  }
0xad: {  	[sflag:s12] =	ssyncset.done $0x0  }
0xae: {  	[sflag:s12] =	ssyncadd.s32 $0xFFFFEC00  }
0xaf: {  	[bflag:$0x0] =	sbarrier.arrive $0xFFFF  }
0xb0: {  	s14 =	rddreg [dreg:$0xd]  }
0xb1: {  	s15 =	simm.s32 $0x16780;
	s17 =	rddreg [dreg:$0xe]  }
0xb2: {  	[tilespmem:s15], [sflag:$0xB] =	stream.linear.gather [hbm4b:s14+s9], $0x28, $0x38;
	[tilespmem:$0x1CE00] =	vst v63  }
0xb3: {  	s11 =	rddreg [dreg:$0x1e]  }
0xb4: {  	[tilespmem:s7], [sflag:$0x1] =	stream.indirect.gather [hbm4b:s4+s13], $0x80, s8, s13, $0xb8;
	[tilespmem:$0x1CE00] =	vst v63  }
0xb5: {  	s18 =	simm.s32 $0x16800;
	s6 =	rddreg [dreg:$0x15]  }
0xb6: {  	[tilespmem:s18], [sflag:$0xC] =	stream.linear.gather [hbm4b:s17+s9], $0x28, $0x38;
	[tilespmem:$0x1CE00] =	vst v63  }
0xb7: {  	s10 =	simm.s32 $0x17E00;
	s31 =	rddreg [dreg:$0x13];
	s8 =	simm.s32 $0x14028  }
0xb8: {  	[tilespmem:s10], [sflag:$0x2] =	stream.indirect.gather [hbm4b:s4+s13], $0x80, s8, s13, $0xb8;
	[tilespmem:$0x1CE00] =	vst v63  }
0xb9: {  	s12 =	simm.s32 $0x16880;
	s7 =	rddreg [dreg:$0x16]  }
0xba: {  	[tilespmem:s12], [sflag:$0xD] =	stream.linear.gather [hbm4b:s11+s9], $0x28, $0x38;
	[tilespmem:$0x1CE00] =	vst v63  }
0xbb: {  	s14 =	simm.s32 $0x14050;
	s15 =	simm.s32 $0x19200;
	s17 =	rddreg [dreg:$0xf]  }
0xbc: {  	[tilespmem:s15], [sflag:$0x3] =	stream.indirect.gather [hbm4b:s4+s13], $0x80, s14, s13, $0xb8;
	[tilespmem:$0x1CE00] =	vst v63  }
0xbd: {  	s10 =	rddreg [dreg:$0x14]  }
0xbe: {  	[tilespmem:s19], [sflag:$0xE] =	stream.linear.gather [hbm4b:s17+s9], $0x28, $0x38;
	[tilespmem:$0x1CE00] =	vst v63  }
0xbf: {  	s5 =	simm.s32 $0x16A00;
	s18 =	simm.s32 $0x14078;
	s17 =	rddreg [dreg:$0x12]  }
0xc0: {  	[tilespmem:s16], [sflag:$0x4] =	stream.indirect.gather [hbm4b:s4+s13], $0x80, s18, s13, $0xb8;
	[tilespmem:$0x1CE00] =	vst v63  }
.LBB2_4:
0xc1: {  	_ =	swait.ge [sflag:s20], $0x1400  }
0xc2: {  	[sflag:s20] =	ssyncset.done $0x0  }
0xc3: {  	[sflag:s20] =	ssyncadd.s32 $0xFFFFEC00  }
0xc4: {  	_ =	swait.ge [sflag:s21], $0x28  }
0xc5: {  	p0 =	seq.s32 s9, $0x0;
	[sflag:s21] =	ssyncset.done $0x0  }
0xc6: {  	s8 =	simm.s32 $0x16780;
	s18 =	simm.s32 @!p0 $0xA;
	[sflag:s21] =	ssyncadd.s32 $0xFFFFFFD8  }
0xc7: {  	[spmem:s2] =	stream.indirect.scatter.add.f32 [tilespmem:s5], [sflag:$0x6], $0x80, s8, s13, $0xb8;
	[tilespmem:$0x1CE00] =	vst v63  }
0xc8: {  	_ =	swait.ge @!p0 [sflag:s18], $0x1400  }
0xc9: {  	[sflag:s18] =	ssyncset.done @!p0 $0x0  }
0xca: {  	[sflag:s18] =	ssyncadd.s32 @!p0 $0xFFFFEC00;
	s18 =	sshra.s32 s9, $0x2  }
0xcb: {  	[tilespmem:s22], [sflag:$0xF] =	stream.linear.gather [hbm4b:s7+s3], $0x28, $0x38;
	[tilespmem:$0x1CE00] =	vst v63  }
0xcc: {  	s12 =	sadd.s32 $0x140A0, s18  }
0xcd: {  	[tilespmem:s26], [sflag:$0x5] =	stream.indirect.gather [hbm4b:s4+s13], $0x80, s12, s13, $0xb8;
	[tilespmem:$0x1CE00] =	vst v63  }
0xce: {  	_ =	swait.ge [sflag:s23], $0x1400  }
0xcf: {  	[sflag:s23] =	ssyncset.done $0x0  }
0xd0: {  	[sflag:s23] =	ssyncadd.s32 $0xFFFFEC00  }
0xd1: {  	_ =	swait.ge [sflag:s28], $0x28  }
0xd2: {  	s15 =	simm.s32 $0x16800;
	p0 =	seq.s32 s9, $0x9920;
	[sflag:s28] =	ssyncset.done $0x0  }
0xd3: {  	s11 =	simm.s32 $0x17E00;
	s12 =	simm.s32 @p0 $0x3;
	[sflag:s28] =	ssyncadd.s32 $0xFFFFFFD8  }
0xd4: {  	[spmem:s2] =	stream.indirect.scatter.add.f32 [tilespmem:s11], [sflag:$0x7], $0x80, s15, s13, $0xb8;
	[tilespmem:$0x1CE00] =	vst v63  }
0xd5: {  	_ =	swait.ge @p0 [sflag:s12], $0x1400  }
0xd6: {  	[sflag:s12] =	ssyncset.done @p0 $0x0  }
0xd7: {  	[sflag:s12] =	ssyncadd.s32 @p0 $0xFFFFEC00;
	s12 =	simm.s32 @p0 $0xD  }
0xd8: {  	_ =	swait.ge @p0 [sflag:s12], $0x28  }
0xd9: {  	s14 =	simm.s32 @p0 $0x16880;
	[sflag:s12] =	ssyncset.done @p0 $0x0  }
0xda: {  	s15 =	simm.s32 @p0 $0x19200;
	[sflag:s12] =	ssyncadd.s32 @p0 $0xFFFFFFD8;
	s12 =	simm.s32 @p0 $0x28  }
0xdb: {  	[spmem:s2] =	stream.indirect.scatter.add.f32 @p0 [tilespmem:s15], [sflag:$0x8], $0x80, s14, s12, $0xb8;
	[tilespmem:$0x1CE00] =	vst v63  }
0xdc: {  	s12 =	simm.s32 @!p0 $0x6  }
0xdd: {  	_ =	swait.ge @!p0 [sflag:s12], $0x1400  }
0xde: {  	[sflag:s12] =	ssyncset.done @!p0 $0x0  }
0xdf: {  	s8 =	rddreg [dreg:$0x1f];
	[sflag:s12] =	ssyncadd.s32 @!p0 $0xFFFFEC00;
	s12 =	sshrl.u32 @!p0 s17, $0x3  }
0xe0: {  	s14 =	simm.s32 @!p0 $0x0;
	s15 =	simm.s32 @!p0 $0x16780;
	s12 =	sadd.s32 @!p0 s8, s12  }
0xe1: {  	[tilespmem:s15], [sflag:$0xB] =	stream.linear.gather @!p0 [hbm4b:s12+s14], $0x28, $0x38;
	[tilespmem:$0x1CE00] =	vst v63  }
0xe2: {  	s12 =	sshra.s32 @!p0 s9, $0x2  }
0xe3: {  	s11 =	simm.s32 @!p0 $0x28;
	s8 =	simm.s32 @!p0 $0x16A00;
	s15 =	sadd.s32 @!p0 $0x140C8, s12  }
0xe4: {  	[tilespmem:s8], [sflag:$0x1] =	stream.indirect.gather @!p0 [hbm4b:s4+s11], $0x80, s15, s11, $0xb8;
	[tilespmem:$0x1CE00] =	vst v63  }
0xe5: {  	s8 =	simm.s32 @!p0 $0x3  }
0xe6: {  	_ =	swait.ge @!p0 [sflag:s8], $0x1400  }
0xe7: {  	[sflag:s8] =	ssyncset.done @!p0 $0x0  }
0xe8: {  	[sflag:s8] =	ssyncadd.s32 @!p0 $0xFFFFEC00;
	s8 =	simm.s32 @!p0 $0xD  }
0xe9: {  	_ =	swait.ge @!p0 [sflag:s8], $0x28  }
0xea: {  	[sflag:s8] =	ssyncset.done @!p0 $0x0  }
0xeb: {  	s15 =	simm.s32 @!p0 $0x19200;
	[sflag:s8] =	ssyncadd.s32 @!p0 $0xFFFFFFD8;
	s8 =	simm.s32 @!p0 $0x16880  }
0xec: {  	[spmem:s2] =	stream.indirect.scatter.add.f32 @!p0 [tilespmem:s15], [sflag:$0x8], $0x80, s8, s11, $0xb8;
	[tilespmem:$0x1CE00] =	vst v63  }
0xed: {  	s8 =	simm.s32 @!p0 $0x7  }
0xee: {  	_ =	swait.ge @!p0 [sflag:s8], $0x1400  }
0xef: {  	[sflag:s8] =	ssyncset.done @!p0 $0x0  }
0xf0: {  	[sflag:s8] =	ssyncadd.s32 @!p0 $0xFFFFEC00;
	s8 =	simm.s32 @!p0 $0x16800  }
0xf1: {  	[tilespmem:s8], [sflag:$0xC] =	stream.linear.gather @!p0 [hbm4b:s31+s14], $0x28, $0x38;
	[tilespmem:$0x1CE00] =	vst v63  }
0xf2: {  	s8 =	sadd.s32 @!p0 $0x140F0, s12;
	s12 =	simm.s32 @!p0 $0x17E00  }
0xf3: {  	[tilespmem:s12], [sflag:$0x2] =	stream.indirect.gather @!p0 [hbm4b:s4+s11], $0x80, s8, s11, $0xb8;
	[tilespmem:$0x1CE00] =	vst v63  }
0xf4: {  	_ =	swait.ge [sflag:s24], $0x1400  }
0xf5: {  	[sflag:s24] =	ssyncset.done $0x0  }
.Ltmp3:
0xf6: {  	[sflag:s24] =	ssyncadd.s32 $0xFFFFEC00;
	(pc) =	sbr.rel @p0 .LBB2_6-.Ltmp3, $4  }
0xf7: {  	_ =	swait.ge [sflag:s29], $0x28  }
0xf8: {  	[sflag:s29] =	ssyncset.done $0x0  }
0xf9: {  	[sflag:s29] =	ssyncadd.s32 $0xFFFFFFD8  }
0xfa: {  	[spmem:s2] =	stream.indirect.scatter.add.f32 [tilespmem:s16], [sflag:$0x9], $0x80, s19, s13, $0xb8;
	[tilespmem:$0x1CE00] =	vst v63  }
0xfb: {  	_ =	swait.ge [sflag:s1], $0x1400  }
0xfc: {  	[sflag:s1] =	ssyncset.done $0x0  }
0xfd: {  	s8 =	simm.s32 $0x16880;
	[sflag:s1] =	ssyncadd.s32 $0xFFFFEC00  }
0xfe: {  	[tilespmem:s8], [sflag:$0xD] =	stream.linear.gather [hbm4b:s10+s3], $0x28, $0x38;
	[tilespmem:$0x1CE00] =	vst v63  }
0xff: {  	s15 =	sadd.s32 $0x14118, s18;
	s11 =	simm.s32 $0x19200  }
0x100: {  	[tilespmem:s11], [sflag:$0x3] =	stream.indirect.gather [hbm4b:s4+s13], $0x80, s15, s13, $0xb8;
	[tilespmem:$0x1CE00] =	vst v63  }
0x101: {  	_ =	swait.ge [sflag:s25], $0x1400  }
0x102: {  	[sflag:s25] =	ssyncset.done $0x0  }
0x103: {  	[sflag:s25] =	ssyncadd.s32 $0xFFFFEC00  }
0x104: {  	_ =	swait.ge [sflag:s30], $0x28  }
0x105: {  	[sflag:s30] =	ssyncset.done $0x0  }
0x106: {  	[sflag:s30] =	ssyncadd.s32 $0xFFFFFFD8  }
0x107: {  	[spmem:s2] =	stream.indirect.scatter.add.f32 [tilespmem:s26], [sflag:$0xA], $0x80, s22, s13, $0xb8;
	[tilespmem:$0x1CE00] =	vst v63  }
0x108: {  	s18 =	sadd.s32 $0x14140, s18;
	_ =	swait.ge [sflag:s0], $0x1400  }
.Ltmp4:
0x109: {  	s9 =	sadd.s32 $0x320, s9;
	[sflag:s0] =	ssyncset.done $0x0;
	(pc) =	sbr.rel .LBB2_4-.Ltmp4, $4  }
0x10a: {  	s17 =	sadd.s32 $0xC8, s17;
	s31 =	sadd.s32 $0x19, s31;
	[sflag:s0] =	ssyncadd.s32 $0xFFFFEC00  }
0x10b: {  	[tilespmem:s19], [sflag:$0xE] =	stream.linear.gather [hbm4b:s6+s3], $0x28, $0x38;
	[tilespmem:$0x1CE00] =	vst v63  }
0x10c: {  	s7 =	sadd.s32 $0x19, s7;
	s10 =	sadd.s32 $0x19, s10;
	s6 =	sadd.s32 $0x19, s6  }
0x10d: {  	[tilespmem:s16], [sflag:$0x4] =	stream.indirect.gather [hbm4b:s4+s13], $0x80, s18, s13, $0xb8;
	[tilespmem:$0x1CE00] =	vst v63  }
.LBB2_7:
0x10e: {  	_ =	sfence.sel $0x180000  }
0x10f: {  	[bflag:$0x0] =	sbarrier.arrive $0xFFFF  }
0x110: {  	_ =	strace $0x9000004D  }
0x111: {  	s0 =	stileid.u32;
	[bflag:$0x2] =	sbarrier.arrive $0xFFFF  }
0x112: {  	p0 =	sne.s32 s0, $0x0;
	s0 =	rddreg [dreg:$0x2]  }
0x113: {  	s0 =	sadd.s32 @!p0 $0x100000, s0  }
0x114: {  	[sflag:s0] =	ssyncadd.tile.s32 @!p0 $0x1;
	_ =	shalt  }
.Lfunc_end2:
_tile_overlayer_lowered:
.L_overlay_start_2:
0x115: {  	(tag) =	ssettag $0x2  }
0x116: {  	s0 =	rddreg [dreg:$0x0];
	s2 =	stileid.u32  }
0x117: {  	s1 =	rddreg [dreg:$0x1];
	p0 =	sne.s32 s2, $0x0  }
0x118: {  	s3 =	rddreg [dreg:$0x2];
	[bflag:$0x3] =	sbarrier.arrive $0xFFFF;
	s2 =	simm.s32 @!p0 $0x1C11  }
0x119: {  	[timem:s3], [sflag:s2] =	dma.local @!p0 [hbm:s0], s1  }
0x11a: {  	s0 =	simm.s32 @!p0 $0x11  }
0x11b: {  	_ =	swait.ge @!p0 [sflag:s0], s1  }
0x11c: {  	s1 =	ssub.s32 @!p0 $0x0, s1;
	[sflag:s0] =	ssyncset.done @!p0 $0x0  }
0x11d: {  	[sflag:s0] =	ssyncadd.s32 @!p0 s1  }
0x11e: {  	[bflag:$0x3] =	sbarrier.arrive $0xFFFF  }
0x11f: {  	_ =	shalt  }

// kernel: kernel.19.cloned.1.call-start
scs
__scs_entry_jumppad:
0x0: {  	(pc) =	sbr.rel $0x88, $3  }
0x1: {  	(tag) =	ssettag $0x0;
	lr =	simm.s32 $0x1  }
0x2: {  	[smem:$0x3F8F] =	sst lr;
	_ =	strace $0xD0000000  }
0x3: {  	_ = 	snop  }
0x4: {  	_ = 	snop  }
0x5: {  	_ = 	snop  }
0x6: {  	_ = 	snop  }
0x7: {  	_ = 	snop  }
__scs_overlays_trampoline_lowered:
0x8: {  	[smem:$0x3F9E] =	sst s0  }
0x9: {  	[smem:$0x3F9F] =	sst s1  }
0xa: {  	[smem:$0x3FA0] =	sst s2  }
0xb: {  	[smem:$0x3FA1] =	sst s3  }
0xc: {  	[smem:$0x3FA2] =	sst s4  }
0xd: {  	[smem:$0x3FA3] =	sst s5  }
0xe: {  	[smem:$0x3FA4] =	sst s6  }
0xf: {  	[smem:$0x3FA5] =	sst s7  }
0x10: {  	[smem:$0x3FA6] =	sst s8  }
0x11: {  	[smem:$0x3FA7] =	sst s9;
	s0 =	simm.s32 @!p0 $0x0  }
0x12: {  	s1 =	sld [smem:$0x3F8D];
	s0 =	simm.s32 @p0 $0x1  }
0x13: {  	[smem:$0x3FA8] =	sst s0;
	s0 =	simm.s32 @!p1 $0x0  }
0x14: {  	s2 =	sld [smem:$0x3F8C];
	s0 =	simm.s32 @p1 $0x1  }
0x15: {  	[smem:$0x3FA9] =	sst s0;
	s0 =	simm.s32 @!p2 $0x0  }
0x16: {  	s3 =	sld [smem:$0x3FDB];
	s0 =	simm.s32 @p2 $0x1  }
0x17: {  	s4 =	simm.s32 $0x1BF5;
	[smem:$0x3FAB] =	sst s0  }
0x18: {  	s0 =	sld [smem:$0x3F8E];
	_ =	swait.ge [sflag:s4], $0x0  }
0x19: {  	s7 =	sld [smem:$0x3F8F]  }
0x1a: {  	s8 =	sadd.s32 $0xFFFFE003, lr  }
0x1b: {  	s9 =	sadd.s32 $0xFFFFFEF7, lr;
	s5 =	simm.s32 $0xFFFFFFFF;
	p2 =	slt.u32 s8, $0xFFFFF086  }
0x1c: {  	p1 =	slt.u32 s9, $0xF7A;
	s5 =	simm.s32 @!p2 $0x0  }
0x1d: {  	s5 =	simm.s32 @p1 $0x1;
	p0 =	seq.s32 s7, s2  }
0x1e: {  	s7 =	smul.u32 @!p0 $0xF7A, s2;
	p2 =	seq.s32 @!p0 s5, $0x0  }
0x1f: {  	s9 =	smul.u32 $0xF7A, s1;
	s8 =	simm.s32 @!p0 $0x1BF5;
	p2 =	por !p2, p0  }
0x20: {  	[sflag:s8] =	ssyncset.s32 @!p0 $0xFFFFF086;
	s6 =	sadd.s32 @!p0 s3, s7;
	s7 =	simm.s32 @!p0 $0x108  }
0x21: {  	s3 =	sadd.s32 s3, s9;
	s6 =	sadd.s32 @!p0 $0x88, s6;
	s7 =	simm.s32 @p2 $0x1082  }
0x22: {  	[simem:s7], [sflag:s8] =	dma.local @!p0 [hbm:s6], $0xF7A  }
0x23: {  	s9 =	sor.u32 $0xD0000000, s2;
	s6 =	simm.s32 $0x108;
	_ =	swait.ge @!p0 [sflag:s8], $0x0  }
0x24: {  	s3 =	sadd.s32 $0x88, s3;
	s6 =	simm.s32 @!p1 $0x1082;
	[sflag:s4] =	ssyncset.s32 $0xFFFFF086  }
0x25: {  	[simem:s6], [sflag:s4] =	dma.local [hbm:s3], $0xF7A  }
0x26: {  	[smem:$0x3F8F] =	sst s1;
	(tag) =	ssettag s2;
	_ =	strace s9  }
0x27: {  	s1 =	sld [smem:$0x3F9F]  }
0x28: {  	s2 =	sld [smem:$0x3FA0]  }
0x29: {  	s4 =	sld [smem:$0x3FA2]  }
0x2a: {  	p0 =	seq.s32 s5, $0x0;
	s5 =	sld [smem:$0x3FA3]  }
0x2b: {  	s6 =	sld [smem:$0x3FA4]  }
0x2c: {  	s7 =	sld [smem:$0x3FA5]  }
0x2d: {  	s3 =	simm.s32 $0x108;
	s8 =	sld [smem:$0x3FA6]  }
0x2e: {  	s3 =	simm.s32 @!p0 $0x1082;
	s9 =	sld [smem:$0x3FA7]  }
0x2f: {  	lr =	sadd.s32 s0, s3;
	s0 =	sld [smem:$0x3F9E]  }
0x30: {  	s3 =	sld [smem:$0x3FA1]  }
0x31: {  	[smem:$0x3FAA] =	sst s10  }
0x32: {  	s10 =	sld [smem:$0x3FA8];
	_ =	sdelay $0x3  }
0x33: {  	p0 =	seq.s32 s10, $0x1;
	s10 =	sld [smem:$0x3FAA];
	_ =	sdelay $0x3  }
0x34: {  	[smem:$0x3FAA] =	sst s10  }
0x35: {  	s10 =	sld [smem:$0x3FA9];
	_ =	sdelay $0x3  }
0x36: {  	p1 =	seq.s32 s10, $0x1;
	s10 =	sld [smem:$0x3FAA];
	_ =	sdelay $0x3  }
0x37: {  	[smem:$0x3FAA] =	sst s10  }
0x38: {  	s10 =	sld [smem:$0x3FAB]  }
0x39: {  	_ = 	snop;
	(pc) =	sbr.ind lr, $3  }
0x3a: {  	_ = 	snop  }
0x3b: {  	_ = 	snop  }
0x3c: {  	p2 =	seq.s32 s10, $0x1;
	s10 =	sld [smem:$0x3FAA]  }
0x3d: {  	_ =	shalt  }
0x3e: {  	_ =	shalt  }
0x3f: {  	_ =	shalt  }
0x40: {  	_ =	shalt  }
0x41: {  	_ =	shalt  }
0x42: {  	_ =	shalt  }
0x43: {  	_ =	shalt  }
0x44: {  	_ =	shalt  }
0x45: {  	_ =	shalt  }
0x46: {  	_ =	shalt  }
0x47: {  	_ =	shalt  }
0x48: {  	_ =	shalt  }
0x49: {  	_ =	shalt  }
0x4a: {  	_ =	shalt  }
0x4b: {  	_ =	shalt  }
0x4c: {  	_ =	shalt  }
0x4d: {  	_ =	shalt  }
0x4e: {  	_ =	shalt  }
0x4f: {  	_ =	shalt  }
0x50: {  	_ =	shalt  }
0x51: {  	_ =	shalt  }
0x52: {  	_ =	shalt  }
0x53: {  	_ =	shalt  }
0x54: {  	_ =	shalt  }
0x55: {  	_ =	shalt  }
0x56: {  	_ =	shalt  }
0x57: {  	_ =	shalt  }
0x58: {  	_ =	shalt  }
0x59: {  	_ =	shalt  }
0x5a: {  	_ =	shalt  }
0x5b: {  	_ =	shalt  }
0x5c: {  	_ =	shalt  }
0x5d: {  	_ =	shalt  }
0x5e: {  	_ =	shalt  }
0x5f: {  	_ =	shalt  }
0x60: {  	_ =	shalt  }
0x61: {  	_ =	shalt  }
0x62: {  	_ =	shalt  }
0x63: {  	_ =	shalt  }
0x64: {  	_ =	shalt  }
0x65: {  	_ =	shalt  }
0x66: {  	_ =	shalt  }
0x67: {  	_ =	shalt  }
0x68: {  	_ =	shalt  }
0x69: {  	_ =	shalt  }
0x6a: {  	_ =	shalt  }
0x6b: {  	_ =	shalt  }
0x6c: {  	_ =	shalt  }
0x6d: {  	_ =	shalt  }
0x6e: {  	_ =	shalt  }
0x6f: {  	_ =	shalt  }
0x70: {  	_ =	shalt  }
0x71: {  	_ =	shalt  }
0x72: {  	_ =	shalt  }
0x73: {  	_ =	shalt  }
0x74: {  	_ =	shalt  }
0x75: {  	_ =	shalt  }
0x76: {  	_ =	shalt  }
0x77: {  	_ =	shalt  }
0x78: {  	_ =	shalt  }
0x79: {  	_ =	shalt  }
0x7a: {  	_ =	shalt  }
0x7b: {  	_ =	shalt  }
0x7c: {  	_ =	shalt  }
0x7d: {  	_ =	shalt  }
0x7e: {  	_ =	shalt  }
0x7f: {  	_ =	shalt  }
0x80: {  	_ =	shalt  }
0x81: {  	_ =	shalt  }
0x82: {  	_ =	shalt  }
0x83: {  	_ =	shalt  }
0x84: {  	_ =	shalt  }
0x85: {  	_ =	shalt  }
0x86: {  	_ =	shalt  }
0x87: {  	_ =	shalt  }
.Lfunc_end0:
.L_simem_size_0:
called_computation.3_lowered:
.L_overlay_start_0:
0x88: {  	s2 =	sld [smem:$0x3FD9]  }
0x89: {  	s3 =	sld [smem:$0x3FFE];
	_ =	sdelay $0x1  }
0x8a: {  	s1 =	srdreg.scid  }
0x8b: {  	s0 =	sand.u32 $0x1, s1  }
0x8c: {  	s16 =	sshll.u32 s0, $0xA;
	s2 =	sadd.s32 s3, s2  }
0x8d: {  	s2 =	sadd.s32 s2, s16  }
0x8e: {  	[smem:$0x3FB6] =	sst s2  }
0x8f: {  	_ = 	snop  }
0x90: {  	(tm) =	ssettm $0x1  }
0x91: {  	s17 =	sld [smem:$0x3FFB];
	_ =	sdelay $0x3  }
0x92: {  	_ =	strace s17  }
0x93: {  	s2 =	sld [smem:$0x3FFC];
	_ =	sdelay $0x3  }
0x94: {  	_ =	strace s2  }
0x95: {  	s2 =	sld [smem:$0x3FFD];
	_ =	sdelay $0x3  }
0x96: {  	_ =	strace s2  }
0x97: {  	_ =	strace $0x8FFFFFFF  }
0x98: {  	s18 =	sld [smem:$0x3FDB];
	_ =	sdelay $0x1  }
0x99: {  	s19 =	simm.s32 $_scs_section_size  }
0x9a: {  	s4 =	simm.s32 $_size__tile_overlayer_lowered;
	s5 =	simm.s32 $_tile_overlayer_lowered  }
0x9b: {  	s22 =	simm.s32 $0x1BFF;
	s21 =	sshll.u32 s5, $0x1;
	s2 =	sadd.s32 s19, s18  }
0x9c: {  	s6 =	simm.s32 $0x0;
	s20 =	sshll.u32 s4, $0x1;
	s4 =	sadd.s32 s21, s2  }
0x9d: {  	[timem:s6], [sflag:s22] =	dma.local [hbm:s4], s20  }
0x9e: {  	_ =	swait.ge [sflag:s22], s20  }
0x9f: {  	s3 =	ssub.s32 $0x0, s20;
	[sflag:s22] =	ssyncset.done $0x0  }
0xa0: {  	[sflag:s22] =	ssyncadd.s32 s3;
	_ =	sdelay $0x1  }
0xa1: {  	s23 =	simm.s32 $0x1B8B  }
0xa2: {  	_ =	swait.ge [sflag:s23], $0x1  }
0xa3: {  	[sflag:s23] =	ssyncset.done $0x0  }
0xa4: {  	s25 =	simm.s32 $0x1B8E;
	s24 =	sld [smem:$0x3FFE];
	[sflag:s23] =	ssyncadd.s32 $0xFFFFFFFF  }
0xa5: {  	s26 =	simm.s32 $execute0_lowered;
	[smem:$0x3FD2] =	sst s25  }
0xa6: {  	s4 =	sshll.u32 s26, $0x1;
	_ =	strace $0x8000004F;
	[dreg:$0x1] =	wrdreg $0xFFFFFFFF  }
0xa7: {  	s28 =	simm.s32 $_size_execute0_lowered;
	s2 =	sadd.s32 s2, s4;
	[dreg:$0x0] =	wrdreg $0x0  }
0xa8: {  	s4 =	sshll.u32 s28, $0x1;
	[dreg:$0x2] =	wrdreg s2  }
0xa9: {  	[dreg:$0x3] =	wrdreg s4  }
0xaa: {  	[dreg:$0x4] =	wrdreg $0xC0  }
0xab: {  	_ =	task [dreg:s6], $0x5FFFF  }
0xac: {  	[dreg:$0x1] =	wrdreg $0xFFFFFFFF  }
0xad: {  	[dreg:$0x0] =	wrdreg $0x60  }
0xae: {  	[dreg:$0x2] =	wrdreg s24  }
0xaf: {  	[dreg:$0x3] =	wrdreg $0x0  }
0xb0: {  	[dreg:$0x4] =	wrdreg $0x9  }
0xb1: {  	_ =	task.clear_ibuf [dreg:s6], $0x5FFFF;
	_ =	strace $0x9000004F  }
0xb2: {  	s29 =	simm.s32 $0x9;
	_ =	strace $0x80000051  }
0xb3: {  	_ =	swait.ge [sflag:s29], $0x1  }
0xb4: {  	[sflag:s29] =	ssyncadd.s32 $0xFFFFFFFF  }
0xb5: {  	_ =	strace $0x90000051  }
0xb6: {  	_ =	sfence  }
0xb7: {  	s30 =	sld [smem:$0x0];
	_ =	sdelay $0x2  }
0xb8: {  	s31 =	sshll.u32 s1, $0xD;
	s1 =	sshrl.u32 s1, $0x2  }
0xb9: {  	s3 =	sand.u32 $0x4000, s31;
	s1 =	sadd.s32 s1, s30  }
0xba: {  	s0 =	sor.u32 s3, s0;
	s1 =	sshll.u32 s1, $0x11  }
0xbb: {  	s0 =	sor.u32 s1, s0  }
0xbc: {  	s0 =	sadd.s32 $0x8F2B, s0  }
0xbd: {  	[sflag:s0] =	ssyncadd.remote.s32 $0x1  }
0xbe: {  	_ =	sfence.sel $0xFFFF  }
0xbf: {  	[dreg:$0x0] =	wrdreg $0xFFFFFFFF;
	(pc) =	sbr.abs _section_cstart, $3  }
0xc0: {  	[dreg:$0x1] =	wrdreg $0xFFFFFFFF  }
0xc1: {  	_ =	task.clear_ibuf [dreg:s6], $0x2FFFF;
	_ =	strace $0x9FFFFFFF  }
0xc2: {  	(tm) =	ssettm $0x7FFFFFFF  }
0xc3: {  	_ =	shalt  }
tec
execute0_lowered:
.L_overlay_start_1:
0x0: {  	(tag) =	ssettag $0x1  }
0x1: {  	s0 =	srdreg.scid;
	s6 =	rddreg [dreg:$0x0]  }
0x2: {  	s13 =	stileid.u32;
	s2 =	rddreg [dreg:$0x1]  }
0x3: {  	s3 =	simm.s32 $0x0;
	s28 =	simm.s32 $0xC;
	s29 =	simm.s32 $0xE  }
0x4: {  	s30 =	simm.s32 $0xF;
	s0 =	sand.u32 $0x1, s0;
	s8 =	smul.u32 $0x14000, s13  }
0x5: {  	[smem:$0x7FF] =	sst s3;
	s10 =	smul.u32 $0x50000, s13;
	s4 =	sadd.s32 $0x17400, s6  }
0x6: {  	s5 =	sadd.s32 $0xD600, s6;
	s26 =	smul.u32 $0x2710, s13;
	s1 =	sshll.u32 s0, $0x4  }
0x7: {  	s7 =	smul.u32 $0x140000, s0;
	_ =	strace $0x80000050;
	s16 =	ssub.s32 $0x2, s0  }
0x8: {  	s0 =	smul.u32 $0x27100, s0;
	[dreg:$0x1f] =	wrdreg s5;
	s10 =	sshrl.u32 s10, $0x2  }
0x9: {  	s1 =	sor.u32 s13, s1;
	s12 =	sshrl.u32 s16, $0x1;
	s10 =	sadd.s32 s10, s2  }
0xa: {  	s1 =	smul.u32 $0x2710, s1;
	s18 =	sadd.s32 $0x1400, s10;
	[dreg:$0x3] =	wrdreg s10  }
0xb: {  	s7 =	sadd.s32 s8, s7;
	s19 =	sadd.s32 $0x2800, s10;
	[dreg:$0x4] =	wrdreg s18  }
0xc: {  	s17 =	ssub.s32 s16, s12;
	s20 =	sadd.s32 $0x3C00, s10;
	[dreg:$0x5] =	wrdreg s19  }
0xd: {  	s0 =	sadd.s32 s26, s0;
	s21 =	sadd.s32 $0x5000, s10;
	[dreg:$0x6] =	wrdreg s20  }
0xe: {  	s7 =	sshrl.u32 s7, $0x3;
	s22 =	sadd.s32 $0x6400, s10;
	[dreg:$0x7] =	wrdreg s21  }
0xf: {  	s23 =	sadd.s32 $0x7800, s10;
	s24 =	sadd.s32 $0x8C00, s10;
	[dreg:$0x8] =	wrdreg s22  }
0x10: {  	s25 =	sadd.s32 $0xA000, s10;
	s12 =	sadd.s32 $0xF0, s0;
	[dreg:$0x9] =	wrdreg s23  }
0x11: {  	s15 =	smax.u32 s17, $0x1;
	s16 =	sadd.s32 $0xC8, s0;
	[dreg:$0xa] =	wrdreg s24  }
0x12: {  	s17 =	sadd.s32 $0x118, s0;
	s26 =	sadd.s32 $0x12C00, s10;
	[dreg:$0xb] =	wrdreg s25  }
0x13: {  	s9 =	sshrl.u32 s1, $0x3;
	s31 =	sadd.s32 $0x28, s1;
	[dreg:$0x11] =	wrdreg s15  }
0x14: {  	s1 =	sadd.s32 $0x78, s1;
	s14 =	sshrl.u32 s12, $0x3;
	[dreg:$0x12] =	wrdreg s16  }
0x15: {  	s18 =	sadd.s32 $0x140, s0;
	s20 =	sadd.s32 $0xB400, s10;
	[dreg:$0x1d] =	wrdreg s26  }
0x16: {  	s0 =	sadd.s32 $0xA0, s0;
	s21 =	sadd.s32 $0xC800, s10;
	[dreg:$0x17] =	wrdreg s20  }
0x17: {  	s22 =	sadd.s32 $0xDC00, s10;
	s23 =	sadd.s32 $0xF000, s10;
	[dreg:$0x18] =	wrdreg s21  }
0x18: {  	s24 =	sadd.s32 $0x10400, s10;
	s25 =	sadd.s32 $0x11800, s10;
	[dreg:$0x19] =	wrdreg s22  }
0x19: {  	s16 =	simm.s32 $0x1A600;
	s26 =	simm.s32 $0x1BA00;
	[dreg:$0x1a] =	wrdreg s23  }
0x1a: {  	s11 =	sadd.s32 s9, s6;
	s6 =	sadd.s32 s7, s6;
	[dreg:$0x1b] =	wrdreg s24  }
0x1b: {  	s1 =	sshrl.u32 s1, $0x3;
	s0 =	sshrl.u32 s0, $0x3;
	[dreg:$0x1c] =	wrdreg s25  }
0x1c: {  	s20 =	simm.s32 $0x1;
	s21 =	simm.s32 $0xB;
	s22 =	simm.s32 $0x16980  }
0x1d: {  	s23 =	simm.s32 $0x2;
	s24 =	simm.s32 $0x4;
	s11 =	sadd.s32 $0x3800, s11  }
0x1e: {  	s25 =	simm.s32 $0x5;
	s1 =	sadd.s32 s5, s1;
	[dreg:$0xc] =	wrdreg s11  }
0x1f: {  	s7 =	simm.s32 $0x0;
	s13 =	sadd.s32 $0x3F400, s6;
	[dreg:$0xf] =	wrdreg s1  }
0x20: {  	s6 =	sshrl.u32 s18, $0x3;
	s0 =	sadd.s32 s0, s5;
	[dreg:$0x10] =	wrdreg s13  }
0x21: {  	s11 =	sadd.s32 s5, s9;
	s1 =	sadd.s32 s14, s5;
	[dreg:$0x16] =	wrdreg s0  }
0x22: {  	s9 =	sshrl.u32 s31, $0x3;
	s19 =	sadd.s32 s6, s5;
	[dreg:$0x13] =	wrdreg s1  }
.Ltmp0:
0x23: {  	s13 =	simm.s32 $0x28;
	[dreg:$0x15] =	wrdreg s19;
	(pc) =	sbr.rel .LBB2_1-.Ltmp0, $4  }
0x24: {  	s0 =	simm.s32 $0x9;
	s9 =	sadd.s32 s5, s9;
	[dreg:$0xd] =	wrdreg s11  }
0x25: {  	s1 =	sshrl.u32 s17, $0x3;
	s31 =	sadd.s32 $0xA, s11;
	[dreg:$0xe] =	wrdreg s9  }
0x26: {  	s19 =	simm.s32 $0x16900;
	s1 =	sadd.s32 s1, s5;
	[dreg:$0x1e] =	wrdreg s31  }
0x27: {  	v0 =	vimm.f32 $0.0e+00;
	s5 =	simm.s32 $0x11;
	[dreg:$0x14] =	wrdreg s1;
	s1 =	simm.s32 $0x8  }
.LBB2_6:
0x28: {  	_ =	swait.ge [sflag:s25], $0x1400  }
0x29: {  	[sflag:s25] =	ssyncset.done $0x0  }
0x2a: {  	[sflag:s25] =	ssyncadd.s32 $0xFFFFEC00  }
0x2b: {  	_ =	swait.ge [sflag:s30], $0x28  }
0x2c: {  	[sflag:s30] =	ssyncset.done $0x0  }
0x2d: {  	s5 =	simm.s32 $0x6;
	[sflag:s30] =	ssyncadd.s32 $0xFFFFFFD8  }
0x2e: {  	[spmem:s2] =	stream.indirect.scatter.add.f32 [tilespmem:s26], [sflag:$0xA], $0x80, s22, s13, $0xb8;
	[tilespmem:$0x1CE00] =	vst v63  }
0x2f: {  	_ =	swait.ge [sflag:s5], $0x1400  }
0x30: {  	[sflag:s5] =	ssyncset.done $0x0  }
0x31: {  	s15 =	simm.s32 $0x7;
	[sflag:s5] =	ssyncadd.s32 $0xFFFFEC00  }
0x32: {  	_ =	swait.ge [sflag:s15], $0x1400  }
0x33: {  	[sflag:s15] =	ssyncset.done $0x0  }
0x34: {  	[sflag:s15] =	ssyncadd.s32 $0xFFFFEC00  }
0x35: {  	_ =	swait.ge [sflag:s1], $0x1400  }
0x36: {  	[sflag:s1] =	ssyncset.done $0x0  }
0x37: {  	[sflag:s1] =	ssyncadd.s32 $0xFFFFEC00  }
0x38: {  	_ =	swait.ge [sflag:s0], $0x1400  }
0x39: {  	[sflag:s0] =	ssyncset.done $0x0  }
0x3a: {  	s17 =	simm.s32 $0xA;
	[sflag:s0] =	ssyncadd.s32 $0xFFFFEC00  }
0x3b: {  	_ =	swait.ge [sflag:s17], $0x1400  }
0x3c: {  	[sflag:s17] =	ssyncset.done $0x0  }
0x3d: {  	s6 =	stileid.u32;
	[sflag:s17] =	ssyncadd.s32 $0xFFFFEC00  }
0x3e: {  	s6 =	sshll.u32 s6, $0x6;
	[bflag:$0x0] =	sbarrier.arrive $0xFFFF  }
0x3f: {  	s6 =	sor.u32 $0x1C11, s6;
	s10 =	rddreg [dreg:$0x3]  }
0x40: {  	s5 =	simm.s32 $0x11;
	s8 =	rddreg [dreg:$0x10];
	s7 =	sshrl.u32 s10, $0x3  }
0x41: {  	[hbm:s8], [sflag:s6] =	dma.local [spmem:s7], $0x2800  }
0x42: {  	_ =	swait.ge [sflag:s5], $0x2800  }
0x43: {  	s18 =	sld [smem:$0x7FD];
	_ =	sdelay $0x2  }
0x44: {  	s31 =	rddreg [dreg:$0x11];
	s7 =	sadd.s32 $0x1, s18  }
0x45: {  	p0 =	sne.s32 s7, s31  }
.Ltmp1:
0x46: {  	_ = 	snop;
	(pc) =	sbr.rel @!p0 .LBB2_7-.Ltmp1, $3  }
0x47: {  	_ =	sdelay $0x1  }
0x48: {  	[sflag:s5] =	ssyncset.done $0x0  }
0x49: {  	[sflag:s5] =	ssyncadd.s32 $0xFFFFD800  }
.LBB2_1:
0x4a: {  	[smem:$0x7FD] =	sst s7;
	s6 =	simm.s32 $0x0;
	s7 =	simm.s32 $0x200  }
.LBB2_2:
0x4b: {  	p0 =	sne.s32 s7, $0x4E00;
	[tilespmem:s6+$0x16A70] =	vst v0  }
0x4c: {  	[tilespmem:s6+$0x16A00] =	vst v0  }
0x4d: {  	[tilespmem:s6+$0x16A10] =	vst v0  }
.Ltmp2:
0x4e: {  	[tilespmem:s6+$0x16A20] =	vst v0;
	(pc) =	sbr.rel @p0 .LBB2_2-.Ltmp2, $4  }
0x4f: {  	[tilespmem:s6+$0x16A30] =	vst v0  }
0x50: {  	[tilespmem:s6+$0x16A40] =	vst v0  }
0x51: {  	[tilespmem:s6+$0x16A50] =	vst v0  }
0x52: {  	[tilespmem:s6+$0x16A60] =	vst v0;
	s6 =	sshra.s32 s7, $0x2;
	s7 =	sadd.s32 $0x200, s7  }
0x53: {  	[tilespmem:s6+$0x16A70] =	vst v0  }
0x54: {  	[tilespmem:s6+$0x16A00] =	vst v0  }
0x55: {  	[tilespmem:s6+$0x16A10] =	vst v0  }
0x56: {  	[tilespmem:s6+$0x16A20] =	vst v0  }
0x57: {  	[tilespmem:s6+$0x16A30] =	vst v0  }
0x58: {  	[tilespmem:s6+$0x16A40] =	vst v0  }
0x59: {  	[tilespmem:s6+$0x16A50] =	vst v0  }
0x5a: {  	[tilespmem:s6+$0x16A60] =	vst v0;
	s7 =	simm.s32 $0x16A00  }
0x5b: {  	[spmem:s10] =	stream.linear.scatter [tilespmem:s7], [sflag:$0x10], $0x1400, $0x38;
	[tilespmem:$0x1CE00] =	vst v63  }
0x5c: {  	s15 =	rddreg [dreg:$0x4]  }
0x5d: {  	[spmem:s15] =	stream.linear.scatter [tilespmem:s7], [sflag:$0x10], $0x1400, $0x38;
	[tilespmem:$0x1CE00] =	vst v63  }
0x5e: {  	s17 =	rddreg [dreg:$0x5]  }
0x5f: {  	[spmem:s17] =	stream.linear.scatter [tilespmem:s7], [sflag:$0x10], $0x1400, $0x38;
	[tilespmem:$0x1CE00] =	vst v63  }
0x60: {  	s18 =	rddreg [dreg:$0x6]  }
0x61: {  	[spmem:s18] =	stream.linear.scatter [tilespmem:s7], [sflag:$0x10], $0x1400, $0x38;
	[tilespmem:$0x1CE00] =	vst v63  }
0x62: {  	s8 =	rddreg [dreg:$0x7]  }
0x63: {  	[spmem:s8] =	stream.linear.scatter [tilespmem:s7], [sflag:$0x10], $0x1400, $0x38;
	[tilespmem:$0x1CE00] =	vst v63  }
0x64: {  	s9 =	rddreg [dreg:$0x8]  }
0x65: {  	[spmem:s9] =	stream.linear.scatter [tilespmem:s7], [sflag:$0x10], $0x1400, $0x38;
	[tilespmem:$0x1CE00] =	vst v63  }
0x66: {  	s10 =	rddreg [dreg:$0x9]  }
0x67: {  	[spmem:s10] =	stream.linear.scatter [tilespmem:s7], [sflag:$0x10], $0x1400, $0x38;
	[tilespmem:$0x1CE00] =	vst v63  }
0x68: {  	s11 =	rddreg [dreg:$0xa]  }
0x69: {  	[spmem:s11] =	stream.linear.scatter [tilespmem:s7], [sflag:$0x10], $0x1400, $0x38;
	[tilespmem:$0x1CE00] =	vst v63  }
0x6a: {  	s12 =	rddreg [dreg:$0xb]  }
0x6b: {  	[spmem:s12] =	stream.linear.scatter [tilespmem:s7], [sflag:$0x10], $0x1400, $0x38;
	[tilespmem:$0x1CE00] =	vst v63  }
0x6c: {  	s14 =	rddreg [dreg:$0x17]  }
0x6d: {  	[spmem:s14] =	stream.linear.scatter [tilespmem:s7], [sflag:$0x10], $0x1400, $0x38;
	[tilespmem:$0x1CE00] =	vst v63  }
0x6e: {  	s15 =	rddreg [dreg:$0x18]  }
0x6f: {  	[spmem:s15] =	stream.linear.scatter [tilespmem:s7], [sflag:$0x10], $0x1400, $0x38;
	[tilespmem:$0x1CE00] =	vst v63  }
0x70: {  	s17 =	rddreg [dreg:$0x19]  }
0x71: {  	[spmem:s17] =	stream.linear.scatter [tilespmem:s7], [sflag:$0x10], $0x1400, $0x38;
	[tilespmem:$0x1CE00] =	vst v63  }
0x72: {  	s18 =	rddreg [dreg:$0x1a]  }
0x73: {  	[spmem:s18] =	stream.linear.scatter [tilespmem:s7], [sflag:$0x10], $0x1400, $0x38;
	[tilespmem:$0x1CE00] =	vst v63  }
0x74: {  	s8 =	rddreg [dreg:$0x1b]  }
0x75: {  	[spmem:s8] =	stream.linear.scatter [tilespmem:s7], [sflag:$0x10], $0x1400, $0x38;
	[tilespmem:$0x1CE00] =	vst v63  }
0x76: {  	s9 =	rddreg [dreg:$0x1c]  }
0x77: {  	[spmem:s9] =	stream.linear.scatter [tilespmem:s7], [sflag:$0x10], $0x1400, $0x38;
	[tilespmem:$0x1CE00] =	vst v63  }
0x78: {  	s10 =	rddreg [dreg:$0x1d]  }
0x79: {  	[spmem:s10] =	stream.linear.scatter [tilespmem:s7], [sflag:$0x10], $0x1400, $0x38;
	[tilespmem:$0x1CE00] =	vst v63  }
0x7a: {  	s11 =	rddreg [dreg:$0xc];
	s8 =	simm.s32 $0x14000;
	s9 =	simm.s32 $0x0  }
0x7b: {  	[tilespmem:s8], [sflag:$0x11] =	stream.linear.gather [hbm4b:s11+s9], $0x2710, $0x38;
	[tilespmem:$0x1CE00] =	vst v63  }
0x7c: {  	_ =	swait.ge [sflag:s5], $0x2710  }
0x7d: {  	[sflag:s5] =	ssyncset.done $0x0  }
0x7e: {  	s12 =	simm.s32 $0x10;
	[sflag:s5] =	ssyncadd.s32 $0xFFFFD8F0  }
0x7f: {  	_ =	swait.ge [sflag:s12], $0x1400  }
0x80: {  	[sflag:s12] =	ssyncset.done $0x0  }
0x81: {  	[sflag:s12] =	ssyncadd.s32 $0xFFFFEC00  }
0x82: {  	_ =	swait.ge [sflag:s12], $0x1400  }
0x83: {  	[sflag:s12] =	ssyncset.done $0x0  }
0x84: {  	[sflag:s12] =	ssyncadd.s32 $0xFFFFEC00  }
0x85: {  	_ =	swait.ge [sflag:s12], $0x1400  }
0x86: {  	[sflag:s12] =	ssyncset.done $0x0  }
0x87: {  	[sflag:s12] =	ssyncadd.s32 $0xFFFFEC00  }
0x88: {  	_ =	swait.ge [sflag:s12], $0x1400  }
0x89: {  	[sflag:s12] =	ssyncset.done $0x0  }
0x8a: {  	[sflag:s12] =	ssyncadd.s32 $0xFFFFEC00  }
0x8b: {  	_ =	swait.ge [sflag:s12], $0x1400  }
0x8c: {  	[sflag:s12] =	ssyncset.done $0x0  }
0x8d: {  	[sflag:s12] =	ssyncadd.s32 $0xFFFFEC00  }
0x8e: {  	_ =	swait.ge [sflag:s12], $0x1400  }
0x8f: {  	[sflag:s12] =	ssyncset.done $0x0  }
0x90: {  	[sflag:s12] =	ssyncadd.s32 $0xFFFFEC00  }
0x91: {  	_ =	swait.ge [sflag:s12], $0x1400  }
0x92: {  	[sflag:s12] =	ssyncset.done $0x0  }
0x93: {  	[sflag:s12] =	ssyncadd.s32 $0xFFFFEC00  }
0x94: {  	_ =	swait.ge [sflag:s12], $0x1400  }
0x95: {  	[sflag:s12] =	ssyncset.done $0x0  }
0x96: {  	[sflag:s12] =	ssyncadd.s32 $0xFFFFEC00  }
0x97: {  	_ =	swait.ge [sflag:s12], $0x1400  }
0x98: {  	[sflag:s12] =	ssyncset.done $0x0  }
0x99: {  	[sflag:s12] =	ssyncadd.s32 $0xFFFFEC00  }
0x9a: {  	_ =	swait.ge [sflag:s12], $0x1400  }
0x9b: {  	[sflag:s12] =	ssyncset.done $0x0  }
0x9c: {  	[sflag:s12] =	ssyncadd.s32 $0xFFFFEC00  }
0x9d: {  	_ =	swait.ge [sflag:s12], $0x1400  }
0x9e: {  	[sflag:s12] =	ssyncset.done $0x0  }
0x9f: {  	[sflag:s12] =	ssyncadd.s32 $0xFFFFEC00  }
0xa0: {  	_ =	swait.ge [sflag:s12], $0x1400  }
0xa1: {  	[sflag:s12] =	ssyncset.done $0x0  }
0xa2: {  	[sflag:s12] =	ssyncadd.s32 $0xFFFFEC00  }
0xa3: {  	_ =	swait.ge [sflag:s12], $0x1400  }
0xa4: {  	[sflag:s12] =	ssyncset.done $0x0  }
0xa5: {  	[sflag:s12] =	ssyncadd.s32 $0xFFFFEC00  }
0xa6: {  	_ =	swait.ge [sflag:s12], $0x1400  }
0xa7: {  	[sflag:s12] =	ssyncset.done $0x0  }
0xa8: {  	[sflag:s12] =	ssyncadd.s32 $0xFFFFEC00  }
0xa9: {  	_ =	swait.ge [sflag:s12], $0x1400  }
0xaa: {  	[sflag:s12] =	ssyncset.done $0x0  }
0xab: {  	[sflag:s12] =	ssyncadd.s32 $0xFFFFEC00  }
0xac: {  	_ =	swait.ge [sflag:s12], $0x1400  }
0xad: {  	[sflag:s12] =	ssyncset.done $0x0  }
0xae: {  	[sflag:s12] =	ssyncadd.s32 $0xFFFFEC00  }
0xaf: {  	[bflag:$0x0] =	sbarrier.arrive $0xFFFF  }
0xb0: {  	s14 =	rddreg [dreg:$0xd]  }
0xb1: {  	s15 =	simm.s32 $0x16780;
	s17 =	rddreg [dreg:$0xe]  }
0xb2: {  	[tilespmem:s15], [sflag:$0xB] =	stream.linear.gather [hbm4b:s14+s9], $0x28, $0x38;
	[tilespmem:$0x1CE00] =	vst v63  }
0xb3: {  	s11 =	rddreg [dreg:$0x1e]  }
0xb4: {  	[tilespmem:s7], [sflag:$0x1] =	stream.indirect.gather [hbm4b:s4+s13], $0x80, s8, s13, $0xb8;
	[tilespmem:$0x1CE00] =	vst v63  }
0xb5: {  	s18 =	simm.s32 $0x16800;
	s6 =	rddreg [dreg:$0x15]  }
0xb6: {  	[tilespmem:s18], [sflag:$0xC] =	stream.linear.gather [hbm4b:s17+s9], $0x28, $0x38;
	[tilespmem:$0x1CE00] =	vst v63  }
0xb7: {  	s10 =	simm.s32 $0x17E00;
	s31 =	rddreg [dreg:$0x13];
	s8 =	simm.s32 $0x14028  }
0xb8: {  	[tilespmem:s10], [sflag:$0x2] =	stream.indirect.gather [hbm4b:s4+s13], $0x80, s8, s13, $0xb8;
	[tilespmem:$0x1CE00] =	vst v63  }
0xb9: {  	s12 =	simm.s32 $0x16880;
	s7 =	rddreg [dreg:$0x16]  }
0xba: {  	[tilespmem:s12], [sflag:$0xD] =	stream.linear.gather [hbm4b:s11+s9], $0x28, $0x38;
	[tilespmem:$0x1CE00] =	vst v63  }
0xbb: {  	s14 =	simm.s32 $0x14050;
	s15 =	simm.s32 $0x19200;
	s17 =	rddreg [dreg:$0xf]  }
0xbc: {  	[tilespmem:s15], [sflag:$0x3] =	stream.indirect.gather [hbm4b:s4+s13], $0x80, s14, s13, $0xb8;
	[tilespmem:$0x1CE00] =	vst v63  }
0xbd: {  	s10 =	rddreg [dreg:$0x14]  }
0xbe: {  	[tilespmem:s19], [sflag:$0xE] =	stream.linear.gather [hbm4b:s17+s9], $0x28, $0x38;
	[tilespmem:$0x1CE00] =	vst v63  }
0xbf: {  	s5 =	simm.s32 $0x16A00;
	s18 =	simm.s32 $0x14078;
	s17 =	rddreg [dreg:$0x12]  }
0xc0: {  	[tilespmem:s16], [sflag:$0x4] =	stream.indirect.gather [hbm4b:s4+s13], $0x80, s18, s13, $0xb8;
	[tilespmem:$0x1CE00] =	vst v63  }
.LBB2_4:
0xc1: {  	_ =	swait.ge [sflag:s20], $0x1400  }
0xc2: {  	[sflag:s20] =	ssyncset.done $0x0  }
0xc3: {  	[sflag:s20] =	ssyncadd.s32 $0xFFFFEC00  }
0xc4: {  	_ =	swait.ge [sflag:s21], $0x28  }
0xc5: {  	p0 =	seq.s32 s9, $0x0;
	[sflag:s21] =	ssyncset.done $0x0  }
0xc6: {  	s8 =	simm.s32 $0x16780;
	s18 =	simm.s32 @!p0 $0xA;
	[sflag:s21] =	ssyncadd.s32 $0xFFFFFFD8  }
0xc7: {  	[spmem:s2] =	stream.indirect.scatter.add.f32 [tilespmem:s5], [sflag:$0x6], $0x80, s8, s13, $0xb8;
	[tilespmem:$0x1CE00] =	vst v63  }
0xc8: {  	_ =	swait.ge @!p0 [sflag:s18], $0x1400  }
0xc9: {  	[sflag:s18] =	ssyncset.done @!p0 $0x0  }
0xca: {  	[sflag:s18] =	ssyncadd.s32 @!p0 $0xFFFFEC00;
	s18 =	sshra.s32 s9, $0x2  }
0xcb: {  	[tilespmem:s22], [sflag:$0xF] =	stream.linear.gather [hbm4b:s7+s3], $0x28, $0x38;
	[tilespmem:$0x1CE00] =	vst v63  }
0xcc: {  	s12 =	sadd.s32 $0x140A0, s18  }
0xcd: {  	[tilespmem:s26], [sflag:$0x5] =	stream.indirect.gather [hbm4b:s4+s13], $0x80, s12, s13, $0xb8;
	[tilespmem:$0x1CE00] =	vst v63  }
0xce: {  	_ =	swait.ge [sflag:s23], $0x1400  }
0xcf: {  	[sflag:s23] =	ssyncset.done $0x0  }
0xd0: {  	[sflag:s23] =	ssyncadd.s32 $0xFFFFEC00  }
0xd1: {  	_ =	swait.ge [sflag:s28], $0x28  }
0xd2: {  	s15 =	simm.s32 $0x16800;
	p0 =	seq.s32 s9, $0x9920;
	[sflag:s28] =	ssyncset.done $0x0  }
0xd3: {  	s11 =	simm.s32 $0x17E00;
	s12 =	simm.s32 @p0 $0x3;
	[sflag:s28] =	ssyncadd.s32 $0xFFFFFFD8  }
0xd4: {  	[spmem:s2] =	stream.indirect.scatter.add.f32 [tilespmem:s11], [sflag:$0x7], $0x80, s15, s13, $0xb8;
	[tilespmem:$0x1CE00] =	vst v63  }
0xd5: {  	_ =	swait.ge @p0 [sflag:s12], $0x1400  }
0xd6: {  	[sflag:s12] =	ssyncset.done @p0 $0x0  }
0xd7: {  	[sflag:s12] =	ssyncadd.s32 @p0 $0xFFFFEC00;
	s12 =	simm.s32 @p0 $0xD  }
0xd8: {  	_ =	swait.ge @p0 [sflag:s12], $0x28  }
0xd9: {  	s14 =	simm.s32 @p0 $0x16880;
	[sflag:s12] =	ssyncset.done @p0 $0x0  }
0xda: {  	s15 =	simm.s32 @p0 $0x19200;
	[sflag:s12] =	ssyncadd.s32 @p0 $0xFFFFFFD8;
	s12 =	simm.s32 @p0 $0x28  }
0xdb: {  	[spmem:s2] =	stream.indirect.scatter.add.f32 @p0 [tilespmem:s15], [sflag:$0x8], $0x80, s14, s12, $0xb8;
	[tilespmem:$0x1CE00] =	vst v63  }
0xdc: {  	s12 =	simm.s32 @!p0 $0x6  }
0xdd: {  	_ =	swait.ge @!p0 [sflag:s12], $0x1400  }
0xde: {  	[sflag:s12] =	ssyncset.done @!p0 $0x0  }
0xdf: {  	s8 =	rddreg [dreg:$0x1f];
	[sflag:s12] =	ssyncadd.s32 @!p0 $0xFFFFEC00;
	s12 =	sshrl.u32 @!p0 s17, $0x3  }
0xe0: {  	s14 =	simm.s32 @!p0 $0x0;
	s15 =	simm.s32 @!p0 $0x16780;
	s12 =	sadd.s32 @!p0 s8, s12  }
0xe1: {  	[tilespmem:s15], [sflag:$0xB] =	stream.linear.gather @!p0 [hbm4b:s12+s14], $0x28, $0x38;
	[tilespmem:$0x1CE00] =	vst v63  }
0xe2: {  	s12 =	sshra.s32 @!p0 s9, $0x2  }
0xe3: {  	s11 =	simm.s32 @!p0 $0x28;
	s8 =	simm.s32 @!p0 $0x16A00;
	s15 =	sadd.s32 @!p0 $0x140C8, s12  }
0xe4: {  	[tilespmem:s8], [sflag:$0x1] =	stream.indirect.gather @!p0 [hbm4b:s4+s11], $0x80, s15, s11, $0xb8;
	[tilespmem:$0x1CE00] =	vst v63  }
0xe5: {  	s8 =	simm.s32 @!p0 $0x3  }
0xe6: {  	_ =	swait.ge @!p0 [sflag:s8], $0x1400  }
0xe7: {  	[sflag:s8] =	ssyncset.done @!p0 $0x0  }
0xe8: {  	[sflag:s8] =	ssyncadd.s32 @!p0 $0xFFFFEC00;
	s8 =	simm.s32 @!p0 $0xD  }
0xe9: {  	_ =	swait.ge @!p0 [sflag:s8], $0x28  }
0xea: {  	[sflag:s8] =	ssyncset.done @!p0 $0x0  }
0xeb: {  	s15 =	simm.s32 @!p0 $0x19200;
	[sflag:s8] =	ssyncadd.s32 @!p0 $0xFFFFFFD8;
	s8 =	simm.s32 @!p0 $0x16880  }
0xec: {  	[spmem:s2] =	stream.indirect.scatter.add.f32 @!p0 [tilespmem:s15], [sflag:$0x8], $0x80, s8, s11, $0xb8;
	[tilespmem:$0x1CE00] =	vst v63  }
0xed: {  	s8 =	simm.s32 @!p0 $0x7  }
0xee: {  	_ =	swait.ge @!p0 [sflag:s8], $0x1400  }
0xef: {  	[sflag:s8] =	ssyncset.done @!p0 $0x0  }
0xf0: {  	[sflag:s8] =	ssyncadd.s32 @!p0 $0xFFFFEC00;
	s8 =	simm.s32 @!p0 $0x16800  }
0xf1: {  	[tilespmem:s8], [sflag:$0xC] =	stream.linear.gather @!p0 [hbm4b:s31+s14], $0x28, $0x38;
	[tilespmem:$0x1CE00] =	vst v63  }
0xf2: {  	s8 =	sadd.s32 @!p0 $0x140F0, s12;
	s12 =	simm.s32 @!p0 $0x17E00  }
0xf3: {  	[tilespmem:s12], [sflag:$0x2] =	stream.indirect.gather @!p0 [hbm4b:s4+s11], $0x80, s8, s11, $0xb8;
	[tilespmem:$0x1CE00] =	vst v63  }
0xf4: {  	_ =	swait.ge [sflag:s24], $0x1400  }
0xf5: {  	[sflag:s24] =	ssyncset.done $0x0  }
.Ltmp3:
0xf6: {  	[sflag:s24] =	ssyncadd.s32 $0xFFFFEC00;
	(pc) =	sbr.rel @p0 .LBB2_6-.Ltmp3, $4  }
0xf7: {  	_ =	swait.ge [sflag:s29], $0x28  }
0xf8: {  	[sflag:s29] =	ssyncset.done $0x0  }
0xf9: {  	[sflag:s29] =	ssyncadd.s32 $0xFFFFFFD8  }
0xfa: {  	[spmem:s2] =	stream.indirect.scatter.add.f32 [tilespmem:s16], [sflag:$0x9], $0x80, s19, s13, $0xb8;
	[tilespmem:$0x1CE00] =	vst v63  }
0xfb: {  	_ =	swait.ge [sflag:s1], $0x1400  }
0xfc: {  	[sflag:s1] =	ssyncset.done $0x0  }
0xfd: {  	s8 =	simm.s32 $0x16880;
	[sflag:s1] =	ssyncadd.s32 $0xFFFFEC00  }
0xfe: {  	[tilespmem:s8], [sflag:$0xD] =	stream.linear.gather [hbm4b:s10+s3], $0x28, $0x38;
	[tilespmem:$0x1CE00] =	vst v63  }
0xff: {  	s15 =	sadd.s32 $0x14118, s18;
	s11 =	simm.s32 $0x19200  }
0x100: {  	[tilespmem:s11], [sflag:$0x3] =	stream.indirect.gather [hbm4b:s4+s13], $0x80, s15, s13, $0xb8;
	[tilespmem:$0x1CE00] =	vst v63  }
0x101: {  	_ =	swait.ge [sflag:s25], $0x1400  }
0x102: {  	[sflag:s25] =	ssyncset.done $0x0  }
0x103: {  	[sflag:s25] =	ssyncadd.s32 $0xFFFFEC00  }
0x104: {  	_ =	swait.ge [sflag:s30], $0x28  }
0x105: {  	[sflag:s30] =	ssyncset.done $0x0  }
0x106: {  	[sflag:s30] =	ssyncadd.s32 $0xFFFFFFD8  }
0x107: {  	[spmem:s2] =	stream.indirect.scatter.add.f32 [tilespmem:s26], [sflag:$0xA], $0x80, s22, s13, $0xb8;
	[tilespmem:$0x1CE00] =	vst v63  }
0x108: {  	s18 =	sadd.s32 $0x14140, s18;
	_ =	swait.ge [sflag:s0], $0x1400  }
.Ltmp4:
0x109: {  	s9 =	sadd.s32 $0x320, s9;
	[sflag:s0] =	ssyncset.done $0x0;
	(pc) =	sbr.rel .LBB2_4-.Ltmp4, $4  }
0x10a: {  	s17 =	sadd.s32 $0xC8, s17;
	s31 =	sadd.s32 $0x19, s31;
	[sflag:s0] =	ssyncadd.s32 $0xFFFFEC00  }
0x10b: {  	[tilespmem:s19], [sflag:$0xE] =	stream.linear.gather [hbm4b:s6+s3], $0x28, $0x38;
	[tilespmem:$0x1CE00] =	vst v63  }
0x10c: {  	s7 =	sadd.s32 $0x19, s7;
	s10 =	sadd.s32 $0x19, s10;
	s6 =	sadd.s32 $0x19, s6  }
0x10d: {  	[tilespmem:s16], [sflag:$0x4] =	stream.indirect.gather [hbm4b:s4+s13], $0x80, s18, s13, $0xb8;
	[tilespmem:$0x1CE00] =	vst v63  }
.LBB2_7:
0x10e: {  	_ =	sfence.sel $0x180000  }
0x10f: {  	[bflag:$0x0] =	sbarrier.arrive $0xFFFF  }
0x110: {  	_ =	strace $0x90000050  }
0x111: {  	s0 =	stileid.u32;
	[bflag:$0x2] =	sbarrier.arrive $0xFFFF  }
0x112: {  	p0 =	sne.s32 s0, $0x0;
	s0 =	rddreg [dreg:$0x2]  }
0x113: {  	s0 =	sadd.s32 @!p0 $0x100000, s0  }
0x114: {  	[sflag:s0] =	ssyncadd.tile.s32 @!p0 $0x1;
	_ =	shalt  }
.Lfunc_end2:
_tile_overlayer_lowered:
.L_overlay_start_2:
0x115: {  	(tag) =	ssettag $0x2  }
0x116: {  	s0 =	rddreg [dreg:$0x0];
	s2 =	stileid.u32  }
0x117: {  	s1 =	rddreg [dreg:$0x1];
	p0 =	sne.s32 s2, $0x0  }
0x118: {  	s3 =	rddreg [dreg:$0x2];
	[bflag:$0x3] =	sbarrier.arrive $0xFFFF;
	s2 =	simm.s32 @!p0 $0x1C11  }
0x119: {  	[timem:s3], [sflag:s2] =	dma.local @!p0 [hbm:s0], s1  }
0x11a: {  	s0 =	simm.s32 @!p0 $0x11  }
0x11b: {  	_ =	swait.ge @!p0 [sflag:s0], s1  }
0x11c: {  	s1 =	ssub.s32 @!p0 $0x0, s1;
	[sflag:s0] =	ssyncset.done @!p0 $0x0  }
0x11d: {  	[sflag:s0] =	ssyncadd.s32 @!p0 s1  }
0x11e: {  	[bflag:$0x3] =	sbarrier.arrive $0xFFFF  }
0x11f: {  	_ =	shalt  }

</sc_bundles>
